<compile_context>
chip_gen: v7x
topology: tpu7x:2x2x1
jax: 0.10.2.dev20260603
libtpu: 0.0.44.dev20260713+nightly
codegen_flags: <defaults>
</compile_context>

<pallas_src>
import functools

import jax
import jax.numpy as jnp
from jax import lax
from jax.experimental import pallas as pl
from jax.experimental.pallas import tpu as pltpu
from jax.experimental.pallas import tpu_sc as plsc

N = 10000
F = 256
H = 512
E = 160000
LANE = 128
C = H // LANE

NC = 2
CPC = C // NC
NS = 16
B = 128
NB = 80
NBH = 40
EPW = NB * B
EPAD = NS * EPW
STRIPE = 632
ACC_ROWS = NS * STRIPE
OUT_STRIPE = 624



BR = 2000
NI = N // BR


def _proj_in_body(x_ref, w_ref, b_ref, out_ref):
    y = jnp.dot(x_ref[...], w_ref[0], preferred_element_type=jnp.float32)
    out_ref[0] = jnp.maximum(y + b_ref[0], 0.0)


def _proj_in(x, w_r, b_r):
    return pl.pallas_call(
        _proj_in_body,
        grid=(C, NI),
        in_specs=[
            pl.BlockSpec((BR, F), lambda c, i: (i, 0)),
            pl.BlockSpec((1, F, LANE), lambda c, i: (c, 0, 0)),
            pl.BlockSpec((1, 1, LANE), lambda c, i: (c, 0, 0)),
        ],
        out_specs=pl.BlockSpec((1, BR, LANE), lambda c, i: (c, i, 0)),
        out_shape=jax.ShapeDtypeStruct((C, N, LANE), jnp.float32),
        compiler_params=pltpu.CompilerParams(
            dimension_semantics=("parallel", "parallel")),
    )(x, w_r, b_r)


def _layer_body(m_ref, w_ref, b_ref, hprev_ref, out_ref, acc_ref):
    k = pl.program_id(2)

    @pl.when(k == 0)
    def _():
        acc_ref[...] = jnp.dot(m_ref[0], w_ref[0, 0],
                               preferred_element_type=jnp.float32)

    @pl.when(k > 0)
    def _():
        acc_ref[...] += jnp.dot(m_ref[0], w_ref[0, 0],
                                preferred_element_type=jnp.float32)

    @pl.when(k == C - 1)
    def _():
        out_ref[0] = hprev_ref[0] + jnp.maximum(acc_ref[...] + b_ref[0], 0.0)


def _layer_mm(m, w_r, b_r, hprev):
    return pl.pallas_call(
        _layer_body,
        grid=(C, NI, C),
        in_specs=[
            pl.BlockSpec((1, BR, LANE), lambda c, i, k: (k, i, 0)),
            pl.BlockSpec((1, 1, LANE, LANE), lambda c, i, k: (k, c, 0, 0)),
            pl.BlockSpec((1, 1, LANE), lambda c, i, k: (c, 0, 0)),
            pl.BlockSpec((1, BR, LANE), lambda c, i, k: (c, i, 0)),
        ],
        out_specs=pl.BlockSpec((1, BR, LANE), lambda c, i, k: (c, i, 0)),
        out_shape=jax.ShapeDtypeStruct((C, N, LANE), jnp.float32),
        scratch_shapes=[pltpu.VMEM((BR, LANE), jnp.float32)],
        compiler_params=pltpu.CompilerParams(
            dimension_semantics=("parallel", "parallel", "arbitrary")),
    )(m, w_r, b_r, hprev)


def _final_body(m_ref, w_ref, b_ref, hprev_ref, out_ref, acc_ref):
    i = pl.program_id(1)
    k = pl.program_id(2)

    @pl.when(k == 0)
    def _():
        acc_ref[...] = jnp.dot(m_ref[0], w_ref[0, 0],
                               preferred_element_type=jnp.float32)

    @pl.when(k > 0)
    def _():
        acc_ref[...] += jnp.dot(m_ref[0], w_ref[0, 0],
                                preferred_element_type=jnp.float32)

    @pl.when(k == C - 1)
    def _():
        h2 = hprev_ref[0] + jnp.maximum(acc_ref[...] + b_ref[0], 0.0)
        part = jnp.sum(h2, axis=0, keepdims=True) * (1.0 / N)
        tile = jnp.broadcast_to(part, (8, LANE))

        @pl.when(i == 0)
        def _():
            out_ref[0] = tile

        @pl.when(i > 0)
        def _():
            out_ref[0] += tile


def _final_mm(m, w_r, b_r, hprev):
    return pl.pallas_call(
        _final_body,
        grid=(C, NI, C),
        in_specs=[
            pl.BlockSpec((1, BR, LANE), lambda c, i, k: (k, i, 0)),
            pl.BlockSpec((1, 1, LANE, LANE), lambda c, i, k: (k, c, 0, 0)),
            pl.BlockSpec((1, 1, LANE), lambda c, i, k: (c, 0, 0)),
            pl.BlockSpec((1, BR, LANE), lambda c, i, k: (c, i, 0)),
        ],
        out_specs=pl.BlockSpec((1, 8, LANE), lambda c, i, k: (c, 0, 0)),
        out_shape=jax.ShapeDtypeStruct((C, 8, LANE), jnp.float32),
        scratch_shapes=[pltpu.VMEM((BR, LANE), jnp.float32)],
        compiler_params=pltpu.CompilerParams(
            dimension_semantics=("parallel", "arbitrary", "arbitrary")),
    )(m, w_r, b_r, hprev)



def _sc_scatter_body(h_flat, srcoff_hbm, dst_hbm, out_hbm,
                     src_v, dst_v, buf_a, buf_b, acc,
                     sem_ga, sem_gb, sem_sa, sem_sb):
    cid = lax.axis_index("c")
    sid = lax.axis_index("s")

    for kk in range(CPC):
        chunk = cid * CPC + kk

        def _zero(t, carry):
            buf_a[t // 8, pl.ds((t % 8) * 16, 16)] = jnp.zeros((16,),
                                                               jnp.float32)
            return carry
        lax.fori_loop(0, B * 8, _zero, 0)
        for off in (0, B, 2 * B, 3 * B, STRIPE - B):
            pltpu.sync_copy(buf_a, acc.at[pl.ds(sid * STRIPE + off, B)])

        plsc.subcore_barrier()

        def _fire_g(j, buf, sem):
            pltpu.async_copy(h_flat.at[src_v.at[j]], buf, sem)

        def _wait_g(buf, sem):
            pltpu.make_async_copy(h_flat.at[src_v.at[0]], buf, sem).wait()

        def _fire_s(j, buf, sem):
            pltpu.async_copy(buf, acc.at[dst_v.at[j]], sem, add=True)

        def _wait_s(buf, sem):
            pltpu.make_async_copy(buf, acc.at[dst_v.at[0]], sem).wait()

        for hh in range(2):
            pltpu.sync_copy(srcoff_hbm.at[chunk, sid, pl.ds(hh * NBH, NBH)],
                            src_v)
            pltpu.sync_copy(dst_hbm.at[sid, pl.ds(hh * NBH, NBH)], dst_v)

            _fire_g(0, buf_a, sem_ga)
            _fire_g(1, buf_b, sem_gb)
            _wait_g(buf_a, sem_ga)
            _fire_s(0, buf_a, sem_sa)

            def _step(it, carry):
                j = it * 2
                _wait_s(buf_a, sem_sa)
                _fire_g(j + 2, buf_a, sem_ga)
                _wait_g(buf_b, sem_gb)
                _fire_s(j + 1, buf_b, sem_sb)
                _wait_s(buf_b, sem_sb)
                _fire_g(j + 3, buf_b, sem_gb)
                _wait_g(buf_a, sem_ga)
                _fire_s(j + 2, buf_a, sem_sa)
                return carry

            lax.fori_loop(0, (NBH - 2) // 2, _step, 0)

            _wait_s(buf_a, sem_sa)
            _wait_g(buf_b, sem_gb)
            _fire_s(NBH - 1, buf_b, sem_sb)
            _wait_s(buf_b, sem_sb)

        plsc.subcore_barrier()

        pltpu.sync_copy(acc.at[pl.ds(sid * OUT_STRIPE, OUT_STRIPE)],
                        out_hbm.at[chunk].at[pl.ds(sid * OUT_STRIPE,
                                                   OUT_STRIPE)])

        @pl.when(sid == 0)
        def _():
            pltpu.sync_copy(acc.at[pl.ds(NS * OUT_STRIPE, N - NS * OUT_STRIPE)],
                            out_hbm.at[chunk].at[pl.ds(NS * OUT_STRIPE,
                                                       N - NS * OUT_STRIPE)])

        plsc.subcore_barrier()


_sc_scatter = functools.partial(
    pl.kernel,
    out_type=jax.ShapeDtypeStruct((C, N, LANE), jnp.float32),
    mesh=plsc.VectorSubcoreMesh(
        core_axis_name="c", subcore_axis_name="s",
        num_cores=NC, num_subcores=NS),
    scratch_types=[
        pltpu.VMEM((NBH, B), jnp.int32),
        pltpu.VMEM((NBH, B), jnp.int32),
        pltpu.VMEM((B, LANE), jnp.float32),
        pltpu.VMEM((B, LANE), jnp.float32),
        pltpu.VMEM_SHARED((ACC_ROWS, LANE), jnp.float32),
        pltpu.SemaphoreType.DMA,
        pltpu.SemaphoreType.DMA,
        pltpu.SemaphoreType.DMA,
        pltpu.SemaphoreType.DMA,
    ],
)(_sc_scatter_body)


def _scatter_edges(h_cm, srcoff, dst_r):
    return _sc_scatter(h_cm.reshape(C * N, LANE), srcoff, dst_r)



def kernel(node_features, edge_index, num_nodes, W_in, b_in, W0, b0, W1, b1):
    w_in_r = W_in.reshape(F, C, LANE).transpose(1, 0, 2)
    b_in_r = b_in.reshape(C, 1, LANE)
    w0_r = W0.reshape(C, LANE, C, LANE).transpose(0, 2, 1, 3)
    b0_r = b0.reshape(C, 1, LANE)
    w1_r = W1.reshape(C, LANE, C, LANE).transpose(0, 2, 1, 3)
    b1_r = b1.reshape(C, 1, LANE)

    src = edge_index[0]
    dst = edge_index[1]
    pad = EPAD - E
    src_p = jnp.concatenate([src, jnp.zeros((pad,), jnp.int32)])
    dst_p = jnp.concatenate([dst, jnp.full((pad,), N, jnp.int32)])
    dst_r = dst_p.reshape(NS, NB, B)
    srcoff = (src_p.reshape(1, NS, NB, B)
              + (jnp.arange(C, dtype=jnp.int32) * N).reshape(C, 1, 1, 1))

    h0 = _proj_in(node_features, w_in_r, b_in_r)
    m0 = _scatter_edges(h0, srcoff, dst_r)
    h1 = _layer_mm(m0, w0_r, b0_r, h0)
    m1 = _scatter_edges(h1, srcoff, dst_r)
    sums = _final_mm(m1, w1_r, b1_r, h1)
    out = sums[:, 0, :].reshape(H)
    return jnp.where(num_nodes == 0, jnp.zeros((H,), node_features.dtype), out)

# --- scband reference (transcript-rebuilt; emitter-appended) ---
"""Pipeline reference for scband-upper-graph-encoder-16063177687557 (READ-ONLY COPY).

The authoritative reference and input builder live on the scoring server;
editing this copy changes nothing except your own understanding.
"""

import jax, jax.numpy as jnp
import numpy as np

N_NODES = 10000
N_EDGES = 160000
FEATURE_DIM = 256
HIDDEN_DIM = 512
NUM_LAYERS = 2


def setup_inputs(seed: int = 0) -> dict:
    key = jax.random.key(seed)
    k_feat, k_edge, k_w = jax.random.split(key, 3)
    node_features = jax.random.normal(k_feat, (N_NODES, FEATURE_DIM), dtype=jnp.float32)
    edge_index = jax.random.randint(k_edge, (2, N_EDGES), 0, N_NODES, dtype=jnp.int64 if jax.config.read('jax_enable_x64') else jnp.int32)
    edge_index = edge_index.astype(jnp.int32)
    # learned params (torch.nn.Linear style init)
    def linear_params(k, fan_in, fan_out):
        k1, k2 = jax.random.split(k)
        bound = 1.0 / np.sqrt(fan_in)
        W = jax.random.uniform(k1, (fan_in, fan_out), minval=-bound, maxval=bound, dtype=jnp.float32)
        b = jax.random.uniform(k2, (fan_out,), minval=-bound, maxval=bound, dtype=jnp.float32)
        return W, b
    kw0, kw1, kw2 = jax.random.split(k_w, 3)
    W_in, b_in = linear_params(kw0, FEATURE_DIM, HIDDEN_DIM)
    W0, b0 = linear_params(kw1, HIDDEN_DIM, HIDDEN_DIM)
    W1, b1 = linear_params(kw2, HIDDEN_DIM, HIDDEN_DIM)
    return {
        'node_features': node_features,
        'edge_index': edge_index,
        'num_nodes': N_NODES,
        'W_in': W_in, 'b_in': b_in,
        'W0': W0, 'b0': b0,
        'W1': W1, 'b1': b1,
    }


def reference(node_features, edge_index, num_nodes, W_in, b_in, W0, b0, W1, b1):
    # h = relu(input_proj(node_features))
    h = jax.nn.relu(node_features @ W_in + b_in)
    src = edge_index[0]
    dst = edge_index[1]
    has_edges = edge_index.shape[1] > 0
    for (W, b) in [(W0, b0), (W1, b1)]:
        if has_edges:
            # neighbor_msg[dst[i]] += h[src[i]]  (scatter-add over edges)
            neighbor_msg = jnp.zeros_like(h).at[dst].add(h[src])
            h = h + jax.nn.relu(neighbor_msg @ W + b)
        else:
            h = jnp.zeros_like(h)
    return jnp.where(num_nodes == 0,
                     jnp.zeros((HIDDEN_DIM,), dtype=node_features.dtype),
                     h.mean(axis=0))

if __name__ == "__main__":
    import jax
    _d = setup_inputs()
    print(jax.jit(kernel)(*tuple(_d.values())))

</pallas_src>

<mosaic_0001>
#map = affine_map<(d0, d1) -> (0, 0)>
#map1 = affine_map<(d0, d1) -> (0, 0, 0, 0)>
#map2 = affine_map<(d0, d1) -> (0, 0, 0)>
module attributes {stable_mosaic.version = 14 : i64} {
  func.func @_sc_scatter_body(%arg0: i32, %arg1: i32, %arg2: memref<40000x128xf32, #tpu.memory_space<hbm>>, %arg3: memref<4x16x80x128xi32, #tpu.memory_space<hbm>>, %arg4: memref<16x80x128xi32, #tpu.memory_space<hbm>>, %arg5: memref<4x10000x128xf32, #tpu.memory_space<hbm>>, %arg6: memref<40x128xi32, #tpu.memory_space<vmem>>, %arg7: memref<40x128xi32, #tpu.memory_space<vmem>>, %arg8: memref<128x128xf32, #tpu.memory_space<vmem>>, %arg9: memref<128x128xf32, #tpu.memory_space<vmem>>, %arg10: memref<10112x128xf32, #tpu.memory_space<vmem_shared>>, %arg11: memref<!tpu.dma_semaphore, #tpu.memory_space<semaphore_mem>>, %arg12: memref<!tpu.dma_semaphore, #tpu.memory_space<semaphore_mem>>, %arg13: memref<!tpu.dma_semaphore, #tpu.memory_space<semaphore_mem>>, %arg14: memref<!tpu.dma_semaphore, #tpu.memory_space<semaphore_mem>>) attributes {dimension_semantics = [#tpu.dimension_semantics<core_parallel>, #tpu.dimension_semantics<subcore_parallel>], iteration_bounds = array<i64: 2, 16>, scalar_prefetch = 0 : i64, scratch_operands = 9 : i64, tpu.core_type = #tpu.core_type<sc_vector_subcore>, window_params = [{transform_indices = #map}, {transform_indices = #map1}, {transform_indices = #map2}, {transform_indices = #map2}]} {
    %mul3A = arith.constant 2 : i32
    %mul3A_0 = arith.muli %arg0, %mul3A : i32
    %add3A = arith.constant 0 : i32
    %add3A_1 = arith.addi %mul3A_0, %add3A : i32
    %scan3A = arith.constant 0 : i32
    %scan3A_2 = arith.constant 0 : i32
    %scan3A_3 = arith.constant 1024 : i32
    %scan3A_4 = arith.addi %scan3A_2, %scan3A_3 : i32
    %scan3A_5 = arith.constant 1 : i32
    scf.for %scan3A_323 = %scan3A_2 to %scan3A_4 step %scan3A_5  : i32 {
      %broadcast_in_dim3A = arith.constant 0.000000e+00 : f32
      %broadcast_in_dim3A_324 = vector.broadcast %broadcast_in_dim3A : f32 to vector<16xf32>
      %jit3A = arith.constant 8 : i32
      %div3A = arith.divsi %scan3A_323, %jit3A : i32
      %sign3A = arith.constant 0 : i32
      %sign3A_325 = arith.cmpi sgt, %scan3A_323, %sign3A : i32
      %sign3A_326 = arith.extui %sign3A_325 : i1 to i32
      %sign3A_327 = arith.constant 0 : i32
      %sign3A_328 = arith.cmpi slt, %scan3A_323, %sign3A_327 : i32
      %sign3A_329 = arith.extui %sign3A_328 : i1 to i32
      %sign3A_330 = arith.subi %sign3A_326, %sign3A_329 : i32
      %sign3A_331 = arith.constant 0 : i32
      %sign3A_332 = arith.cmpi sgt, %jit3A, %sign3A_331 : i32
      %sign3A_333 = arith.extui %sign3A_332 : i1 to i32
      %sign3A_334 = arith.constant 0 : i32
      %sign3A_335 = arith.cmpi slt, %jit3A, %sign3A_334 : i32
      %sign3A_336 = arith.extui %sign3A_335 : i1 to i32
      %sign3A_337 = arith.subi %sign3A_333, %sign3A_336 : i32
      %ne3A = arith.cmpi ne, %sign3A_330, %sign3A_337 : i32
      %rem3A = arith.remsi %scan3A_323, %jit3A : i32
      %ne3A_338 = arith.constant 0 : i32
      %ne3A_339 = arith.cmpi ne, %rem3A, %ne3A_338 : i32
      %and3A = arith.andi %ne3A, %ne3A_339 : i1
      %sub3A = arith.constant 1 : i32
      %sub3A_340 = arith.subi %div3A, %sub3A : i32
      %select_n3A = arith.select %and3A, %sub3A_340, %div3A : i32
      %jit3A_341 = arith.constant 8 : i32
      %eq3A_342 = arith.constant 0 : i32
      %eq3A_343 = arith.cmpi eq, %jit3A_341, %eq3A_342 : i32
      %jit3A_344 = arith.constant 1 : i32
      %select_n3A_345 = arith.select %eq3A_343, %jit3A_344, %jit3A_341 : i32
      %rem3A_346 = arith.remsi %scan3A_323, %select_n3A_345 : i32
      %ne3A_347 = arith.constant 0 : i32
      %ne3A_348 = arith.cmpi ne, %rem3A_346, %ne3A_347 : i32
      %lt3A = arith.constant 0 : i32
      %lt3A_349 = arith.cmpi slt, %rem3A_346, %lt3A : i32
      %lt3A_350 = arith.constant 0 : i32
      %lt3A_351 = arith.cmpi slt, %select_n3A_345, %lt3A_350 : i32
      %ne3A_352 = arith.xori %lt3A_349, %lt3A_351 : i1
      %and3A_353 = arith.andi %ne3A_352, %ne3A_348 : i1
      %add3A_354 = arith.addi %rem3A_346, %select_n3A_345 : i32
      %select_n3A_355 = arith.select %and3A_353, %add3A_354, %rem3A_346 : i32
      %mul3A_356 = arith.constant 16 : i32
      %mul3A_357 = arith.muli %select_n3A_355, %mul3A_356 : i32
      %swap3A = arith.index_cast %select_n3A : i32 to index
      %swap3A_358 = arith.index_cast %mul3A_357 : i32 to index
      %swap3A_359 = tpu.vector_load %arg8[%swap3A, %swap3A_358] {strides = array<i32>} : memref<128x128xf32, #tpu.memory_space<vmem>>, vector<1x16xf32>,
      %swap3A_360 = vector.shape_cast %swap3A_359 : vector<1x16xf32> to vector<16xf32>
      %swap3A_361 = vector.shape_cast %broadcast_in_dim3A_324 : vector<16xf32> to vector<1x16xf32>
      tpu.vector_store %arg8[%swap3A, %swap3A_358], %swap3A_361 {strides = array<i32>} : memref<128x128xf32, #tpu.memory_space<vmem>>, vector<1x16xf32>,
    }
    %scan3A_6 = arith.constant 1024 : i32
    %mul3A_7 = arith.constant 632 : i32
    %mul3A_8 = arith.muli %arg1, %mul3A_7 : i32
    %add3A_9 = arith.constant 0 : i32
    %add3A_10 = arith.addi %mul3A_8, %add3A_9 : i32
    "tpu.region"() ({
      %run_scoped3A = tpu.sem_alloc : memref<!tpu.dma_semaphore, #tpu.memory_space<semaphore_mem>>
      %dma_start3A_323 = arith.constant 0 : i32
      %dma_start3A_324 = tpu.memref_slice %arg10[%add3A_10, %dma_start3A_323] : memref<10112x128xf32, #tpu.memory_space<vmem_shared>> -> memref<128x128xf32, #tpu.memory_space<vmem_shared>>
      %dma_start3A_325 = arith.constant 0 : i32
      %dma_start3A_326 = tpu.memref_slice %arg10[%add3A_10, %dma_start3A_325] : memref<10112x128xf32, #tpu.memory_space<vmem_shared>> -> memref<128x128xf32, #tpu.memory_space<vmem_shared>>
      tpu.enqueue_dma source(%arg8 : memref<128x128xf32, #tpu.memory_space<vmem>>) target(%dma_start3A_326 : memref<128x128xf32, #tpu.memory_space<vmem_shared>>) target_semaphore(%run_scoped3A : memref<!tpu.dma_semaphore, #tpu.memory_space<semaphore_mem>>)
      %dma_wait3A_327 = arith.constant 0 : i32
      %dma_wait3A_328 = tpu.memref_slice %arg10[%add3A_10, %dma_wait3A_327] : memref<10112x128xf32, #tpu.memory_space<vmem_shared>> -> memref<128x128xf32, #tpu.memory_space<vmem_shared>>
      %dma_wait3A_329 = arith.constant 0 : i32
      %dma_wait3A_330 = tpu.memref_slice %arg10[%add3A_10, %dma_wait3A_329] : memref<10112x128xf32, #tpu.memory_space<vmem_shared>> -> memref<128x128xf32, #tpu.memory_space<vmem_shared>>
      tpu.wait_dma2 semaphore(%run_scoped3A : memref<!tpu.dma_semaphore, #tpu.memory_space<semaphore_mem>>) src(%arg8 : memref<128x128xf32, #tpu.memory_space<vmem>>) dst(%dma_wait3A_330 : memref<128x128xf32, #tpu.memory_space<vmem_shared>>)
      tpu.yield
    }) : () -> ()
    %mul3A_11 = arith.constant 632 : i32
    %mul3A_12 = arith.muli %arg1, %mul3A_11 : i32
    %add3A_13 = arith.constant 128 : i32
    %add3A_14 = arith.addi %mul3A_12, %add3A_13 : i32
    "tpu.region"() ({
      %run_scoped3A = tpu.sem_alloc : memref<!tpu.dma_semaphore, #tpu.memory_space<semaphore_mem>>
      %dma_start3A_323 = arith.constant 0 : i32
      %dma_start3A_324 = tpu.memref_slice %arg10[%add3A_14, %dma_start3A_323] : memref<10112x128xf32, #tpu.memory_space<vmem_shared>> -> memref<128x128xf32, #tpu.memory_space<vmem_shared>>
      %dma_start3A_325 = arith.constant 0 : i32
      %dma_start3A_326 = tpu.memref_slice %arg10[%add3A_14, %dma_start3A_325] : memref<10112x128xf32, #tpu.memory_space<vmem_shared>> -> memref<128x128xf32, #tpu.memory_space<vmem_shared>>
      tpu.enqueue_dma source(%arg8 : memref<128x128xf32, #tpu.memory_space<vmem>>) target(%dma_start3A_326 : memref<128x128xf32, #tpu.memory_space<vmem_shared>>) target_semaphore(%run_scoped3A : memref<!tpu.dma_semaphore, #tpu.memory_space<semaphore_mem>>)
      %dma_wait3A_327 = arith.constant 0 : i32
      %dma_wait3A_328 = tpu.memref_slice %arg10[%add3A_14, %dma_wait3A_327] : memref<10112x128xf32, #tpu.memory_space<vmem_shared>> -> memref<128x128xf32, #tpu.memory_space<vmem_shared>>
      %dma_wait3A_329 = arith.constant 0 : i32
      %dma_wait3A_330 = tpu.memref_slice %arg10[%add3A_14, %dma_wait3A_329] : memref<10112x128xf32, #tpu.memory_space<vmem_shared>> -> memref<128x128xf32, #tpu.memory_space<vmem_shared>>
      tpu.wait_dma2 semaphore(%run_scoped3A : memref<!tpu.dma_semaphore, #tpu.memory_space<semaphore_mem>>) src(%arg8 : memref<128x128xf32, #tpu.memory_space<vmem>>) dst(%dma_wait3A_330 : memref<128x128xf32, #tpu.memory_space<vmem_shared>>)
      tpu.yield
    }) : () -> ()
    %mul3A_15 = arith.constant 632 : i32
    %mul3A_16 = arith.muli %arg1, %mul3A_15 : i32
    %add3A_17 = arith.constant 256 : i32
    %add3A_18 = arith.addi %mul3A_16, %add3A_17 : i32
    "tpu.region"() ({
      %run_scoped3A = tpu.sem_alloc : memref<!tpu.dma_semaphore, #tpu.memory_space<semaphore_mem>>
      %dma_start3A_323 = arith.constant 0 : i32
      %dma_start3A_324 = tpu.memref_slice %arg10[%add3A_18, %dma_start3A_323] : memref<10112x128xf32, #tpu.memory_space<vmem_shared>> -> memref<128x128xf32, #tpu.memory_space<vmem_shared>>
      %dma_start3A_325 = arith.constant 0 : i32
      %dma_start3A_326 = tpu.memref_slice %arg10[%add3A_18, %dma_start3A_325] : memref<10112x128xf32, #tpu.memory_space<vmem_shared>> -> memref<128x128xf32, #tpu.memory_space<vmem_shared>>
      tpu.enqueue_dma source(%arg8 : memref<128x128xf32, #tpu.memory_space<vmem>>) target(%dma_start3A_326 : memref<128x128xf32, #tpu.memory_space<vmem_shared>>) target_semaphore(%run_scoped3A : memref<!tpu.dma_semaphore, #tpu.memory_space<semaphore_mem>>)
      %dma_wait3A_327 = arith.constant 0 : i32
      %dma_wait3A_328 = tpu.memref_slice %arg10[%add3A_18, %dma_wait3A_327] : memref<10112x128xf32, #tpu.memory_space<vmem_shared>> -> memref<128x128xf32, #tpu.memory_space<vmem_shared>>
      %dma_wait3A_329 = arith.constant 0 : i32
      %dma_wait3A_330 = tpu.memref_slice %arg10[%add3A_18, %dma_wait3A_329] : memref<10112x128xf32, #tpu.memory_space<vmem_shared>> -> memref<128x128xf32, #tpu.memory_space<vmem_shared>>
      tpu.wait_dma2 semaphore(%run_scoped3A : memref<!tpu.dma_semaphore, #tpu.memory_space<semaphore_mem>>) src(%arg8 : memref<128x128xf32, #tpu.memory_space<vmem>>) dst(%dma_wait3A_330 : memref<128x128xf32, #tpu.memory_space<vmem_shared>>)
      tpu.yield
    }) : () -> ()
    %mul3A_19 = arith.constant 632 : i32
    %mul3A_20 = arith.muli %arg1, %mul3A_19 : i32
    %add3A_21 = arith.constant 384 : i32
    %add3A_22 = arith.addi %mul3A_20, %add3A_21 : i32
    "tpu.region"() ({
      %run_scoped3A = tpu.sem_alloc : memref<!tpu.dma_semaphore, #tpu.memory_space<semaphore_mem>>
      %dma_start3A_323 = arith.constant 0 : i32
      %dma_start3A_324 = tpu.memref_slice %arg10[%add3A_22, %dma_start3A_323] : memref<10112x128xf32, #tpu.memory_space<vmem_shared>> -> memref<128x128xf32, #tpu.memory_space<vmem_shared>>
      %dma_start3A_325 = arith.constant 0 : i32
      %dma_start3A_326 = tpu.memref_slice %arg10[%add3A_22, %dma_start3A_325] : memref<10112x128xf32, #tpu.memory_space<vmem_shared>> -> memref<128x128xf32, #tpu.memory_space<vmem_shared>>
      tpu.enqueue_dma source(%arg8 : memref<128x128xf32, #tpu.memory_space<vmem>>) target(%dma_start3A_326 : memref<128x128xf32, #tpu.memory_space<vmem_shared>>) target_semaphore(%run_scoped3A : memref<!tpu.dma_semaphore, #tpu.memory_space<semaphore_mem>>)
      %dma_wait3A_327 = arith.constant 0 : i32
      %dma_wait3A_328 = tpu.memref_slice %arg10[%add3A_22, %dma_wait3A_327] : memref<10112x128xf32, #tpu.memory_space<vmem_shared>> -> memref<128x128xf32, #tpu.memory_space<vmem_shared>>
      %dma_wait3A_329 = arith.constant 0 : i32
      %dma_wait3A_330 = tpu.memref_slice %arg10[%add3A_22, %dma_wait3A_329] : memref<10112x128xf32, #tpu.memory_space<vmem_shared>> -> memref<128x128xf32, #tpu.memory_space<vmem_shared>>
      tpu.wait_dma2 semaphore(%run_scoped3A : memref<!tpu.dma_semaphore, #tpu.memory_space<semaphore_mem>>) src(%arg8 : memref<128x128xf32, #tpu.memory_space<vmem>>) dst(%dma_wait3A_330 : memref<128x128xf32, #tpu.memory_space<vmem_shared>>)
      tpu.yield
    }) : () -> ()
    %mul3A_23 = arith.constant 632 : i32
    %mul3A_24 = arith.muli %arg1, %mul3A_23 : i32
    %add3A_25 = arith.constant 504 : i32
    %add3A_26 = arith.addi %mul3A_24, %add3A_25 : i32
    "tpu.region"() ({
      %run_scoped3A = tpu.sem_alloc : memref<!tpu.dma_semaphore, #tpu.memory_space<semaphore_mem>>
      %dma_start3A_323 = arith.constant 0 : i32
      %dma_start3A_324 = tpu.memref_slice %arg10[%add3A_26, %dma_start3A_323] : memref<10112x128xf32, #tpu.memory_space<vmem_shared>> -> memref<128x128xf32, #tpu.memory_space<vmem_shared>>
      %dma_start3A_325 = arith.constant 0 : i32
      %dma_start3A_326 = tpu.memref_slice %arg10[%add3A_26, %dma_start3A_325] : memref<10112x128xf32, #tpu.memory_space<vmem_shared>> -> memref<128x128xf32, #tpu.memory_space<vmem_shared>>
      tpu.enqueue_dma source(%arg8 : memref<128x128xf32, #tpu.memory_space<vmem>>) target(%dma_start3A_326 : memref<128x128xf32, #tpu.memory_space<vmem_shared>>) target_semaphore(%run_scoped3A : memref<!tpu.dma_semaphore, #tpu.memory_space<semaphore_mem>>)
      %dma_wait3A_327 = arith.constant 0 : i32
      %dma_wait3A_328 = tpu.memref_slice %arg10[%add3A_26, %dma_wait3A_327] : memref<10112x128xf32, #tpu.memory_space<vmem_shared>> -> memref<128x128xf32, #tpu.memory_space<vmem_shared>>
      %dma_wait3A_329 = arith.constant 0 : i32
      %dma_wait3A_330 = tpu.memref_slice %arg10[%add3A_26, %dma_wait3A_329] : memref<10112x128xf32, #tpu.memory_space<vmem_shared>> -> memref<128x128xf32, #tpu.memory_space<vmem_shared>>
      tpu.wait_dma2 semaphore(%run_scoped3A : memref<!tpu.dma_semaphore, #tpu.memory_space<semaphore_mem>>) src(%arg8 : memref<128x128xf32, #tpu.memory_space<vmem>>) dst(%dma_wait3A_330 : memref<128x128xf32, #tpu.memory_space<vmem_shared>>)
      tpu.yield
    }) : () -> ()
    %barrier3A = arith.constant 0 : index
    tpu.barrier barrier_id(%barrier3A)
    "tpu.region"() ({
      %run_scoped3A = tpu.sem_alloc : memref<!tpu.dma_semaphore, #tpu.memory_space<semaphore_mem>>
      %dma_start3A_323 = arith.constant 0 : i32
      %dma_start3A_324 = arith.constant 0 : i32
      %dma_start3A_325 = tpu.memref_slice %arg3[%add3A_1, %arg1, %dma_start3A_323, %dma_start3A_324] : memref<4x16x80x128xi32, #tpu.memory_space<hbm>> -> memref<1x1x40x128xi32, #tpu.memory_space<hbm>>
      %dma_start3A_326 = tpu.memref_squeeze %dma_start3A_325 : memref<1x1x40x128xi32, #tpu.memory_space<hbm>> -> memref<40x128xi32, #tpu.memory_space<hbm>>
      %dma_start3A_327 = arith.constant 0 : i32
      %dma_start3A_328 = arith.constant 0 : i32
      %dma_start3A_329 = tpu.memref_slice %arg3[%add3A_1, %arg1, %dma_start3A_327, %dma_start3A_328] : memref<4x16x80x128xi32, #tpu.memory_space<hbm>> -> memref<1x1x40x128xi32, #tpu.memory_space<hbm>>
      %dma_start3A_330 = tpu.memref_squeeze %dma_start3A_329 : memref<1x1x40x128xi32, #tpu.memory_space<hbm>> -> memref<40x128xi32, #tpu.memory_space<hbm>>
      tpu.enqueue_dma source(%dma_start3A_330 : memref<40x128xi32, #tpu.memory_space<hbm>>) target(%arg6 : memref<40x128xi32, #tpu.memory_space<vmem>>) target_semaphore(%run_scoped3A : memref<!tpu.dma_semaphore, #tpu.memory_space<semaphore_mem>>)
      %dma_wait3A_331 = arith.constant 0 : i32
      %dma_wait3A_332 = arith.constant 0 : i32
      %dma_wait3A_333 = tpu.memref_slice %arg3[%add3A_1, %arg1, %dma_wait3A_331, %dma_wait3A_332] : memref<4x16x80x128xi32, #tpu.memory_space<hbm>> -> memref<1x1x40x128xi32, #tpu.memory_space<hbm>>
      %dma_wait3A_334 = tpu.memref_squeeze %dma_wait3A_333 : memref<1x1x40x128xi32, #tpu.memory_space<hbm>> -> memref<40x128xi32, #tpu.memory_space<hbm>>
      %dma_wait3A_335 = arith.constant 0 : i32
      %dma_wait3A_336 = arith.constant 0 : i32
      %dma_wait3A_337 = tpu.memref_slice %arg3[%add3A_1, %arg1, %dma_wait3A_335, %dma_wait3A_336] : memref<4x16x80x128xi32, #tpu.memory_space<hbm>> -> memref<1x1x40x128xi32, #tpu.memory_space<hbm>>
      %dma_wait3A_338 = tpu.memref_squeeze %dma_wait3A_337 : memref<1x1x40x128xi32, #tpu.memory_space<hbm>> -> memref<40x128xi32, #tpu.memory_space<hbm>>
      tpu.wait_dma2 semaphore(%run_scoped3A : memref<!tpu.dma_semaphore, #tpu.memory_space<semaphore_mem>>) src(%dma_wait3A_338 : memref<40x128xi32, #tpu.memory_space<hbm>>) dst(%arg6 : memref<40x128xi32, #tpu.memory_space<vmem>>)
      tpu.yield
    }) : () -> ()
    "tpu.region"() ({
      %run_scoped3A = tpu.sem_alloc : memref<!tpu.dma_semaphore, #tpu.memory_space<semaphore_mem>>
      %dma_start3A_323 = arith.constant 0 : i32
      %dma_start3A_324 = arith.constant 0 : i32
      %dma_start3A_325 = tpu.memref_slice %arg4[%arg1, %dma_start3A_323, %dma_start3A_324] : memref<16x80x128xi32, #tpu.memory_space<hbm>> -> memref<1x40x128xi32, #tpu.memory_space<hbm>>
      %dma_start3A_326 = tpu.memref_squeeze %dma_start3A_325 : memref<1x40x128xi32, #tpu.memory_space<hbm>> -> memref<40x128xi32, #tpu.memory_space<hbm>>
      %dma_start3A_327 = arith.constant 0 : i32
      %dma_start3A_328 = arith.constant 0 : i32
      %dma_start3A_329 = tpu.memref_slice %arg4[%arg1, %dma_start3A_327, %dma_start3A_328] : memref<16x80x128xi32, #tpu.memory_space<hbm>> -> memref<1x40x128xi32, #tpu.memory_space<hbm>>
      %dma_start3A_330 = tpu.memref_squeeze %dma_start3A_329 : memref<1x40x128xi32, #tpu.memory_space<hbm>> -> memref<40x128xi32, #tpu.memory_space<hbm>>
      tpu.enqueue_dma source(%dma_start3A_330 : memref<40x128xi32, #tpu.memory_space<hbm>>) target(%arg7 : memref<40x128xi32, #tpu.memory_space<vmem>>) target_semaphore(%run_scoped3A : memref<!tpu.dma_semaphore, #tpu.memory_space<semaphore_mem>>)
      %dma_wait3A_331 = arith.constant 0 : i32
      %dma_wait3A_332 = arith.constant 0 : i32
      %dma_wait3A_333 = tpu.memref_slice %arg4[%arg1, %dma_wait3A_331, %dma_wait3A_332] : memref<16x80x128xi32, #tpu.memory_space<hbm>> -> memref<1x40x128xi32, #tpu.memory_space<hbm>>
      %dma_wait3A_334 = tpu.memref_squeeze %dma_wait3A_333 : memref<1x40x128xi32, #tpu.memory_space<hbm>> -> memref<40x128xi32, #tpu.memory_space<hbm>>
      %dma_wait3A_335 = arith.constant 0 : i32
      %dma_wait3A_336 = arith.constant 0 : i32
      %dma_wait3A_337 = tpu.memref_slice %arg4[%arg1, %dma_wait3A_335, %dma_wait3A_336] : memref<16x80x128xi32, #tpu.memory_space<hbm>> -> memref<1x40x128xi32, #tpu.memory_space<hbm>>
      %dma_wait3A_338 = tpu.memref_squeeze %dma_wait3A_337 : memref<1x40x128xi32, #tpu.memory_space<hbm>> -> memref<40x128xi32, #tpu.memory_space<hbm>>
      tpu.wait_dma2 semaphore(%run_scoped3A : memref<!tpu.dma_semaphore, #tpu.memory_space<semaphore_mem>>) src(%dma_wait3A_338 : memref<40x128xi32, #tpu.memory_space<hbm>>) dst(%arg7 : memref<40x128xi32, #tpu.memory_space<vmem>>)
      tpu.yield
    }) : () -> ()
    %dma_start3A = arith.constant 0 : i32
    %dma_start3A_27 = arith.constant 0 : i32
    %dma_start3A_28 = tpu.memref_slice %arg6[%dma_start3A, %dma_start3A_27] : memref<40x128xi32, #tpu.memory_space<vmem>> -> memref<1x128xi32, #tpu.memory_space<vmem>>
    %dma_start3A_29 = tpu.memref_squeeze %dma_start3A_28 : memref<1x128xi32, #tpu.memory_space<vmem>> -> memref<128xi32, #tpu.memory_space<vmem>>
    %dma_start3A_30 = arith.constant 0 : i32
    %dma_start3A_31 = arith.constant 0 : i32
    %dma_start3A_32 = tpu.memref_slice %arg2[%dma_start3A_30, %dma_start3A_31] : memref<40000x128xf32, #tpu.memory_space<hbm>> -> memref<40000x128xf32, #tpu.memory_space<hbm>>
    tpu.enqueue_indirect_dma source(%dma_start3A_32 : memref<40000x128xf32, #tpu.memory_space<hbm>>) target(%arg8 : memref<128x128xf32, #tpu.memory_space<vmem>>) offsets(%dma_start3A_29 : memref<128xi32, #tpu.memory_space<vmem>>) semaphore(%arg11 : memref<!tpu.dma_semaphore, #tpu.memory_space<semaphore_mem>>)
    %dma_start3A_33 = arith.constant 1 : i32
    %dma_start3A_34 = arith.constant 0 : i32
    %dma_start3A_35 = tpu.memref_slice %arg6[%dma_start3A_33, %dma_start3A_34] : memref<40x128xi32, #tpu.memory_space<vmem>> -> memref<1x128xi32, #tpu.memory_space<vmem>>
    %dma_start3A_36 = tpu.memref_squeeze %dma_start3A_35 : memref<1x128xi32, #tpu.memory_space<vmem>> -> memref<128xi32, #tpu.memory_space<vmem>>
    %dma_start3A_37 = arith.constant 0 : i32
    %dma_start3A_38 = arith.constant 0 : i32
    %dma_start3A_39 = tpu.memref_slice %arg2[%dma_start3A_37, %dma_start3A_38] : memref<40000x128xf32, #tpu.memory_space<hbm>> -> memref<40000x128xf32, #tpu.memory_space<hbm>>
    tpu.enqueue_indirect_dma source(%dma_start3A_39 : memref<40000x128xf32, #tpu.memory_space<hbm>>) target(%arg9 : memref<128x128xf32, #tpu.memory_space<vmem>>) offsets(%dma_start3A_36 : memref<128xi32, #tpu.memory_space<vmem>>) semaphore(%arg12 : memref<!tpu.dma_semaphore, #tpu.memory_space<semaphore_mem>>)
    %dma_wait3A = arith.constant 0 : i32
    %dma_wait3A_40 = arith.constant 0 : i32
    %dma_wait3A_41 = tpu.memref_slice %arg6[%dma_wait3A, %dma_wait3A_40] : memref<40x128xi32, #tpu.memory_space<vmem>> -> memref<1x128xi32, #tpu.memory_space<vmem>>
    %dma_wait3A_42 = tpu.memref_squeeze %dma_wait3A_41 : memref<1x128xi32, #tpu.memory_space<vmem>> -> memref<128xi32, #tpu.memory_space<vmem>>
    %dma_wait3A_43 = arith.constant 0 : i32
    %dma_wait3A_44 = arith.constant 0 : i32
    %dma_wait3A_45 = tpu.memref_slice %arg2[%dma_wait3A_43, %dma_wait3A_44] : memref<40000x128xf32, #tpu.memory_space<hbm>> -> memref<40000x128xf32, #tpu.memory_space<hbm>>
    tpu.wait_indirect_dma semaphore(%arg11 : memref<!tpu.dma_semaphore, #tpu.memory_space<semaphore_mem>>) src(%dma_wait3A_45 : memref<40000x128xf32, #tpu.memory_space<hbm>>) dst(%arg8 : memref<128x128xf32, #tpu.memory_space<vmem>>)
    %dma_start3A_46 = arith.constant 0 : i32
    %dma_start3A_47 = arith.constant 0 : i32
    %dma_start3A_48 = tpu.memref_slice %arg7[%dma_start3A_46, %dma_start3A_47] : memref<40x128xi32, #tpu.memory_space<vmem>> -> memref<1x128xi32, #tpu.memory_space<vmem>>
    %dma_start3A_49 = tpu.memref_squeeze %dma_start3A_48 : memref<1x128xi32, #tpu.memory_space<vmem>> -> memref<128xi32, #tpu.memory_space<vmem>>
    %dma_start3A_50 = arith.constant 0 : i32
    %dma_start3A_51 = arith.constant 0 : i32
    %dma_start3A_52 = tpu.memref_slice %arg10[%dma_start3A_50, %dma_start3A_51] : memref<10112x128xf32, #tpu.memory_space<vmem_shared>> -> memref<10112x128xf32, #tpu.memory_space<vmem_shared>>
    tpu.enqueue_indirect_dma source(%arg8 : memref<128x128xf32, #tpu.memory_space<vmem>>) target(%dma_start3A_52 : memref<10112x128xf32, #tpu.memory_space<vmem_shared>>) offsets(%dma_start3A_49 : memref<128xi32, #tpu.memory_space<vmem>>) semaphore(%arg13 : memref<!tpu.dma_semaphore, #tpu.memory_space<semaphore_mem>>) {add = true}
    %scan3A_53 = arith.constant 0 : i32
    %scan3A_54 = arith.constant 0 : i32
    %scan3A_55 = arith.constant 19 : i32
    %scan3A_56 = arith.addi %scan3A_54, %scan3A_55 : i32
    %scan3A_57 = arith.constant 1 : i32
    scf.for %scan3A_323 = %scan3A_54 to %scan3A_56 step %scan3A_57  : i32 {
      %mul3A_324 = arith.constant 2 : i32
      %mul3A_325 = arith.muli %scan3A_323, %mul3A_324 : i32
      %dma_wait3A_326 = arith.constant 0 : i32
      %dma_wait3A_327 = arith.constant 0 : i32
      %dma_wait3A_328 = tpu.memref_slice %arg7[%dma_wait3A_326, %dma_wait3A_327] : memref<40x128xi32, #tpu.memory_space<vmem>> -> memref<1x128xi32, #tpu.memory_space<vmem>>
      %dma_wait3A_329 = tpu.memref_squeeze %dma_wait3A_328 : memref<1x128xi32, #tpu.memory_space<vmem>> -> memref<128xi32, #tpu.memory_space<vmem>>
      %dma_wait3A_330 = arith.constant 0 : i32
      %dma_wait3A_331 = arith.constant 0 : i32
      %dma_wait3A_332 = tpu.memref_slice %arg10[%dma_wait3A_330, %dma_wait3A_331] : memref<10112x128xf32, #tpu.memory_space<vmem_shared>> -> memref<10112x128xf32, #tpu.memory_space<vmem_shared>>
      tpu.wait_indirect_dma semaphore(%arg13 : memref<!tpu.dma_semaphore, #tpu.memory_space<semaphore_mem>>) src(%arg8 : memref<128x128xf32, #tpu.memory_space<vmem>>) dst(%dma_wait3A_332 : memref<10112x128xf32, #tpu.memory_space<vmem_shared>>)
      %add3A_333 = arith.constant 2 : i32
      %add3A_334 = arith.addi %mul3A_325, %add3A_333 : i32
      %dma_start3A_335 = arith.constant 0 : i32
      %dma_start3A_336 = tpu.memref_slice %arg6[%add3A_334, %dma_start3A_335] : memref<40x128xi32, #tpu.memory_space<vmem>> -> memref<1x128xi32, #tpu.memory_space<vmem>>
      %dma_start3A_337 = tpu.memref_squeeze %dma_start3A_336 : memref<1x128xi32, #tpu.memory_space<vmem>> -> memref<128xi32, #tpu.memory_space<vmem>>
      %dma_start3A_338 = arith.constant 0 : i32
      %dma_start3A_339 = arith.constant 0 : i32
      %dma_start3A_340 = tpu.memref_slice %arg2[%dma_start3A_338, %dma_start3A_339] : memref<40000x128xf32, #tpu.memory_space<hbm>> -> memref<40000x128xf32, #tpu.memory_space<hbm>>
      tpu.enqueue_indirect_dma source(%dma_start3A_340 : memref<40000x128xf32, #tpu.memory_space<hbm>>) target(%arg8 : memref<128x128xf32, #tpu.memory_space<vmem>>) offsets(%dma_start3A_337 : memref<128xi32, #tpu.memory_space<vmem>>) semaphore(%arg11 : memref<!tpu.dma_semaphore, #tpu.memory_space<semaphore_mem>>)
      %dma_wait3A_341 = arith.constant 0 : i32
      %dma_wait3A_342 = arith.constant 0 : i32
      %dma_wait3A_343 = tpu.memref_slice %arg6[%dma_wait3A_341, %dma_wait3A_342] : memref<40x128xi32, #tpu.memory_space<vmem>> -> memref<1x128xi32, #tpu.memory_space<vmem>>
      %dma_wait3A_344 = tpu.memref_squeeze %dma_wait3A_343 : memref<1x128xi32, #tpu.memory_space<vmem>> -> memref<128xi32, #tpu.memory_space<vmem>>
      %dma_wait3A_345 = arith.constant 0 : i32
      %dma_wait3A_346 = arith.constant 0 : i32
      %dma_wait3A_347 = tpu.memref_slice %arg2[%dma_wait3A_345, %dma_wait3A_346] : memref<40000x128xf32, #tpu.memory_space<hbm>> -> memref<40000x128xf32, #tpu.memory_space<hbm>>
      tpu.wait_indirect_dma semaphore(%arg12 : memref<!tpu.dma_semaphore, #tpu.memory_space<semaphore_mem>>) src(%dma_wait3A_347 : memref<40000x128xf32, #tpu.memory_space<hbm>>) dst(%arg9 : memref<128x128xf32, #tpu.memory_space<vmem>>)
      %add3A_348 = arith.constant 1 : i32
      %add3A_349 = arith.addi %mul3A_325, %add3A_348 : i32
      %dma_start3A_350 = arith.constant 0 : i32
      %dma_start3A_351 = tpu.memref_slice %arg7[%add3A_349, %dma_start3A_350] : memref<40x128xi32, #tpu.memory_space<vmem>> -> memref<1x128xi32, #tpu.memory_space<vmem>>
      %dma_start3A_352 = tpu.memref_squeeze %dma_start3A_351 : memref<1x128xi32, #tpu.memory_space<vmem>> -> memref<128xi32, #tpu.memory_space<vmem>>
      %dma_start3A_353 = arith.constant 0 : i32
      %dma_start3A_354 = arith.constant 0 : i32
      %dma_start3A_355 = tpu.memref_slice %arg10[%dma_start3A_353, %dma_start3A_354] : memref<10112x128xf32, #tpu.memory_space<vmem_shared>> -> memref<10112x128xf32, #tpu.memory_space<vmem_shared>>
      tpu.enqueue_indirect_dma source(%arg9 : memref<128x128xf32, #tpu.memory_space<vmem>>) target(%dma_start3A_355 : memref<10112x128xf32, #tpu.memory_space<vmem_shared>>) offsets(%dma_start3A_352 : memref<128xi32, #tpu.memory_space<vmem>>) semaphore(%arg14 : memref<!tpu.dma_semaphore, #tpu.memory_space<semaphore_mem>>) {add = true}
      %dma_wait3A_356 = arith.constant 0 : i32
      %dma_wait3A_357 = arith.constant 0 : i32
      %dma_wait3A_358 = tpu.memref_slice %arg7[%dma_wait3A_356, %dma_wait3A_357] : memref<40x128xi32, #tpu.memory_space<vmem>> -> memref<1x128xi32, #tpu.memory_space<vmem>>
      %dma_wait3A_359 = tpu.memref_squeeze %dma_wait3A_358 : memref<1x128xi32, #tpu.memory_space<vmem>> -> memref<128xi32, #tpu.memory_space<vmem>>
      %dma_wait3A_360 = arith.constant 0 : i32
      %dma_wait3A_361 = arith.constant 0 : i32
      %dma_wait3A_362 = tpu.memref_slice %arg10[%dma_wait3A_360, %dma_wait3A_361] : memref<10112x128xf32, #tpu.memory_space<vmem_shared>> -> memref<10112x128xf32, #tpu.memory_space<vmem_shared>>
      tpu.wait_indirect_dma semaphore(%arg14 : memref<!tpu.dma_semaphore, #tpu.memory_space<semaphore_mem>>) src(%arg9 : memref<128x128xf32, #tpu.memory_space<vmem>>) dst(%dma_wait3A_362 : memref<10112x128xf32, #tpu.memory_space<vmem_shared>>)
      %add3A_363 = arith.constant 3 : i32
      %add3A_364 = arith.addi %mul3A_325, %add3A_363 : i32
      %dma_start3A_365 = arith.constant 0 : i32
      %dma_start3A_366 = tpu.memref_slice %arg6[%add3A_364, %dma_start3A_365] : memref<40x128xi32, #tpu.memory_space<vmem>> -> memref<1x128xi32, #tpu.memory_space<vmem>>
      %dma_start3A_367 = tpu.memref_squeeze %dma_start3A_366 : memref<1x128xi32, #tpu.memory_space<vmem>> -> memref<128xi32, #tpu.memory_space<vmem>>
      %dma_start3A_368 = arith.constant 0 : i32
      %dma_start3A_369 = arith.constant 0 : i32
      %dma_start3A_370 = tpu.memref_slice %arg2[%dma_start3A_368, %dma_start3A_369] : memref<40000x128xf32, #tpu.memory_space<hbm>> -> memref<40000x128xf32, #tpu.memory_space<hbm>>
      tpu.enqueue_indirect_dma source(%dma_start3A_370 : memref<40000x128xf32, #tpu.memory_space<hbm>>) target(%arg9 : memref<128x128xf32, #tpu.memory_space<vmem>>) offsets(%dma_start3A_367 : memref<128xi32, #tpu.memory_space<vmem>>) semaphore(%arg12 : memref<!tpu.dma_semaphore, #tpu.memory_space<semaphore_mem>>)
      %dma_wait3A_371 = arith.constant 0 : i32
      %dma_wait3A_372 = arith.constant 0 : i32
      %dma_wait3A_373 = tpu.memref_slice %arg6[%dma_wait3A_371, %dma_wait3A_372] : memref<40x128xi32, #tpu.memory_space<vmem>> -> memref<1x128xi32, #tpu.memory_space<vmem>>
      %dma_wait3A_374 = tpu.memref_squeeze %dma_wait3A_373 : memref<1x128xi32, #tpu.memory_space<vmem>> -> memref<128xi32, #tpu.memory_space<vmem>>
      %dma_wait3A_375 = arith.constant 0 : i32
      %dma_wait3A_376 = arith.constant 0 : i32
      %dma_wait3A_377 = tpu.memref_slice %arg2[%dma_wait3A_375, %dma_wait3A_376] : memref<40000x128xf32, #tpu.memory_space<hbm>> -> memref<40000x128xf32, #tpu.memory_space<hbm>>
      tpu.wait_indirect_dma semaphore(%arg11 : memref<!tpu.dma_semaphore, #tpu.memory_space<semaphore_mem>>) src(%dma_wait3A_377 : memref<40000x128xf32, #tpu.memory_space<hbm>>) dst(%arg8 : memref<128x128xf32, #tpu.memory_space<vmem>>)
      %add3A_378 = arith.constant 2 : i32
      %add3A_379 = arith.addi %mul3A_325, %add3A_378 : i32
      %dma_start3A_380 = arith.constant 0 : i32
      %dma_start3A_381 = tpu.memref_slice %arg7[%add3A_379, %dma_start3A_380] : memref<40x128xi32, #tpu.memory_space<vmem>> -> memref<1x128xi32, #tpu.memory_space<vmem>>
      %dma_start3A_382 = tpu.memref_squeeze %dma_start3A_381 : memref<1x128xi32, #tpu.memory_space<vmem>> -> memref<128xi32, #tpu.memory_space<vmem>>
      %dma_start3A_383 = arith.constant 0 : i32
      %dma_start3A_384 = arith.constant 0 : i32
      %dma_start3A_385 = tpu.memref_slice %arg10[%dma_start3A_383, %dma_start3A_384] : memref<10112x128xf32, #tpu.memory_space<vmem_shared>> -> memref<10112x128xf32, #tpu.memory_space<vmem_shared>>
      tpu.enqueue_indirect_dma source(%arg8 : memref<128x128xf32, #tpu.memory_space<vmem>>) target(%dma_start3A_385 : memref<10112x128xf32, #tpu.memory_space<vmem_shared>>) offsets(%dma_start3A_382 : memref<128xi32, #tpu.memory_space<vmem>>) semaphore(%arg13 : memref<!tpu.dma_semaphore, #tpu.memory_space<semaphore_mem>>) {add = true}
    }
    %scan3A_58 = arith.constant 19 : i32
    %dma_wait3A_59 = arith.constant 0 : i32
    %dma_wait3A_60 = arith.constant 0 : i32
    %dma_wait3A_61 = tpu.memref_slice %arg7[%dma_wait3A_59, %dma_wait3A_60] : memref<40x128xi32, #tpu.memory_space<vmem>> -> memref<1x128xi32, #tpu.memory_space<vmem>>
    %dma_wait3A_62 = tpu.memref_squeeze %dma_wait3A_61 : memref<1x128xi32, #tpu.memory_space<vmem>> -> memref<128xi32, #tpu.memory_space<vmem>>
    %dma_wait3A_63 = arith.constant 0 : i32
    %dma_wait3A_64 = arith.constant 0 : i32
    %dma_wait3A_65 = tpu.memref_slice %arg10[%dma_wait3A_63, %dma_wait3A_64] : memref<10112x128xf32, #tpu.memory_space<vmem_shared>> -> memref<10112x128xf32, #tpu.memory_space<vmem_shared>>
    tpu.wait_indirect_dma semaphore(%arg13 : memref<!tpu.dma_semaphore, #tpu.memory_space<semaphore_mem>>) src(%arg8 : memref<128x128xf32, #tpu.memory_space<vmem>>) dst(%dma_wait3A_65 : memref<10112x128xf32, #tpu.memory_space<vmem_shared>>)
    %dma_wait3A_66 = arith.constant 0 : i32
    %dma_wait3A_67 = arith.constant 0 : i32
    %dma_wait3A_68 = tpu.memref_slice %arg6[%dma_wait3A_66, %dma_wait3A_67] : memref<40x128xi32, #tpu.memory_space<vmem>> -> memref<1x128xi32, #tpu.memory_space<vmem>>
    %dma_wait3A_69 = tpu.memref_squeeze %dma_wait3A_68 : memref<1x128xi32, #tpu.memory_space<vmem>> -> memref<128xi32, #tpu.memory_space<vmem>>
    %dma_wait3A_70 = arith.constant 0 : i32
    %dma_wait3A_71 = arith.constant 0 : i32
    %dma_wait3A_72 = tpu.memref_slice %arg2[%dma_wait3A_70, %dma_wait3A_71] : memref<40000x128xf32, #tpu.memory_space<hbm>> -> memref<40000x128xf32, #tpu.memory_space<hbm>>
    tpu.wait_indirect_dma semaphore(%arg12 : memref<!tpu.dma_semaphore, #tpu.memory_space<semaphore_mem>>) src(%dma_wait3A_72 : memref<40000x128xf32, #tpu.memory_space<hbm>>) dst(%arg9 : memref<128x128xf32, #tpu.memory_space<vmem>>)
    %dma_start3A_73 = arith.constant 39 : i32
    %dma_start3A_74 = arith.constant 0 : i32
    %dma_start3A_75 = tpu.memref_slice %arg7[%dma_start3A_73, %dma_start3A_74] : memref<40x128xi32, #tpu.memory_space<vmem>> -> memref<1x128xi32, #tpu.memory_space<vmem>>
    %dma_start3A_76 = tpu.memref_squeeze %dma_start3A_75 : memref<1x128xi32, #tpu.memory_space<vmem>> -> memref<128xi32, #tpu.memory_space<vmem>>
    %dma_start3A_77 = arith.constant 0 : i32
    %dma_start3A_78 = arith.constant 0 : i32
    %dma_start3A_79 = tpu.memref_slice %arg10[%dma_start3A_77, %dma_start3A_78] : memref<10112x128xf32, #tpu.memory_space<vmem_shared>> -> memref<10112x128xf32, #tpu.memory_space<vmem_shared>>
    tpu.enqueue_indirect_dma source(%arg9 : memref<128x128xf32, #tpu.memory_space<vmem>>) target(%dma_start3A_79 : memref<10112x128xf32, #tpu.memory_space<vmem_shared>>) offsets(%dma_start3A_76 : memref<128xi32, #tpu.memory_space<vmem>>) semaphore(%arg14 : memref<!tpu.dma_semaphore, #tpu.memory_space<semaphore_mem>>) {add = true}
    %dma_wait3A_80 = arith.constant 0 : i32
    %dma_wait3A_81 = arith.constant 0 : i32
    %dma_wait3A_82 = tpu.memref_slice %arg7[%dma_wait3A_80, %dma_wait3A_81] : memref<40x128xi32, #tpu.memory_space<vmem>> -> memref<1x128xi32, #tpu.memory_space<vmem>>
    %dma_wait3A_83 = tpu.memref_squeeze %dma_wait3A_82 : memref<1x128xi32, #tpu.memory_space<vmem>> -> memref<128xi32, #tpu.memory_space<vmem>>
    %dma_wait3A_84 = arith.constant 0 : i32
    %dma_wait3A_85 = arith.constant 0 : i32
    %dma_wait3A_86 = tpu.memref_slice %arg10[%dma_wait3A_84, %dma_wait3A_85] : memref<10112x128xf32, #tpu.memory_space<vmem_shared>> -> memref<10112x128xf32, #tpu.memory_space<vmem_shared>>
    tpu.wait_indirect_dma semaphore(%arg14 : memref<!tpu.dma_semaphore, #tpu.memory_space<semaphore_mem>>) src(%arg9 : memref<128x128xf32, #tpu.memory_space<vmem>>) dst(%dma_wait3A_86 : memref<10112x128xf32, #tpu.memory_space<vmem_shared>>)
    "tpu.region"() ({
      %run_scoped3A = tpu.sem_alloc : memref<!tpu.dma_semaphore, #tpu.memory_space<semaphore_mem>>
      %dma_start3A_323 = arith.constant 40 : i32
      %dma_start3A_324 = arith.constant 0 : i32
      %dma_start3A_325 = tpu.memref_slice %arg3[%add3A_1, %arg1, %dma_start3A_323, %dma_start3A_324] : memref<4x16x80x128xi32, #tpu.memory_space<hbm>> -> memref<1x1x40x128xi32, #tpu.memory_space<hbm>>
      %dma_start3A_326 = tpu.memref_squeeze %dma_start3A_325 : memref<1x1x40x128xi32, #tpu.memory_space<hbm>> -> memref<40x128xi32, #tpu.memory_space<hbm>>
      %dma_start3A_327 = arith.constant 40 : i32
      %dma_start3A_328 = arith.constant 0 : i32
      %dma_start3A_329 = tpu.memref_slice %arg3[%add3A_1, %arg1, %dma_start3A_327, %dma_start3A_328] : memref<4x16x80x128xi32, #tpu.memory_space<hbm>> -> memref<1x1x40x128xi32, #tpu.memory_space<hbm>>
      %dma_start3A_330 = tpu.memref_squeeze %dma_start3A_329 : memref<1x1x40x128xi32, #tpu.memory_space<hbm>> -> memref<40x128xi32, #tpu.memory_space<hbm>>
      tpu.enqueue_dma source(%dma_start3A_330 : memref<40x128xi32, #tpu.memory_space<hbm>>) target(%arg6 : memref<40x128xi32, #tpu.memory_space<vmem>>) target_semaphore(%run_scoped3A : memref<!tpu.dma_semaphore, #tpu.memory_space<semaphore_mem>>)
      %dma_wait3A_331 = arith.constant 40 : i32
      %dma_wait3A_332 = arith.constant 0 : i32
      %dma_wait3A_333 = tpu.memref_slice %arg3[%add3A_1, %arg1, %dma_wait3A_331, %dma_wait3A_332] : memref<4x16x80x128xi32, #tpu.memory_space<hbm>> -> memref<1x1x40x128xi32, #tpu.memory_space<hbm>>
      %dma_wait3A_334 = tpu.memref_squeeze %dma_wait3A_333 : memref<1x1x40x128xi32, #tpu.memory_space<hbm>> -> memref<40x128xi32, #tpu.memory_space<hbm>>
      %dma_wait3A_335 = arith.constant 40 : i32
      %dma_wait3A_336 = arith.constant 0 : i32
      %dma_wait3A_337 = tpu.memref_slice %arg3[%add3A_1, %arg1, %dma_wait3A_335, %dma_wait3A_336] : memref<4x16x80x128xi32, #tpu.memory_space<hbm>> -> memref<1x1x40x128xi32, #tpu.memory_space<hbm>>
      %dma_wait3A_338 = tpu.memref_squeeze %dma_wait3A_337 : memref<1x1x40x128xi32, #tpu.memory_space<hbm>> -> memref<40x128xi32, #tpu.memory_space<hbm>>
      tpu.wait_dma2 semaphore(%run_scoped3A : memref<!tpu.dma_semaphore, #tpu.memory_space<semaphore_mem>>) src(%dma_wait3A_338 : memref<40x128xi32, #tpu.memory_space<hbm>>) dst(%arg6 : memref<40x128xi32, #tpu.memory_space<vmem>>)
      tpu.yield
    }) : () -> ()
    "tpu.region"() ({
      %run_scoped3A = tpu.sem_alloc : memref<!tpu.dma_semaphore, #tpu.memory_space<semaphore_mem>>
      %dma_start3A_323 = arith.constant 40 : i32
      %dma_start3A_324 = arith.constant 0 : i32
      %dma_start3A_325 = tpu.memref_slice %arg4[%arg1, %dma_start3A_323, %dma_start3A_324] : memref<16x80x128xi32, #tpu.memory_space<hbm>> -> memref<1x40x128xi32, #tpu.memory_space<hbm>>
      %dma_start3A_326 = tpu.memref_squeeze %dma_start3A_325 : memref<1x40x128xi32, #tpu.memory_space<hbm>> -> memref<40x128xi32, #tpu.memory_space<hbm>>
      %dma_start3A_327 = arith.constant 40 : i32
      %dma_start3A_328 = arith.constant 0 : i32
      %dma_start3A_329 = tpu.memref_slice %arg4[%arg1, %dma_start3A_327, %dma_start3A_328] : memref<16x80x128xi32, #tpu.memory_space<hbm>> -> memref<1x40x128xi32, #tpu.memory_space<hbm>>
      %dma_start3A_330 = tpu.memref_squeeze %dma_start3A_329 : memref<1x40x128xi32, #tpu.memory_space<hbm>> -> memref<40x128xi32, #tpu.memory_space<hbm>>
      tpu.enqueue_dma source(%dma_start3A_330 : memref<40x128xi32, #tpu.memory_space<hbm>>) target(%arg7 : memref<40x128xi32, #tpu.memory_space<vmem>>) target_semaphore(%run_scoped3A : memref<!tpu.dma_semaphore, #tpu.memory_space<semaphore_mem>>)
      %dma_wait3A_331 = arith.constant 40 : i32
      %dma_wait3A_332 = arith.constant 0 : i32
      %dma_wait3A_333 = tpu.memref_slice %arg4[%arg1, %dma_wait3A_331, %dma_wait3A_332] : memref<16x80x128xi32, #tpu.memory_space<hbm>> -> memref<1x40x128xi32, #tpu.memory_space<hbm>>
      %dma_wait3A_334 = tpu.memref_squeeze %dma_wait3A_333 : memref<1x40x128xi32, #tpu.memory_space<hbm>> -> memref<40x128xi32, #tpu.memory_space<hbm>>
      %dma_wait3A_335 = arith.constant 40 : i32
      %dma_wait3A_336 = arith.constant 0 : i32
      %dma_wait3A_337 = tpu.memref_slice %arg4[%arg1, %dma_wait3A_335, %dma_wait3A_336] : memref<16x80x128xi32, #tpu.memory_space<hbm>> -> memref<1x40x128xi32, #tpu.memory_space<hbm>>
      %dma_wait3A_338 = tpu.memref_squeeze %dma_wait3A_337 : memref<1x40x128xi32, #tpu.memory_space<hbm>> -> memref<40x128xi32, #tpu.memory_space<hbm>>
      tpu.wait_dma2 semaphore(%run_scoped3A : memref<!tpu.dma_semaphore, #tpu.memory_space<semaphore_mem>>) src(%dma_wait3A_338 : memref<40x128xi32, #tpu.memory_space<hbm>>) dst(%arg7 : memref<40x128xi32, #tpu.memory_space<vmem>>)
      tpu.yield
    }) : () -> ()
    %dma_start3A_87 = arith.constant 0 : i32
    %dma_start3A_88 = arith.constant 0 : i32
    %dma_start3A_89 = tpu.memref_slice %arg6[%dma_start3A_87, %dma_start3A_88] : memref<40x128xi32, #tpu.memory_space<vmem>> -> memref<1x128xi32, #tpu.memory_space<vmem>>
    %dma_start3A_90 = tpu.memref_squeeze %dma_start3A_89 : memref<1x128xi32, #tpu.memory_space<vmem>> -> memref<128xi32, #tpu.memory_space<vmem>>
    %dma_start3A_91 = arith.constant 0 : i32
    %dma_start3A_92 = arith.constant 0 : i32
    %dma_start3A_93 = tpu.memref_slice %arg2[%dma_start3A_91, %dma_start3A_92] : memref<40000x128xf32, #tpu.memory_space<hbm>> -> memref<40000x128xf32, #tpu.memory_space<hbm>>
    tpu.enqueue_indirect_dma source(%dma_start3A_93 : memref<40000x128xf32, #tpu.memory_space<hbm>>) target(%arg8 : memref<128x128xf32, #tpu.memory_space<vmem>>) offsets(%dma_start3A_90 : memref<128xi32, #tpu.memory_space<vmem>>) semaphore(%arg11 : memref<!tpu.dma_semaphore, #tpu.memory_space<semaphore_mem>>)
    %dma_start3A_94 = arith.constant 1 : i32
    %dma_start3A_95 = arith.constant 0 : i32
    %dma_start3A_96 = tpu.memref_slice %arg6[%dma_start3A_94, %dma_start3A_95] : memref<40x128xi32, #tpu.memory_space<vmem>> -> memref<1x128xi32, #tpu.memory_space<vmem>>
    %dma_start3A_97 = tpu.memref_squeeze %dma_start3A_96 : memref<1x128xi32, #tpu.memory_space<vmem>> -> memref<128xi32, #tpu.memory_space<vmem>>
    %dma_start3A_98 = arith.constant 0 : i32
    %dma_start3A_99 = arith.constant 0 : i32
    %dma_start3A_100 = tpu.memref_slice %arg2[%dma_start3A_98, %dma_start3A_99] : memref<40000x128xf32, #tpu.memory_space<hbm>> -> memref<40000x128xf32, #tpu.memory_space<hbm>>
    tpu.enqueue_indirect_dma source(%dma_start3A_100 : memref<40000x128xf32, #tpu.memory_space<hbm>>) target(%arg9 : memref<128x128xf32, #tpu.memory_space<vmem>>) offsets(%dma_start3A_97 : memref<128xi32, #tpu.memory_space<vmem>>) semaphore(%arg12 : memref<!tpu.dma_semaphore, #tpu.memory_space<semaphore_mem>>)
    %dma_wait3A_101 = arith.constant 0 : i32
    %dma_wait3A_102 = arith.constant 0 : i32
    %dma_wait3A_103 = tpu.memref_slice %arg6[%dma_wait3A_101, %dma_wait3A_102] : memref<40x128xi32, #tpu.memory_space<vmem>> -> memref<1x128xi32, #tpu.memory_space<vmem>>
    %dma_wait3A_104 = tpu.memref_squeeze %dma_wait3A_103 : memref<1x128xi32, #tpu.memory_space<vmem>> -> memref<128xi32, #tpu.memory_space<vmem>>
    %dma_wait3A_105 = arith.constant 0 : i32
    %dma_wait3A_106 = arith.constant 0 : i32
    %dma_wait3A_107 = tpu.memref_slice %arg2[%dma_wait3A_105, %dma_wait3A_106] : memref<40000x128xf32, #tpu.memory_space<hbm>> -> memref<40000x128xf32, #tpu.memory_space<hbm>>
    tpu.wait_indirect_dma semaphore(%arg11 : memref<!tpu.dma_semaphore, #tpu.memory_space<semaphore_mem>>) src(%dma_wait3A_107 : memref<40000x128xf32, #tpu.memory_space<hbm>>) dst(%arg8 : memref<128x128xf32, #tpu.memory_space<vmem>>)
    %dma_start3A_108 = arith.constant 0 : i32
    %dma_start3A_109 = arith.constant 0 : i32
    %dma_start3A_110 = tpu.memref_slice %arg7[%dma_start3A_108, %dma_start3A_109] : memref<40x128xi32, #tpu.memory_space<vmem>> -> memref<1x128xi32, #tpu.memory_space<vmem>>
    %dma_start3A_111 = tpu.memref_squeeze %dma_start3A_110 : memref<1x128xi32, #tpu.memory_space<vmem>> -> memref<128xi32, #tpu.memory_space<vmem>>
    %dma_start3A_112 = arith.constant 0 : i32
    %dma_start3A_113 = arith.constant 0 : i32
    %dma_start3A_114 = tpu.memref_slice %arg10[%dma_start3A_112, %dma_start3A_113] : memref<10112x128xf32, #tpu.memory_space<vmem_shared>> -> memref<10112x128xf32, #tpu.memory_space<vmem_shared>>
    tpu.enqueue_indirect_dma source(%arg8 : memref<128x128xf32, #tpu.memory_space<vmem>>) target(%dma_start3A_114 : memref<10112x128xf32, #tpu.memory_space<vmem_shared>>) offsets(%dma_start3A_111 : memref<128xi32, #tpu.memory_space<vmem>>) semaphore(%arg13 : memref<!tpu.dma_semaphore, #tpu.memory_space<semaphore_mem>>) {add = true}
    %scan3A_115 = arith.constant 0 : i32
    %scan3A_116 = arith.constant 0 : i32
    %scan3A_117 = arith.constant 19 : i32
    %scan3A_118 = arith.addi %scan3A_116, %scan3A_117 : i32
    %scan3A_119 = arith.constant 1 : i32
    scf.for %scan3A_323 = %scan3A_116 to %scan3A_118 step %scan3A_119  : i32 {
      %mul3A_324 = arith.constant 2 : i32
      %mul3A_325 = arith.muli %scan3A_323, %mul3A_324 : i32
      %dma_wait3A_326 = arith.constant 0 : i32
      %dma_wait3A_327 = arith.constant 0 : i32
      %dma_wait3A_328 = tpu.memref_slice %arg7[%dma_wait3A_326, %dma_wait3A_327] : memref<40x128xi32, #tpu.memory_space<vmem>> -> memref<1x128xi32, #tpu.memory_space<vmem>>
      %dma_wait3A_329 = tpu.memref_squeeze %dma_wait3A_328 : memref<1x128xi32, #tpu.memory_space<vmem>> -> memref<128xi32, #tpu.memory_space<vmem>>
      %dma_wait3A_330 = arith.constant 0 : i32
      %dma_wait3A_331 = arith.constant 0 : i32
      %dma_wait3A_332 = tpu.memref_slice %arg10[%dma_wait3A_330, %dma_wait3A_331] : memref<10112x128xf32, #tpu.memory_space<vmem_shared>> -> memref<10112x128xf32, #tpu.memory_space<vmem_shared>>
      tpu.wait_indirect_dma semaphore(%arg13 : memref<!tpu.dma_semaphore, #tpu.memory_space<semaphore_mem>>) src(%arg8 : memref<128x128xf32, #tpu.memory_space<vmem>>) dst(%dma_wait3A_332 : memref<10112x128xf32, #tpu.memory_space<vmem_shared>>)
      %add3A_333 = arith.constant 2 : i32
      %add3A_334 = arith.addi %mul3A_325, %add3A_333 : i32
      %dma_start3A_335 = arith.constant 0 : i32
      %dma_start3A_336 = tpu.memref_slice %arg6[%add3A_334, %dma_start3A_335] : memref<40x128xi32, #tpu.memory_space<vmem>> -> memref<1x128xi32, #tpu.memory_space<vmem>>
      %dma_start3A_337 = tpu.memref_squeeze %dma_start3A_336 : memref<1x128xi32, #tpu.memory_space<vmem>> -> memref<128xi32, #tpu.memory_space<vmem>>
      %dma_start3A_338 = arith.constant 0 : i32
      %dma_start3A_339 = arith.constant 0 : i32
      %dma_start3A_340 = tpu.memref_slice %arg2[%dma_start3A_338, %dma_start3A_339] : memref<40000x128xf32, #tpu.memory_space<hbm>> -> memref<40000x128xf32, #tpu.memory_space<hbm>>
      tpu.enqueue_indirect_dma source(%dma_start3A_340 : memref<40000x128xf32, #tpu.memory_space<hbm>>) target(%arg8 : memref<128x128xf32, #tpu.memory_space<vmem>>) offsets(%dma_start3A_337 : memref<128xi32, #tpu.memory_space<vmem>>) semaphore(%arg11 : memref<!tpu.dma_semaphore, #tpu.memory_space<semaphore_mem>>)
      %dma_wait3A_341 = arith.constant 0 : i32
      %dma_wait3A_342 = arith.constant 0 : i32
      %dma_wait3A_343 = tpu.memref_slice %arg6[%dma_wait3A_341, %dma_wait3A_342] : memref<40x128xi32, #tpu.memory_space<vmem>> -> memref<1x128xi32, #tpu.memory_space<vmem>>
      %dma_wait3A_344 = tpu.memref_squeeze %dma_wait3A_343 : memref<1x128xi32, #tpu.memory_space<vmem>> -> memref<128xi32, #tpu.memory_space<vmem>>
      %dma_wait3A_345 = arith.constant 0 : i32
      %dma_wait3A_346 = arith.constant 0 : i32
      %dma_wait3A_347 = tpu.memref_slice %arg2[%dma_wait3A_345, %dma_wait3A_346] : memref<40000x128xf32, #tpu.memory_space<hbm>> -> memref<40000x128xf32, #tpu.memory_space<hbm>>
      tpu.wait_indirect_dma semaphore(%arg12 : memref<!tpu.dma_semaphore, #tpu.memory_space<semaphore_mem>>) src(%dma_wait3A_347 : memref<40000x128xf32, #tpu.memory_space<hbm>>) dst(%arg9 : memref<128x128xf32, #tpu.memory_space<vmem>>)
      %add3A_348 = arith.constant 1 : i32
      %add3A_349 = arith.addi %mul3A_325, %add3A_348 : i32
      %dma_start3A_350 = arith.constant 0 : i32
      %dma_start3A_351 = tpu.memref_slice %arg7[%add3A_349, %dma_start3A_350] : memref<40x128xi32, #tpu.memory_space<vmem>> -> memref<1x128xi32, #tpu.memory_space<vmem>>
      %dma_start3A_352 = tpu.memref_squeeze %dma_start3A_351 : memref<1x128xi32, #tpu.memory_space<vmem>> -> memref<128xi32, #tpu.memory_space<vmem>>
      %dma_start3A_353 = arith.constant 0 : i32
      %dma_start3A_354 = arith.constant 0 : i32
      %dma_start3A_355 = tpu.memref_slice %arg10[%dma_start3A_353, %dma_start3A_354] : memref<10112x128xf32, #tpu.memory_space<vmem_shared>> -> memref<10112x128xf32, #tpu.memory_space<vmem_shared>>
      tpu.enqueue_indirect_dma source(%arg9 : memref<128x128xf32, #tpu.memory_space<vmem>>) target(%dma_start3A_355 : memref<10112x128xf32, #tpu.memory_space<vmem_shared>>) offsets(%dma_start3A_352 : memref<128xi32, #tpu.memory_space<vmem>>) semaphore(%arg14 : memref<!tpu.dma_semaphore, #tpu.memory_space<semaphore_mem>>) {add = true}
      %dma_wait3A_356 = arith.constant 0 : i32
      %dma_wait3A_357 = arith.constant 0 : i32
      %dma_wait3A_358 = tpu.memref_slice %arg7[%dma_wait3A_356, %dma_wait3A_357] : memref<40x128xi32, #tpu.memory_space<vmem>> -> memref<1x128xi32, #tpu.memory_space<vmem>>
      %dma_wait3A_359 = tpu.memref_squeeze %dma_wait3A_358 : memref<1x128xi32, #tpu.memory_space<vmem>> -> memref<128xi32, #tpu.memory_space<vmem>>
      %dma_wait3A_360 = arith.constant 0 : i32
      %dma_wait3A_361 = arith.constant 0 : i32
      %dma_wait3A_362 = tpu.memref_slice %arg10[%dma_wait3A_360, %dma_wait3A_361] : memref<10112x128xf32, #tpu.memory_space<vmem_shared>> -> memref<10112x128xf32, #tpu.memory_space<vmem_shared>>
      tpu.wait_indirect_dma semaphore(%arg14 : memref<!tpu.dma_semaphore, #tpu.memory_space<semaphore_mem>>) src(%arg9 : memref<128x128xf32, #tpu.memory_space<vmem>>) dst(%dma_wait3A_362 : memref<10112x128xf32, #tpu.memory_space<vmem_shared>>)
      %add3A_363 = arith.constant 3 : i32
      %add3A_364 = arith.addi %mul3A_325, %add3A_363 : i32
      %dma_start3A_365 = arith.constant 0 : i32
      %dma_start3A_366 = tpu.memref_slice %arg6[%add3A_364, %dma_start3A_365] : memref<40x128xi32, #tpu.memory_space<vmem>> -> memref<1x128xi32, #tpu.memory_space<vmem>>
      %dma_start3A_367 = tpu.memref_squeeze %dma_start3A_366 : memref<1x128xi32, #tpu.memory_space<vmem>> -> memref<128xi32, #tpu.memory_space<vmem>>
      %dma_start3A_368 = arith.constant 0 : i32
      %dma_start3A_369 = arith.constant 0 : i32
      %dma_start3A_370 = tpu.memref_slice %arg2[%dma_start3A_368, %dma_start3A_369] : memref<40000x128xf32, #tpu.memory_space<hbm>> -> memref<40000x128xf32, #tpu.memory_space<hbm>>
      tpu.enqueue_indirect_dma source(%dma_start3A_370 : memref<40000x128xf32, #tpu.memory_space<hbm>>) target(%arg9 : memref<128x128xf32, #tpu.memory_space<vmem>>) offsets(%dma_start3A_367 : memref<128xi32, #tpu.memory_space<vmem>>) semaphore(%arg12 : memref<!tpu.dma_semaphore, #tpu.memory_space<semaphore_mem>>)
      %dma_wait3A_371 = arith.constant 0 : i32
      %dma_wait3A_372 = arith.constant 0 : i32
      %dma_wait3A_373 = tpu.memref_slice %arg6[%dma_wait3A_371, %dma_wait3A_372] : memref<40x128xi32, #tpu.memory_space<vmem>> -> memref<1x128xi32, #tpu.memory_space<vmem>>
      %dma_wait3A_374 = tpu.memref_squeeze %dma_wait3A_373 : memref<1x128xi32, #tpu.memory_space<vmem>> -> memref<128xi32, #tpu.memory_space<vmem>>
      %dma_wait3A_375 = arith.constant 0 : i32
      %dma_wait3A_376 = arith.constant 0 : i32
      %dma_wait3A_377 = tpu.memref_slice %arg2[%dma_wait3A_375, %dma_wait3A_376] : memref<40000x128xf32, #tpu.memory_space<hbm>> -> memref<40000x128xf32, #tpu.memory_space<hbm>>
      tpu.wait_indirect_dma semaphore(%arg11 : memref<!tpu.dma_semaphore, #tpu.memory_space<semaphore_mem>>) src(%dma_wait3A_377 : memref<40000x128xf32, #tpu.memory_space<hbm>>) dst(%arg8 : memref<128x128xf32, #tpu.memory_space<vmem>>)
      %add3A_378 = arith.constant 2 : i32
      %add3A_379 = arith.addi %mul3A_325, %add3A_378 : i32
      %dma_start3A_380 = arith.constant 0 : i32
      %dma_start3A_381 = tpu.memref_slice %arg7[%add3A_379, %dma_start3A_380] : memref<40x128xi32, #tpu.memory_space<vmem>> -> memref<1x128xi32, #tpu.memory_space<vmem>>
      %dma_start3A_382 = tpu.memref_squeeze %dma_start3A_381 : memref<1x128xi32, #tpu.memory_space<vmem>> -> memref<128xi32, #tpu.memory_space<vmem>>
      %dma_start3A_383 = arith.constant 0 : i32
      %dma_start3A_384 = arith.constant 0 : i32
      %dma_start3A_385 = tpu.memref_slice %arg10[%dma_start3A_383, %dma_start3A_384] : memref<10112x128xf32, #tpu.memory_space<vmem_shared>> -> memref<10112x128xf32, #tpu.memory_space<vmem_shared>>
      tpu.enqueue_indirect_dma source(%arg8 : memref<128x128xf32, #tpu.memory_space<vmem>>) target(%dma_start3A_385 : memref<10112x128xf32, #tpu.memory_space<vmem_shared>>) offsets(%dma_start3A_382 : memref<128xi32, #tpu.memory_space<vmem>>) semaphore(%arg13 : memref<!tpu.dma_semaphore, #tpu.memory_space<semaphore_mem>>) {add = true}
    }
    %scan3A_120 = arith.constant 19 : i32
    %dma_wait3A_121 = arith.constant 0 : i32
    %dma_wait3A_122 = arith.constant 0 : i32
    %dma_wait3A_123 = tpu.memref_slice %arg7[%dma_wait3A_121, %dma_wait3A_122] : memref<40x128xi32, #tpu.memory_space<vmem>> -> memref<1x128xi32, #tpu.memory_space<vmem>>
    %dma_wait3A_124 = tpu.memref_squeeze %dma_wait3A_123 : memref<1x128xi32, #tpu.memory_space<vmem>> -> memref<128xi32, #tpu.memory_space<vmem>>
    %dma_wait3A_125 = arith.constant 0 : i32
    %dma_wait3A_126 = arith.constant 0 : i32
    %dma_wait3A_127 = tpu.memref_slice %arg10[%dma_wait3A_125, %dma_wait3A_126] : memref<10112x128xf32, #tpu.memory_space<vmem_shared>> -> memref<10112x128xf32, #tpu.memory_space<vmem_shared>>
    tpu.wait_indirect_dma semaphore(%arg13 : memref<!tpu.dma_semaphore, #tpu.memory_space<semaphore_mem>>) src(%arg8 : memref<128x128xf32, #tpu.memory_space<vmem>>) dst(%dma_wait3A_127 : memref<10112x128xf32, #tpu.memory_space<vmem_shared>>)
    %dma_wait3A_128 = arith.constant 0 : i32
    %dma_wait3A_129 = arith.constant 0 : i32
    %dma_wait3A_130 = tpu.memref_slice %arg6[%dma_wait3A_128, %dma_wait3A_129] : memref<40x128xi32, #tpu.memory_space<vmem>> -> memref<1x128xi32, #tpu.memory_space<vmem>>
    %dma_wait3A_131 = tpu.memref_squeeze %dma_wait3A_130 : memref<1x128xi32, #tpu.memory_space<vmem>> -> memref<128xi32, #tpu.memory_space<vmem>>
    %dma_wait3A_132 = arith.constant 0 : i32
    %dma_wait3A_133 = arith.constant 0 : i32
    %dma_wait3A_134 = tpu.memref_slice %arg2[%dma_wait3A_132, %dma_wait3A_133] : memref<40000x128xf32, #tpu.memory_space<hbm>> -> memref<40000x128xf32, #tpu.memory_space<hbm>>
    tpu.wait_indirect_dma semaphore(%arg12 : memref<!tpu.dma_semaphore, #tpu.memory_space<semaphore_mem>>) src(%dma_wait3A_134 : memref<40000x128xf32, #tpu.memory_space<hbm>>) dst(%arg9 : memref<128x128xf32, #tpu.memory_space<vmem>>)
    %dma_start3A_135 = arith.constant 39 : i32
    %dma_start3A_136 = arith.constant 0 : i32
    %dma_start3A_137 = tpu.memref_slice %arg7[%dma_start3A_135, %dma_start3A_136] : memref<40x128xi32, #tpu.memory_space<vmem>> -> memref<1x128xi32, #tpu.memory_space<vmem>>
    %dma_start3A_138 = tpu.memref_squeeze %dma_start3A_137 : memref<1x128xi32, #tpu.memory_space<vmem>> -> memref<128xi32, #tpu.memory_space<vmem>>
    %dma_start3A_139 = arith.constant 0 : i32
    %dma_start3A_140 = arith.constant 0 : i32
    %dma_start3A_141 = tpu.memref_slice %arg10[%dma_start3A_139, %dma_start3A_140] : memref<10112x128xf32, #tpu.memory_space<vmem_shared>> -> memref<10112x128xf32, #tpu.memory_space<vmem_shared>>
    tpu.enqueue_indirect_dma source(%arg9 : memref<128x128xf32, #tpu.memory_space<vmem>>) target(%dma_start3A_141 : memref<10112x128xf32, #tpu.memory_space<vmem_shared>>) offsets(%dma_start3A_138 : memref<128xi32, #tpu.memory_space<vmem>>) semaphore(%arg14 : memref<!tpu.dma_semaphore, #tpu.memory_space<semaphore_mem>>) {add = true}
    %dma_wait3A_142 = arith.constant 0 : i32
    %dma_wait3A_143 = arith.constant 0 : i32
    %dma_wait3A_144 = tpu.memref_slice %arg7[%dma_wait3A_142, %dma_wait3A_143] : memref<40x128xi32, #tpu.memory_space<vmem>> -> memref<1x128xi32, #tpu.memory_space<vmem>>
    %dma_wait3A_145 = tpu.memref_squeeze %dma_wait3A_144 : memref<1x128xi32, #tpu.memory_space<vmem>> -> memref<128xi32, #tpu.memory_space<vmem>>
    %dma_wait3A_146 = arith.constant 0 : i32
    %dma_wait3A_147 = arith.constant 0 : i32
    %dma_wait3A_148 = tpu.memref_slice %arg10[%dma_wait3A_146, %dma_wait3A_147] : memref<10112x128xf32, #tpu.memory_space<vmem_shared>> -> memref<10112x128xf32, #tpu.memory_space<vmem_shared>>
    tpu.wait_indirect_dma semaphore(%arg14 : memref<!tpu.dma_semaphore, #tpu.memory_space<semaphore_mem>>) src(%arg9 : memref<128x128xf32, #tpu.memory_space<vmem>>) dst(%dma_wait3A_148 : memref<10112x128xf32, #tpu.memory_space<vmem_shared>>)
    %barrier3A_149 = arith.constant 0 : index
    tpu.barrier barrier_id(%barrier3A_149)
    %mul3A_150 = arith.constant 624 : i32
    %mul3A_151 = arith.muli %arg1, %mul3A_150 : i32
    %mul3A_152 = arith.constant 624 : i32
    %mul3A_153 = arith.muli %arg1, %mul3A_152 : i32
    "tpu.region"() ({
      %run_scoped3A = tpu.sem_alloc : memref<!tpu.dma_semaphore, #tpu.memory_space<semaphore_mem>>
      %dma_start3A_323 = arith.constant 0 : i32
      %dma_start3A_324 = arith.constant 0 : i32
      %dma_start3A_325 = tpu.memref_slice %arg5[%add3A_1, %dma_start3A_323, %dma_start3A_324] : memref<4x10000x128xf32, #tpu.memory_space<hbm>> -> memref<1x10000x128xf32, #tpu.memory_space<hbm>>
      %dma_start3A_326 = tpu.memref_squeeze %dma_start3A_325 : memref<1x10000x128xf32, #tpu.memory_space<hbm>> -> memref<10000x128xf32, #tpu.memory_space<hbm>>
      %dma_start3A_327 = arith.constant 0 : i32
      %dma_start3A_328 = tpu.memref_slice %dma_start3A_326[%mul3A_153, %dma_start3A_327] : memref<10000x128xf32, #tpu.memory_space<hbm>> -> memref<624x128xf32, #tpu.memory_space<hbm>>
      %dma_start3A_329 = arith.constant 0 : i32
      %dma_start3A_330 = tpu.memref_slice %arg10[%mul3A_151, %dma_start3A_329] : memref<10112x128xf32, #tpu.memory_space<vmem_shared>> -> memref<624x128xf32, #tpu.memory_space<vmem_shared>>
      tpu.enqueue_dma source(%dma_start3A_330 : memref<624x128xf32, #tpu.memory_space<vmem_shared>>) target(%dma_start3A_328 : memref<624x128xf32, #tpu.memory_space<hbm>>) target_semaphore(%run_scoped3A : memref<!tpu.dma_semaphore, #tpu.memory_space<semaphore_mem>>)
      %dma_wait3A_331 = arith.constant 0 : i32
      %dma_wait3A_332 = arith.constant 0 : i32
      %dma_wait3A_333 = tpu.memref_slice %arg5[%add3A_1, %dma_wait3A_331, %dma_wait3A_332] : memref<4x10000x128xf32, #tpu.memory_space<hbm>> -> memref<1x10000x128xf32, #tpu.memory_space<hbm>>
      %dma_wait3A_334 = tpu.memref_squeeze %dma_wait3A_333 : memref<1x10000x128xf32, #tpu.memory_space<hbm>> -> memref<10000x128xf32, #tpu.memory_space<hbm>>
      %dma_wait3A_335 = arith.constant 0 : i32
      %dma_wait3A_336 = tpu.memref_slice %dma_wait3A_334[%mul3A_153, %dma_wait3A_335] : memref<10000x128xf32, #tpu.memory_space<hbm>> -> memref<624x128xf32, #tpu.memory_space<hbm>>
      %dma_wait3A_337 = arith.constant 0 : i32
      %dma_wait3A_338 = tpu.memref_slice %arg10[%mul3A_151, %dma_wait3A_337] : memref<10112x128xf32, #tpu.memory_space<vmem_shared>> -> memref<624x128xf32, #tpu.memory_space<vmem_shared>>
      tpu.wait_dma2 semaphore(%run_scoped3A : memref<!tpu.dma_semaphore, #tpu.memory_space<semaphore_mem>>) src(%dma_wait3A_338 : memref<624x128xf32, #tpu.memory_space<vmem_shared>>) dst(%dma_wait3A_336 : memref<624x128xf32, #tpu.memory_space<hbm>>)
      tpu.yield
    }) : () -> ()
    %eq3A = arith.constant 0 : i32
    %eq3A_154 = arith.cmpi eq, %arg1, %eq3A : i32
    %convert_element_type3A = arith.extui %eq3A_154 : i1 to i32
    %cond3A = arith.constant 0 : i32
    %cond3A_155 = arith.cmpi ne, %convert_element_type3A, %cond3A : i32
    scf.if %cond3A_155 {
      "tpu.region"() ({
        %run_scoped3A = tpu.sem_alloc : memref<!tpu.dma_semaphore, #tpu.memory_space<semaphore_mem>>
        %dma_start3A_323 = arith.constant 0 : i32
        %dma_start3A_324 = arith.constant 0 : i32
        %dma_start3A_325 = tpu.memref_slice %arg5[%add3A_1, %dma_start3A_323, %dma_start3A_324] : memref<4x10000x128xf32, #tpu.memory_space<hbm>> -> memref<1x10000x128xf32, #tpu.memory_space<hbm>>
        %dma_start3A_326 = tpu.memref_squeeze %dma_start3A_325 : memref<1x10000x128xf32, #tpu.memory_space<hbm>> -> memref<10000x128xf32, #tpu.memory_space<hbm>>
        %dma_start3A_327 = arith.constant 9984 : i32
        %dma_start3A_328 = arith.constant 0 : i32
        %dma_start3A_329 = tpu.memref_slice %dma_start3A_326[%dma_start3A_327, %dma_start3A_328] : memref<10000x128xf32, #tpu.memory_space<hbm>> -> memref<16x128xf32, #tpu.memory_space<hbm>>
        %dma_start3A_330 = arith.constant 9984 : i32
        %dma_start3A_331 = arith.constant 0 : i32
        %dma_start3A_332 = tpu.memref_slice %arg10[%dma_start3A_330, %dma_start3A_331] : memref<10112x128xf32, #tpu.memory_space<vmem_shared>> -> memref<16x128xf32, #tpu.memory_space<vmem_shared>>
        tpu.enqueue_dma source(%dma_start3A_332 : memref<16x128xf32, #tpu.memory_space<vmem_shared>>) target(%dma_start3A_329 : memref<16x128xf32, #tpu.memory_space<hbm>>) target_semaphore(%run_scoped3A : memref<!tpu.dma_semaphore, #tpu.memory_space<semaphore_mem>>)
        %dma_wait3A_333 = arith.constant 0 : i32
        %dma_wait3A_334 = arith.constant 0 : i32
        %dma_wait3A_335 = tpu.memref_slice %arg5[%add3A_1, %dma_wait3A_333, %dma_wait3A_334] : memref<4x10000x128xf32, #tpu.memory_space<hbm>> -> memref<1x10000x128xf32, #tpu.memory_space<hbm>>
        %dma_wait3A_336 = tpu.memref_squeeze %dma_wait3A_335 : memref<1x10000x128xf32, #tpu.memory_space<hbm>> -> memref<10000x128xf32, #tpu.memory_space<hbm>>
        %dma_wait3A_337 = arith.constant 9984 : i32
        %dma_wait3A_338 = arith.constant 0 : i32
        %dma_wait3A_339 = tpu.memref_slice %dma_wait3A_336[%dma_wait3A_337, %dma_wait3A_338] : memref<10000x128xf32, #tpu.memory_space<hbm>> -> memref<16x128xf32, #tpu.memory_space<hbm>>
        %dma_wait3A_340 = arith.constant 9984 : i32
        %dma_wait3A_341 = arith.constant 0 : i32
        %dma_wait3A_342 = tpu.memref_slice %arg10[%dma_wait3A_340, %dma_wait3A_341] : memref<10112x128xf32, #tpu.memory_space<vmem_shared>> -> memref<16x128xf32, #tpu.memory_space<vmem_shared>>
        tpu.wait_dma2 semaphore(%run_scoped3A : memref<!tpu.dma_semaphore, #tpu.memory_space<semaphore_mem>>) src(%dma_wait3A_342 : memref<16x128xf32, #tpu.memory_space<vmem_shared>>) dst(%dma_wait3A_339 : memref<16x128xf32, #tpu.memory_space<hbm>>)
        tpu.yield
      }) : () -> ()
    } else {
    }
    %barrier3A_156 = arith.constant 0 : index
    tpu.barrier barrier_id(%barrier3A_156)
    %mul3A_157 = arith.constant 2 : i32
    %mul3A_158 = arith.muli %arg0, %mul3A_157 : i32
    %add3A_159 = arith.constant 1 : i32
    %add3A_160 = arith.addi %mul3A_158, %add3A_159 : i32
    %scan3A_161 = arith.constant 0 : i32
    %scan3A_162 = arith.constant 0 : i32
    %scan3A_163 = arith.constant 1024 : i32
    %scan3A_164 = arith.addi %scan3A_162, %scan3A_163 : i32
    %scan3A_165 = arith.constant 1 : i32
    scf.for %scan3A_323 = %scan3A_162 to %scan3A_164 step %scan3A_165  : i32 {
      %broadcast_in_dim3A = arith.constant 0.000000e+00 : f32
      %broadcast_in_dim3A_324 = vector.broadcast %broadcast_in_dim3A : f32 to vector<16xf32>
      %jit3A = arith.constant 8 : i32
      %div3A = arith.divsi %scan3A_323, %jit3A : i32
      %sign3A = arith.constant 0 : i32
      %sign3A_325 = arith.cmpi sgt, %scan3A_323, %sign3A : i32
      %sign3A_326 = arith.extui %sign3A_325 : i1 to i32
      %sign3A_327 = arith.constant 0 : i32
      %sign3A_328 = arith.cmpi slt, %scan3A_323, %sign3A_327 : i32
      %sign3A_329 = arith.extui %sign3A_328 : i1 to i32
      %sign3A_330 = arith.subi %sign3A_326, %sign3A_329 : i32
      %sign3A_331 = arith.constant 0 : i32
      %sign3A_332 = arith.cmpi sgt, %jit3A, %sign3A_331 : i32
      %sign3A_333 = arith.extui %sign3A_332 : i1 to i32
      %sign3A_334 = arith.constant 0 : i32
      %sign3A_335 = arith.cmpi slt, %jit3A, %sign3A_334 : i32
      %sign3A_336 = arith.extui %sign3A_335 : i1 to i32
      %sign3A_337 = arith.subi %sign3A_333, %sign3A_336 : i32
      %ne3A = arith.cmpi ne, %sign3A_330, %sign3A_337 : i32
      %rem3A = arith.remsi %scan3A_323, %jit3A : i32
      %ne3A_338 = arith.constant 0 : i32
      %ne3A_339 = arith.cmpi ne, %rem3A, %ne3A_338 : i32
      %and3A = arith.andi %ne3A, %ne3A_339 : i1
      %sub3A = arith.constant 1 : i32
      %sub3A_340 = arith.subi %div3A, %sub3A : i32
      %select_n3A = arith.select %and3A, %sub3A_340, %div3A : i32
      %jit3A_341 = arith.constant 8 : i32
      %eq3A_342 = arith.constant 0 : i32
      %eq3A_343 = arith.cmpi eq, %jit3A_341, %eq3A_342 : i32
      %jit3A_344 = arith.constant 1 : i32
      %select_n3A_345 = arith.select %eq3A_343, %jit3A_344, %jit3A_341 : i32
      %rem3A_346 = arith.remsi %scan3A_323, %select_n3A_345 : i32
      %ne3A_347 = arith.constant 0 : i32
      %ne3A_348 = arith.cmpi ne, %rem3A_346, %ne3A_347 : i32
      %lt3A = arith.constant 0 : i32
      %lt3A_349 = arith.cmpi slt, %rem3A_346, %lt3A : i32
      %lt3A_350 = arith.constant 0 : i32
      %lt3A_351 = arith.cmpi slt, %select_n3A_345, %lt3A_350 : i32
      %ne3A_352 = arith.xori %lt3A_349, %lt3A_351 : i1
      %and3A_353 = arith.andi %ne3A_352, %ne3A_348 : i1
      %add3A_354 = arith.addi %rem3A_346, %select_n3A_345 : i32
      %select_n3A_355 = arith.select %and3A_353, %add3A_354, %rem3A_346 : i32
      %mul3A_356 = arith.constant 16 : i32
      %mul3A_357 = arith.muli %select_n3A_355, %mul3A_356 : i32
      %swap3A = arith.index_cast %select_n3A : i32 to index
      %swap3A_358 = arith.index_cast %mul3A_357 : i32 to index
      %swap3A_359 = tpu.vector_load %arg8[%swap3A, %swap3A_358] {strides = array<i32>} : memref<128x128xf32, #tpu.memory_space<vmem>>, vector<1x16xf32>,
      %swap3A_360 = vector.shape_cast %swap3A_359 : vector<1x16xf32> to vector<16xf32>
      %swap3A_361 = vector.shape_cast %broadcast_in_dim3A_324 : vector<16xf32> to vector<1x16xf32>
      tpu.vector_store %arg8[%swap3A, %swap3A_358], %swap3A_361 {strides = array<i32>} : memref<128x128xf32, #tpu.memory_space<vmem>>, vector<1x16xf32>,
    }
    %scan3A_166 = arith.constant 1024 : i32
    %mul3A_167 = arith.constant 632 : i32
    %mul3A_168 = arith.muli %arg1, %mul3A_167 : i32
    %add3A_169 = arith.constant 0 : i32
    %add3A_170 = arith.addi %mul3A_168, %add3A_169 : i32
    "tpu.region"() ({
      %run_scoped3A = tpu.sem_alloc : memref<!tpu.dma_semaphore, #tpu.memory_space<semaphore_mem>>
      %dma_start3A_323 = arith.constant 0 : i32
      %dma_start3A_324 = tpu.memref_slice %arg10[%add3A_170, %dma_start3A_323] : memref<10112x128xf32, #tpu.memory_space<vmem_shared>> -> memref<128x128xf32, #tpu.memory_space<vmem_shared>>
      %dma_start3A_325 = arith.constant 0 : i32
      %dma_start3A_326 = tpu.memref_slice %arg10[%add3A_170, %dma_start3A_325] : memref<10112x128xf32, #tpu.memory_space<vmem_shared>> -> memref<128x128xf32, #tpu.memory_space<vmem_shared>>
      tpu.enqueue_dma source(%arg8 : memref<128x128xf32, #tpu.memory_space<vmem>>) target(%dma_start3A_326 : memref<128x128xf32, #tpu.memory_space<vmem_shared>>) target_semaphore(%run_scoped3A : memref<!tpu.dma_semaphore, #tpu.memory_space<semaphore_mem>>)
      %dma_wait3A_327 = arith.constant 0 : i32
      %dma_wait3A_328 = tpu.memref_slice %arg10[%add3A_170, %dma_wait3A_327] : memref<10112x128xf32, #tpu.memory_space<vmem_shared>> -> memref<128x128xf32, #tpu.memory_space<vmem_shared>>
      %dma_wait3A_329 = arith.constant 0 : i32
      %dma_wait3A_330 = tpu.memref_slice %arg10[%add3A_170, %dma_wait3A_329] : memref<10112x128xf32, #tpu.memory_space<vmem_shared>> -> memref<128x128xf32, #tpu.memory_space<vmem_shared>>
      tpu.wait_dma2 semaphore(%run_scoped3A : memref<!tpu.dma_semaphore, #tpu.memory_space<semaphore_mem>>) src(%arg8 : memref<128x128xf32, #tpu.memory_space<vmem>>) dst(%dma_wait3A_330 : memref<128x128xf32, #tpu.memory_space<vmem_shared>>)
      tpu.yield
    }) : () -> ()
    %mul3A_171 = arith.constant 632 : i32
    %mul3A_172 = arith.muli %arg1, %mul3A_171 : i32
    %add3A_173 = arith.constant 128 : i32
    %add3A_174 = arith.addi %mul3A_172, %add3A_173 : i32
    "tpu.region"() ({
      %run_scoped3A = tpu.sem_alloc : memref<!tpu.dma_semaphore, #tpu.memory_space<semaphore_mem>>
      %dma_start3A_323 = arith.constant 0 : i32
      %dma_start3A_324 = tpu.memref_slice %arg10[%add3A_174, %dma_start3A_323] : memref<10112x128xf32, #tpu.memory_space<vmem_shared>> -> memref<128x128xf32, #tpu.memory_space<vmem_shared>>
      %dma_start3A_325 = arith.constant 0 : i32
      %dma_start3A_326 = tpu.memref_slice %arg10[%add3A_174, %dma_start3A_325] : memref<10112x128xf32, #tpu.memory_space<vmem_shared>> -> memref<128x128xf32, #tpu.memory_space<vmem_shared>>
      tpu.enqueue_dma source(%arg8 : memref<128x128xf32, #tpu.memory_space<vmem>>) target(%dma_start3A_326 : memref<128x128xf32, #tpu.memory_space<vmem_shared>>) target_semaphore(%run_scoped3A : memref<!tpu.dma_semaphore, #tpu.memory_space<semaphore_mem>>)
      %dma_wait3A_327 = arith.constant 0 : i32
      %dma_wait3A_328 = tpu.memref_slice %arg10[%add3A_174, %dma_wait3A_327] : memref<10112x128xf32, #tpu.memory_space<vmem_shared>> -> memref<128x128xf32, #tpu.memory_space<vmem_shared>>
      %dma_wait3A_329 = arith.constant 0 : i32
      %dma_wait3A_330 = tpu.memref_slice %arg10[%add3A_174, %dma_wait3A_329] : memref<10112x128xf32, #tpu.memory_space<vmem_shared>> -> memref<128x128xf32, #tpu.memory_space<vmem_shared>>
      tpu.wait_dma2 semaphore(%run_scoped3A : memref<!tpu.dma_semaphore, #tpu.memory_space<semaphore_mem>>) src(%arg8 : memref<128x128xf32, #tpu.memory_space<vmem>>) dst(%dma_wait3A_330 : memref<128x128xf32, #tpu.memory_space<vmem_shared>>)
      tpu.yield
    }) : () -> ()
    %mul3A_175 = arith.constant 632 : i32
    %mul3A_176 = arith.muli %arg1, %mul3A_175 : i32
    %add3A_177 = arith.constant 256 : i32
    %add3A_178 = arith.addi %mul3A_176, %add3A_177 : i32
    "tpu.region"() ({
      %run_scoped3A = tpu.sem_alloc : memref<!tpu.dma_semaphore, #tpu.memory_space<semaphore_mem>>
      %dma_start3A_323 = arith.constant 0 : i32
      %dma_start3A_324 = tpu.memref_slice %arg10[%add3A_178, %dma_start3A_323] : memref<10112x128xf32, #tpu.memory_space<vmem_shared>> -> memref<128x128xf32, #tpu.memory_space<vmem_shared>>
      %dma_start3A_325 = arith.constant 0 : i32
      %dma_start3A_326 = tpu.memref_slice %arg10[%add3A_178, %dma_start3A_325] : memref<10112x128xf32, #tpu.memory_space<vmem_shared>> -> memref<128x128xf32, #tpu.memory_space<vmem_shared>>
      tpu.enqueue_dma source(%arg8 : memref<128x128xf32, #tpu.memory_space<vmem>>) target(%dma_start3A_326 : memref<128x128xf32, #tpu.memory_space<vmem_shared>>) target_semaphore(%run_scoped3A : memref<!tpu.dma_semaphore, #tpu.memory_space<semaphore_mem>>)
      %dma_wait3A_327 = arith.constant 0 : i32
      %dma_wait3A_328 = tpu.memref_slice %arg10[%add3A_178, %dma_wait3A_327] : memref<10112x128xf32, #tpu.memory_space<vmem_shared>> -> memref<128x128xf32, #tpu.memory_space<vmem_shared>>
      %dma_wait3A_329 = arith.constant 0 : i32
      %dma_wait3A_330 = tpu.memref_slice %arg10[%add3A_178, %dma_wait3A_329] : memref<10112x128xf32, #tpu.memory_space<vmem_shared>> -> memref<128x128xf32, #tpu.memory_space<vmem_shared>>
      tpu.wait_dma2 semaphore(%run_scoped3A : memref<!tpu.dma_semaphore, #tpu.memory_space<semaphore_mem>>) src(%arg8 : memref<128x128xf32, #tpu.memory_space<vmem>>) dst(%dma_wait3A_330 : memref<128x128xf32, #tpu.memory_space<vmem_shared>>)
      tpu.yield
    }) : () -> ()
    %mul3A_179 = arith.constant 632 : i32
    %mul3A_180 = arith.muli %arg1, %mul3A_179 : i32
    %add3A_181 = arith.constant 384 : i32
    %add3A_182 = arith.addi %mul3A_180, %add3A_181 : i32
    "tpu.region"() ({
      %run_scoped3A = tpu.sem_alloc : memref<!tpu.dma_semaphore, #tpu.memory_space<semaphore_mem>>
      %dma_start3A_323 = arith.constant 0 : i32
      %dma_start3A_324 = tpu.memref_slice %arg10[%add3A_182, %dma_start3A_323] : memref<10112x128xf32, #tpu.memory_space<vmem_shared>> -> memref<128x128xf32, #tpu.memory_space<vmem_shared>>
      %dma_start3A_325 = arith.constant 0 : i32
      %dma_start3A_326 = tpu.memref_slice %arg10[%add3A_182, %dma_start3A_325] : memref<10112x128xf32, #tpu.memory_space<vmem_shared>> -> memref<128x128xf32, #tpu.memory_space<vmem_shared>>
      tpu.enqueue_dma source(%arg8 : memref<128x128xf32, #tpu.memory_space<vmem>>) target(%dma_start3A_326 : memref<128x128xf32, #tpu.memory_space<vmem_shared>>) target_semaphore(%run_scoped3A : memref<!tpu.dma_semaphore, #tpu.memory_space<semaphore_mem>>)
      %dma_wait3A_327 = arith.constant 0 : i32
      %dma_wait3A_328 = tpu.memref_slice %arg10[%add3A_182, %dma_wait3A_327] : memref<10112x128xf32, #tpu.memory_space<vmem_shared>> -> memref<128x128xf32, #tpu.memory_space<vmem_shared>>
      %dma_wait3A_329 = arith.constant 0 : i32
      %dma_wait3A_330 = tpu.memref_slice %arg10[%add3A_182, %dma_wait3A_329] : memref<10112x128xf32, #tpu.memory_space<vmem_shared>> -> memref<128x128xf32, #tpu.memory_space<vmem_shared>>
      tpu.wait_dma2 semaphore(%run_scoped3A : memref<!tpu.dma_semaphore, #tpu.memory_space<semaphore_mem>>) src(%arg8 : memref<128x128xf32, #tpu.memory_space<vmem>>) dst(%dma_wait3A_330 : memref<128x128xf32, #tpu.memory_space<vmem_shared>>)
      tpu.yield
    }) : () -> ()
    %mul3A_183 = arith.constant 632 : i32
    %mul3A_184 = arith.muli %arg1, %mul3A_183 : i32
    %add3A_185 = arith.constant 504 : i32
    %add3A_186 = arith.addi %mul3A_184, %add3A_185 : i32
    "tpu.region"() ({
      %run_scoped3A = tpu.sem_alloc : memref<!tpu.dma_semaphore, #tpu.memory_space<semaphore_mem>>
      %dma_start3A_323 = arith.constant 0 : i32
      %dma_start3A_324 = tpu.memref_slice %arg10[%add3A_186, %dma_start3A_323] : memref<10112x128xf32, #tpu.memory_space<vmem_shared>> -> memref<128x128xf32, #tpu.memory_space<vmem_shared>>
      %dma_start3A_325 = arith.constant 0 : i32
      %dma_start3A_326 = tpu.memref_slice %arg10[%add3A_186, %dma_start3A_325] : memref<10112x128xf32, #tpu.memory_space<vmem_shared>> -> memref<128x128xf32, #tpu.memory_space<vmem_shared>>
      tpu.enqueue_dma source(%arg8 : memref<128x128xf32, #tpu.memory_space<vmem>>) target(%dma_start3A_326 : memref<128x128xf32, #tpu.memory_space<vmem_shared>>) target_semaphore(%run_scoped3A : memref<!tpu.dma_semaphore, #tpu.memory_space<semaphore_mem>>)
      %dma_wait3A_327 = arith.constant 0 : i32
      %dma_wait3A_328 = tpu.memref_slice %arg10[%add3A_186, %dma_wait3A_327] : memref<10112x128xf32, #tpu.memory_space<vmem_shared>> -> memref<128x128xf32, #tpu.memory_space<vmem_shared>>
      %dma_wait3A_329 = arith.constant 0 : i32
      %dma_wait3A_330 = tpu.memref_slice %arg10[%add3A_186, %dma_wait3A_329] : memref<10112x128xf32, #tpu.memory_space<vmem_shared>> -> memref<128x128xf32, #tpu.memory_space<vmem_shared>>
      tpu.wait_dma2 semaphore(%run_scoped3A : memref<!tpu.dma_semaphore, #tpu.memory_space<semaphore_mem>>) src(%arg8 : memref<128x128xf32, #tpu.memory_space<vmem>>) dst(%dma_wait3A_330 : memref<128x128xf32, #tpu.memory_space<vmem_shared>>)
      tpu.yield
    }) : () -> ()
    %barrier3A_187 = arith.constant 0 : index
    tpu.barrier barrier_id(%barrier3A_187)
    "tpu.region"() ({
      %run_scoped3A = tpu.sem_alloc : memref<!tpu.dma_semaphore, #tpu.memory_space<semaphore_mem>>
      %dma_start3A_323 = arith.constant 0 : i32
      %dma_start3A_324 = arith.constant 0 : i32
      %dma_start3A_325 = tpu.memref_slice %arg3[%add3A_160, %arg1, %dma_start3A_323, %dma_start3A_324] : memref<4x16x80x128xi32, #tpu.memory_space<hbm>> -> memref<1x1x40x128xi32, #tpu.memory_space<hbm>>
      %dma_start3A_326 = tpu.memref_squeeze %dma_start3A_325 : memref<1x1x40x128xi32, #tpu.memory_space<hbm>> -> memref<40x128xi32, #tpu.memory_space<hbm>>
      %dma_start3A_327 = arith.constant 0 : i32
      %dma_start3A_328 = arith.constant 0 : i32
      %dma_start3A_329 = tpu.memref_slice %arg3[%add3A_160, %arg1, %dma_start3A_327, %dma_start3A_328] : memref<4x16x80x128xi32, #tpu.memory_space<hbm>> -> memref<1x1x40x128xi32, #tpu.memory_space<hbm>>
      %dma_start3A_330 = tpu.memref_squeeze %dma_start3A_329 : memref<1x1x40x128xi32, #tpu.memory_space<hbm>> -> memref<40x128xi32, #tpu.memory_space<hbm>>
      tpu.enqueue_dma source(%dma_start3A_330 : memref<40x128xi32, #tpu.memory_space<hbm>>) target(%arg6 : memref<40x128xi32, #tpu.memory_space<vmem>>) target_semaphore(%run_scoped3A : memref<!tpu.dma_semaphore, #tpu.memory_space<semaphore_mem>>)
      %dma_wait3A_331 = arith.constant 0 : i32
      %dma_wait3A_332 = arith.constant 0 : i32
      %dma_wait3A_333 = tpu.memref_slice %arg3[%add3A_160, %arg1, %dma_wait3A_331, %dma_wait3A_332] : memref<4x16x80x128xi32, #tpu.memory_space<hbm>> -> memref<1x1x40x128xi32, #tpu.memory_space<hbm>>
      %dma_wait3A_334 = tpu.memref_squeeze %dma_wait3A_333 : memref<1x1x40x128xi32, #tpu.memory_space<hbm>> -> memref<40x128xi32, #tpu.memory_space<hbm>>
      %dma_wait3A_335 = arith.constant 0 : i32
      %dma_wait3A_336 = arith.constant 0 : i32
      %dma_wait3A_337 = tpu.memref_slice %arg3[%add3A_160, %arg1, %dma_wait3A_335, %dma_wait3A_336] : memref<4x16x80x128xi32, #tpu.memory_space<hbm>> -> memref<1x1x40x128xi32, #tpu.memory_space<hbm>>
      %dma_wait3A_338 = tpu.memref_squeeze %dma_wait3A_337 : memref<1x1x40x128xi32, #tpu.memory_space<hbm>> -> memref<40x128xi32, #tpu.memory_space<hbm>>
      tpu.wait_dma2 semaphore(%run_scoped3A : memref<!tpu.dma_semaphore, #tpu.memory_space<semaphore_mem>>) src(%dma_wait3A_338 : memref<40x128xi32, #tpu.memory_space<hbm>>) dst(%arg6 : memref<40x128xi32, #tpu.memory_space<vmem>>)
      tpu.yield
    }) : () -> ()
    "tpu.region"() ({
      %run_scoped3A = tpu.sem_alloc : memref<!tpu.dma_semaphore, #tpu.memory_space<semaphore_mem>>
      %dma_start3A_323 = arith.constant 0 : i32
      %dma_start3A_324 = arith.constant 0 : i32
      %dma_start3A_325 = tpu.memref_slice %arg4[%arg1, %dma_start3A_323, %dma_start3A_324] : memref<16x80x128xi32, #tpu.memory_space<hbm>> -> memref<1x40x128xi32, #tpu.memory_space<hbm>>
      %dma_start3A_326 = tpu.memref_squeeze %dma_start3A_325 : memref<1x40x128xi32, #tpu.memory_space<hbm>> -> memref<40x128xi32, #tpu.memory_space<hbm>>
      %dma_start3A_327 = arith.constant 0 : i32
      %dma_start3A_328 = arith.constant 0 : i32
      %dma_start3A_329 = tpu.memref_slice %arg4[%arg1, %dma_start3A_327, %dma_start3A_328] : memref<16x80x128xi32, #tpu.memory_space<hbm>> -> memref<1x40x128xi32, #tpu.memory_space<hbm>>
      %dma_start3A_330 = tpu.memref_squeeze %dma_start3A_329 : memref<1x40x128xi32, #tpu.memory_space<hbm>> -> memref<40x128xi32, #tpu.memory_space<hbm>>
      tpu.enqueue_dma source(%dma_start3A_330 : memref<40x128xi32, #tpu.memory_space<hbm>>) target(%arg7 : memref<40x128xi32, #tpu.memory_space<vmem>>) target_semaphore(%run_scoped3A : memref<!tpu.dma_semaphore, #tpu.memory_space<semaphore_mem>>)
      %dma_wait3A_331 = arith.constant 0 : i32
      %dma_wait3A_332 = arith.constant 0 : i32
      %dma_wait3A_333 = tpu.memref_slice %arg4[%arg1, %dma_wait3A_331, %dma_wait3A_332] : memref<16x80x128xi32, #tpu.memory_space<hbm>> -> memref<1x40x128xi32, #tpu.memory_space<hbm>>
      %dma_wait3A_334 = tpu.memref_squeeze %dma_wait3A_333 : memref<1x40x128xi32, #tpu.memory_space<hbm>> -> memref<40x128xi32, #tpu.memory_space<hbm>>
      %dma_wait3A_335 = arith.constant 0 : i32
      %dma_wait3A_336 = arith.constant 0 : i32
      %dma_wait3A_337 = tpu.memref_slice %arg4[%arg1, %dma_wait3A_335, %dma_wait3A_336] : memref<16x80x128xi32, #tpu.memory_space<hbm>> -> memref<1x40x128xi32, #tpu.memory_space<hbm>>
      %dma_wait3A_338 = tpu.memref_squeeze %dma_wait3A_337 : memref<1x40x128xi32, #tpu.memory_space<hbm>> -> memref<40x128xi32, #tpu.memory_space<hbm>>
      tpu.wait_dma2 semaphore(%run_scoped3A : memref<!tpu.dma_semaphore, #tpu.memory_space<semaphore_mem>>) src(%dma_wait3A_338 : memref<40x128xi32, #tpu.memory_space<hbm>>) dst(%arg7 : memref<40x128xi32, #tpu.memory_space<vmem>>)
      tpu.yield
    }) : () -> ()
    %dma_start3A_188 = arith.constant 0 : i32
    %dma_start3A_189 = arith.constant 0 : i32
    %dma_start3A_190 = tpu.memref_slice %arg6[%dma_start3A_188, %dma_start3A_189] : memref<40x128xi32, #tpu.memory_space<vmem>> -> memref<1x128xi32, #tpu.memory_space<vmem>>
    %dma_start3A_191 = tpu.memref_squeeze %dma_start3A_190 : memref<1x128xi32, #tpu.memory_space<vmem>> -> memref<128xi32, #tpu.memory_space<vmem>>
    %dma_start3A_192 = arith.constant 0 : i32
    %dma_start3A_193 = arith.constant 0 : i32
    %dma_start3A_194 = tpu.memref_slice %arg2[%dma_start3A_192, %dma_start3A_193] : memref<40000x128xf32, #tpu.memory_space<hbm>> -> memref<40000x128xf32, #tpu.memory_space<hbm>>
    tpu.enqueue_indirect_dma source(%dma_start3A_194 : memref<40000x128xf32, #tpu.memory_space<hbm>>) target(%arg8 : memref<128x128xf32, #tpu.memory_space<vmem>>) offsets(%dma_start3A_191 : memref<128xi32, #tpu.memory_space<vmem>>) semaphore(%arg11 : memref<!tpu.dma_semaphore, #tpu.memory_space<semaphore_mem>>)
    %dma_start3A_195 = arith.constant 1 : i32
    %dma_start3A_196 = arith.constant 0 : i32
    %dma_start3A_197 = tpu.memref_slice %arg6[%dma_start3A_195, %dma_start3A_196] : memref<40x128xi32, #tpu.memory_space<vmem>> -> memref<1x128xi32, #tpu.memory_space<vmem>>
    %dma_start3A_198 = tpu.memref_squeeze %dma_start3A_197 : memref<1x128xi32, #tpu.memory_space<vmem>> -> memref<128xi32, #tpu.memory_space<vmem>>
    %dma_start3A_199 = arith.constant 0 : i32
    %dma_start3A_200 = arith.constant 0 : i32
    %dma_start3A_201 = tpu.memref_slice %arg2[%dma_start3A_199, %dma_start3A_200] : memref<40000x128xf32, #tpu.memory_space<hbm>> -> memref<40000x128xf32, #tpu.memory_space<hbm>>
    tpu.enqueue_indirect_dma source(%dma_start3A_201 : memref<40000x128xf32, #tpu.memory_space<hbm>>) target(%arg9 : memref<128x128xf32, #tpu.memory_space<vmem>>) offsets(%dma_start3A_198 : memref<128xi32, #tpu.memory_space<vmem>>) semaphore(%arg12 : memref<!tpu.dma_semaphore, #tpu.memory_space<semaphore_mem>>)
    %dma_wait3A_202 = arith.constant 0 : i32
    %dma_wait3A_203 = arith.constant 0 : i32
    %dma_wait3A_204 = tpu.memref_slice %arg6[%dma_wait3A_202, %dma_wait3A_203] : memref<40x128xi32, #tpu.memory_space<vmem>> -> memref<1x128xi32, #tpu.memory_space<vmem>>
    %dma_wait3A_205 = tpu.memref_squeeze %dma_wait3A_204 : memref<1x128xi32, #tpu.memory_space<vmem>> -> memref<128xi32, #tpu.memory_space<vmem>>
    %dma_wait3A_206 = arith.constant 0 : i32
    %dma_wait3A_207 = arith.constant 0 : i32
    %dma_wait3A_208 = tpu.memref_slice %arg2[%dma_wait3A_206, %dma_wait3A_207] : memref<40000x128xf32, #tpu.memory_space<hbm>> -> memref<40000x128xf32, #tpu.memory_space<hbm>>
    tpu.wait_indirect_dma semaphore(%arg11 : memref<!tpu.dma_semaphore, #tpu.memory_space<semaphore_mem>>) src(%dma_wait3A_208 : memref<40000x128xf32, #tpu.memory_space<hbm>>) dst(%arg8 : memref<128x128xf32, #tpu.memory_space<vmem>>)
    %dma_start3A_209 = arith.constant 0 : i32
    %dma_start3A_210 = arith.constant 0 : i32
    %dma_start3A_211 = tpu.memref_slice %arg7[%dma_start3A_209, %dma_start3A_210] : memref<40x128xi32, #tpu.memory_space<vmem>> -> memref<1x128xi32, #tpu.memory_space<vmem>>
    %dma_start3A_212 = tpu.memref_squeeze %dma_start3A_211 : memref<1x128xi32, #tpu.memory_space<vmem>> -> memref<128xi32, #tpu.memory_space<vmem>>
    %dma_start3A_213 = arith.constant 0 : i32
    %dma_start3A_214 = arith.constant 0 : i32
    %dma_start3A_215 = tpu.memref_slice %arg10[%dma_start3A_213, %dma_start3A_214] : memref<10112x128xf32, #tpu.memory_space<vmem_shared>> -> memref<10112x128xf32, #tpu.memory_space<vmem_shared>>
    tpu.enqueue_indirect_dma source(%arg8 : memref<128x128xf32, #tpu.memory_space<vmem>>) target(%dma_start3A_215 : memref<10112x128xf32, #tpu.memory_space<vmem_shared>>) offsets(%dma_start3A_212 : memref<128xi32, #tpu.memory_space<vmem>>) semaphore(%arg13 : memref<!tpu.dma_semaphore, #tpu.memory_space<semaphore_mem>>) {add = true}
    %scan3A_216 = arith.constant 0 : i32
    %scan3A_217 = arith.constant 0 : i32
    %scan3A_218 = arith.constant 19 : i32
    %scan3A_219 = arith.addi %scan3A_217, %scan3A_218 : i32
    %scan3A_220 = arith.constant 1 : i32
    scf.for %scan3A_323 = %scan3A_217 to %scan3A_219 step %scan3A_220  : i32 {
      %mul3A_324 = arith.constant 2 : i32
      %mul3A_325 = arith.muli %scan3A_323, %mul3A_324 : i32
      %dma_wait3A_326 = arith.constant 0 : i32
      %dma_wait3A_327 = arith.constant 0 : i32
      %dma_wait3A_328 = tpu.memref_slice %arg7[%dma_wait3A_326, %dma_wait3A_327] : memref<40x128xi32, #tpu.memory_space<vmem>> -> memref<1x128xi32, #tpu.memory_space<vmem>>
      %dma_wait3A_329 = tpu.memref_squeeze %dma_wait3A_328 : memref<1x128xi32, #tpu.memory_space<vmem>> -> memref<128xi32, #tpu.memory_space<vmem>>
      %dma_wait3A_330 = arith.constant 0 : i32
      %dma_wait3A_331 = arith.constant 0 : i32
      %dma_wait3A_332 = tpu.memref_slice %arg10[%dma_wait3A_330, %dma_wait3A_331] : memref<10112x128xf32, #tpu.memory_space<vmem_shared>> -> memref<10112x128xf32, #tpu.memory_space<vmem_shared>>
      tpu.wait_indirect_dma semaphore(%arg13 : memref<!tpu.dma_semaphore, #tpu.memory_space<semaphore_mem>>) src(%arg8 : memref<128x128xf32, #tpu.memory_space<vmem>>) dst(%dma_wait3A_332 : memref<10112x128xf32, #tpu.memory_space<vmem_shared>>)
      %add3A_333 = arith.constant 2 : i32
      %add3A_334 = arith.addi %mul3A_325, %add3A_333 : i32
      %dma_start3A_335 = arith.constant 0 : i32
      %dma_start3A_336 = tpu.memref_slice %arg6[%add3A_334, %dma_start3A_335] : memref<40x128xi32, #tpu.memory_space<vmem>> -> memref<1x128xi32, #tpu.memory_space<vmem>>
      %dma_start3A_337 = tpu.memref_squeeze %dma_start3A_336 : memref<1x128xi32, #tpu.memory_space<vmem>> -> memref<128xi32, #tpu.memory_space<vmem>>
      %dma_start3A_338 = arith.constant 0 : i32
      %dma_start3A_339 = arith.constant 0 : i32
      %dma_start3A_340 = tpu.memref_slice %arg2[%dma_start3A_338, %dma_start3A_339] : memref<40000x128xf32, #tpu.memory_space<hbm>> -> memref<40000x128xf32, #tpu.memory_space<hbm>>
      tpu.enqueue_indirect_dma source(%dma_start3A_340 : memref<40000x128xf32, #tpu.memory_space<hbm>>) target(%arg8 : memref<128x128xf32, #tpu.memory_space<vmem>>) offsets(%dma_start3A_337 : memref<128xi32, #tpu.memory_space<vmem>>) semaphore(%arg11 : memref<!tpu.dma_semaphore, #tpu.memory_space<semaphore_mem>>)
      %dma_wait3A_341 = arith.constant 0 : i32
      %dma_wait3A_342 = arith.constant 0 : i32
      %dma_wait3A_343 = tpu.memref_slice %arg6[%dma_wait3A_341, %dma_wait3A_342] : memref<40x128xi32, #tpu.memory_space<vmem>> -> memref<1x128xi32, #tpu.memory_space<vmem>>
      %dma_wait3A_344 = tpu.memref_squeeze %dma_wait3A_343 : memref<1x128xi32, #tpu.memory_space<vmem>> -> memref<128xi32, #tpu.memory_space<vmem>>
      %dma_wait3A_345 = arith.constant 0 : i32
      %dma_wait3A_346 = arith.constant 0 : i32
      %dma_wait3A_347 = tpu.memref_slice %arg2[%dma_wait3A_345, %dma_wait3A_346] : memref<40000x128xf32, #tpu.memory_space<hbm>> -> memref<40000x128xf32, #tpu.memory_space<hbm>>
      tpu.wait_indirect_dma semaphore(%arg12 : memref<!tpu.dma_semaphore, #tpu.memory_space<semaphore_mem>>) src(%dma_wait3A_347 : memref<40000x128xf32, #tpu.memory_space<hbm>>) dst(%arg9 : memref<128x128xf32, #tpu.memory_space<vmem>>)
      %add3A_348 = arith.constant 1 : i32
      %add3A_349 = arith.addi %mul3A_325, %add3A_348 : i32
      %dma_start3A_350 = arith.constant 0 : i32
      %dma_start3A_351 = tpu.memref_slice %arg7[%add3A_349, %dma_start3A_350] : memref<40x128xi32, #tpu.memory_space<vmem>> -> memref<1x128xi32, #tpu.memory_space<vmem>>
      %dma_start3A_352 = tpu.memref_squeeze %dma_start3A_351 : memref<1x128xi32, #tpu.memory_space<vmem>> -> memref<128xi32, #tpu.memory_space<vmem>>
      %dma_start3A_353 = arith.constant 0 : i32
      %dma_start3A_354 = arith.constant 0 : i32
      %dma_start3A_355 = tpu.memref_slice %arg10[%dma_start3A_353, %dma_start3A_354] : memref<10112x128xf32, #tpu.memory_space<vmem_shared>> -> memref<10112x128xf32, #tpu.memory_space<vmem_shared>>
      tpu.enqueue_indirect_dma source(%arg9 : memref<128x128xf32, #tpu.memory_space<vmem>>) target(%dma_start3A_355 : memref<10112x128xf32, #tpu.memory_space<vmem_shared>>) offsets(%dma_start3A_352 : memref<128xi32, #tpu.memory_space<vmem>>) semaphore(%arg14 : memref<!tpu.dma_semaphore, #tpu.memory_space<semaphore_mem>>) {add = true}
      %dma_wait3A_356 = arith.constant 0 : i32
      %dma_wait3A_357 = arith.constant 0 : i32
      %dma_wait3A_358 = tpu.memref_slice %arg7[%dma_wait3A_356, %dma_wait3A_357] : memref<40x128xi32, #tpu.memory_space<vmem>> -> memref<1x128xi32, #tpu.memory_space<vmem>>
      %dma_wait3A_359 = tpu.memref_squeeze %dma_wait3A_358 : memref<1x128xi32, #tpu.memory_space<vmem>> -> memref<128xi32, #tpu.memory_space<vmem>>
      %dma_wait3A_360 = arith.constant 0 : i32
      %dma_wait3A_361 = arith.constant 0 : i32
      %dma_wait3A_362 = tpu.memref_slice %arg10[%dma_wait3A_360, %dma_wait3A_361] : memref<10112x128xf32, #tpu.memory_space<vmem_shared>> -> memref<10112x128xf32, #tpu.memory_space<vmem_shared>>
      tpu.wait_indirect_dma semaphore(%arg14 : memref<!tpu.dma_semaphore, #tpu.memory_space<semaphore_mem>>) src(%arg9 : memref<128x128xf32, #tpu.memory_space<vmem>>) dst(%dma_wait3A_362 : memref<10112x128xf32, #tpu.memory_space<vmem_shared>>)
      %add3A_363 = arith.constant 3 : i32
      %add3A_364 = arith.addi %mul3A_325, %add3A_363 : i32
      %dma_start3A_365 = arith.constant 0 : i32
      %dma_start3A_366 = tpu.memref_slice %arg6[%add3A_364, %dma_start3A_365] : memref<40x128xi32, #tpu.memory_space<vmem>> -> memref<1x128xi32, #tpu.memory_space<vmem>>
      %dma_start3A_367 = tpu.memref_squeeze %dma_start3A_366 : memref<1x128xi32, #tpu.memory_space<vmem>> -> memref<128xi32, #tpu.memory_space<vmem>>
      %dma_start3A_368 = arith.constant 0 : i32
      %dma_start3A_369 = arith.constant 0 : i32
      %dma_start3A_370 = tpu.memref_slice %arg2[%dma_start3A_368, %dma_start3A_369] : memref<40000x128xf32, #tpu.memory_space<hbm>> -> memref<40000x128xf32, #tpu.memory_space<hbm>>
      tpu.enqueue_indirect_dma source(%dma_start3A_370 : memref<40000x128xf32, #tpu.memory_space<hbm>>) target(%arg9 : memref<128x128xf32, #tpu.memory_space<vmem>>) offsets(%dma_start3A_367 : memref<128xi32, #tpu.memory_space<vmem>>) semaphore(%arg12 : memref<!tpu.dma_semaphore, #tpu.memory_space<semaphore_mem>>)
      %dma_wait3A_371 = arith.constant 0 : i32
      %dma_wait3A_372 = arith.constant 0 : i32
      %dma_wait3A_373 = tpu.memref_slice %arg6[%dma_wait3A_371, %dma_wait3A_372] : memref<40x128xi32, #tpu.memory_space<vmem>> -> memref<1x128xi32, #tpu.memory_space<vmem>>
      %dma_wait3A_374 = tpu.memref_squeeze %dma_wait3A_373 : memref<1x128xi32, #tpu.memory_space<vmem>> -> memref<128xi32, #tpu.memory_space<vmem>>
      %dma_wait3A_375 = arith.constant 0 : i32
      %dma_wait3A_376 = arith.constant 0 : i32
      %dma_wait3A_377 = tpu.memref_slice %arg2[%dma_wait3A_375, %dma_wait3A_376] : memref<40000x128xf32, #tpu.memory_space<hbm>> -> memref<40000x128xf32, #tpu.memory_space<hbm>>
      tpu.wait_indirect_dma semaphore(%arg11 : memref<!tpu.dma_semaphore, #tpu.memory_space<semaphore_mem>>) src(%dma_wait3A_377 : memref<40000x128xf32, #tpu.memory_space<hbm>>) dst(%arg8 : memref<128x128xf32, #tpu.memory_space<vmem>>)
      %add3A_378 = arith.constant 2 : i32
      %add3A_379 = arith.addi %mul3A_325, %add3A_378 : i32
      %dma_start3A_380 = arith.constant 0 : i32
      %dma_start3A_381 = tpu.memref_slice %arg7[%add3A_379, %dma_start3A_380] : memref<40x128xi32, #tpu.memory_space<vmem>> -> memref<1x128xi32, #tpu.memory_space<vmem>>
      %dma_start3A_382 = tpu.memref_squeeze %dma_start3A_381 : memref<1x128xi32, #tpu.memory_space<vmem>> -> memref<128xi32, #tpu.memory_space<vmem>>
      %dma_start3A_383 = arith.constant 0 : i32
      %dma_start3A_384 = arith.constant 0 : i32
      %dma_start3A_385 = tpu.memref_slice %arg10[%dma_start3A_383, %dma_start3A_384] : memref<10112x128xf32, #tpu.memory_space<vmem_shared>> -> memref<10112x128xf32, #tpu.memory_space<vmem_shared>>
      tpu.enqueue_indirect_dma source(%arg8 : memref<128x128xf32, #tpu.memory_space<vmem>>) target(%dma_start3A_385 : memref<10112x128xf32, #tpu.memory_space<vmem_shared>>) offsets(%dma_start3A_382 : memref<128xi32, #tpu.memory_space<vmem>>) semaphore(%arg13 : memref<!tpu.dma_semaphore, #tpu.memory_space<semaphore_mem>>) {add = true}
    }
    %scan3A_221 = arith.constant 19 : i32
    %dma_wait3A_222 = arith.constant 0 : i32
    %dma_wait3A_223 = arith.constant 0 : i32
    %dma_wait3A_224 = tpu.memref_slice %arg7[%dma_wait3A_222, %dma_wait3A_223] : memref<40x128xi32, #tpu.memory_space<vmem>> -> memref<1x128xi32, #tpu.memory_space<vmem>>
    %dma_wait3A_225 = tpu.memref_squeeze %dma_wait3A_224 : memref<1x128xi32, #tpu.memory_space<vmem>> -> memref<128xi32, #tpu.memory_space<vmem>>
    %dma_wait3A_226 = arith.constant 0 : i32
    %dma_wait3A_227 = arith.constant 0 : i32
    %dma_wait3A_228 = tpu.memref_slice %arg10[%dma_wait3A_226, %dma_wait3A_227] : memref<10112x128xf32, #tpu.memory_space<vmem_shared>> -> memref<10112x128xf32, #tpu.memory_space<vmem_shared>>
    tpu.wait_indirect_dma semaphore(%arg13 : memref<!tpu.dma_semaphore, #tpu.memory_space<semaphore_mem>>) src(%arg8 : memref<128x128xf32, #tpu.memory_space<vmem>>) dst(%dma_wait3A_228 : memref<10112x128xf32, #tpu.memory_space<vmem_shared>>)
    %dma_wait3A_229 = arith.constant 0 : i32
    %dma_wait3A_230 = arith.constant 0 : i32
    %dma_wait3A_231 = tpu.memref_slice %arg6[%dma_wait3A_229, %dma_wait3A_230] : memref<40x128xi32, #tpu.memory_space<vmem>> -> memref<1x128xi32, #tpu.memory_space<vmem>>
    %dma_wait3A_232 = tpu.memref_squeeze %dma_wait3A_231 : memref<1x128xi32, #tpu.memory_space<vmem>> -> memref<128xi32, #tpu.memory_space<vmem>>
    %dma_wait3A_233 = arith.constant 0 : i32
    %dma_wait3A_234 = arith.constant 0 : i32
    %dma_wait3A_235 = tpu.memref_slice %arg2[%dma_wait3A_233, %dma_wait3A_234] : memref<40000x128xf32, #tpu.memory_space<hbm>> -> memref<40000x128xf32, #tpu.memory_space<hbm>>
    tpu.wait_indirect_dma semaphore(%arg12 : memref<!tpu.dma_semaphore, #tpu.memory_space<semaphore_mem>>) src(%dma_wait3A_235 : memref<40000x128xf32, #tpu.memory_space<hbm>>) dst(%arg9 : memref<128x128xf32, #tpu.memory_space<vmem>>)
    %dma_start3A_236 = arith.constant 39 : i32
    %dma_start3A_237 = arith.constant 0 : i32
    %dma_start3A_238 = tpu.memref_slice %arg7[%dma_start3A_236, %dma_start3A_237] : memref<40x128xi32, #tpu.memory_space<vmem>> -> memref<1x128xi32, #tpu.memory_space<vmem>>
    %dma_start3A_239 = tpu.memref_squeeze %dma_start3A_238 : memref<1x128xi32, #tpu.memory_space<vmem>> -> memref<128xi32, #tpu.memory_space<vmem>>
    %dma_start3A_240 = arith.constant 0 : i32
    %dma_start3A_241 = arith.constant 0 : i32
    %dma_start3A_242 = tpu.memref_slice %arg10[%dma_start3A_240, %dma_start3A_241] : memref<10112x128xf32, #tpu.memory_space<vmem_shared>> -> memref<10112x128xf32, #tpu.memory_space<vmem_shared>>
    tpu.enqueue_indirect_dma source(%arg9 : memref<128x128xf32, #tpu.memory_space<vmem>>) target(%dma_start3A_242 : memref<10112x128xf32, #tpu.memory_space<vmem_shared>>) offsets(%dma_start3A_239 : memref<128xi32, #tpu.memory_space<vmem>>) semaphore(%arg14 : memref<!tpu.dma_semaphore, #tpu.memory_space<semaphore_mem>>) {add = true}
    %dma_wait3A_243 = arith.constant 0 : i32
    %dma_wait3A_244 = arith.constant 0 : i32
    %dma_wait3A_245 = tpu.memref_slice %arg7[%dma_wait3A_243, %dma_wait3A_244] : memref<40x128xi32, #tpu.memory_space<vmem>> -> memref<1x128xi32, #tpu.memory_space<vmem>>
    %dma_wait3A_246 = tpu.memref_squeeze %dma_wait3A_245 : memref<1x128xi32, #tpu.memory_space<vmem>> -> memref<128xi32, #tpu.memory_space<vmem>>
    %dma_wait3A_247 = arith.constant 0 : i32
    %dma_wait3A_248 = arith.constant 0 : i32
    %dma_wait3A_249 = tpu.memref_slice %arg10[%dma_wait3A_247, %dma_wait3A_248] : memref<10112x128xf32, #tpu.memory_space<vmem_shared>> -> memref<10112x128xf32, #tpu.memory_space<vmem_shared>>
    tpu.wait_indirect_dma semaphore(%arg14 : memref<!tpu.dma_semaphore, #tpu.memory_space<semaphore_mem>>) src(%arg9 : memref<128x128xf32, #tpu.memory_space<vmem>>) dst(%dma_wait3A_249 : memref<10112x128xf32, #tpu.memory_space<vmem_shared>>)
    "tpu.region"() ({
      %run_scoped3A = tpu.sem_alloc : memref<!tpu.dma_semaphore, #tpu.memory_space<semaphore_mem>>
      %dma_start3A_323 = arith.constant 40 : i32
      %dma_start3A_324 = arith.constant 0 : i32
      %dma_start3A_325 = tpu.memref_slice %arg3[%add3A_160, %arg1, %dma_start3A_323, %dma_start3A_324] : memref<4x16x80x128xi32, #tpu.memory_space<hbm>> -> memref<1x1x40x128xi32, #tpu.memory_space<hbm>>
      %dma_start3A_326 = tpu.memref_squeeze %dma_start3A_325 : memref<1x1x40x128xi32, #tpu.memory_space<hbm>> -> memref<40x128xi32, #tpu.memory_space<hbm>>
      %dma_start3A_327 = arith.constant 40 : i32
      %dma_start3A_328 = arith.constant 0 : i32
      %dma_start3A_329 = tpu.memref_slice %arg3[%add3A_160, %arg1, %dma_start3A_327, %dma_start3A_328] : memref<4x16x80x128xi32, #tpu.memory_space<hbm>> -> memref<1x1x40x128xi32, #tpu.memory_space<hbm>>
      %dma_start3A_330 = tpu.memref_squeeze %dma_start3A_329 : memref<1x1x40x128xi32, #tpu.memory_space<hbm>> -> memref<40x128xi32, #tpu.memory_space<hbm>>
      tpu.enqueue_dma source(%dma_start3A_330 : memref<40x128xi32, #tpu.memory_space<hbm>>) target(%arg6 : memref<40x128xi32, #tpu.memory_space<vmem>>) target_semaphore(%run_scoped3A : memref<!tpu.dma_semaphore, #tpu.memory_space<semaphore_mem>>)
      %dma_wait3A_331 = arith.constant 40 : i32
      %dma_wait3A_332 = arith.constant 0 : i32
      %dma_wait3A_333 = tpu.memref_slice %arg3[%add3A_160, %arg1, %dma_wait3A_331, %dma_wait3A_332] : memref<4x16x80x128xi32, #tpu.memory_space<hbm>> -> memref<1x1x40x128xi32, #tpu.memory_space<hbm>>
      %dma_wait3A_334 = tpu.memref_squeeze %dma_wait3A_333 : memref<1x1x40x128xi32, #tpu.memory_space<hbm>> -> memref<40x128xi32, #tpu.memory_space<hbm>>
      %dma_wait3A_335 = arith.constant 40 : i32
      %dma_wait3A_336 = arith.constant 0 : i32
      %dma_wait3A_337 = tpu.memref_slice %arg3[%add3A_160, %arg1, %dma_wait3A_335, %dma_wait3A_336] : memref<4x16x80x128xi32, #tpu.memory_space<hbm>> -> memref<1x1x40x128xi32, #tpu.memory_space<hbm>>
      %dma_wait3A_338 = tpu.memref_squeeze %dma_wait3A_337 : memref<1x1x40x128xi32, #tpu.memory_space<hbm>> -> memref<40x128xi32, #tpu.memory_space<hbm>>
      tpu.wait_dma2 semaphore(%run_scoped3A : memref<!tpu.dma_semaphore, #tpu.memory_space<semaphore_mem>>) src(%dma_wait3A_338 : memref<40x128xi32, #tpu.memory_space<hbm>>) dst(%arg6 : memref<40x128xi32, #tpu.memory_space<vmem>>)
      tpu.yield
    }) : () -> ()
    "tpu.region"() ({
      %run_scoped3A = tpu.sem_alloc : memref<!tpu.dma_semaphore, #tpu.memory_space<semaphore_mem>>
      %dma_start3A_323 = arith.constant 40 : i32
      %dma_start3A_324 = arith.constant 0 : i32
      %dma_start3A_325 = tpu.memref_slice %arg4[%arg1, %dma_start3A_323, %dma_start3A_324] : memref<16x80x128xi32, #tpu.memory_space<hbm>> -> memref<1x40x128xi32, #tpu.memory_space<hbm>>
      %dma_start3A_326 = tpu.memref_squeeze %dma_start3A_325 : memref<1x40x128xi32, #tpu.memory_space<hbm>> -> memref<40x128xi32, #tpu.memory_space<hbm>>
      %dma_start3A_327 = arith.constant 40 : i32
      %dma_start3A_328 = arith.constant 0 : i32
      %dma_start3A_329 = tpu.memref_slice %arg4[%arg1, %dma_start3A_327, %dma_start3A_328] : memref<16x80x128xi32, #tpu.memory_space<hbm>> -> memref<1x40x128xi32, #tpu.memory_space<hbm>>
      %dma_start3A_330 = tpu.memref_squeeze %dma_start3A_329 : memref<1x40x128xi32, #tpu.memory_space<hbm>> -> memref<40x128xi32, #tpu.memory_space<hbm>>
      tpu.enqueue_dma source(%dma_start3A_330 : memref<40x128xi32, #tpu.memory_space<hbm>>) target(%arg7 : memref<40x128xi32, #tpu.memory_space<vmem>>) target_semaphore(%run_scoped3A : memref<!tpu.dma_semaphore, #tpu.memory_space<semaphore_mem>>)
      %dma_wait3A_331 = arith.constant 40 : i32
      %dma_wait3A_332 = arith.constant 0 : i32
      %dma_wait3A_333 = tpu.memref_slice %arg4[%arg1, %dma_wait3A_331, %dma_wait3A_332] : memref<16x80x128xi32, #tpu.memory_space<hbm>> -> memref<1x40x128xi32, #tpu.memory_space<hbm>>
      %dma_wait3A_334 = tpu.memref_squeeze %dma_wait3A_333 : memref<1x40x128xi32, #tpu.memory_space<hbm>> -> memref<40x128xi32, #tpu.memory_space<hbm>>
      %dma_wait3A_335 = arith.constant 40 : i32
      %dma_wait3A_336 = arith.constant 0 : i32
      %dma_wait3A_337 = tpu.memref_slice %arg4[%arg1, %dma_wait3A_335, %dma_wait3A_336] : memref<16x80x128xi32, #tpu.memory_space<hbm>> -> memref<1x40x128xi32, #tpu.memory_space<hbm>>
      %dma_wait3A_338 = tpu.memref_squeeze %dma_wait3A_337 : memref<1x40x128xi32, #tpu.memory_space<hbm>> -> memref<40x128xi32, #tpu.memory_space<hbm>>
      tpu.wait_dma2 semaphore(%run_scoped3A : memref<!tpu.dma_semaphore, #tpu.memory_space<semaphore_mem>>) src(%dma_wait3A_338 : memref<40x128xi32, #tpu.memory_space<hbm>>) dst(%arg7 : memref<40x128xi32, #tpu.memory_space<vmem>>)
      tpu.yield
    }) : () -> ()
    %dma_start3A_250 = arith.constant 0 : i32
    %dma_start3A_251 = arith.constant 0 : i32
    %dma_start3A_252 = tpu.memref_slice %arg6[%dma_start3A_250, %dma_start3A_251] : memref<40x128xi32, #tpu.memory_space<vmem>> -> memref<1x128xi32, #tpu.memory_space<vmem>>
    %dma_start3A_253 = tpu.memref_squeeze %dma_start3A_252 : memref<1x128xi32, #tpu.memory_space<vmem>> -> memref<128xi32, #tpu.memory_space<vmem>>
    %dma_start3A_254 = arith.constant 0 : i32
    %dma_start3A_255 = arith.constant 0 : i32
    %dma_start3A_256 = tpu.memref_slice %arg2[%dma_start3A_254, %dma_start3A_255] : memref<40000x128xf32, #tpu.memory_space<hbm>> -> memref<40000x128xf32, #tpu.memory_space<hbm>>
    tpu.enqueue_indirect_dma source(%dma_start3A_256 : memref<40000x128xf32, #tpu.memory_space<hbm>>) target(%arg8 : memref<128x128xf32, #tpu.memory_space<vmem>>) offsets(%dma_start3A_253 : memref<128xi32, #tpu.memory_space<vmem>>) semaphore(%arg11 : memref<!tpu.dma_semaphore, #tpu.memory_space<semaphore_mem>>)
    %dma_start3A_257 = arith.constant 1 : i32
    %dma_start3A_258 = arith.constant 0 : i32
    %dma_start3A_259 = tpu.memref_slice %arg6[%dma_start3A_257, %dma_start3A_258] : memref<40x128xi32, #tpu.memory_space<vmem>> -> memref<1x128xi32, #tpu.memory_space<vmem>>
    %dma_start3A_260 = tpu.memref_squeeze %dma_start3A_259 : memref<1x128xi32, #tpu.memory_space<vmem>> -> memref<128xi32, #tpu.memory_space<vmem>>
    %dma_start3A_261 = arith.constant 0 : i32
    %dma_start3A_262 = arith.constant 0 : i32
    %dma_start3A_263 = tpu.memref_slice %arg2[%dma_start3A_261, %dma_start3A_262] : memref<40000x128xf32, #tpu.memory_space<hbm>> -> memref<40000x128xf32, #tpu.memory_space<hbm>>
    tpu.enqueue_indirect_dma source(%dma_start3A_263 : memref<40000x128xf32, #tpu.memory_space<hbm>>) target(%arg9 : memref<128x128xf32, #tpu.memory_space<vmem>>) offsets(%dma_start3A_260 : memref<128xi32, #tpu.memory_space<vmem>>) semaphore(%arg12 : memref<!tpu.dma_semaphore, #tpu.memory_space<semaphore_mem>>)
    %dma_wait3A_264 = arith.constant 0 : i32
    %dma_wait3A_265 = arith.constant 0 : i32
    %dma_wait3A_266 = tpu.memref_slice %arg6[%dma_wait3A_264, %dma_wait3A_265] : memref<40x128xi32, #tpu.memory_space<vmem>> -> memref<1x128xi32, #tpu.memory_space<vmem>>
    %dma_wait3A_267 = tpu.memref_squeeze %dma_wait3A_266 : memref<1x128xi32, #tpu.memory_space<vmem>> -> memref<128xi32, #tpu.memory_space<vmem>>
    %dma_wait3A_268 = arith.constant 0 : i32
    %dma_wait3A_269 = arith.constant 0 : i32
    %dma_wait3A_270 = tpu.memref_slice %arg2[%dma_wait3A_268, %dma_wait3A_269] : memref<40000x128xf32, #tpu.memory_space<hbm>> -> memref<40000x128xf32, #tpu.memory_space<hbm>>
    tpu.wait_indirect_dma semaphore(%arg11 : memref<!tpu.dma_semaphore, #tpu.memory_space<semaphore_mem>>) src(%dma_wait3A_270 : memref<40000x128xf32, #tpu.memory_space<hbm>>) dst(%arg8 : memref<128x128xf32, #tpu.memory_space<vmem>>)
    %dma_start3A_271 = arith.constant 0 : i32
    %dma_start3A_272 = arith.constant 0 : i32
    %dma_start3A_273 = tpu.memref_slice %arg7[%dma_start3A_271, %dma_start3A_272] : memref<40x128xi32, #tpu.memory_space<vmem>> -> memref<1x128xi32, #tpu.memory_space<vmem>>
    %dma_start3A_274 = tpu.memref_squeeze %dma_start3A_273 : memref<1x128xi32, #tpu.memory_space<vmem>> -> memref<128xi32, #tpu.memory_space<vmem>>
    %dma_start3A_275 = arith.constant 0 : i32
    %dma_start3A_276 = arith.constant 0 : i32
    %dma_start3A_277 = tpu.memref_slice %arg10[%dma_start3A_275, %dma_start3A_276] : memref<10112x128xf32, #tpu.memory_space<vmem_shared>> -> memref<10112x128xf32, #tpu.memory_space<vmem_shared>>
    tpu.enqueue_indirect_dma source(%arg8 : memref<128x128xf32, #tpu.memory_space<vmem>>) target(%dma_start3A_277 : memref<10112x128xf32, #tpu.memory_space<vmem_shared>>) offsets(%dma_start3A_274 : memref<128xi32, #tpu.memory_space<vmem>>) semaphore(%arg13 : memref<!tpu.dma_semaphore, #tpu.memory_space<semaphore_mem>>) {add = true}
    %scan3A_278 = arith.constant 0 : i32
    %scan3A_279 = arith.constant 0 : i32
    %scan3A_280 = arith.constant 19 : i32
    %scan3A_281 = arith.addi %scan3A_279, %scan3A_280 : i32
    %scan3A_282 = arith.constant 1 : i32
    scf.for %scan3A_323 = %scan3A_279 to %scan3A_281 step %scan3A_282  : i32 {
      %mul3A_324 = arith.constant 2 : i32
      %mul3A_325 = arith.muli %scan3A_323, %mul3A_324 : i32
      %dma_wait3A_326 = arith.constant 0 : i32
      %dma_wait3A_327 = arith.constant 0 : i32
      %dma_wait3A_328 = tpu.memref_slice %arg7[%dma_wait3A_326, %dma_wait3A_327] : memref<40x128xi32, #tpu.memory_space<vmem>> -> memref<1x128xi32, #tpu.memory_space<vmem>>
      %dma_wait3A_329 = tpu.memref_squeeze %dma_wait3A_328 : memref<1x128xi32, #tpu.memory_space<vmem>> -> memref<128xi32, #tpu.memory_space<vmem>>
      %dma_wait3A_330 = arith.constant 0 : i32
      %dma_wait3A_331 = arith.constant 0 : i32
      %dma_wait3A_332 = tpu.memref_slice %arg10[%dma_wait3A_330, %dma_wait3A_331] : memref<10112x128xf32, #tpu.memory_space<vmem_shared>> -> memref<10112x128xf32, #tpu.memory_space<vmem_shared>>
      tpu.wait_indirect_dma semaphore(%arg13 : memref<!tpu.dma_semaphore, #tpu.memory_space<semaphore_mem>>) src(%arg8 : memref<128x128xf32, #tpu.memory_space<vmem>>) dst(%dma_wait3A_332 : memref<10112x128xf32, #tpu.memory_space<vmem_shared>>)
      %add3A_333 = arith.constant 2 : i32
      %add3A_334 = arith.addi %mul3A_325, %add3A_333 : i32
      %dma_start3A_335 = arith.constant 0 : i32
      %dma_start3A_336 = tpu.memref_slice %arg6[%add3A_334, %dma_start3A_335] : memref<40x128xi32, #tpu.memory_space<vmem>> -> memref<1x128xi32, #tpu.memory_space<vmem>>
      %dma_start3A_337 = tpu.memref_squeeze %dma_start3A_336 : memref<1x128xi32, #tpu.memory_space<vmem>> -> memref<128xi32, #tpu.memory_space<vmem>>
      %dma_start3A_338 = arith.constant 0 : i32
      %dma_start3A_339 = arith.constant 0 : i32
      %dma_start3A_340 = tpu.memref_slice %arg2[%dma_start3A_338, %dma_start3A_339] : memref<40000x128xf32, #tpu.memory_space<hbm>> -> memref<40000x128xf32, #tpu.memory_space<hbm>>
      tpu.enqueue_indirect_dma source(%dma_start3A_340 : memref<40000x128xf32, #tpu.memory_space<hbm>>) target(%arg8 : memref<128x128xf32, #tpu.memory_space<vmem>>) offsets(%dma_start3A_337 : memref<128xi32, #tpu.memory_space<vmem>>) semaphore(%arg11 : memref<!tpu.dma_semaphore, #tpu.memory_space<semaphore_mem>>)
      %dma_wait3A_341 = arith.constant 0 : i32
      %dma_wait3A_342 = arith.constant 0 : i32
      %dma_wait3A_343 = tpu.memref_slice %arg6[%dma_wait3A_341, %dma_wait3A_342] : memref<40x128xi32, #tpu.memory_space<vmem>> -> memref<1x128xi32, #tpu.memory_space<vmem>>
      %dma_wait3A_344 = tpu.memref_squeeze %dma_wait3A_343 : memref<1x128xi32, #tpu.memory_space<vmem>> -> memref<128xi32, #tpu.memory_space<vmem>>
      %dma_wait3A_345 = arith.constant 0 : i32
      %dma_wait3A_346 = arith.constant 0 : i32
      %dma_wait3A_347 = tpu.memref_slice %arg2[%dma_wait3A_345, %dma_wait3A_346] : memref<40000x128xf32, #tpu.memory_space<hbm>> -> memref<40000x128xf32, #tpu.memory_space<hbm>>
      tpu.wait_indirect_dma semaphore(%arg12 : memref<!tpu.dma_semaphore, #tpu.memory_space<semaphore_mem>>) src(%dma_wait3A_347 : memref<40000x128xf32, #tpu.memory_space<hbm>>) dst(%arg9 : memref<128x128xf32, #tpu.memory_space<vmem>>)
      %add3A_348 = arith.constant 1 : i32
      %add3A_349 = arith.addi %mul3A_325, %add3A_348 : i32
      %dma_start3A_350 = arith.constant 0 : i32
      %dma_start3A_351 = tpu.memref_slice %arg7[%add3A_349, %dma_start3A_350] : memref<40x128xi32, #tpu.memory_space<vmem>> -> memref<1x128xi32, #tpu.memory_space<vmem>>
      %dma_start3A_352 = tpu.memref_squeeze %dma_start3A_351 : memref<1x128xi32, #tpu.memory_space<vmem>> -> memref<128xi32, #tpu.memory_space<vmem>>
      %dma_start3A_353 = arith.constant 0 : i32
      %dma_start3A_354 = arith.constant 0 : i32
      %dma_start3A_355 = tpu.memref_slice %arg10[%dma_start3A_353, %dma_start3A_354] : memref<10112x128xf32, #tpu.memory_space<vmem_shared>> -> memref<10112x128xf32, #tpu.memory_space<vmem_shared>>
      tpu.enqueue_indirect_dma source(%arg9 : memref<128x128xf32, #tpu.memory_space<vmem>>) target(%dma_start3A_355 : memref<10112x128xf32, #tpu.memory_space<vmem_shared>>) offsets(%dma_start3A_352 : memref<128xi32, #tpu.memory_space<vmem>>) semaphore(%arg14 : memref<!tpu.dma_semaphore, #tpu.memory_space<semaphore_mem>>) {add = true}
      %dma_wait3A_356 = arith.constant 0 : i32
      %dma_wait3A_357 = arith.constant 0 : i32
      %dma_wait3A_358 = tpu.memref_slice %arg7[%dma_wait3A_356, %dma_wait3A_357] : memref<40x128xi32, #tpu.memory_space<vmem>> -> memref<1x128xi32, #tpu.memory_space<vmem>>
      %dma_wait3A_359 = tpu.memref_squeeze %dma_wait3A_358 : memref<1x128xi32, #tpu.memory_space<vmem>> -> memref<128xi32, #tpu.memory_space<vmem>>
      %dma_wait3A_360 = arith.constant 0 : i32
      %dma_wait3A_361 = arith.constant 0 : i32
      %dma_wait3A_362 = tpu.memref_slice %arg10[%dma_wait3A_360, %dma_wait3A_361] : memref<10112x128xf32, #tpu.memory_space<vmem_shared>> -> memref<10112x128xf32, #tpu.memory_space<vmem_shared>>
      tpu.wait_indirect_dma semaphore(%arg14 : memref<!tpu.dma_semaphore, #tpu.memory_space<semaphore_mem>>) src(%arg9 : memref<128x128xf32, #tpu.memory_space<vmem>>) dst(%dma_wait3A_362 : memref<10112x128xf32, #tpu.memory_space<vmem_shared>>)
      %add3A_363 = arith.constant 3 : i32
      %add3A_364 = arith.addi %mul3A_325, %add3A_363 : i32
      %dma_start3A_365 = arith.constant 0 : i32
      %dma_start3A_366 = tpu.memref_slice %arg6[%add3A_364, %dma_start3A_365] : memref<40x128xi32, #tpu.memory_space<vmem>> -> memref<1x128xi32, #tpu.memory_space<vmem>>
      %dma_start3A_367 = tpu.memref_squeeze %dma_start3A_366 : memref<1x128xi32, #tpu.memory_space<vmem>> -> memref<128xi32, #tpu.memory_space<vmem>>
      %dma_start3A_368 = arith.constant 0 : i32
      %dma_start3A_369 = arith.constant 0 : i32
      %dma_start3A_370 = tpu.memref_slice %arg2[%dma_start3A_368, %dma_start3A_369] : memref<40000x128xf32, #tpu.memory_space<hbm>> -> memref<40000x128xf32, #tpu.memory_space<hbm>>
      tpu.enqueue_indirect_dma source(%dma_start3A_370 : memref<40000x128xf32, #tpu.memory_space<hbm>>) target(%arg9 : memref<128x128xf32, #tpu.memory_space<vmem>>) offsets(%dma_start3A_367 : memref<128xi32, #tpu.memory_space<vmem>>) semaphore(%arg12 : memref<!tpu.dma_semaphore, #tpu.memory_space<semaphore_mem>>)
      %dma_wait3A_371 = arith.constant 0 : i32
      %dma_wait3A_372 = arith.constant 0 : i32
      %dma_wait3A_373 = tpu.memref_slice %arg6[%dma_wait3A_371, %dma_wait3A_372] : memref<40x128xi32, #tpu.memory_space<vmem>> -> memref<1x128xi32, #tpu.memory_space<vmem>>
      %dma_wait3A_374 = tpu.memref_squeeze %dma_wait3A_373 : memref<1x128xi32, #tpu.memory_space<vmem>> -> memref<128xi32, #tpu.memory_space<vmem>>
      %dma_wait3A_375 = arith.constant 0 : i32
      %dma_wait3A_376 = arith.constant 0 : i32
      %dma_wait3A_377 = tpu.memref_slice %arg2[%dma_wait3A_375, %dma_wait3A_376] : memref<40000x128xf32, #tpu.memory_space<hbm>> -> memref<40000x128xf32, #tpu.memory_space<hbm>>
      tpu.wait_indirect_dma semaphore(%arg11 : memref<!tpu.dma_semaphore, #tpu.memory_space<semaphore_mem>>) src(%dma_wait3A_377 : memref<40000x128xf32, #tpu.memory_space<hbm>>) dst(%arg8 : memref<128x128xf32, #tpu.memory_space<vmem>>)
      %add3A_378 = arith.constant 2 : i32
      %add3A_379 = arith.addi %mul3A_325, %add3A_378 : i32
      %dma_start3A_380 = arith.constant 0 : i32
      %dma_start3A_381 = tpu.memref_slice %arg7[%add3A_379, %dma_start3A_380] : memref<40x128xi32, #tpu.memory_space<vmem>> -> memref<1x128xi32, #tpu.memory_space<vmem>>
      %dma_start3A_382 = tpu.memref_squeeze %dma_start3A_381 : memref<1x128xi32, #tpu.memory_space<vmem>> -> memref<128xi32, #tpu.memory_space<vmem>>
      %dma_start3A_383 = arith.constant 0 : i32
      %dma_start3A_384 = arith.constant 0 : i32
      %dma_start3A_385 = tpu.memref_slice %arg10[%dma_start3A_383, %dma_start3A_384] : memref<10112x128xf32, #tpu.memory_space<vmem_shared>> -> memref<10112x128xf32, #tpu.memory_space<vmem_shared>>
      tpu.enqueue_indirect_dma source(%arg8 : memref<128x128xf32, #tpu.memory_space<vmem>>) target(%dma_start3A_385 : memref<10112x128xf32, #tpu.memory_space<vmem_shared>>) offsets(%dma_start3A_382 : memref<128xi32, #tpu.memory_space<vmem>>) semaphore(%arg13 : memref<!tpu.dma_semaphore, #tpu.memory_space<semaphore_mem>>) {add = true}
    }
    %scan3A_283 = arith.constant 19 : i32
    %dma_wait3A_284 = arith.constant 0 : i32
    %dma_wait3A_285 = arith.constant 0 : i32
    %dma_wait3A_286 = tpu.memref_slice %arg7[%dma_wait3A_284, %dma_wait3A_285] : memref<40x128xi32, #tpu.memory_space<vmem>> -> memref<1x128xi32, #tpu.memory_space<vmem>>
    %dma_wait3A_287 = tpu.memref_squeeze %dma_wait3A_286 : memref<1x128xi32, #tpu.memory_space<vmem>> -> memref<128xi32, #tpu.memory_space<vmem>>
    %dma_wait3A_288 = arith.constant 0 : i32
    %dma_wait3A_289 = arith.constant 0 : i32
    %dma_wait3A_290 = tpu.memref_slice %arg10[%dma_wait3A_288, %dma_wait3A_289] : memref<10112x128xf32, #tpu.memory_space<vmem_shared>> -> memref<10112x128xf32, #tpu.memory_space<vmem_shared>>
    tpu.wait_indirect_dma semaphore(%arg13 : memref<!tpu.dma_semaphore, #tpu.memory_space<semaphore_mem>>) src(%arg8 : memref<128x128xf32, #tpu.memory_space<vmem>>) dst(%dma_wait3A_290 : memref<10112x128xf32, #tpu.memory_space<vmem_shared>>)
    %dma_wait3A_291 = arith.constant 0 : i32
    %dma_wait3A_292 = arith.constant 0 : i32
    %dma_wait3A_293 = tpu.memref_slice %arg6[%dma_wait3A_291, %dma_wait3A_292] : memref<40x128xi32, #tpu.memory_space<vmem>> -> memref<1x128xi32, #tpu.memory_space<vmem>>
    %dma_wait3A_294 = tpu.memref_squeeze %dma_wait3A_293 : memref<1x128xi32, #tpu.memory_space<vmem>> -> memref<128xi32, #tpu.memory_space<vmem>>
    %dma_wait3A_295 = arith.constant 0 : i32
    %dma_wait3A_296 = arith.constant 0 : i32
    %dma_wait3A_297 = tpu.memref_slice %arg2[%dma_wait3A_295, %dma_wait3A_296] : memref<40000x128xf32, #tpu.memory_space<hbm>> -> memref<40000x128xf32, #tpu.memory_space<hbm>>
    tpu.wait_indirect_dma semaphore(%arg12 : memref<!tpu.dma_semaphore, #tpu.memory_space<semaphore_mem>>) src(%dma_wait3A_297 : memref<40000x128xf32, #tpu.memory_space<hbm>>) dst(%arg9 : memref<128x128xf32, #tpu.memory_space<vmem>>)
    %dma_start3A_298 = arith.constant 39 : i32
    %dma_start3A_299 = arith.constant 0 : i32
    %dma_start3A_300 = tpu.memref_slice %arg7[%dma_start3A_298, %dma_start3A_299] : memref<40x128xi32, #tpu.memory_space<vmem>> -> memref<1x128xi32, #tpu.memory_space<vmem>>
    %dma_start3A_301 = tpu.memref_squeeze %dma_start3A_300 : memref<1x128xi32, #tpu.memory_space<vmem>> -> memref<128xi32, #tpu.memory_space<vmem>>
    %dma_start3A_302 = arith.constant 0 : i32
    %dma_start3A_303 = arith.constant 0 : i32
    %dma_start3A_304 = tpu.memref_slice %arg10[%dma_start3A_302, %dma_start3A_303] : memref<10112x128xf32, #tpu.memory_space<vmem_shared>> -> memref<10112x128xf32, #tpu.memory_space<vmem_shared>>
    tpu.enqueue_indirect_dma source(%arg9 : memref<128x128xf32, #tpu.memory_space<vmem>>) target(%dma_start3A_304 : memref<10112x128xf32, #tpu.memory_space<vmem_shared>>) offsets(%dma_start3A_301 : memref<128xi32, #tpu.memory_space<vmem>>) semaphore(%arg14 : memref<!tpu.dma_semaphore, #tpu.memory_space<semaphore_mem>>) {add = true}
    %dma_wait3A_305 = arith.constant 0 : i32
    %dma_wait3A_306 = arith.constant 0 : i32
    %dma_wait3A_307 = tpu.memref_slice %arg7[%dma_wait3A_305, %dma_wait3A_306] : memref<40x128xi32, #tpu.memory_space<vmem>> -> memref<1x128xi32, #tpu.memory_space<vmem>>
    %dma_wait3A_308 = tpu.memref_squeeze %dma_wait3A_307 : memref<1x128xi32, #tpu.memory_space<vmem>> -> memref<128xi32, #tpu.memory_space<vmem>>
    %dma_wait3A_309 = arith.constant 0 : i32
    %dma_wait3A_310 = arith.constant 0 : i32
    %dma_wait3A_311 = tpu.memref_slice %arg10[%dma_wait3A_309, %dma_wait3A_310] : memref<10112x128xf32, #tpu.memory_space<vmem_shared>> -> memref<10112x128xf32, #tpu.memory_space<vmem_shared>>
    tpu.wait_indirect_dma semaphore(%arg14 : memref<!tpu.dma_semaphore, #tpu.memory_space<semaphore_mem>>) src(%arg9 : memref<128x128xf32, #tpu.memory_space<vmem>>) dst(%dma_wait3A_311 : memref<10112x128xf32, #tpu.memory_space<vmem_shared>>)
    %barrier3A_312 = arith.constant 0 : index
    tpu.barrier barrier_id(%barrier3A_312)
    %mul3A_313 = arith.constant 624 : i32
    %mul3A_314 = arith.muli %arg1, %mul3A_313 : i32
    %mul3A_315 = arith.constant 624 : i32
    %mul3A_316 = arith.muli %arg1, %mul3A_315 : i32
    "tpu.region"() ({
      %run_scoped3A = tpu.sem_alloc : memref<!tpu.dma_semaphore, #tpu.memory_space<semaphore_mem>>
      %dma_start3A_323 = arith.constant 0 : i32
      %dma_start3A_324 = arith.constant 0 : i32
      %dma_start3A_325 = tpu.memref_slice %arg5[%add3A_160, %dma_start3A_323, %dma_start3A_324] : memref<4x10000x128xf32, #tpu.memory_space<hbm>> -> memref<1x10000x128xf32, #tpu.memory_space<hbm>>
      %dma_start3A_326 = tpu.memref_squeeze %dma_start3A_325 : memref<1x10000x128xf32, #tpu.memory_space<hbm>> -> memref<10000x128xf32, #tpu.memory_space<hbm>>
      %dma_start3A_327 = arith.constant 0 : i32
      %dma_start3A_328 = tpu.memref_slice %dma_start3A_326[%mul3A_316, %dma_start3A_327] : memref<10000x128xf32, #tpu.memory_space<hbm>> -> memref<624x128xf32, #tpu.memory_space<hbm>>
      %dma_start3A_329 = arith.constant 0 : i32
      %dma_start3A_330 = tpu.memref_slice %arg10[%mul3A_314, %dma_start3A_329] : memref<10112x128xf32, #tpu.memory_space<vmem_shared>> -> memref<624x128xf32, #tpu.memory_space<vmem_shared>>
      tpu.enqueue_dma source(%dma_start3A_330 : memref<624x128xf32, #tpu.memory_space<vmem_shared>>) target(%dma_start3A_328 : memref<624x128xf32, #tpu.memory_space<hbm>>) target_semaphore(%run_scoped3A : memref<!tpu.dma_semaphore, #tpu.memory_space<semaphore_mem>>)
      %dma_wait3A_331 = arith.constant 0 : i32
      %dma_wait3A_332 = arith.constant 0 : i32
      %dma_wait3A_333 = tpu.memref_slice %arg5[%add3A_160, %dma_wait3A_331, %dma_wait3A_332] : memref<4x10000x128xf32, #tpu.memory_space<hbm>> -> memref<1x10000x128xf32, #tpu.memory_space<hbm>>
      %dma_wait3A_334 = tpu.memref_squeeze %dma_wait3A_333 : memref<1x10000x128xf32, #tpu.memory_space<hbm>> -> memref<10000x128xf32, #tpu.memory_space<hbm>>
      %dma_wait3A_335 = arith.constant 0 : i32
      %dma_wait3A_336 = tpu.memref_slice %dma_wait3A_334[%mul3A_316, %dma_wait3A_335] : memref<10000x128xf32, #tpu.memory_space<hbm>> -> memref<624x128xf32, #tpu.memory_space<hbm>>
      %dma_wait3A_337 = arith.constant 0 : i32
      %dma_wait3A_338 = tpu.memref_slice %arg10[%mul3A_314, %dma_wait3A_337] : memref<10112x128xf32, #tpu.memory_space<vmem_shared>> -> memref<624x128xf32, #tpu.memory_space<vmem_shared>>
      tpu.wait_dma2 semaphore(%run_scoped3A : memref<!tpu.dma_semaphore, #tpu.memory_space<semaphore_mem>>) src(%dma_wait3A_338 : memref<624x128xf32, #tpu.memory_space<vmem_shared>>) dst(%dma_wait3A_336 : memref<624x128xf32, #tpu.memory_space<hbm>>)
      tpu.yield
    }) : () -> ()
    %eq3A_317 = arith.constant 0 : i32
    %eq3A_318 = arith.cmpi eq, %arg1, %eq3A_317 : i32
    %convert_element_type3A_319 = arith.extui %eq3A_318 : i1 to i32
    %cond3A_320 = arith.constant 0 : i32
    %cond3A_321 = arith.cmpi ne, %convert_element_type3A_319, %cond3A_320 : i32
    scf.if %cond3A_321 {
      "tpu.region"() ({
        %run_scoped3A = tpu.sem_alloc : memref<!tpu.dma_semaphore, #tpu.memory_space<semaphore_mem>>
        %dma_start3A_323 = arith.constant 0 : i32
        %dma_start3A_324 = arith.constant 0 : i32
        %dma_start3A_325 = tpu.memref_slice %arg5[%add3A_160, %dma_start3A_323, %dma_start3A_324] : memref<4x10000x128xf32, #tpu.memory_space<hbm>> -> memref<1x10000x128xf32, #tpu.memory_space<hbm>>
        %dma_start3A_326 = tpu.memref_squeeze %dma_start3A_325 : memref<1x10000x128xf32, #tpu.memory_space<hbm>> -> memref<10000x128xf32, #tpu.memory_space<hbm>>
        %dma_start3A_327 = arith.constant 9984 : i32
        %dma_start3A_328 = arith.constant 0 : i32
        %dma_start3A_329 = tpu.memref_slice %dma_start3A_326[%dma_start3A_327, %dma_start3A_328] : memref<10000x128xf32, #tpu.memory_space<hbm>> -> memref<16x128xf32, #tpu.memory_space<hbm>>
        %dma_start3A_330 = arith.constant 9984 : i32
        %dma_start3A_331 = arith.constant 0 : i32
        %dma_start3A_332 = tpu.memref_slice %arg10[%dma_start3A_330, %dma_start3A_331] : memref<10112x128xf32, #tpu.memory_space<vmem_shared>> -> memref<16x128xf32, #tpu.memory_space<vmem_shared>>
        tpu.enqueue_dma source(%dma_start3A_332 : memref<16x128xf32, #tpu.memory_space<vmem_shared>>) target(%dma_start3A_329 : memref<16x128xf32, #tpu.memory_space<hbm>>) target_semaphore(%run_scoped3A : memref<!tpu.dma_semaphore, #tpu.memory_space<semaphore_mem>>)
        %dma_wait3A_333 = arith.constant 0 : i32
        %dma_wait3A_334 = arith.constant 0 : i32
        %dma_wait3A_335 = tpu.memref_slice %arg5[%add3A_160, %dma_wait3A_333, %dma_wait3A_334] : memref<4x10000x128xf32, #tpu.memory_space<hbm>> -> memref<1x10000x128xf32, #tpu.memory_space<hbm>>
        %dma_wait3A_336 = tpu.memref_squeeze %dma_wait3A_335 : memref<1x10000x128xf32, #tpu.memory_space<hbm>> -> memref<10000x128xf32, #tpu.memory_space<hbm>>
        %dma_wait3A_337 = arith.constant 9984 : i32
        %dma_wait3A_338 = arith.constant 0 : i32
        %dma_wait3A_339 = tpu.memref_slice %dma_wait3A_336[%dma_wait3A_337, %dma_wait3A_338] : memref<10000x128xf32, #tpu.memory_space<hbm>> -> memref<16x128xf32, #tpu.memory_space<hbm>>
        %dma_wait3A_340 = arith.constant 9984 : i32
        %dma_wait3A_341 = arith.constant 0 : i32
        %dma_wait3A_342 = tpu.memref_slice %arg10[%dma_wait3A_340, %dma_wait3A_341] : memref<10112x128xf32, #tpu.memory_space<vmem_shared>> -> memref<16x128xf32, #tpu.memory_space<vmem_shared>>
        tpu.wait_dma2 semaphore(%run_scoped3A : memref<!tpu.dma_semaphore, #tpu.memory_space<semaphore_mem>>) src(%dma_wait3A_342 : memref<16x128xf32, #tpu.memory_space<vmem_shared>>) dst(%dma_wait3A_339 : memref<16x128xf32, #tpu.memory_space<hbm>>)
        tpu.yield
      }) : () -> ()
    } else {
    }
    %barrier3A_322 = arith.constant 0 : index
    tpu.barrier barrier_id(%barrier3A_322)
    return
  }
}

#map = affine_map<(d0, d1) -> (0, 0)>
#map1 = affine_map<(d0, d1) -> (0, 0, 0, 0)>
#map2 = affine_map<(d0, d1) -> (0, 0, 0)>
module attributes {stable_mosaic.version = 14 : i64} {
  func.func @_sc_scatter_body(%arg0: i32, %arg1: i32, %arg2: memref<40000x128xf32, #tpu.memory_space<hbm>>, %arg3: memref<4x16x80x128xi32, #tpu.memory_space<hbm>>, %arg4: memref<16x80x128xi32, #tpu.memory_space<hbm>>, %arg5: memref<4x10000x128xf32, #tpu.memory_space<hbm>>, %arg6: memref<40x128xi32, #tpu.memory_space<vmem>>, %arg7: memref<40x128xi32, #tpu.memory_space<vmem>>, %arg8: memref<128x128xf32, #tpu.memory_space<vmem>>, %arg9: memref<128x128xf32, #tpu.memory_space<vmem>>, %arg10: memref<10112x128xf32, #tpu.memory_space<vmem_shared>>, %arg11: memref<!tpu.dma_semaphore, #tpu.memory_space<semaphore_mem>>, %arg12: memref<!tpu.dma_semaphore, #tpu.memory_space<semaphore_mem>>, %arg13: memref<!tpu.dma_semaphore, #tpu.memory_space<semaphore_mem>>, %arg14: memref<!tpu.dma_semaphore, #tpu.memory_space<semaphore_mem>>) attributes {dimension_semantics = [#tpu.dimension_semantics<core_parallel>, #tpu.dimension_semantics<subcore_parallel>], iteration_bounds = array<i64: 2, 16>, scalar_prefetch = 0 : i64, scratch_operands = 9 : i64, tpu.core_type = #tpu.core_type<sc_vector_subcore>, window_params = [{transform_indices = #map}, {transform_indices = #map1}, {transform_indices = #map2}, {transform_indices = #map2}]} {
    %mul3A = arith.constant 2 : i32
    %mul3A_0 = arith.muli %arg0, %mul3A : i32
    %add3A = arith.constant 0 : i32
    %add3A_1 = arith.addi %mul3A_0, %add3A : i32
    %scan3A = arith.constant 0 : i32
    %scan3A_2 = arith.constant 0 : i32
    %scan3A_3 = arith.constant 1024 : i32
    %scan3A_4 = arith.addi %scan3A_2, %scan3A_3 : i32
    %scan3A_5 = arith.constant 1 : i32
    scf.for %scan3A_323 = %scan3A_2 to %scan3A_4 step %scan3A_5  : i32 {
      %broadcast_in_dim3A = arith.constant 0.000000e+00 : f32
      %broadcast_in_dim3A_324 = vector.broadcast %broadcast_in_dim3A : f32 to vector<16xf32>
      %jit3A = arith.constant 8 : i32
      %div3A = arith.divsi %scan3A_323, %jit3A : i32
      %sign3A = arith.constant 0 : i32
      %sign3A_325 = arith.cmpi sgt, %scan3A_323, %sign3A : i32
      %sign3A_326 = arith.extui %sign3A_325 : i1 to i32
      %sign3A_327 = arith.constant 0 : i32
      %sign3A_328 = arith.cmpi slt, %scan3A_323, %sign3A_327 : i32
      %sign3A_329 = arith.extui %sign3A_328 : i1 to i32
      %sign3A_330 = arith.subi %sign3A_326, %sign3A_329 : i32
      %sign3A_331 = arith.constant 0 : i32
      %sign3A_332 = arith.cmpi sgt, %jit3A, %sign3A_331 : i32
      %sign3A_333 = arith.extui %sign3A_332 : i1 to i32
      %sign3A_334 = arith.constant 0 : i32
      %sign3A_335 = arith.cmpi slt, %jit3A, %sign3A_334 : i32
      %sign3A_336 = arith.extui %sign3A_335 : i1 to i32
      %sign3A_337 = arith.subi %sign3A_333, %sign3A_336 : i32
      %ne3A = arith.cmpi ne, %sign3A_330, %sign3A_337 : i32
      %rem3A = arith.remsi %scan3A_323, %jit3A : i32
      %ne3A_338 = arith.constant 0 : i32
      %ne3A_339 = arith.cmpi ne, %rem3A, %ne3A_338 : i32
      %and3A = arith.andi %ne3A, %ne3A_339 : i1
      %sub3A = arith.constant 1 : i32
      %sub3A_340 = arith.subi %div3A, %sub3A : i32
      %select_n3A = arith.select %and3A, %sub3A_340, %div3A : i32
      %jit3A_341 = arith.constant 8 : i32
      %eq3A_342 = arith.constant 0 : i32
      %eq3A_343 = arith.cmpi eq, %jit3A_341, %eq3A_342 : i32
      %jit3A_344 = arith.constant 1 : i32
      %select_n3A_345 = arith.select %eq3A_343, %jit3A_344, %jit3A_341 : i32
      %rem3A_346 = arith.remsi %scan3A_323, %select_n3A_345 : i32
      %ne3A_347 = arith.constant 0 : i32
      %ne3A_348 = arith.cmpi ne, %rem3A_346, %ne3A_347 : i32
      %lt3A = arith.constant 0 : i32
      %lt3A_349 = arith.cmpi slt, %rem3A_346, %lt3A : i32
      %lt3A_350 = arith.constant 0 : i32
      %lt3A_351 = arith.cmpi slt, %select_n3A_345, %lt3A_350 : i32
      %ne3A_352 = arith.xori %lt3A_349, %lt3A_351 : i1
      %and3A_353 = arith.andi %ne3A_352, %ne3A_348 : i1
      %add3A_354 = arith.addi %rem3A_346, %select_n3A_345 : i32
      %select_n3A_355 = arith.select %and3A_353, %add3A_354, %rem3A_346 : i32
      %mul3A_356 = arith.constant 16 : i32
      %mul3A_357 = arith.muli %select_n3A_355, %mul3A_356 : i32
      %swap3A = arith.index_cast %select_n3A : i32 to index
      %swap3A_358 = arith.index_cast %mul3A_357 : i32 to index
      %swap3A_359 = tpu.vector_load %arg8[%swap3A, %swap3A_358] {strides = array<i32>} : memref<128x128xf32, #tpu.memory_space<vmem>>, vector<1x16xf32>,
      %swap3A_360 = vector.shape_cast %swap3A_359 : vector<1x16xf32> to vector<16xf32>
      %swap3A_361 = vector.shape_cast %broadcast_in_dim3A_324 : vector<16xf32> to vector<1x16xf32>
      tpu.vector_store %arg8[%swap3A, %swap3A_358], %swap3A_361 {strides = array<i32>} : memref<128x128xf32, #tpu.memory_space<vmem>>, vector<1x16xf32>,
    }
    %scan3A_6 = arith.constant 1024 : i32
    %mul3A_7 = arith.constant 632 : i32
    %mul3A_8 = arith.muli %arg1, %mul3A_7 : i32
    %add3A_9 = arith.constant 0 : i32
    %add3A_10 = arith.addi %mul3A_8, %add3A_9 : i32
    "tpu.region"() ({
      %run_scoped3A = tpu.sem_alloc : memref<!tpu.dma_semaphore, #tpu.memory_space<semaphore_mem>>
      %dma_start3A_323 = arith.constant 0 : i32
      %dma_start3A_324 = tpu.memref_slice %arg10[%add3A_10, %dma_start3A_323] : memref<10112x128xf32, #tpu.memory_space<vmem_shared>> -> memref<128x128xf32, #tpu.memory_space<vmem_shared>>
      %dma_start3A_325 = arith.constant 0 : i32
      %dma_start3A_326 = tpu.memref_slice %arg10[%add3A_10, %dma_start3A_325] : memref<10112x128xf32, #tpu.memory_space<vmem_shared>> -> memref<128x128xf32, #tpu.memory_space<vmem_shared>>
      tpu.enqueue_dma source(%arg8 : memref<128x128xf32, #tpu.memory_space<vmem>>) target(%dma_start3A_326 : memref<128x128xf32, #tpu.memory_space<vmem_shared>>) target_semaphore(%run_scoped3A : memref<!tpu.dma_semaphore, #tpu.memory_space<semaphore_mem>>)
      %dma_wait3A_327 = arith.constant 0 : i32
      %dma_wait3A_328 = tpu.memref_slice %arg10[%add3A_10, %dma_wait3A_327] : memref<10112x128xf32, #tpu.memory_space<vmem_shared>> -> memref<128x128xf32, #tpu.memory_space<vmem_shared>>
      %dma_wait3A_329 = arith.constant 0 : i32
      %dma_wait3A_330 = tpu.memref_slice %arg10[%add3A_10, %dma_wait3A_329] : memref<10112x128xf32, #tpu.memory_space<vmem_shared>> -> memref<128x128xf32, #tpu.memory_space<vmem_shared>>
      tpu.wait_dma2 semaphore(%run_scoped3A : memref<!tpu.dma_semaphore, #tpu.memory_space<semaphore_mem>>) src(%arg8 : memref<128x128xf32, #tpu.memory_space<vmem>>) dst(%dma_wait3A_330 : memref<128x128xf32, #tpu.memory_space<vmem_shared>>)
      tpu.yield
    }) : () -> ()
    %mul3A_11 = arith.constant 632 : i32
    %mul3A_12 = arith.muli %arg1, %mul3A_11 : i32
    %add3A_13 = arith.constant 128 : i32
    %add3A_14 = arith.addi %mul3A_12, %add3A_13 : i32
    "tpu.region"() ({
      %run_scoped3A = tpu.sem_alloc : memref<!tpu.dma_semaphore, #tpu.memory_space<semaphore_mem>>
      %dma_start3A_323 = arith.constant 0 : i32
      %dma_start3A_324 = tpu.memref_slice %arg10[%add3A_14, %dma_start3A_323] : memref<10112x128xf32, #tpu.memory_space<vmem_shared>> -> memref<128x128xf32, #tpu.memory_space<vmem_shared>>
      %dma_start3A_325 = arith.constant 0 : i32
      %dma_start3A_326 = tpu.memref_slice %arg10[%add3A_14, %dma_start3A_325] : memref<10112x128xf32, #tpu.memory_space<vmem_shared>> -> memref<128x128xf32, #tpu.memory_space<vmem_shared>>
      tpu.enqueue_dma source(%arg8 : memref<128x128xf32, #tpu.memory_space<vmem>>) target(%dma_start3A_326 : memref<128x128xf32, #tpu.memory_space<vmem_shared>>) target_semaphore(%run_scoped3A : memref<!tpu.dma_semaphore, #tpu.memory_space<semaphore_mem>>)
      %dma_wait3A_327 = arith.constant 0 : i32
      %dma_wait3A_328 = tpu.memref_slice %arg10[%add3A_14, %dma_wait3A_327] : memref<10112x128xf32, #tpu.memory_space<vmem_shared>> -> memref<128x128xf32, #tpu.memory_space<vmem_shared>>
      %dma_wait3A_329 = arith.constant 0 : i32
      %dma_wait3A_330 = tpu.memref_slice %arg10[%add3A_14, %dma_wait3A_329] : memref<10112x128xf32, #tpu.memory_space<vmem_shared>> -> memref<128x128xf32, #tpu.memory_space<vmem_shared>>
      tpu.wait_dma2 semaphore(%run_scoped3A : memref<!tpu.dma_semaphore, #tpu.memory_space<semaphore_mem>>) src(%arg8 : memref<128x128xf32, #tpu.memory_space<vmem>>) dst(%dma_wait3A_330 : memref<128x128xf32, #tpu.memory_space<vmem_shared>>)
      tpu.yield
    }) : () -> ()
    %mul3A_15 = arith.constant 632 : i32
    %mul3A_16 = arith.muli %arg1, %mul3A_15 : i32
    %add3A_17 = arith.constant 256 : i32
    %add3A_18 = arith.addi %mul3A_16, %add3A_17 : i32
    "tpu.region"() ({
      %run_scoped3A = tpu.sem_alloc : memref<!tpu.dma_semaphore, #tpu.memory_space<semaphore_mem>>
      %dma_start3A_323 = arith.constant 0 : i32
      %dma_start3A_324 = tpu.memref_slice %arg10[%add3A_18, %dma_start3A_323] : memref<10112x128xf32, #tpu.memory_space<vmem_shared>> -> memref<128x128xf32, #tpu.memory_space<vmem_shared>>
      %dma_start3A_325 = arith.constant 0 : i32
      %dma_start3A_326 = tpu.memref_slice %arg10[%add3A_18, %dma_start3A_325] : memref<10112x128xf32, #tpu.memory_space<vmem_shared>> -> memref<128x128xf32, #tpu.memory_space<vmem_shared>>
      tpu.enqueue_dma source(%arg8 : memref<128x128xf32, #tpu.memory_space<vmem>>) target(%dma_start3A_326 : memref<128x128xf32, #tpu.memory_space<vmem_shared>>) target_semaphore(%run_scoped3A : memref<!tpu.dma_semaphore, #tpu.memory_space<semaphore_mem>>)
      %dma_wait3A_327 = arith.constant 0 : i32
      %dma_wait3A_328 = tpu.memref_slice %arg10[%add3A_18, %dma_wait3A_327] : memref<10112x128xf32, #tpu.memory_space<vmem_shared>> -> memref<128x128xf32, #tpu.memory_space<vmem_shared>>
      %dma_wait3A_329 = arith.constant 0 : i32
      %dma_wait3A_330 = tpu.memref_slice %arg10[%add3A_18, %dma_wait3A_329] : memref<10112x128xf32, #tpu.memory_space<vmem_shared>> -> memref<128x128xf32, #tpu.memory_space<vmem_shared>>
      tpu.wait_dma2 semaphore(%run_scoped3A : memref<!tpu.dma_semaphore, #tpu.memory_space<semaphore_mem>>) src(%arg8 : memref<128x128xf32, #tpu.memory_space<vmem>>) dst(%dma_wait3A_330 : memref<128x128xf32, #tpu.memory_space<vmem_shared>>)
      tpu.yield
    }) : () -> ()
    %mul3A_19 = arith.constant 632 : i32
    %mul3A_20 = arith.muli %arg1, %mul3A_19 : i32
    %add3A_21 = arith.constant 384 : i32
    %add3A_22 = arith.addi %mul3A_20, %add3A_21 : i32
    "tpu.region"() ({
      %run_scoped3A = tpu.sem_alloc : memref<!tpu.dma_semaphore, #tpu.memory_space<semaphore_mem>>
      %dma_start3A_323 = arith.constant 0 : i32
      %dma_start3A_324 = tpu.memref_slice %arg10[%add3A_22, %dma_start3A_323] : memref<10112x128xf32, #tpu.memory_space<vmem_shared>> -> memref<128x128xf32, #tpu.memory_space<vmem_shared>>
      %dma_start3A_325 = arith.constant 0 : i32
      %dma_start3A_326 = tpu.memref_slice %arg10[%add3A_22, %dma_start3A_325] : memref<10112x128xf32, #tpu.memory_space<vmem_shared>> -> memref<128x128xf32, #tpu.memory_space<vmem_shared>>
      tpu.enqueue_dma source(%arg8 : memref<128x128xf32, #tpu.memory_space<vmem>>) target(%dma_start3A_326 : memref<128x128xf32, #tpu.memory_space<vmem_shared>>) target_semaphore(%run_scoped3A : memref<!tpu.dma_semaphore, #tpu.memory_space<semaphore_mem>>)
      %dma_wait3A_327 = arith.constant 0 : i32
      %dma_wait3A_328 = tpu.memref_slice %arg10[%add3A_22, %dma_wait3A_327] : memref<10112x128xf32, #tpu.memory_space<vmem_shared>> -> memref<128x128xf32, #tpu.memory_space<vmem_shared>>
      %dma_wait3A_329 = arith.constant 0 : i32
      %dma_wait3A_330 = tpu.memref_slice %arg10[%add3A_22, %dma_wait3A_329] : memref<10112x128xf32, #tpu.memory_space<vmem_shared>> -> memref<128x128xf32, #tpu.memory_space<vmem_shared>>
      tpu.wait_dma2 semaphore(%run_scoped3A : memref<!tpu.dma_semaphore, #tpu.memory_space<semaphore_mem>>) src(%arg8 : memref<128x128xf32, #tpu.memory_space<vmem>>) dst(%dma_wait3A_330 : memref<128x128xf32, #tpu.memory_space<vmem_shared>>)
      tpu.yield
    }) : () -> ()
    %mul3A_23 = arith.constant 632 : i32
    %mul3A_24 = arith.muli %arg1, %mul3A_23 : i32
    %add3A_25 = arith.constant 504 : i32
    %add3A_26 = arith.addi %mul3A_24, %add3A_25 : i32
    "tpu.region"() ({
      %run_scoped3A = tpu.sem_alloc : memref<!tpu.dma_semaphore, #tpu.memory_space<semaphore_mem>>
      %dma_start3A_323 = arith.constant 0 : i32
      %dma_start3A_324 = tpu.memref_slice %arg10[%add3A_26, %dma_start3A_323] : memref<10112x128xf32, #tpu.memory_space<vmem_shared>> -> memref<128x128xf32, #tpu.memory_space<vmem_shared>>
      %dma_start3A_325 = arith.constant 0 : i32
      %dma_start3A_326 = tpu.memref_slice %arg10[%add3A_26, %dma_start3A_325] : memref<10112x128xf32, #tpu.memory_space<vmem_shared>> -> memref<128x128xf32, #tpu.memory_space<vmem_shared>>
      tpu.enqueue_dma source(%arg8 : memref<128x128xf32, #tpu.memory_space<vmem>>) target(%dma_start3A_326 : memref<128x128xf32, #tpu.memory_space<vmem_shared>>) target_semaphore(%run_scoped3A : memref<!tpu.dma_semaphore, #tpu.memory_space<semaphore_mem>>)
      %dma_wait3A_327 = arith.constant 0 : i32
      %dma_wait3A_328 = tpu.memref_slice %arg10[%add3A_26, %dma_wait3A_327] : memref<10112x128xf32, #tpu.memory_space<vmem_shared>> -> memref<128x128xf32, #tpu.memory_space<vmem_shared>>
      %dma_wait3A_329 = arith.constant 0 : i32
      %dma_wait3A_330 = tpu.memref_slice %arg10[%add3A_26, %dma_wait3A_329] : memref<10112x128xf32, #tpu.memory_space<vmem_shared>> -> memref<128x128xf32, #tpu.memory_space<vmem_shared>>
      tpu.wait_dma2 semaphore(%run_scoped3A : memref<!tpu.dma_semaphore, #tpu.memory_space<semaphore_mem>>) src(%arg8 : memref<128x128xf32, #tpu.memory_space<vmem>>) dst(%dma_wait3A_330 : memref<128x128xf32, #tpu.memory_space<vmem_shared>>)
      tpu.yield
    }) : () -> ()
    %barrier3A = arith.constant 0 : index
    tpu.barrier barrier_id(%barrier3A)
    "tpu.region"() ({
      %run_scoped3A = tpu.sem_alloc : memref<!tpu.dma_semaphore, #tpu.memory_space<semaphore_mem>>
      %dma_start3A_323 = arith.constant 0 : i32
      %dma_start3A_324 = arith.constant 0 : i32
      %dma_start3A_325 = tpu.memref_slice %arg3[%add3A_1, %arg1, %dma_start3A_323, %dma_start3A_324] : memref<4x16x80x128xi32, #tpu.memory_space<hbm>> -> memref<1x1x40x128xi32, #tpu.memory_space<hbm>>
      %dma_start3A_326 = tpu.memref_squeeze %dma_start3A_325 : memref<1x1x40x128xi32, #tpu.memory_space<hbm>> -> memref<40x128xi32, #tpu.memory_space<hbm>>
      %dma_start3A_327 = arith.constant 0 : i32
      %dma_start3A_328 = arith.constant 0 : i32
      %dma_start3A_329 = tpu.memref_slice %arg3[%add3A_1, %arg1, %dma_start3A_327, %dma_start3A_328] : memref<4x16x80x128xi32, #tpu.memory_space<hbm>> -> memref<1x1x40x128xi32, #tpu.memory_space<hbm>>
      %dma_start3A_330 = tpu.memref_squeeze %dma_start3A_329 : memref<1x1x40x128xi32, #tpu.memory_space<hbm>> -> memref<40x128xi32, #tpu.memory_space<hbm>>
      tpu.enqueue_dma source(%dma_start3A_330 : memref<40x128xi32, #tpu.memory_space<hbm>>) target(%arg6 : memref<40x128xi32, #tpu.memory_space<vmem>>) target_semaphore(%run_scoped3A : memref<!tpu.dma_semaphore, #tpu.memory_space<semaphore_mem>>)
      %dma_wait3A_331 = arith.constant 0 : i32
      %dma_wait3A_332 = arith.constant 0 : i32
      %dma_wait3A_333 = tpu.memref_slice %arg3[%add3A_1, %arg1, %dma_wait3A_331, %dma_wait3A_332] : memref<4x16x80x128xi32, #tpu.memory_space<hbm>> -> memref<1x1x40x128xi32, #tpu.memory_space<hbm>>
      %dma_wait3A_334 = tpu.memref_squeeze %dma_wait3A_333 : memref<1x1x40x128xi32, #tpu.memory_space<hbm>> -> memref<40x128xi32, #tpu.memory_space<hbm>>
      %dma_wait3A_335 = arith.constant 0 : i32
      %dma_wait3A_336 = arith.constant 0 : i32
      %dma_wait3A_337 = tpu.memref_slice %arg3[%add3A_1, %arg1, %dma_wait3A_335, %dma_wait3A_336] : memref<4x16x80x128xi32, #tpu.memory_space<hbm>> -> memref<1x1x40x128xi32, #tpu.memory_space<hbm>>
      %dma_wait3A_338 = tpu.memref_squeeze %dma_wait3A_337 : memref<1x1x40x128xi32, #tpu.memory_space<hbm>> -> memref<40x128xi32, #tpu.memory_space<hbm>>
      tpu.wait_dma2 semaphore(%run_scoped3A : memref<!tpu.dma_semaphore, #tpu.memory_space<semaphore_mem>>) src(%dma_wait3A_338 : memref<40x128xi32, #tpu.memory_space<hbm>>) dst(%arg6 : memref<40x128xi32, #tpu.memory_space<vmem>>)
      tpu.yield
    }) : () -> ()
    "tpu.region"() ({
      %run_scoped3A = tpu.sem_alloc : memref<!tpu.dma_semaphore, #tpu.memory_space<semaphore_mem>>
      %dma_start3A_323 = arith.constant 0 : i32
      %dma_start3A_324 = arith.constant 0 : i32
      %dma_start3A_325 = tpu.memref_slice %arg4[%arg1, %dma_start3A_323, %dma_start3A_324] : memref<16x80x128xi32, #tpu.memory_space<hbm>> -> memref<1x40x128xi32, #tpu.memory_space<hbm>>
      %dma_start3A_326 = tpu.memref_squeeze %dma_start3A_325 : memref<1x40x128xi32, #tpu.memory_space<hbm>> -> memref<40x128xi32, #tpu.memory_space<hbm>>
      %dma_start3A_327 = arith.constant 0 : i32
      %dma_start3A_328 = arith.constant 0 : i32
      %dma_start3A_329 = tpu.memref_slice %arg4[%arg1, %dma_start3A_327, %dma_start3A_328] : memref<16x80x128xi32, #tpu.memory_space<hbm>> -> memref<1x40x128xi32, #tpu.memory_space<hbm>>
      %dma_start3A_330 = tpu.memref_squeeze %dma_start3A_329 : memref<1x40x128xi32, #tpu.memory_space<hbm>> -> memref<40x128xi32, #tpu.memory_space<hbm>>
      tpu.enqueue_dma source(%dma_start3A_330 : memref<40x128xi32, #tpu.memory_space<hbm>>) target(%arg7 : memref<40x128xi32, #tpu.memory_space<vmem>>) target_semaphore(%run_scoped3A : memref<!tpu.dma_semaphore, #tpu.memory_space<semaphore_mem>>)
      %dma_wait3A_331 = arith.constant 0 : i32
      %dma_wait3A_332 = arith.constant 0 : i32
      %dma_wait3A_333 = tpu.memref_slice %arg4[%arg1, %dma_wait3A_331, %dma_wait3A_332] : memref<16x80x128xi32, #tpu.memory_space<hbm>> -> memref<1x40x128xi32, #tpu.memory_space<hbm>>
      %dma_wait3A_334 = tpu.memref_squeeze %dma_wait3A_333 : memref<1x40x128xi32, #tpu.memory_space<hbm>> -> memref<40x128xi32, #tpu.memory_space<hbm>>
      %dma_wait3A_335 = arith.constant 0 : i32
      %dma_wait3A_336 = arith.constant 0 : i32
      %dma_wait3A_337 = tpu.memref_slice %arg4[%arg1, %dma_wait3A_335, %dma_wait3A_336] : memref<16x80x128xi32, #tpu.memory_space<hbm>> -> memref<1x40x128xi32, #tpu.memory_space<hbm>>
      %dma_wait3A_338 = tpu.memref_squeeze %dma_wait3A_337 : memref<1x40x128xi32, #tpu.memory_space<hbm>> -> memref<40x128xi32, #tpu.memory_space<hbm>>
      tpu.wait_dma2 semaphore(%run_scoped3A : memref<!tpu.dma_semaphore, #tpu.memory_space<semaphore_mem>>) src(%dma_wait3A_338 : memref<40x128xi32, #tpu.memory_space<hbm>>) dst(%arg7 : memref<40x128xi32, #tpu.memory_space<vmem>>)
      tpu.yield
    }) : () -> ()
    %dma_start3A = arith.constant 0 : i32
    %dma_start3A_27 = arith.constant 0 : i32
    %dma_start3A_28 = tpu.memref_slice %arg6[%dma_start3A, %dma_start3A_27] : memref<40x128xi32, #tpu.memory_space<vmem>> -> memref<1x128xi32, #tpu.memory_space<vmem>>
    %dma_start3A_29 = tpu.memref_squeeze %dma_start3A_28 : memref<1x128xi32, #tpu.memory_space<vmem>> -> memref<128xi32, #tpu.memory_space<vmem>>
    %dma_start3A_30 = arith.constant 0 : i32
    %dma_start3A_31 = arith.constant 0 : i32
    %dma_start3A_32 = tpu.memref_slice %arg2[%dma_start3A_30, %dma_start3A_31] : memref<40000x128xf32, #tpu.memory_space<hbm>> -> memref<40000x128xf32, #tpu.memory_space<hbm>>
    tpu.enqueue_indirect_dma source(%dma_start3A_32 : memref<40000x128xf32, #tpu.memory_space<hbm>>) target(%arg8 : memref<128x128xf32, #tpu.memory_space<vmem>>) offsets(%dma_start3A_29 : memref<128xi32, #tpu.memory_space<vmem>>) semaphore(%arg11 : memref<!tpu.dma_semaphore, #tpu.memory_space<semaphore_mem>>)
    %dma_start3A_33 = arith.constant 1 : i32
    %dma_start3A_34 = arith.constant 0 : i32
    %dma_start3A_35 = tpu.memref_slice %arg6[%dma_start3A_33, %dma_start3A_34] : memref<40x128xi32, #tpu.memory_space<vmem>> -> memref<1x128xi32, #tpu.memory_space<vmem>>
    %dma_start3A_36 = tpu.memref_squeeze %dma_start3A_35 : memref<1x128xi32, #tpu.memory_space<vmem>> -> memref<128xi32, #tpu.memory_space<vmem>>
    %dma_start3A_37 = arith.constant 0 : i32
    %dma_start3A_38 = arith.constant 0 : i32
    %dma_start3A_39 = tpu.memref_slice %arg2[%dma_start3A_37, %dma_start3A_38] : memref<40000x128xf32, #tpu.memory_space<hbm>> -> memref<40000x128xf32, #tpu.memory_space<hbm>>
    tpu.enqueue_indirect_dma source(%dma_start3A_39 : memref<40000x128xf32, #tpu.memory_space<hbm>>) target(%arg9 : memref<128x128xf32, #tpu.memory_space<vmem>>) offsets(%dma_start3A_36 : memref<128xi32, #tpu.memory_space<vmem>>) semaphore(%arg12 : memref<!tpu.dma_semaphore, #tpu.memory_space<semaphore_mem>>)
    %dma_wait3A = arith.constant 0 : i32
    %dma_wait3A_40 = arith.constant 0 : i32
    %dma_wait3A_41 = tpu.memref_slice %arg6[%dma_wait3A, %dma_wait3A_40] : memref<40x128xi32, #tpu.memory_space<vmem>> -> memref<1x128xi32, #tpu.memory_space<vmem>>
    %dma_wait3A_42 = tpu.memref_squeeze %dma_wait3A_41 : memref<1x128xi32, #tpu.memory_space<vmem>> -> memref<128xi32, #tpu.memory_space<vmem>>
    %dma_wait3A_43 = arith.constant 0 : i32
    %dma_wait3A_44 = arith.constant 0 : i32
    %dma_wait3A_45 = tpu.memref_slice %arg2[%dma_wait3A_43, %dma_wait3A_44] : memref<40000x128xf32, #tpu.memory_space<hbm>> -> memref<40000x128xf32, #tpu.memory_space<hbm>>
    tpu.wait_indirect_dma semaphore(%arg11 : memref<!tpu.dma_semaphore, #tpu.memory_space<semaphore_mem>>) src(%dma_wait3A_45 : memref<40000x128xf32, #tpu.memory_space<hbm>>) dst(%arg8 : memref<128x128xf32, #tpu.memory_space<vmem>>)
    %dma_start3A_46 = arith.constant 0 : i32
    %dma_start3A_47 = arith.constant 0 : i32
    %dma_start3A_48 = tpu.memref_slice %arg7[%dma_start3A_46, %dma_start3A_47] : memref<40x128xi32, #tpu.memory_space<vmem>> -> memref<1x128xi32, #tpu.memory_space<vmem>>
    %dma_start3A_49 = tpu.memref_squeeze %dma_start3A_48 : memref<1x128xi32, #tpu.memory_space<vmem>> -> memref<128xi32, #tpu.memory_space<vmem>>
    %dma_start3A_50 = arith.constant 0 : i32
    %dma_start3A_51 = arith.constant 0 : i32
    %dma_start3A_52 = tpu.memref_slice %arg10[%dma_start3A_50, %dma_start3A_51] : memref<10112x128xf32, #tpu.memory_space<vmem_shared>> -> memref<10112x128xf32, #tpu.memory_space<vmem_shared>>
    tpu.enqueue_indirect_dma source(%arg8 : memref<128x128xf32, #tpu.memory_space<vmem>>) target(%dma_start3A_52 : memref<10112x128xf32, #tpu.memory_space<vmem_shared>>) offsets(%dma_start3A_49 : memref<128xi32, #tpu.memory_space<vmem>>) semaphore(%arg13 : memref<!tpu.dma_semaphore, #tpu.memory_space<semaphore_mem>>) {add = true}
    %scan3A_53 = arith.constant 0 : i32
    %scan3A_54 = arith.constant 0 : i32
    %scan3A_55 = arith.constant 19 : i32
    %scan3A_56 = arith.addi %scan3A_54, %scan3A_55 : i32
    %scan3A_57 = arith.constant 1 : i32
    scf.for %scan3A_323 = %scan3A_54 to %scan3A_56 step %scan3A_57  : i32 {
      %mul3A_324 = arith.constant 2 : i32
      %mul3A_325 = arith.muli %scan3A_323, %mul3A_324 : i32
      %dma_wait3A_326 = arith.constant 0 : i32
      %dma_wait3A_327 = arith.constant 0 : i32
      %dma_wait3A_328 = tpu.memref_slice %arg7[%dma_wait3A_326, %dma_wait3A_327] : memref<40x128xi32, #tpu.memory_space<vmem>> -> memref<1x128xi32, #tpu.memory_space<vmem>>
      %dma_wait3A_329 = tpu.memref_squeeze %dma_wait3A_328 : memref<1x128xi32, #tpu.memory_space<vmem>> -> memref<128xi32, #tpu.memory_space<vmem>>
      %dma_wait3A_330 = arith.constant 0 : i32
      %dma_wait3A_331 = arith.constant 0 : i32
      %dma_wait3A_332 = tpu.memref_slice %arg10[%dma_wait3A_330, %dma_wait3A_331] : memref<10112x128xf32, #tpu.memory_space<vmem_shared>> -> memref<10112x128xf32, #tpu.memory_space<vmem_shared>>
      tpu.wait_indirect_dma semaphore(%arg13 : memref<!tpu.dma_semaphore, #tpu.memory_space<semaphore_mem>>) src(%arg8 : memref<128x128xf32, #tpu.memory_space<vmem>>) dst(%dma_wait3A_332 : memref<10112x128xf32, #tpu.memory_space<vmem_shared>>)
      %add3A_333 = arith.constant 2 : i32
      %add3A_334 = arith.addi %mul3A_325, %add3A_333 : i32
      %dma_start3A_335 = arith.constant 0 : i32
      %dma_start3A_336 = tpu.memref_slice %arg6[%add3A_334, %dma_start3A_335] : memref<40x128xi32, #tpu.memory_space<vmem>> -> memref<1x128xi32, #tpu.memory_space<vmem>>
      %dma_start3A_337 = tpu.memref_squeeze %dma_start3A_336 : memref<1x128xi32, #tpu.memory_space<vmem>> -> memref<128xi32, #tpu.memory_space<vmem>>
      %dma_start3A_338 = arith.constant 0 : i32
      %dma_start3A_339 = arith.constant 0 : i32
      %dma_start3A_340 = tpu.memref_slice %arg2[%dma_start3A_338, %dma_start3A_339] : memref<40000x128xf32, #tpu.memory_space<hbm>> -> memref<40000x128xf32, #tpu.memory_space<hbm>>
      tpu.enqueue_indirect_dma source(%dma_start3A_340 : memref<40000x128xf32, #tpu.memory_space<hbm>>) target(%arg8 : memref<128x128xf32, #tpu.memory_space<vmem>>) offsets(%dma_start3A_337 : memref<128xi32, #tpu.memory_space<vmem>>) semaphore(%arg11 : memref<!tpu.dma_semaphore, #tpu.memory_space<semaphore_mem>>)
      %dma_wait3A_341 = arith.constant 0 : i32
      %dma_wait3A_342 = arith.constant 0 : i32
      %dma_wait3A_343 = tpu.memref_slice %arg6[%dma_wait3A_341, %dma_wait3A_342] : memref<40x128xi32, #tpu.memory_space<vmem>> -> memref<1x128xi32, #tpu.memory_space<vmem>>
      %dma_wait3A_344 = tpu.memref_squeeze %dma_wait3A_343 : memref<1x128xi32, #tpu.memory_space<vmem>> -> memref<128xi32, #tpu.memory_space<vmem>>
      %dma_wait3A_345 = arith.constant 0 : i32
      %dma_wait3A_346 = arith.constant 0 : i32
      %dma_wait3A_347 = tpu.memref_slice %arg2[%dma_wait3A_345, %dma_wait3A_346] : memref<40000x128xf32, #tpu.memory_space<hbm>> -> memref<40000x128xf32, #tpu.memory_space<hbm>>
      tpu.wait_indirect_dma semaphore(%arg12 : memref<!tpu.dma_semaphore, #tpu.memory_space<semaphore_mem>>) src(%dma_wait3A_347 : memref<40000x128xf32, #tpu.memory_space<hbm>>) dst(%arg9 : memref<128x128xf32, #tpu.memory_space<vmem>>)
      %add3A_348 = arith.constant 1 : i32
      %add3A_349 = arith.addi %mul3A_325, %add3A_348 : i32
      %dma_start3A_350 = arith.constant 0 : i32
      %dma_start3A_351 = tpu.memref_slice %arg7[%add3A_349, %dma_start3A_350] : memref<40x128xi32, #tpu.memory_space<vmem>> -> memref<1x128xi32, #tpu.memory_space<vmem>>
      %dma_start3A_352 = tpu.memref_squeeze %dma_start3A_351 : memref<1x128xi32, #tpu.memory_space<vmem>> -> memref<128xi32, #tpu.memory_space<vmem>>
      %dma_start3A_353 = arith.constant 0 : i32
      %dma_start3A_354 = arith.constant 0 : i32
      %dma_start3A_355 = tpu.memref_slice %arg10[%dma_start3A_353, %dma_start3A_354] : memref<10112x128xf32, #tpu.memory_space<vmem_shared>> -> memref<10112x128xf32, #tpu.memory_space<vmem_shared>>
      tpu.enqueue_indirect_dma source(%arg9 : memref<128x128xf32, #tpu.memory_space<vmem>>) target(%dma_start3A_355 : memref<10112x128xf32, #tpu.memory_space<vmem_shared>>) offsets(%dma_start3A_352 : memref<128xi32, #tpu.memory_space<vmem>>) semaphore(%arg14 : memref<!tpu.dma_semaphore, #tpu.memory_space<semaphore_mem>>) {add = true}
      %dma_wait3A_356 = arith.constant 0 : i32
      %dma_wait3A_357 = arith.constant 0 : i32
      %dma_wait3A_358 = tpu.memref_slice %arg7[%dma_wait3A_356, %dma_wait3A_357] : memref<40x128xi32, #tpu.memory_space<vmem>> -> memref<1x128xi32, #tpu.memory_space<vmem>>
      %dma_wait3A_359 = tpu.memref_squeeze %dma_wait3A_358 : memref<1x128xi32, #tpu.memory_space<vmem>> -> memref<128xi32, #tpu.memory_space<vmem>>
      %dma_wait3A_360 = arith.constant 0 : i32
      %dma_wait3A_361 = arith.constant 0 : i32
      %dma_wait3A_362 = tpu.memref_slice %arg10[%dma_wait3A_360, %dma_wait3A_361] : memref<10112x128xf32, #tpu.memory_space<vmem_shared>> -> memref<10112x128xf32, #tpu.memory_space<vmem_shared>>
      tpu.wait_indirect_dma semaphore(%arg14 : memref<!tpu.dma_semaphore, #tpu.memory_space<semaphore_mem>>) src(%arg9 : memref<128x128xf32, #tpu.memory_space<vmem>>) dst(%dma_wait3A_362 : memref<10112x128xf32, #tpu.memory_space<vmem_shared>>)
      %add3A_363 = arith.constant 3 : i32
      %add3A_364 = arith.addi %mul3A_325, %add3A_363 : i32
      %dma_start3A_365 = arith.constant 0 : i32
      %dma_start3A_366 = tpu.memref_slice %arg6[%add3A_364, %dma_start3A_365] : memref<40x128xi32, #tpu.memory_space<vmem>> -> memref<1x128xi32, #tpu.memory_space<vmem>>
      %dma_start3A_367 = tpu.memref_squeeze %dma_start3A_366 : memref<1x128xi32, #tpu.memory_space<vmem>> -> memref<128xi32, #tpu.memory_space<vmem>>
      %dma_start3A_368 = arith.constant 0 : i32
      %dma_start3A_369 = arith.constant 0 : i32
      %dma_start3A_370 = tpu.memref_slice %arg2[%dma_start3A_368, %dma_start3A_369] : memref<40000x128xf32, #tpu.memory_space<hbm>> -> memref<40000x128xf32, #tpu.memory_space<hbm>>
      tpu.enqueue_indirect_dma source(%dma_start3A_370 : memref<40000x128xf32, #tpu.memory_space<hbm>>) target(%arg9 : memref<128x128xf32, #tpu.memory_space<vmem>>) offsets(%dma_start3A_367 : memref<128xi32, #tpu.memory_space<vmem>>) semaphore(%arg12 : memref<!tpu.dma_semaphore, #tpu.memory_space<semaphore_mem>>)
      %dma_wait3A_371 = arith.constant 0 : i32
      %dma_wait3A_372 = arith.constant 0 : i32
      %dma_wait3A_373 = tpu.memref_slice %arg6[%dma_wait3A_371, %dma_wait3A_372] : memref<40x128xi32, #tpu.memory_space<vmem>> -> memref<1x128xi32, #tpu.memory_space<vmem>>
      %dma_wait3A_374 = tpu.memref_squeeze %dma_wait3A_373 : memref<1x128xi32, #tpu.memory_space<vmem>> -> memref<128xi32, #tpu.memory_space<vmem>>
      %dma_wait3A_375 = arith.constant 0 : i32
      %dma_wait3A_376 = arith.constant 0 : i32
      %dma_wait3A_377 = tpu.memref_slice %arg2[%dma_wait3A_375, %dma_wait3A_376] : memref<40000x128xf32, #tpu.memory_space<hbm>> -> memref<40000x128xf32, #tpu.memory_space<hbm>>
      tpu.wait_indirect_dma semaphore(%arg11 : memref<!tpu.dma_semaphore, #tpu.memory_space<semaphore_mem>>) src(%dma_wait3A_377 : memref<40000x128xf32, #tpu.memory_space<hbm>>) dst(%arg8 : memref<128x128xf32, #tpu.memory_space<vmem>>)
      %add3A_378 = arith.constant 2 : i32
      %add3A_379 = arith.addi %mul3A_325, %add3A_378 : i32
      %dma_start3A_380 = arith.constant 0 : i32
      %dma_start3A_381 = tpu.memref_slice %arg7[%add3A_379, %dma_start3A_380] : memref<40x128xi32, #tpu.memory_space<vmem>> -> memref<1x128xi32, #tpu.memory_space<vmem>>
      %dma_start3A_382 = tpu.memref_squeeze %dma_start3A_381 : memref<1x128xi32, #tpu.memory_space<vmem>> -> memref<128xi32, #tpu.memory_space<vmem>>
      %dma_start3A_383 = arith.constant 0 : i32
      %dma_start3A_384 = arith.constant 0 : i32
      %dma_start3A_385 = tpu.memref_slice %arg10[%dma_start3A_383, %dma_start3A_384] : memref<10112x128xf32, #tpu.memory_space<vmem_shared>> -> memref<10112x128xf32, #tpu.memory_space<vmem_shared>>
      tpu.enqueue_indirect_dma source(%arg8 : memref<128x128xf32, #tpu.memory_space<vmem>>) target(%dma_start3A_385 : memref<10112x128xf32, #tpu.memory_space<vmem_shared>>) offsets(%dma_start3A_382 : memref<128xi32, #tpu.memory_space<vmem>>) semaphore(%arg13 : memref<!tpu.dma_semaphore, #tpu.memory_space<semaphore_mem>>) {add = true}
    }
    %scan3A_58 = arith.constant 19 : i32
    %dma_wait3A_59 = arith.constant 0 : i32
    %dma_wait3A_60 = arith.constant 0 : i32
    %dma_wait3A_61 = tpu.memref_slice %arg7[%dma_wait3A_59, %dma_wait3A_60] : memref<40x128xi32, #tpu.memory_space<vmem>> -> memref<1x128xi32, #tpu.memory_space<vmem>>
    %dma_wait3A_62 = tpu.memref_squeeze %dma_wait3A_61 : memref<1x128xi32, #tpu.memory_space<vmem>> -> memref<128xi32, #tpu.memory_space<vmem>>
    %dma_wait3A_63 = arith.constant 0 : i32
    %dma_wait3A_64 = arith.constant 0 : i32
    %dma_wait3A_65 = tpu.memref_slice %arg10[%dma_wait3A_63, %dma_wait3A_64] : memref<10112x128xf32, #tpu.memory_space<vmem_shared>> -> memref<10112x128xf32, #tpu.memory_space<vmem_shared>>
    tpu.wait_indirect_dma semaphore(%arg13 : memref<!tpu.dma_semaphore, #tpu.memory_space<semaphore_mem>>) src(%arg8 : memref<128x128xf32, #tpu.memory_space<vmem>>) dst(%dma_wait3A_65 : memref<10112x128xf32, #tpu.memory_space<vmem_shared>>)
    %dma_wait3A_66 = arith.constant 0 : i32
    %dma_wait3A_67 = arith.constant 0 : i32
    %dma_wait3A_68 = tpu.memref_slice %arg6[%dma_wait3A_66, %dma_wait3A_67] : memref<40x128xi32, #tpu.memory_space<vmem>> -> memref<1x128xi32, #tpu.memory_space<vmem>>
    %dma_wait3A_69 = tpu.memref_squeeze %dma_wait3A_68 : memref<1x128xi32, #tpu.memory_space<vmem>> -> memref<128xi32, #tpu.memory_space<vmem>>
    %dma_wait3A_70 = arith.constant 0 : i32
    %dma_wait3A_71 = arith.constant 0 : i32
    %dma_wait3A_72 = tpu.memref_slice %arg2[%dma_wait3A_70, %dma_wait3A_71] : memref<40000x128xf32, #tpu.memory_space<hbm>> -> memref<40000x128xf32, #tpu.memory_space<hbm>>
    tpu.wait_indirect_dma semaphore(%arg12 : memref<!tpu.dma_semaphore, #tpu.memory_space<semaphore_mem>>) src(%dma_wait3A_72 : memref<40000x128xf32, #tpu.memory_space<hbm>>) dst(%arg9 : memref<128x128xf32, #tpu.memory_space<vmem>>)
    %dma_start3A_73 = arith.constant 39 : i32
    %dma_start3A_74 = arith.constant 0 : i32
    %dma_start3A_75 = tpu.memref_slice %arg7[%dma_start3A_73, %dma_start3A_74] : memref<40x128xi32, #tpu.memory_space<vmem>> -> memref<1x128xi32, #tpu.memory_space<vmem>>
    %dma_start3A_76 = tpu.memref_squeeze %dma_start3A_75 : memref<1x128xi32, #tpu.memory_space<vmem>> -> memref<128xi32, #tpu.memory_space<vmem>>
    %dma_start3A_77 = arith.constant 0 : i32
    %dma_start3A_78 = arith.constant 0 : i32
    %dma_start3A_79 = tpu.memref_slice %arg10[%dma_start3A_77, %dma_start3A_78] : memref<10112x128xf32, #tpu.memory_space<vmem_shared>> -> memref<10112x128xf32, #tpu.memory_space<vmem_shared>>
    tpu.enqueue_indirect_dma source(%arg9 : memref<128x128xf32, #tpu.memory_space<vmem>>) target(%dma_start3A_79 : memref<10112x128xf32, #tpu.memory_space<vmem_shared>>) offsets(%dma_start3A_76 : memref<128xi32, #tpu.memory_space<vmem>>) semaphore(%arg14 : memref<!tpu.dma_semaphore, #tpu.memory_space<semaphore_mem>>) {add = true}
    %dma_wait3A_80 = arith.constant 0 : i32
    %dma_wait3A_81 = arith.constant 0 : i32
    %dma_wait3A_82 = tpu.memref_slice %arg7[%dma_wait3A_80, %dma_wait3A_81] : memref<40x128xi32, #tpu.memory_space<vmem>> -> memref<1x128xi32, #tpu.memory_space<vmem>>
    %dma_wait3A_83 = tpu.memref_squeeze %dma_wait3A_82 : memref<1x128xi32, #tpu.memory_space<vmem>> -> memref<128xi32, #tpu.memory_space<vmem>>
    %dma_wait3A_84 = arith.constant 0 : i32
    %dma_wait3A_85 = arith.constant 0 : i32
    %dma_wait3A_86 = tpu.memref_slice %arg10[%dma_wait3A_84, %dma_wait3A_85] : memref<10112x128xf32, #tpu.memory_space<vmem_shared>> -> memref<10112x128xf32, #tpu.memory_space<vmem_shared>>
    tpu.wait_indirect_dma semaphore(%arg14 : memref<!tpu.dma_semaphore, #tpu.memory_space<semaphore_mem>>) src(%arg9 : memref<128x128xf32, #tpu.memory_space<vmem>>) dst(%dma_wait3A_86 : memref<10112x128xf32, #tpu.memory_space<vmem_shared>>)
    "tpu.region"() ({
      %run_scoped3A = tpu.sem_alloc : memref<!tpu.dma_semaphore, #tpu.memory_space<semaphore_mem>>
      %dma_start3A_323 = arith.constant 40 : i32
      %dma_start3A_324 = arith.constant 0 : i32
      %dma_start3A_325 = tpu.memref_slice %arg3[%add3A_1, %arg1, %dma_start3A_323, %dma_start3A_324] : memref<4x16x80x128xi32, #tpu.memory_space<hbm>> -> memref<1x1x40x128xi32, #tpu.memory_space<hbm>>
      %dma_start3A_326 = tpu.memref_squeeze %dma_start3A_325 : memref<1x1x40x128xi32, #tpu.memory_space<hbm>> -> memref<40x128xi32, #tpu.memory_space<hbm>>
      %dma_start3A_327 = arith.constant 40 : i32
      %dma_start3A_328 = arith.constant 0 : i32
      %dma_start3A_329 = tpu.memref_slice %arg3[%add3A_1, %arg1, %dma_start3A_327, %dma_start3A_328] : memref<4x16x80x128xi32, #tpu.memory_space<hbm>> -> memref<1x1x40x128xi32, #tpu.memory_space<hbm>>
      %dma_start3A_330 = tpu.memref_squeeze %dma_start3A_329 : memref<1x1x40x128xi32, #tpu.memory_space<hbm>> -> memref<40x128xi32, #tpu.memory_space<hbm>>
      tpu.enqueue_dma source(%dma_start3A_330 : memref<40x128xi32, #tpu.memory_space<hbm>>) target(%arg6 : memref<40x128xi32, #tpu.memory_space<vmem>>) target_semaphore(%run_scoped3A : memref<!tpu.dma_semaphore, #tpu.memory_space<semaphore_mem>>)
      %dma_wait3A_331 = arith.constant 40 : i32
      %dma_wait3A_332 = arith.constant 0 : i32
      %dma_wait3A_333 = tpu.memref_slice %arg3[%add3A_1, %arg1, %dma_wait3A_331, %dma_wait3A_332] : memref<4x16x80x128xi32, #tpu.memory_space<hbm>> -> memref<1x1x40x128xi32, #tpu.memory_space<hbm>>
      %dma_wait3A_334 = tpu.memref_squeeze %dma_wait3A_333 : memref<1x1x40x128xi32, #tpu.memory_space<hbm>> -> memref<40x128xi32, #tpu.memory_space<hbm>>
      %dma_wait3A_335 = arith.constant 40 : i32
      %dma_wait3A_336 = arith.constant 0 : i32
      %dma_wait3A_337 = tpu.memref_slice %arg3[%add3A_1, %arg1, %dma_wait3A_335, %dma_wait3A_336] : memref<4x16x80x128xi32, #tpu.memory_space<hbm>> -> memref<1x1x40x128xi32, #tpu.memory_space<hbm>>
      %dma_wait3A_338 = tpu.memref_squeeze %dma_wait3A_337 : memref<1x1x40x128xi32, #tpu.memory_space<hbm>> -> memref<40x128xi32, #tpu.memory_space<hbm>>
      tpu.wait_dma2 semaphore(%run_scoped3A : memref<!tpu.dma_semaphore, #tpu.memory_space<semaphore_mem>>) src(%dma_wait3A_338 : memref<40x128xi32, #tpu.memory_space<hbm>>) dst(%arg6 : memref<40x128xi32, #tpu.memory_space<vmem>>)
      tpu.yield
    }) : () -> ()
    "tpu.region"() ({
      %run_scoped3A = tpu.sem_alloc : memref<!tpu.dma_semaphore, #tpu.memory_space<semaphore_mem>>
      %dma_start3A_323 = arith.constant 40 : i32
      %dma_start3A_324 = arith.constant 0 : i32
      %dma_start3A_325 = tpu.memref_slice %arg4[%arg1, %dma_start3A_323, %dma_start3A_324] : memref<16x80x128xi32, #tpu.memory_space<hbm>> -> memref<1x40x128xi32, #tpu.memory_space<hbm>>
      %dma_start3A_326 = tpu.memref_squeeze %dma_start3A_325 : memref<1x40x128xi32, #tpu.memory_space<hbm>> -> memref<40x128xi32, #tpu.memory_space<hbm>>
      %dma_start3A_327 = arith.constant 40 : i32
      %dma_start3A_328 = arith.constant 0 : i32
      %dma_start3A_329 = tpu.memref_slice %arg4[%arg1, %dma_start3A_327, %dma_start3A_328] : memref<16x80x128xi32, #tpu.memory_space<hbm>> -> memref<1x40x128xi32, #tpu.memory_space<hbm>>
      %dma_start3A_330 = tpu.memref_squeeze %dma_start3A_329 : memref<1x40x128xi32, #tpu.memory_space<hbm>> -> memref<40x128xi32, #tpu.memory_space<hbm>>
      tpu.enqueue_dma source(%dma_start3A_330 : memref<40x128xi32, #tpu.memory_space<hbm>>) target(%arg7 : memref<40x128xi32, #tpu.memory_space<vmem>>) target_semaphore(%run_scoped3A : memref<!tpu.dma_semaphore, #tpu.memory_space<semaphore_mem>>)
      %dma_wait3A_331 = arith.constant 40 : i32
      %dma_wait3A_332 = arith.constant 0 : i32
      %dma_wait3A_333 = tpu.memref_slice %arg4[%arg1, %dma_wait3A_331, %dma_wait3A_332] : memref<16x80x128xi32, #tpu.memory_space<hbm>> -> memref<1x40x128xi32, #tpu.memory_space<hbm>>
      %dma_wait3A_334 = tpu.memref_squeeze %dma_wait3A_333 : memref<1x40x128xi32, #tpu.memory_space<hbm>> -> memref<40x128xi32, #tpu.memory_space<hbm>>
      %dma_wait3A_335 = arith.constant 40 : i32
      %dma_wait3A_336 = arith.constant 0 : i32
      %dma_wait3A_337 = tpu.memref_slice %arg4[%arg1, %dma_wait3A_335, %dma_wait3A_336] : memref<16x80x128xi32, #tpu.memory_space<hbm>> -> memref<1x40x128xi32, #tpu.memory_space<hbm>>
      %dma_wait3A_338 = tpu.memref_squeeze %dma_wait3A_337 : memref<1x40x128xi32, #tpu.memory_space<hbm>> -> memref<40x128xi32, #tpu.memory_space<hbm>>
      tpu.wait_dma2 semaphore(%run_scoped3A : memref<!tpu.dma_semaphore, #tpu.memory_space<semaphore_mem>>) src(%dma_wait3A_338 : memref<40x128xi32, #tpu.memory_space<hbm>>) dst(%arg7 : memref<40x128xi32, #tpu.memory_space<vmem>>)
      tpu.yield
    }) : () -> ()
    %dma_start3A_87 = arith.constant 0 : i32
    %dma_start3A_88 = arith.constant 0 : i32
    %dma_start3A_89 = tpu.memref_slice %arg6[%dma_start3A_87, %dma_start3A_88] : memref<40x128xi32, #tpu.memory_space<vmem>> -> memref<1x128xi32, #tpu.memory_space<vmem>>
    %dma_start3A_90 = tpu.memref_squeeze %dma_start3A_89 : memref<1x128xi32, #tpu.memory_space<vmem>> -> memref<128xi32, #tpu.memory_space<vmem>>
    %dma_start3A_91 = arith.constant 0 : i32
    %dma_start3A_92 = arith.constant 0 : i32
    %dma_start3A_93 = tpu.memref_slice %arg2[%dma_start3A_91, %dma_start3A_92] : memref<40000x128xf32, #tpu.memory_space<hbm>> -> memref<40000x128xf32, #tpu.memory_space<hbm>>
    tpu.enqueue_indirect_dma source(%dma_start3A_93 : memref<40000x128xf32, #tpu.memory_space<hbm>>) target(%arg8 : memref<128x128xf32, #tpu.memory_space<vmem>>) offsets(%dma_start3A_90 : memref<128xi32, #tpu.memory_space<vmem>>) semaphore(%arg11 : memref<!tpu.dma_semaphore, #tpu.memory_space<semaphore_mem>>)
    %dma_start3A_94 = arith.constant 1 : i32
    %dma_start3A_95 = arith.constant 0 : i32
    %dma_start3A_96 = tpu.memref_slice %arg6[%dma_start3A_94, %dma_start3A_95] : memref<40x128xi32, #tpu.memory_space<vmem>> -> memref<1x128xi32, #tpu.memory_space<vmem>>
    %dma_start3A_97 = tpu.memref_squeeze %dma_start3A_96 : memref<1x128xi32, #tpu.memory_space<vmem>> -> memref<128xi32, #tpu.memory_space<vmem>>
    %dma_start3A_98 = arith.constant 0 : i32
    %dma_start3A_99 = arith.constant 0 : i32
    %dma_start3A_100 = tpu.memref_slice %arg2[%dma_start3A_98, %dma_start3A_99] : memref<40000x128xf32, #tpu.memory_space<hbm>> -> memref<40000x128xf32, #tpu.memory_space<hbm>>
    tpu.enqueue_indirect_dma source(%dma_start3A_100 : memref<40000x128xf32, #tpu.memory_space<hbm>>) target(%arg9 : memref<128x128xf32, #tpu.memory_space<vmem>>) offsets(%dma_start3A_97 : memref<128xi32, #tpu.memory_space<vmem>>) semaphore(%arg12 : memref<!tpu.dma_semaphore, #tpu.memory_space<semaphore_mem>>)
    %dma_wait3A_101 = arith.constant 0 : i32
    %dma_wait3A_102 = arith.constant 0 : i32
    %dma_wait3A_103 = tpu.memref_slice %arg6[%dma_wait3A_101, %dma_wait3A_102] : memref<40x128xi32, #tpu.memory_space<vmem>> -> memref<1x128xi32, #tpu.memory_space<vmem>>
    %dma_wait3A_104 = tpu.memref_squeeze %dma_wait3A_103 : memref<1x128xi32, #tpu.memory_space<vmem>> -> memref<128xi32, #tpu.memory_space<vmem>>
    %dma_wait3A_105 = arith.constant 0 : i32
    %dma_wait3A_106 = arith.constant 0 : i32
    %dma_wait3A_107 = tpu.memref_slice %arg2[%dma_wait3A_105, %dma_wait3A_106] : memref<40000x128xf32, #tpu.memory_space<hbm>> -> memref<40000x128xf32, #tpu.memory_space<hbm>>
    tpu.wait_indirect_dma semaphore(%arg11 : memref<!tpu.dma_semaphore, #tpu.memory_space<semaphore_mem>>) src(%dma_wait3A_107 : memref<40000x128xf32, #tpu.memory_space<hbm>>) dst(%arg8 : memref<128x128xf32, #tpu.memory_space<vmem>>)
    %dma_start3A_108 = arith.constant 0 : i32
    %dma_start3A_109 = arith.constant 0 : i32
    %dma_start3A_110 = tpu.memref_slice %arg7[%dma_start3A_108, %dma_start3A_109] : memref<40x128xi32, #tpu.memory_space<vmem>> -> memref<1x128xi32, #tpu.memory_space<vmem>>
    %dma_start3A_111 = tpu.memref_squeeze %dma_start3A_110 : memref<1x128xi32, #tpu.memory_space<vmem>> -> memref<128xi32, #tpu.memory_space<vmem>>
    %dma_start3A_112 = arith.constant 0 : i32
    %dma_start3A_113 = arith.constant 0 : i32
    %dma_start3A_114 = tpu.memref_slice %arg10[%dma_start3A_112, %dma_start3A_113] : memref<10112x128xf32, #tpu.memory_space<vmem_shared>> -> memref<10112x128xf32, #tpu.memory_space<vmem_shared>>
    tpu.enqueue_indirect_dma source(%arg8 : memref<128x128xf32, #tpu.memory_space<vmem>>) target(%dma_start3A_114 : memref<10112x128xf32, #tpu.memory_space<vmem_shared>>) offsets(%dma_start3A_111 : memref<128xi32, #tpu.memory_space<vmem>>) semaphore(%arg13 : memref<!tpu.dma_semaphore, #tpu.memory_space<semaphore_mem>>) {add = true}
    %scan3A_115 = arith.constant 0 : i32
    %scan3A_116 = arith.constant 0 : i32
    %scan3A_117 = arith.constant 19 : i32
    %scan3A_118 = arith.addi %scan3A_116, %scan3A_117 : i32
    %scan3A_119 = arith.constant 1 : i32
    scf.for %scan3A_323 = %scan3A_116 to %scan3A_118 step %scan3A_119  : i32 {
      %mul3A_324 = arith.constant 2 : i32
      %mul3A_325 = arith.muli %scan3A_323, %mul3A_324 : i32
      %dma_wait3A_326 = arith.constant 0 : i32
      %dma_wait3A_327 = arith.constant 0 : i32
      %dma_wait3A_328 = tpu.memref_slice %arg7[%dma_wait3A_326, %dma_wait3A_327] : memref<40x128xi32, #tpu.memory_space<vmem>> -> memref<1x128xi32, #tpu.memory_space<vmem>>
      %dma_wait3A_329 = tpu.memref_squeeze %dma_wait3A_328 : memref<1x128xi32, #tpu.memory_space<vmem>> -> memref<128xi32, #tpu.memory_space<vmem>>
      %dma_wait3A_330 = arith.constant 0 : i32
      %dma_wait3A_331 = arith.constant 0 : i32
      %dma_wait3A_332 = tpu.memref_slice %arg10[%dma_wait3A_330, %dma_wait3A_331] : memref<10112x128xf32, #tpu.memory_space<vmem_shared>> -> memref<10112x128xf32, #tpu.memory_space<vmem_shared>>
      tpu.wait_indirect_dma semaphore(%arg13 : memref<!tpu.dma_semaphore, #tpu.memory_space<semaphore_mem>>) src(%arg8 : memref<128x128xf32, #tpu.memory_space<vmem>>) dst(%dma_wait3A_332 : memref<10112x128xf32, #tpu.memory_space<vmem_shared>>)
      %add3A_333 = arith.constant 2 : i32
      %add3A_334 = arith.addi %mul3A_325, %add3A_333 : i32
      %dma_start3A_335 = arith.constant 0 : i32
      %dma_start3A_336 = tpu.memref_slice %arg6[%add3A_334, %dma_start3A_335] : memref<40x128xi32, #tpu.memory_space<vmem>> -> memref<1x128xi32, #tpu.memory_space<vmem>>
      %dma_start3A_337 = tpu.memref_squeeze %dma_start3A_336 : memref<1x128xi32, #tpu.memory_space<vmem>> -> memref<128xi32, #tpu.memory_space<vmem>>
      %dma_start3A_338 = arith.constant 0 : i32
      %dma_start3A_339 = arith.constant 0 : i32
      %dma_start3A_340 = tpu.memref_slice %arg2[%dma_start3A_338, %dma_start3A_339] : memref<40000x128xf32, #tpu.memory_space<hbm>> -> memref<40000x128xf32, #tpu.memory_space<hbm>>
      tpu.enqueue_indirect_dma source(%dma_start3A_340 : memref<40000x128xf32, #tpu.memory_space<hbm>>) target(%arg8 : memref<128x128xf32, #tpu.memory_space<vmem>>) offsets(%dma_start3A_337 : memref<128xi32, #tpu.memory_space<vmem>>) semaphore(%arg11 : memref<!tpu.dma_semaphore, #tpu.memory_space<semaphore_mem>>)
      %dma_wait3A_341 = arith.constant 0 : i32
      %dma_wait3A_342 = arith.constant 0 : i32
      %dma_wait3A_343 = tpu.memref_slice %arg6[%dma_wait3A_341, %dma_wait3A_342] : memref<40x128xi32, #tpu.memory_space<vmem>> -> memref<1x128xi32, #tpu.memory_space<vmem>>
      %dma_wait3A_344 = tpu.memref_squeeze %dma_wait3A_343 : memref<1x128xi32, #tpu.memory_space<vmem>> -> memref<128xi32, #tpu.memory_space<vmem>>
      %dma_wait3A_345 = arith.constant 0 : i32
      %dma_wait3A_346 = arith.constant 0 : i32
      %dma_wait3A_347 = tpu.memref_slice %arg2[%dma_wait3A_345, %dma_wait3A_346] : memref<40000x128xf32, #tpu.memory_space<hbm>> -> memref<40000x128xf32, #tpu.memory_space<hbm>>
      tpu.wait_indirect_dma semaphore(%arg12 : memref<!tpu.dma_semaphore, #tpu.memory_space<semaphore_mem>>) src(%dma_wait3A_347 : memref<40000x128xf32, #tpu.memory_space<hbm>>) dst(%arg9 : memref<128x128xf32, #tpu.memory_space<vmem>>)
      %add3A_348 = arith.constant 1 : i32
      %add3A_349 = arith.addi %mul3A_325, %add3A_348 : i32
      %dma_start3A_350 = arith.constant 0 : i32
      %dma_start3A_351 = tpu.memref_slice %arg7[%add3A_349, %dma_start3A_350] : memref<40x128xi32, #tpu.memory_space<vmem>> -> memref<1x128xi32, #tpu.memory_space<vmem>>
      %dma_start3A_352 = tpu.memref_squeeze %dma_start3A_351 : memref<1x128xi32, #tpu.memory_space<vmem>> -> memref<128xi32, #tpu.memory_space<vmem>>
      %dma_start3A_353 = arith.constant 0 : i32
      %dma_start3A_354 = arith.constant 0 : i32
      %dma_start3A_355 = tpu.memref_slice %arg10[%dma_start3A_353, %dma_start3A_354] : memref<10112x128xf32, #tpu.memory_space<vmem_shared>> -> memref<10112x128xf32, #tpu.memory_space<vmem_shared>>
      tpu.enqueue_indirect_dma source(%arg9 : memref<128x128xf32, #tpu.memory_space<vmem>>) target(%dma_start3A_355 : memref<10112x128xf32, #tpu.memory_space<vmem_shared>>) offsets(%dma_start3A_352 : memref<128xi32, #tpu.memory_space<vmem>>) semaphore(%arg14 : memref<!tpu.dma_semaphore, #tpu.memory_space<semaphore_mem>>) {add = true}
      %dma_wait3A_356 = arith.constant 0 : i32
      %dma_wait3A_357 = arith.constant 0 : i32
      %dma_wait3A_358 = tpu.memref_slice %arg7[%dma_wait3A_356, %dma_wait3A_357] : memref<40x128xi32, #tpu.memory_space<vmem>> -> memref<1x128xi32, #tpu.memory_space<vmem>>
      %dma_wait3A_359 = tpu.memref_squeeze %dma_wait3A_358 : memref<1x128xi32, #tpu.memory_space<vmem>> -> memref<128xi32, #tpu.memory_space<vmem>>
      %dma_wait3A_360 = arith.constant 0 : i32
      %dma_wait3A_361 = arith.constant 0 : i32
      %dma_wait3A_362 = tpu.memref_slice %arg10[%dma_wait3A_360, %dma_wait3A_361] : memref<10112x128xf32, #tpu.memory_space<vmem_shared>> -> memref<10112x128xf32, #tpu.memory_space<vmem_shared>>
      tpu.wait_indirect_dma semaphore(%arg14 : memref<!tpu.dma_semaphore, #tpu.memory_space<semaphore_mem>>) src(%arg9 : memref<128x128xf32, #tpu.memory_space<vmem>>) dst(%dma_wait3A_362 : memref<10112x128xf32, #tpu.memory_space<vmem_shared>>)
      %add3A_363 = arith.constant 3 : i32
      %add3A_364 = arith.addi %mul3A_325, %add3A_363 : i32
      %dma_start3A_365 = arith.constant 0 : i32
      %dma_start3A_366 = tpu.memref_slice %arg6[%add3A_364, %dma_start3A_365] : memref<40x128xi32, #tpu.memory_space<vmem>> -> memref<1x128xi32, #tpu.memory_space<vmem>>
      %dma_start3A_367 = tpu.memref_squeeze %dma_start3A_366 : memref<1x128xi32, #tpu.memory_space<vmem>> -> memref<128xi32, #tpu.memory_space<vmem>>
      %dma_start3A_368 = arith.constant 0 : i32
      %dma_start3A_369 = arith.constant 0 : i32
      %dma_start3A_370 = tpu.memref_slice %arg2[%dma_start3A_368, %dma_start3A_369] : memref<40000x128xf32, #tpu.memory_space<hbm>> -> memref<40000x128xf32, #tpu.memory_space<hbm>>
      tpu.enqueue_indirect_dma source(%dma_start3A_370 : memref<40000x128xf32, #tpu.memory_space<hbm>>) target(%arg9 : memref<128x128xf32, #tpu.memory_space<vmem>>) offsets(%dma_start3A_367 : memref<128xi32, #tpu.memory_space<vmem>>) semaphore(%arg12 : memref<!tpu.dma_semaphore, #tpu.memory_space<semaphore_mem>>)
      %dma_wait3A_371 = arith.constant 0 : i32
      %dma_wait3A_372 = arith.constant 0 : i32
      %dma_wait3A_373 = tpu.memref_slice %arg6[%dma_wait3A_371, %dma_wait3A_372] : memref<40x128xi32, #tpu.memory_space<vmem>> -> memref<1x128xi32, #tpu.memory_space<vmem>>
      %dma_wait3A_374 = tpu.memref_squeeze %dma_wait3A_373 : memref<1x128xi32, #tpu.memory_space<vmem>> -> memref<128xi32, #tpu.memory_space<vmem>>
      %dma_wait3A_375 = arith.constant 0 : i32
      %dma_wait3A_376 = arith.constant 0 : i32
      %dma_wait3A_377 = tpu.memref_slice %arg2[%dma_wait3A_375, %dma_wait3A_376] : memref<40000x128xf32, #tpu.memory_space<hbm>> -> memref<40000x128xf32, #tpu.memory_space<hbm>>
      tpu.wait_indirect_dma semaphore(%arg11 : memref<!tpu.dma_semaphore, #tpu.memory_space<semaphore_mem>>) src(%dma_wait3A_377 : memref<40000x128xf32, #tpu.memory_space<hbm>>) dst(%arg8 : memref<128x128xf32, #tpu.memory_space<vmem>>)
      %add3A_378 = arith.constant 2 : i32
      %add3A_379 = arith.addi %mul3A_325, %add3A_378 : i32
      %dma_start3A_380 = arith.constant 0 : i32
      %dma_start3A_381 = tpu.memref_slice %arg7[%add3A_379, %dma_start3A_380] : memref<40x128xi32, #tpu.memory_space<vmem>> -> memref<1x128xi32, #tpu.memory_space<vmem>>
      %dma_start3A_382 = tpu.memref_squeeze %dma_start3A_381 : memref<1x128xi32, #tpu.memory_space<vmem>> -> memref<128xi32, #tpu.memory_space<vmem>>
      %dma_start3A_383 = arith.constant 0 : i32
      %dma_start3A_384 = arith.constant 0 : i32
      %dma_start3A_385 = tpu.memref_slice %arg10[%dma_start3A_383, %dma_start3A_384] : memref<10112x128xf32, #tpu.memory_space<vmem_shared>> -> memref<10112x128xf32, #tpu.memory_space<vmem_shared>>
      tpu.enqueue_indirect_dma source(%arg8 : memref<128x128xf32, #tpu.memory_space<vmem>>) target(%dma_start3A_385 : memref<10112x128xf32, #tpu.memory_space<vmem_shared>>) offsets(%dma_start3A_382 : memref<128xi32, #tpu.memory_space<vmem>>) semaphore(%arg13 : memref<!tpu.dma_semaphore, #tpu.memory_space<semaphore_mem>>) {add = true}
    }
    %scan3A_120 = arith.constant 19 : i32
    %dma_wait3A_121 = arith.constant 0 : i32
    %dma_wait3A_122 = arith.constant 0 : i32
    %dma_wait3A_123 = tpu.memref_slice %arg7[%dma_wait3A_121, %dma_wait3A_122] : memref<40x128xi32, #tpu.memory_space<vmem>> -> memref<1x128xi32, #tpu.memory_space<vmem>>
    %dma_wait3A_124 = tpu.memref_squeeze %dma_wait3A_123 : memref<1x128xi32, #tpu.memory_space<vmem>> -> memref<128xi32, #tpu.memory_space<vmem>>
    %dma_wait3A_125 = arith.constant 0 : i32
    %dma_wait3A_126 = arith.constant 0 : i32
    %dma_wait3A_127 = tpu.memref_slice %arg10[%dma_wait3A_125, %dma_wait3A_126] : memref<10112x128xf32, #tpu.memory_space<vmem_shared>> -> memref<10112x128xf32, #tpu.memory_space<vmem_shared>>
    tpu.wait_indirect_dma semaphore(%arg13 : memref<!tpu.dma_semaphore, #tpu.memory_space<semaphore_mem>>) src(%arg8 : memref<128x128xf32, #tpu.memory_space<vmem>>) dst(%dma_wait3A_127 : memref<10112x128xf32, #tpu.memory_space<vmem_shared>>)
    %dma_wait3A_128 = arith.constant 0 : i32
    %dma_wait3A_129 = arith.constant 0 : i32
    %dma_wait3A_130 = tpu.memref_slice %arg6[%dma_wait3A_128, %dma_wait3A_129] : memref<40x128xi32, #tpu.memory_space<vmem>> -> memref<1x128xi32, #tpu.memory_space<vmem>>
    %dma_wait3A_131 = tpu.memref_squeeze %dma_wait3A_130 : memref<1x128xi32, #tpu.memory_space<vmem>> -> memref<128xi32, #tpu.memory_space<vmem>>
    %dma_wait3A_132 = arith.constant 0 : i32
    %dma_wait3A_133 = arith.constant 0 : i32
    %dma_wait3A_134 = tpu.memref_slice %arg2[%dma_wait3A_132, %dma_wait3A_133] : memref<40000x128xf32, #tpu.memory_space<hbm>> -> memref<40000x128xf32, #tpu.memory_space<hbm>>
    tpu.wait_indirect_dma semaphore(%arg12 : memref<!tpu.dma_semaphore, #tpu.memory_space<semaphore_mem>>) src(%dma_wait3A_134 : memref<40000x128xf32, #tpu.memory_space<hbm>>) dst(%arg9 : memref<128x128xf32, #tpu.memory_space<vmem>>)
    %dma_start3A_135 = arith.constant 39 : i32
    %dma_start3A_136 = arith.constant 0 : i32
    %dma_start3A_137 = tpu.memref_slice %arg7[%dma_start3A_135, %dma_start3A_136] : memref<40x128xi32, #tpu.memory_space<vmem>> -> memref<1x128xi32, #tpu.memory_space<vmem>>
    %dma_start3A_138 = tpu.memref_squeeze %dma_start3A_137 : memref<1x128xi32, #tpu.memory_space<vmem>> -> memref<128xi32, #tpu.memory_space<vmem>>
    %dma_start3A_139 = arith.constant 0 : i32
    %dma_start3A_140 = arith.constant 0 : i32
    %dma_start3A_141 = tpu.memref_slice %arg10[%dma_start3A_139, %dma_start3A_140] : memref<10112x128xf32, #tpu.memory_space<vmem_shared>> -> memref<10112x128xf32, #tpu.memory_space<vmem_shared>>
    tpu.enqueue_indirect_dma source(%arg9 : memref<128x128xf32, #tpu.memory_space<vmem>>) target(%dma_start3A_141 : memref<10112x128xf32, #tpu.memory_space<vmem_shared>>) offsets(%dma_start3A_138 : memref<128xi32, #tpu.memory_space<vmem>>) semaphore(%arg14 : memref<!tpu.dma_semaphore, #tpu.memory_space<semaphore_mem>>) {add = true}
    %dma_wait3A_142 = arith.constant 0 : i32
    %dma_wait3A_143 = arith.constant 0 : i32
    %dma_wait3A_144 = tpu.memref_slice %arg7[%dma_wait3A_142, %dma_wait3A_143] : memref<40x128xi32, #tpu.memory_space<vmem>> -> memref<1x128xi32, #tpu.memory_space<vmem>>
    %dma_wait3A_145 = tpu.memref_squeeze %dma_wait3A_144 : memref<1x128xi32, #tpu.memory_space<vmem>> -> memref<128xi32, #tpu.memory_space<vmem>>
    %dma_wait3A_146 = arith.constant 0 : i32
    %dma_wait3A_147 = arith.constant 0 : i32
    %dma_wait3A_148 = tpu.memref_slice %arg10[%dma_wait3A_146, %dma_wait3A_147] : memref<10112x128xf32, #tpu.memory_space<vmem_shared>> -> memref<10112x128xf32, #tpu.memory_space<vmem_shared>>
    tpu.wait_indirect_dma semaphore(%arg14 : memref<!tpu.dma_semaphore, #tpu.memory_space<semaphore_mem>>) src(%arg9 : memref<128x128xf32, #tpu.memory_space<vmem>>) dst(%dma_wait3A_148 : memref<10112x128xf32, #tpu.memory_space<vmem_shared>>)
    %barrier3A_149 = arith.constant 0 : index
    tpu.barrier barrier_id(%barrier3A_149)
    %mul3A_150 = arith.constant 624 : i32
    %mul3A_151 = arith.muli %arg1, %mul3A_150 : i32
    %mul3A_152 = arith.constant 624 : i32
    %mul3A_153 = arith.muli %arg1, %mul3A_152 : i32
    "tpu.region"() ({
      %run_scoped3A = tpu.sem_alloc : memref<!tpu.dma_semaphore, #tpu.memory_space<semaphore_mem>>
      %dma_start3A_323 = arith.constant 0 : i32
      %dma_start3A_324 = arith.constant 0 : i32
      %dma_start3A_325 = tpu.memref_slice %arg5[%add3A_1, %dma_start3A_323, %dma_start3A_324] : memref<4x10000x128xf32, #tpu.memory_space<hbm>> -> memref<1x10000x128xf32, #tpu.memory_space<hbm>>
      %dma_start3A_326 = tpu.memref_squeeze %dma_start3A_325 : memref<1x10000x128xf32, #tpu.memory_space<hbm>> -> memref<10000x128xf32, #tpu.memory_space<hbm>>
      %dma_start3A_327 = arith.constant 0 : i32
      %dma_start3A_328 = tpu.memref_slice %dma_start3A_326[%mul3A_153, %dma_start3A_327] : memref<10000x128xf32, #tpu.memory_space<hbm>> -> memref<624x128xf32, #tpu.memory_space<hbm>>
      %dma_start3A_329 = arith.constant 0 : i32
      %dma_start3A_330 = tpu.memref_slice %arg10[%mul3A_151, %dma_start3A_329] : memref<10112x128xf32, #tpu.memory_space<vmem_shared>> -> memref<624x128xf32, #tpu.memory_space<vmem_shared>>
      tpu.enqueue_dma source(%dma_start3A_330 : memref<624x128xf32, #tpu.memory_space<vmem_shared>>) target(%dma_start3A_328 : memref<624x128xf32, #tpu.memory_space<hbm>>) target_semaphore(%run_scoped3A : memref<!tpu.dma_semaphore, #tpu.memory_space<semaphore_mem>>)
      %dma_wait3A_331 = arith.constant 0 : i32
      %dma_wait3A_332 = arith.constant 0 : i32
      %dma_wait3A_333 = tpu.memref_slice %arg5[%add3A_1, %dma_wait3A_331, %dma_wait3A_332] : memref<4x10000x128xf32, #tpu.memory_space<hbm>> -> memref<1x10000x128xf32, #tpu.memory_space<hbm>>
      %dma_wait3A_334 = tpu.memref_squeeze %dma_wait3A_333 : memref<1x10000x128xf32, #tpu.memory_space<hbm>> -> memref<10000x128xf32, #tpu.memory_space<hbm>>
      %dma_wait3A_335 = arith.constant 0 : i32
      %dma_wait3A_336 = tpu.memref_slice %dma_wait3A_334[%mul3A_153, %dma_wait3A_335] : memref<10000x128xf32, #tpu.memory_space<hbm>> -> memref<624x128xf32, #tpu.memory_space<hbm>>
      %dma_wait3A_337 = arith.constant 0 : i32
      %dma_wait3A_338 = tpu.memref_slice %arg10[%mul3A_151, %dma_wait3A_337] : memref<10112x128xf32, #tpu.memory_space<vmem_shared>> -> memref<624x128xf32, #tpu.memory_space<vmem_shared>>
      tpu.wait_dma2 semaphore(%run_scoped3A : memref<!tpu.dma_semaphore, #tpu.memory_space<semaphore_mem>>) src(%dma_wait3A_338 : memref<624x128xf32, #tpu.memory_space<vmem_shared>>) dst(%dma_wait3A_336 : memref<624x128xf32, #tpu.memory_space<hbm>>)
      tpu.yield
    }) : () -> ()
    %eq3A = arith.constant 0 : i32
    %eq3A_154 = arith.cmpi eq, %arg1, %eq3A : i32
    %convert_element_type3A = arith.extui %eq3A_154 : i1 to i32
    %cond3A = arith.constant 0 : i32
    %cond3A_155 = arith.cmpi ne, %convert_element_type3A, %cond3A : i32
    scf.if %cond3A_155 {
      "tpu.region"() ({
        %run_scoped3A = tpu.sem_alloc : memref<!tpu.dma_semaphore, #tpu.memory_space<semaphore_mem>>
        %dma_start3A_323 = arith.constant 0 : i32
        %dma_start3A_324 = arith.constant 0 : i32
        %dma_start3A_325 = tpu.memref_slice %arg5[%add3A_1, %dma_start3A_323, %dma_start3A_324] : memref<4x10000x128xf32, #tpu.memory_space<hbm>> -> memref<1x10000x128xf32, #tpu.memory_space<hbm>>
        %dma_start3A_326 = tpu.memref_squeeze %dma_start3A_325 : memref<1x10000x128xf32, #tpu.memory_space<hbm>> -> memref<10000x128xf32, #tpu.memory_space<hbm>>
        %dma_start3A_327 = arith.constant 9984 : i32
        %dma_start3A_328 = arith.constant 0 : i32
        %dma_start3A_329 = tpu.memref_slice %dma_start3A_326[%dma_start3A_327, %dma_start3A_328] : memref<10000x128xf32, #tpu.memory_space<hbm>> -> memref<16x128xf32, #tpu.memory_space<hbm>>
        %dma_start3A_330 = arith.constant 9984 : i32
        %dma_start3A_331 = arith.constant 0 : i32
        %dma_start3A_332 = tpu.memref_slice %arg10[%dma_start3A_330, %dma_start3A_331] : memref<10112x128xf32, #tpu.memory_space<vmem_shared>> -> memref<16x128xf32, #tpu.memory_space<vmem_shared>>
        tpu.enqueue_dma source(%dma_start3A_332 : memref<16x128xf32, #tpu.memory_space<vmem_shared>>) target(%dma_start3A_329 : memref<16x128xf32, #tpu.memory_space<hbm>>) target_semaphore(%run_scoped3A : memref<!tpu.dma_semaphore, #tpu.memory_space<semaphore_mem>>)
        %dma_wait3A_333 = arith.constant 0 : i32
        %dma_wait3A_334 = arith.constant 0 : i32
        %dma_wait3A_335 = tpu.memref_slice %arg5[%add3A_1, %dma_wait3A_333, %dma_wait3A_334] : memref<4x10000x128xf32, #tpu.memory_space<hbm>> -> memref<1x10000x128xf32, #tpu.memory_space<hbm>>
        %dma_wait3A_336 = tpu.memref_squeeze %dma_wait3A_335 : memref<1x10000x128xf32, #tpu.memory_space<hbm>> -> memref<10000x128xf32, #tpu.memory_space<hbm>>
        %dma_wait3A_337 = arith.constant 9984 : i32
        %dma_wait3A_338 = arith.constant 0 : i32
        %dma_wait3A_339 = tpu.memref_slice %dma_wait3A_336[%dma_wait3A_337, %dma_wait3A_338] : memref<10000x128xf32, #tpu.memory_space<hbm>> -> memref<16x128xf32, #tpu.memory_space<hbm>>
        %dma_wait3A_340 = arith.constant 9984 : i32
        %dma_wait3A_341 = arith.constant 0 : i32
        %dma_wait3A_342 = tpu.memref_slice %arg10[%dma_wait3A_340, %dma_wait3A_341] : memref<10112x128xf32, #tpu.memory_space<vmem_shared>> -> memref<16x128xf32, #tpu.memory_space<vmem_shared>>
        tpu.wait_dma2 semaphore(%run_scoped3A : memref<!tpu.dma_semaphore, #tpu.memory_space<semaphore_mem>>) src(%dma_wait3A_342 : memref<16x128xf32, #tpu.memory_space<vmem_shared>>) dst(%dma_wait3A_339 : memref<16x128xf32, #tpu.memory_space<hbm>>)
        tpu.yield
      }) : () -> ()
    } else {
    }
    %barrier3A_156 = arith.constant 0 : index
    tpu.barrier barrier_id(%barrier3A_156)
    %mul3A_157 = arith.constant 2 : i32
    %mul3A_158 = arith.muli %arg0, %mul3A_157 : i32
    %add3A_159 = arith.constant 1 : i32
    %add3A_160 = arith.addi %mul3A_158, %add3A_159 : i32
    %scan3A_161 = arith.constant 0 : i32
    %scan3A_162 = arith.constant 0 : i32
    %scan3A_163 = arith.constant 1024 : i32
    %scan3A_164 = arith.addi %scan3A_162, %scan3A_163 : i32
    %scan3A_165 = arith.constant 1 : i32
    scf.for %scan3A_323 = %scan3A_162 to %scan3A_164 step %scan3A_165  : i32 {
      %broadcast_in_dim3A = arith.constant 0.000000e+00 : f32
      %broadcast_in_dim3A_324 = vector.broadcast %broadcast_in_dim3A : f32 to vector<16xf32>
      %jit3A = arith.constant 8 : i32
      %div3A = arith.divsi %scan3A_323, %jit3A : i32
      %sign3A = arith.constant 0 : i32
      %sign3A_325 = arith.cmpi sgt, %scan3A_323, %sign3A : i32
      %sign3A_326 = arith.extui %sign3A_325 : i1 to i32
      %sign3A_327 = arith.constant 0 : i32
      %sign3A_328 = arith.cmpi slt, %scan3A_323, %sign3A_327 : i32
      %sign3A_329 = arith.extui %sign3A_328 : i1 to i32
      %sign3A_330 = arith.subi %sign3A_326, %sign3A_329 : i32
      %sign3A_331 = arith.constant 0 : i32
      %sign3A_332 = arith.cmpi sgt, %jit3A, %sign3A_331 : i32
      %sign3A_333 = arith.extui %sign3A_332 : i1 to i32
      %sign3A_334 = arith.constant 0 : i32
      %sign3A_335 = arith.cmpi slt, %jit3A, %sign3A_334 : i32
      %sign3A_336 = arith.extui %sign3A_335 : i1 to i32
      %sign3A_337 = arith.subi %sign3A_333, %sign3A_336 : i32
      %ne3A = arith.cmpi ne, %sign3A_330, %sign3A_337 : i32
      %rem3A = arith.remsi %scan3A_323, %jit3A : i32
      %ne3A_338 = arith.constant 0 : i32
      %ne3A_339 = arith.cmpi ne, %rem3A, %ne3A_338 : i32
      %and3A = arith.andi %ne3A, %ne3A_339 : i1
      %sub3A = arith.constant 1 : i32
      %sub3A_340 = arith.subi %div3A, %sub3A : i32
      %select_n3A = arith.select %and3A, %sub3A_340, %div3A : i32
      %jit3A_341 = arith.constant 8 : i32
      %eq3A_342 = arith.constant 0 : i32
      %eq3A_343 = arith.cmpi eq, %jit3A_341, %eq3A_342 : i32
      %jit3A_344 = arith.constant 1 : i32
      %select_n3A_345 = arith.select %eq3A_343, %jit3A_344, %jit3A_341 : i32
      %rem3A_346 = arith.remsi %scan3A_323, %select_n3A_345 : i32
      %ne3A_347 = arith.constant 0 : i32
      %ne3A_348 = arith.cmpi ne, %rem3A_346, %ne3A_347 : i32
      %lt3A = arith.constant 0 : i32
      %lt3A_349 = arith.cmpi slt, %rem3A_346, %lt3A : i32
      %lt3A_350 = arith.constant 0 : i32
      %lt3A_351 = arith.cmpi slt, %select_n3A_345, %lt3A_350 : i32
      %ne3A_352 = arith.xori %lt3A_349, %lt3A_351 : i1
      %and3A_353 = arith.andi %ne3A_352, %ne3A_348 : i1
      %add3A_354 = arith.addi %rem3A_346, %select_n3A_345 : i32
      %select_n3A_355 = arith.select %and3A_353, %add3A_354, %rem3A_346 : i32
      %mul3A_356 = arith.constant 16 : i32
      %mul3A_357 = arith.muli %select_n3A_355, %mul3A_356 : i32
      %swap3A = arith.index_cast %select_n3A : i32 to index
      %swap3A_358 = arith.index_cast %mul3A_357 : i32 to index
      %swap3A_359 = tpu.vector_load %arg8[%swap3A, %swap3A_358] {strides = array<i32>} : memref<128x128xf32, #tpu.memory_space<vmem>>, vector<1x16xf32>,
      %swap3A_360 = vector.shape_cast %swap3A_359 : vector<1x16xf32> to vector<16xf32>
      %swap3A_361 = vector.shape_cast %broadcast_in_dim3A_324 : vector<16xf32> to vector<1x16xf32>
      tpu.vector_store %arg8[%swap3A, %swap3A_358], %swap3A_361 {strides = array<i32>} : memref<128x128xf32, #tpu.memory_space<vmem>>, vector<1x16xf32>,
    }
    %scan3A_166 = arith.constant 1024 : i32
    %mul3A_167 = arith.constant 632 : i32
    %mul3A_168 = arith.muli %arg1, %mul3A_167 : i32
    %add3A_169 = arith.constant 0 : i32
    %add3A_170 = arith.addi %mul3A_168, %add3A_169 : i32
    "tpu.region"() ({
      %run_scoped3A = tpu.sem_alloc : memref<!tpu.dma_semaphore, #tpu.memory_space<semaphore_mem>>
      %dma_start3A_323 = arith.constant 0 : i32
      %dma_start3A_324 = tpu.memref_slice %arg10[%add3A_170, %dma_start3A_323] : memref<10112x128xf32, #tpu.memory_space<vmem_shared>> -> memref<128x128xf32, #tpu.memory_space<vmem_shared>>
      %dma_start3A_325 = arith.constant 0 : i32
      %dma_start3A_326 = tpu.memref_slice %arg10[%add3A_170, %dma_start3A_325] : memref<10112x128xf32, #tpu.memory_space<vmem_shared>> -> memref<128x128xf32, #tpu.memory_space<vmem_shared>>
      tpu.enqueue_dma source(%arg8 : memref<128x128xf32, #tpu.memory_space<vmem>>) target(%dma_start3A_326 : memref<128x128xf32, #tpu.memory_space<vmem_shared>>) target_semaphore(%run_scoped3A : memref<!tpu.dma_semaphore, #tpu.memory_space<semaphore_mem>>)
      %dma_wait3A_327 = arith.constant 0 : i32
      %dma_wait3A_328 = tpu.memref_slice %arg10[%add3A_170, %dma_wait3A_327] : memref<10112x128xf32, #tpu.memory_space<vmem_shared>> -> memref<128x128xf32, #tpu.memory_space<vmem_shared>>
      %dma_wait3A_329 = arith.constant 0 : i32
      %dma_wait3A_330 = tpu.memref_slice %arg10[%add3A_170, %dma_wait3A_329] : memref<10112x128xf32, #tpu.memory_space<vmem_shared>> -> memref<128x128xf32, #tpu.memory_space<vmem_shared>>
      tpu.wait_dma2 semaphore(%run_scoped3A : memref<!tpu.dma_semaphore, #tpu.memory_space<semaphore_mem>>) src(%arg8 : memref<128x128xf32, #tpu.memory_space<vmem>>) dst(%dma_wait3A_330 : memref<128x128xf32, #tpu.memory_space<vmem_shared>>)
      tpu.yield
    }) : () -> ()
    %mul3A_171 = arith.constant 632 : i32
    %mul3A_172 = arith.muli %arg1, %mul3A_171 : i32
    %add3A_173 = arith.constant 128 : i32
    %add3A_174 = arith.addi %mul3A_172, %add3A_173 : i32
    "tpu.region"() ({
      %run_scoped3A = tpu.sem_alloc : memref<!tpu.dma_semaphore, #tpu.memory_space<semaphore_mem>>
      %dma_start3A_323 = arith.constant 0 : i32
      %dma_start3A_324 = tpu.memref_slice %arg10[%add3A_174, %dma_start3A_323] : memref<10112x128xf32, #tpu.memory_space<vmem_shared>> -> memref<128x128xf32, #tpu.memory_space<vmem_shared>>
      %dma_start3A_325 = arith.constant 0 : i32
      %dma_start3A_326 = tpu.memref_slice %arg10[%add3A_174, %dma_start3A_325] : memref<10112x128xf32, #tpu.memory_space<vmem_shared>> -> memref<128x128xf32, #tpu.memory_space<vmem_shared>>
      tpu.enqueue_dma source(%arg8 : memref<128x128xf32, #tpu.memory_space<vmem>>) target(%dma_start3A_326 : memref<128x128xf32, #tpu.memory_space<vmem_shared>>) target_semaphore(%run_scoped3A : memref<!tpu.dma_semaphore, #tpu.memory_space<semaphore_mem>>)
      %dma_wait3A_327 = arith.constant 0 : i32
      %dma_wait3A_328 = tpu.memref_slice %arg10[%add3A_174, %dma_wait3A_327] : memref<10112x128xf32, #tpu.memory_space<vmem_shared>> -> memref<128x128xf32, #tpu.memory_space<vmem_shared>>
      %dma_wait3A_329 = arith.constant 0 : i32
      %dma_wait3A_330 = tpu.memref_slice %arg10[%add3A_174, %dma_wait3A_329] : memref<10112x128xf32, #tpu.memory_space<vmem_shared>> -> memref<128x128xf32, #tpu.memory_space<vmem_shared>>
      tpu.wait_dma2 semaphore(%run_scoped3A : memref<!tpu.dma_semaphore, #tpu.memory_space<semaphore_mem>>) src(%arg8 : memref<128x128xf32, #tpu.memory_space<vmem>>) dst(%dma_wait3A_330 : memref<128x128xf32, #tpu.memory_space<vmem_shared>>)
      tpu.yield
    }) : () -> ()
    %mul3A_175 = arith.constant 632 : i32
    %mul3A_176 = arith.muli %arg1, %mul3A_175 : i32
    %add3A_177 = arith.constant 256 : i32
    %add3A_178 = arith.addi %mul3A_176, %add3A_177 : i32
    "tpu.region"() ({
      %run_scoped3A = tpu.sem_alloc : memref<!tpu.dma_semaphore, #tpu.memory_space<semaphore_mem>>
      %dma_start3A_323 = arith.constant 0 : i32
      %dma_start3A_324 = tpu.memref_slice %arg10[%add3A_178, %dma_start3A_323] : memref<10112x128xf32, #tpu.memory_space<vmem_shared>> -> memref<128x128xf32, #tpu.memory_space<vmem_shared>>
      %dma_start3A_325 = arith.constant 0 : i32
      %dma_start3A_326 = tpu.memref_slice %arg10[%add3A_178, %dma_start3A_325] : memref<10112x128xf32, #tpu.memory_space<vmem_shared>> -> memref<128x128xf32, #tpu.memory_space<vmem_shared>>
      tpu.enqueue_dma source(%arg8 : memref<128x128xf32, #tpu.memory_space<vmem>>) target(%dma_start3A_326 : memref<128x128xf32, #tpu.memory_space<vmem_shared>>) target_semaphore(%run_scoped3A : memref<!tpu.dma_semaphore, #tpu.memory_space<semaphore_mem>>)
      %dma_wait3A_327 = arith.constant 0 : i32
      %dma_wait3A_328 = tpu.memref_slice %arg10[%add3A_178, %dma_wait3A_327] : memref<10112x128xf32, #tpu.memory_space<vmem_shared>> -> memref<128x128xf32, #tpu.memory_space<vmem_shared>>
      %dma_wait3A_329 = arith.constant 0 : i32
      %dma_wait3A_330 = tpu.memref_slice %arg10[%add3A_178, %dma_wait3A_329] : memref<10112x128xf32, #tpu.memory_space<vmem_shared>> -> memref<128x128xf32, #tpu.memory_space<vmem_shared>>
      tpu.wait_dma2 semaphore(%run_scoped3A : memref<!tpu.dma_semaphore, #tpu.memory_space<semaphore_mem>>) src(%arg8 : memref<128x128xf32, #tpu.memory_space<vmem>>) dst(%dma_wait3A_330 : memref<128x128xf32, #tpu.memory_space<vmem_shared>>)
      tpu.yield
    }) : () -> ()
    %mul3A_179 = arith.constant 632 : i32
    %mul3A_180 = arith.muli %arg1, %mul3A_179 : i32
    %add3A_181 = arith.constant 384 : i32
    %add3A_182 = arith.addi %mul3A_180, %add3A_181 : i32
    "tpu.region"() ({
      %run_scoped3A = tpu.sem_alloc : memref<!tpu.dma_semaphore, #tpu.memory_space<semaphore_mem>>
      %dma_start3A_323 = arith.constant 0 : i32
      %dma_start3A_324 = tpu.memref_slice %arg10[%add3A_182, %dma_start3A_323] : memref<10112x128xf32, #tpu.memory_space<vmem_shared>> -> memref<128x128xf32, #tpu.memory_space<vmem_shared>>
      %dma_start3A_325 = arith.constant 0 : i32
      %dma_start3A_326 = tpu.memref_slice %arg10[%add3A_182, %dma_start3A_325] : memref<10112x128xf32, #tpu.memory_space<vmem_shared>> -> memref<128x128xf32, #tpu.memory_space<vmem_shared>>
      tpu.enqueue_dma source(%arg8 : memref<128x128xf32, #tpu.memory_space<vmem>>) target(%dma_start3A_326 : memref<128x128xf32, #tpu.memory_space<vmem_shared>>) target_semaphore(%run_scoped3A : memref<!tpu.dma_semaphore, #tpu.memory_space<semaphore_mem>>)
      %dma_wait3A_327 = arith.constant 0 : i32
      %dma_wait3A_328 = tpu.memref_slice %arg10[%add3A_182, %dma_wait3A_327] : memref<10112x128xf32, #tpu.memory_space<vmem_shared>> -> memref<128x128xf32, #tpu.memory_space<vmem_shared>>
      %dma_wait3A_329 = arith.constant 0 : i32
      %dma_wait3A_330 = tpu.memref_slice %arg10[%add3A_182, %dma_wait3A_329] : memref<10112x128xf32, #tpu.memory_space<vmem_shared>> -> memref<128x128xf32, #tpu.memory_space<vmem_shared>>
      tpu.wait_dma2 semaphore(%run_scoped3A : memref<!tpu.dma_semaphore, #tpu.memory_space<semaphore_mem>>) src(%arg8 : memref<128x128xf32, #tpu.memory_space<vmem>>) dst(%dma_wait3A_330 : memref<128x128xf32, #tpu.memory_space<vmem_shared>>)
      tpu.yield
    }) : () -> ()
    %mul3A_183 = arith.constant 632 : i32
    %mul3A_184 = arith.muli %arg1, %mul3A_183 : i32
    %add3A_185 = arith.constant 504 : i32
    %add3A_186 = arith.addi %mul3A_184, %add3A_185 : i32
    "tpu.region"() ({
      %run_scoped3A = tpu.sem_alloc : memref<!tpu.dma_semaphore, #tpu.memory_space<semaphore_mem>>
      %dma_start3A_323 = arith.constant 0 : i32
      %dma_start3A_324 = tpu.memref_slice %arg10[%add3A_186, %dma_start3A_323] : memref<10112x128xf32, #tpu.memory_space<vmem_shared>> -> memref<128x128xf32, #tpu.memory_space<vmem_shared>>
      %dma_start3A_325 = arith.constant 0 : i32
      %dma_start3A_326 = tpu.memref_slice %arg10[%add3A_186, %dma_start3A_325] : memref<10112x128xf32, #tpu.memory_space<vmem_shared>> -> memref<128x128xf32, #tpu.memory_space<vmem_shared>>
      tpu.enqueue_dma source(%arg8 : memref<128x128xf32, #tpu.memory_space<vmem>>) target(%dma_start3A_326 : memref<128x128xf32, #tpu.memory_space<vmem_shared>>) target_semaphore(%run_scoped3A : memref<!tpu.dma_semaphore, #tpu.memory_space<semaphore_mem>>)
      %dma_wait3A_327 = arith.constant 0 : i32
      %dma_wait3A_328 = tpu.memref_slice %arg10[%add3A_186, %dma_wait3A_327] : memref<10112x128xf32, #tpu.memory_space<vmem_shared>> -> memref<128x128xf32, #tpu.memory_space<vmem_shared>>
      %dma_wait3A_329 = arith.constant 0 : i32
      %dma_wait3A_330 = tpu.memref_slice %arg10[%add3A_186, %dma_wait3A_329] : memref<10112x128xf32, #tpu.memory_space<vmem_shared>> -> memref<128x128xf32, #tpu.memory_space<vmem_shared>>
      tpu.wait_dma2 semaphore(%run_scoped3A : memref<!tpu.dma_semaphore, #tpu.memory_space<semaphore_mem>>) src(%arg8 : memref<128x128xf32, #tpu.memory_space<vmem>>) dst(%dma_wait3A_330 : memref<128x128xf32, #tpu.memory_space<vmem_shared>>)
      tpu.yield
    }) : () -> ()
    %barrier3A_187 = arith.constant 0 : index
    tpu.barrier barrier_id(%barrier3A_187)
    "tpu.region"() ({
      %run_scoped3A = tpu.sem_alloc : memref<!tpu.dma_semaphore, #tpu.memory_space<semaphore_mem>>
      %dma_start3A_323 = arith.constant 0 : i32
      %dma_start3A_324 = arith.constant 0 : i32
      %dma_start3A_325 = tpu.memref_slice %arg3[%add3A_160, %arg1, %dma_start3A_323, %dma_start3A_324] : memref<4x16x80x128xi32, #tpu.memory_space<hbm>> -> memref<1x1x40x128xi32, #tpu.memory_space<hbm>>
      %dma_start3A_326 = tpu.memref_squeeze %dma_start3A_325 : memref<1x1x40x128xi32, #tpu.memory_space<hbm>> -> memref<40x128xi32, #tpu.memory_space<hbm>>
      %dma_start3A_327 = arith.constant 0 : i32
      %dma_start3A_328 = arith.constant 0 : i32
      %dma_start3A_329 = tpu.memref_slice %arg3[%add3A_160, %arg1, %dma_start3A_327, %dma_start3A_328] : memref<4x16x80x128xi32, #tpu.memory_space<hbm>> -> memref<1x1x40x128xi32, #tpu.memory_space<hbm>>
      %dma_start3A_330 = tpu.memref_squeeze %dma_start3A_329 : memref<1x1x40x128xi32, #tpu.memory_space<hbm>> -> memref<40x128xi32, #tpu.memory_space<hbm>>
      tpu.enqueue_dma source(%dma_start3A_330 : memref<40x128xi32, #tpu.memory_space<hbm>>) target(%arg6 : memref<40x128xi32, #tpu.memory_space<vmem>>) target_semaphore(%run_scoped3A : memref<!tpu.dma_semaphore, #tpu.memory_space<semaphore_mem>>)
      %dma_wait3A_331 = arith.constant 0 : i32
      %dma_wait3A_332 = arith.constant 0 : i32
      %dma_wait3A_333 = tpu.memref_slice %arg3[%add3A_160, %arg1, %dma_wait3A_331, %dma_wait3A_332] : memref<4x16x80x128xi32, #tpu.memory_space<hbm>> -> memref<1x1x40x128xi32, #tpu.memory_space<hbm>>
      %dma_wait3A_334 = tpu.memref_squeeze %dma_wait3A_333 : memref<1x1x40x128xi32, #tpu.memory_space<hbm>> -> memref<40x128xi32, #tpu.memory_space<hbm>>
      %dma_wait3A_335 = arith.constant 0 : i32
      %dma_wait3A_336 = arith.constant 0 : i32
      %dma_wait3A_337 = tpu.memref_slice %arg3[%add3A_160, %arg1, %dma_wait3A_335, %dma_wait3A_336] : memref<4x16x80x128xi32, #tpu.memory_space<hbm>> -> memref<1x1x40x128xi32, #tpu.memory_space<hbm>>
      %dma_wait3A_338 = tpu.memref_squeeze %dma_wait3A_337 : memref<1x1x40x128xi32, #tpu.memory_space<hbm>> -> memref<40x128xi32, #tpu.memory_space<hbm>>
      tpu.wait_dma2 semaphore(%run_scoped3A : memref<!tpu.dma_semaphore, #tpu.memory_space<semaphore_mem>>) src(%dma_wait3A_338 : memref<40x128xi32, #tpu.memory_space<hbm>>) dst(%arg6 : memref<40x128xi32, #tpu.memory_space<vmem>>)
      tpu.yield
    }) : () -> ()
    "tpu.region"() ({
      %run_scoped3A = tpu.sem_alloc : memref<!tpu.dma_semaphore, #tpu.memory_space<semaphore_mem>>
      %dma_start3A_323 = arith.constant 0 : i32
      %dma_start3A_324 = arith.constant 0 : i32
      %dma_start3A_325 = tpu.memref_slice %arg4[%arg1, %dma_start3A_323, %dma_start3A_324] : memref<16x80x128xi32, #tpu.memory_space<hbm>> -> memref<1x40x128xi32, #tpu.memory_space<hbm>>
      %dma_start3A_326 = tpu.memref_squeeze %dma_start3A_325 : memref<1x40x128xi32, #tpu.memory_space<hbm>> -> memref<40x128xi32, #tpu.memory_space<hbm>>
      %dma_start3A_327 = arith.constant 0 : i32
      %dma_start3A_328 = arith.constant 0 : i32
      %dma_start3A_329 = tpu.memref_slice %arg4[%arg1, %dma_start3A_327, %dma_start3A_328] : memref<16x80x128xi32, #tpu.memory_space<hbm>> -> memref<1x40x128xi32, #tpu.memory_space<hbm>>
      %dma_start3A_330 = tpu.memref_squeeze %dma_start3A_329 : memref<1x40x128xi32, #tpu.memory_space<hbm>> -> memref<40x128xi32, #tpu.memory_space<hbm>>
      tpu.enqueue_dma source(%dma_start3A_330 : memref<40x128xi32, #tpu.memory_space<hbm>>) target(%arg7 : memref<40x128xi32, #tpu.memory_space<vmem>>) target_semaphore(%run_scoped3A : memref<!tpu.dma_semaphore, #tpu.memory_space<semaphore_mem>>)
      %dma_wait3A_331 = arith.constant 0 : i32
      %dma_wait3A_332 = arith.constant 0 : i32
      %dma_wait3A_333 = tpu.memref_slice %arg4[%arg1, %dma_wait3A_331, %dma_wait3A_332] : memref<16x80x128xi32, #tpu.memory_space<hbm>> -> memref<1x40x128xi32, #tpu.memory_space<hbm>>
      %dma_wait3A_334 = tpu.memref_squeeze %dma_wait3A_333 : memref<1x40x128xi32, #tpu.memory_space<hbm>> -> memref<40x128xi32, #tpu.memory_space<hbm>>
      %dma_wait3A_335 = arith.constant 0 : i32
      %dma_wait3A_336 = arith.constant 0 : i32
      %dma_wait3A_337 = tpu.memref_slice %arg4[%arg1, %dma_wait3A_335, %dma_wait3A_336] : memref<16x80x128xi32, #tpu.memory_space<hbm>> -> memref<1x40x128xi32, #tpu.memory_space<hbm>>
      %dma_wait3A_338 = tpu.memref_squeeze %dma_wait3A_337 : memref<1x40x128xi32, #tpu.memory_space<hbm>> -> memref<40x128xi32, #tpu.memory_space<hbm>>
      tpu.wait_dma2 semaphore(%run_scoped3A : memref<!tpu.dma_semaphore, #tpu.memory_space<semaphore_mem>>) src(%dma_wait3A_338 : memref<40x128xi32, #tpu.memory_space<hbm>>) dst(%arg7 : memref<40x128xi32, #tpu.memory_space<vmem>>)
      tpu.yield
    }) : () -> ()
    %dma_start3A_188 = arith.constant 0 : i32
    %dma_start3A_189 = arith.constant 0 : i32
    %dma_start3A_190 = tpu.memref_slice %arg6[%dma_start3A_188, %dma_start3A_189] : memref<40x128xi32, #tpu.memory_space<vmem>> -> memref<1x128xi32, #tpu.memory_space<vmem>>
    %dma_start3A_191 = tpu.memref_squeeze %dma_start3A_190 : memref<1x128xi32, #tpu.memory_space<vmem>> -> memref<128xi32, #tpu.memory_space<vmem>>
    %dma_start3A_192 = arith.constant 0 : i32
    %dma_start3A_193 = arith.constant 0 : i32
    %dma_start3A_194 = tpu.memref_slice %arg2[%dma_start3A_192, %dma_start3A_193] : memref<40000x128xf32, #tpu.memory_space<hbm>> -> memref<40000x128xf32, #tpu.memory_space<hbm>>
    tpu.enqueue_indirect_dma source(%dma_start3A_194 : memref<40000x128xf32, #tpu.memory_space<hbm>>) target(%arg8 : memref<128x128xf32, #tpu.memory_space<vmem>>) offsets(%dma_start3A_191 : memref<128xi32, #tpu.memory_space<vmem>>) semaphore(%arg11 : memref<!tpu.dma_semaphore, #tpu.memory_space<semaphore_mem>>)
    %dma_start3A_195 = arith.constant 1 : i32
    %dma_start3A_196 = arith.constant 0 : i32
    %dma_start3A_197 = tpu.memref_slice %arg6[%dma_start3A_195, %dma_start3A_196] : memref<40x128xi32, #tpu.memory_space<vmem>> -> memref<1x128xi32, #tpu.memory_space<vmem>>
    %dma_start3A_198 = tpu.memref_squeeze %dma_start3A_197 : memref<1x128xi32, #tpu.memory_space<vmem>> -> memref<128xi32, #tpu.memory_space<vmem>>
    %dma_start3A_199 = arith.constant 0 : i32
    %dma_start3A_200 = arith.constant 0 : i32
    %dma_start3A_201 = tpu.memref_slice %arg2[%dma_start3A_199, %dma_start3A_200] : memref<40000x128xf32, #tpu.memory_space<hbm>> -> memref<40000x128xf32, #tpu.memory_space<hbm>>
    tpu.enqueue_indirect_dma source(%dma_start3A_201 : memref<40000x128xf32, #tpu.memory_space<hbm>>) target(%arg9 : memref<128x128xf32, #tpu.memory_space<vmem>>) offsets(%dma_start3A_198 : memref<128xi32, #tpu.memory_space<vmem>>) semaphore(%arg12 : memref<!tpu.dma_semaphore, #tpu.memory_space<semaphore_mem>>)
    %dma_wait3A_202 = arith.constant 0 : i32
    %dma_wait3A_203 = arith.constant 0 : i32
    %dma_wait3A_204 = tpu.memref_slice %arg6[%dma_wait3A_202, %dma_wait3A_203] : memref<40x128xi32, #tpu.memory_space<vmem>> -> memref<1x128xi32, #tpu.memory_space<vmem>>
    %dma_wait3A_205 = tpu.memref_squeeze %dma_wait3A_204 : memref<1x128xi32, #tpu.memory_space<vmem>> -> memref<128xi32, #tpu.memory_space<vmem>>
    %dma_wait3A_206 = arith.constant 0 : i32
    %dma_wait3A_207 = arith.constant 0 : i32
    %dma_wait3A_208 = tpu.memref_slice %arg2[%dma_wait3A_206, %dma_wait3A_207] : memref<40000x128xf32, #tpu.memory_space<hbm>> -> memref<40000x128xf32, #tpu.memory_space<hbm>>
    tpu.wait_indirect_dma semaphore(%arg11 : memref<!tpu.dma_semaphore, #tpu.memory_space<semaphore_mem>>) src(%dma_wait3A_208 : memref<40000x128xf32, #tpu.memory_space<hbm>>) dst(%arg8 : memref<128x128xf32, #tpu.memory_space<vmem>>)
    %dma_start3A_209 = arith.constant 0 : i32
    %dma_start3A_210 = arith.constant 0 : i32
    %dma_start3A_211 = tpu.memref_slice %arg7[%dma_start3A_209, %dma_start3A_210] : memref<40x128xi32, #tpu.memory_space<vmem>> -> memref<1x128xi32, #tpu.memory_space<vmem>>
    %dma_start3A_212 = tpu.memref_squeeze %dma_start3A_211 : memref<1x128xi32, #tpu.memory_space<vmem>> -> memref<128xi32, #tpu.memory_space<vmem>>
    %dma_start3A_213 = arith.constant 0 : i32
    %dma_start3A_214 = arith.constant 0 : i32
    %dma_start3A_215 = tpu.memref_slice %arg10[%dma_start3A_213, %dma_start3A_214] : memref<10112x128xf32, #tpu.memory_space<vmem_shared>> -> memref<10112x128xf32, #tpu.memory_space<vmem_shared>>
    tpu.enqueue_indirect_dma source(%arg8 : memref<128x128xf32, #tpu.memory_space<vmem>>) target(%dma_start3A_215 : memref<10112x128xf32, #tpu.memory_space<vmem_shared>>) offsets(%dma_start3A_212 : memref<128xi32, #tpu.memory_space<vmem>>) semaphore(%arg13 : memref<!tpu.dma_semaphore, #tpu.memory_space<semaphore_mem>>) {add = true}
    %scan3A_216 = arith.constant 0 : i32
    %scan3A_217 = arith.constant 0 : i32
    %scan3A_218 = arith.constant 19 : i32
    %scan3A_219 = arith.addi %scan3A_217, %scan3A_218 : i32
    %scan3A_220 = arith.constant 1 : i32
    scf.for %scan3A_323 = %scan3A_217 to %scan3A_219 step %scan3A_220  : i32 {
      %mul3A_324 = arith.constant 2 : i32
      %mul3A_325 = arith.muli %scan3A_323, %mul3A_324 : i32
      %dma_wait3A_326 = arith.constant 0 : i32
      %dma_wait3A_327 = arith.constant 0 : i32
      %dma_wait3A_328 = tpu.memref_slice %arg7[%dma_wait3A_326, %dma_wait3A_327] : memref<40x128xi32, #tpu.memory_space<vmem>> -> memref<1x128xi32, #tpu.memory_space<vmem>>
      %dma_wait3A_329 = tpu.memref_squeeze %dma_wait3A_328 : memref<1x128xi32, #tpu.memory_space<vmem>> -> memref<128xi32, #tpu.memory_space<vmem>>
      %dma_wait3A_330 = arith.constant 0 : i32
      %dma_wait3A_331 = arith.constant 0 : i32
      %dma_wait3A_332 = tpu.memref_slice %arg10[%dma_wait3A_330, %dma_wait3A_331] : memref<10112x128xf32, #tpu.memory_space<vmem_shared>> -> memref<10112x128xf32, #tpu.memory_space<vmem_shared>>
      tpu.wait_indirect_dma semaphore(%arg13 : memref<!tpu.dma_semaphore, #tpu.memory_space<semaphore_mem>>) src(%arg8 : memref<128x128xf32, #tpu.memory_space<vmem>>) dst(%dma_wait3A_332 : memref<10112x128xf32, #tpu.memory_space<vmem_shared>>)
      %add3A_333 = arith.constant 2 : i32
      %add3A_334 = arith.addi %mul3A_325, %add3A_333 : i32
      %dma_start3A_335 = arith.constant 0 : i32
      %dma_start3A_336 = tpu.memref_slice %arg6[%add3A_334, %dma_start3A_335] : memref<40x128xi32, #tpu.memory_space<vmem>> -> memref<1x128xi32, #tpu.memory_space<vmem>>
      %dma_start3A_337 = tpu.memref_squeeze %dma_start3A_336 : memref<1x128xi32, #tpu.memory_space<vmem>> -> memref<128xi32, #tpu.memory_space<vmem>>
      %dma_start3A_338 = arith.constant 0 : i32
      %dma_start3A_339 = arith.constant 0 : i32
      %dma_start3A_340 = tpu.memref_slice %arg2[%dma_start3A_338, %dma_start3A_339] : memref<40000x128xf32, #tpu.memory_space<hbm>> -> memref<40000x128xf32, #tpu.memory_space<hbm>>
      tpu.enqueue_indirect_dma source(%dma_start3A_340 : memref<40000x128xf32, #tpu.memory_space<hbm>>) target(%arg8 : memref<128x128xf32, #tpu.memory_space<vmem>>) offsets(%dma_start3A_337 : memref<128xi32, #tpu.memory_space<vmem>>) semaphore(%arg11 : memref<!tpu.dma_semaphore, #tpu.memory_space<semaphore_mem>>)
      %dma_wait3A_341 = arith.constant 0 : i32
      %dma_wait3A_342 = arith.constant 0 : i32
      %dma_wait3A_343 = tpu.memref_slice %arg6[%dma_wait3A_341, %dma_wait3A_342] : memref<40x128xi32, #tpu.memory_space<vmem>> -> memref<1x128xi32, #tpu.memory_space<vmem>>
      %dma_wait3A_344 = tpu.memref_squeeze %dma_wait3A_343 : memref<1x128xi32, #tpu.memory_space<vmem>> -> memref<128xi32, #tpu.memory_space<vmem>>
      %dma_wait3A_345 = arith.constant 0 : i32
      %dma_wait3A_346 = arith.constant 0 : i32
      %dma_wait3A_347 = tpu.memref_slice %arg2[%dma_wait3A_345, %dma_wait3A_346] : memref<40000x128xf32, #tpu.memory_space<hbm>> -> memref<40000x128xf32, #tpu.memory_space<hbm>>
      tpu.wait_indirect_dma semaphore(%arg12 : memref<!tpu.dma_semaphore, #tpu.memory_space<semaphore_mem>>) src(%dma_wait3A_347 : memref<40000x128xf32, #tpu.memory_space<hbm>>) dst(%arg9 : memref<128x128xf32, #tpu.memory_space<vmem>>)
      %add3A_348 = arith.constant 1 : i32
      %add3A_349 = arith.addi %mul3A_325, %add3A_348 : i32
      %dma_start3A_350 = arith.constant 0 : i32
      %dma_start3A_351 = tpu.memref_slice %arg7[%add3A_349, %dma_start3A_350] : memref<40x128xi32, #tpu.memory_space<vmem>> -> memref<1x128xi32, #tpu.memory_space<vmem>>
      %dma_start3A_352 = tpu.memref_squeeze %dma_start3A_351 : memref<1x128xi32, #tpu.memory_space<vmem>> -> memref<128xi32, #tpu.memory_space<vmem>>
      %dma_start3A_353 = arith.constant 0 : i32
      %dma_start3A_354 = arith.constant 0 : i32
      %dma_start3A_355 = tpu.memref_slice %arg10[%dma_start3A_353, %dma_start3A_354] : memref<10112x128xf32, #tpu.memory_space<vmem_shared>> -> memref<10112x128xf32, #tpu.memory_space<vmem_shared>>
      tpu.enqueue_indirect_dma source(%arg9 : memref<128x128xf32, #tpu.memory_space<vmem>>) target(%dma_start3A_355 : memref<10112x128xf32, #tpu.memory_space<vmem_shared>>) offsets(%dma_start3A_352 : memref<128xi32, #tpu.memory_space<vmem>>) semaphore(%arg14 : memref<!tpu.dma_semaphore, #tpu.memory_space<semaphore_mem>>) {add = true}
      %dma_wait3A_356 = arith.constant 0 : i32
      %dma_wait3A_357 = arith.constant 0 : i32
      %dma_wait3A_358 = tpu.memref_slice %arg7[%dma_wait3A_356, %dma_wait3A_357] : memref<40x128xi32, #tpu.memory_space<vmem>> -> memref<1x128xi32, #tpu.memory_space<vmem>>
      %dma_wait3A_359 = tpu.memref_squeeze %dma_wait3A_358 : memref<1x128xi32, #tpu.memory_space<vmem>> -> memref<128xi32, #tpu.memory_space<vmem>>
      %dma_wait3A_360 = arith.constant 0 : i32
      %dma_wait3A_361 = arith.constant 0 : i32
      %dma_wait3A_362 = tpu.memref_slice %arg10[%dma_wait3A_360, %dma_wait3A_361] : memref<10112x128xf32, #tpu.memory_space<vmem_shared>> -> memref<10112x128xf32, #tpu.memory_space<vmem_shared>>
      tpu.wait_indirect_dma semaphore(%arg14 : memref<!tpu.dma_semaphore, #tpu.memory_space<semaphore_mem>>) src(%arg9 : memref<128x128xf32, #tpu.memory_space<vmem>>) dst(%dma_wait3A_362 : memref<10112x128xf32, #tpu.memory_space<vmem_shared>>)
      %add3A_363 = arith.constant 3 : i32
      %add3A_364 = arith.addi %mul3A_325, %add3A_363 : i32
      %dma_start3A_365 = arith.constant 0 : i32
      %dma_start3A_366 = tpu.memref_slice %arg6[%add3A_364, %dma_start3A_365] : memref<40x128xi32, #tpu.memory_space<vmem>> -> memref<1x128xi32, #tpu.memory_space<vmem>>
      %dma_start3A_367 = tpu.memref_squeeze %dma_start3A_366 : memref<1x128xi32, #tpu.memory_space<vmem>> -> memref<128xi32, #tpu.memory_space<vmem>>
      %dma_start3A_368 = arith.constant 0 : i32
      %dma_start3A_369 = arith.constant 0 : i32
      %dma_start3A_370 = tpu.memref_slice %arg2[%dma_start3A_368, %dma_start3A_369] : memref<40000x128xf32, #tpu.memory_space<hbm>> -> memref<40000x128xf32, #tpu.memory_space<hbm>>
      tpu.enqueue_indirect_dma source(%dma_start3A_370 : memref<40000x128xf32, #tpu.memory_space<hbm>>) target(%arg9 : memref<128x128xf32, #tpu.memory_space<vmem>>) offsets(%dma_start3A_367 : memref<128xi32, #tpu.memory_space<vmem>>) semaphore(%arg12 : memref<!tpu.dma_semaphore, #tpu.memory_space<semaphore_mem>>)
      %dma_wait3A_371 = arith.constant 0 : i32
      %dma_wait3A_372 = arith.constant 0 : i32
      %dma_wait3A_373 = tpu.memref_slice %arg6[%dma_wait3A_371, %dma_wait3A_372] : memref<40x128xi32, #tpu.memory_space<vmem>> -> memref<1x128xi32, #tpu.memory_space<vmem>>
      %dma_wait3A_374 = tpu.memref_squeeze %dma_wait3A_373 : memref<1x128xi32, #tpu.memory_space<vmem>> -> memref<128xi32, #tpu.memory_space<vmem>>
      %dma_wait3A_375 = arith.constant 0 : i32
      %dma_wait3A_376 = arith.constant 0 : i32
      %dma_wait3A_377 = tpu.memref_slice %arg2[%dma_wait3A_375, %dma_wait3A_376] : memref<40000x128xf32, #tpu.memory_space<hbm>> -> memref<40000x128xf32, #tpu.memory_space<hbm>>
      tpu.wait_indirect_dma semaphore(%arg11 : memref<!tpu.dma_semaphore, #tpu.memory_space<semaphore_mem>>) src(%dma_wait3A_377 : memref<40000x128xf32, #tpu.memory_space<hbm>>) dst(%arg8 : memref<128x128xf32, #tpu.memory_space<vmem>>)
      %add3A_378 = arith.constant 2 : i32
      %add3A_379 = arith.addi %mul3A_325, %add3A_378 : i32
      %dma_start3A_380 = arith.constant 0 : i32
      %dma_start3A_381 = tpu.memref_slice %arg7[%add3A_379, %dma_start3A_380] : memref<40x128xi32, #tpu.memory_space<vmem>> -> memref<1x128xi32, #tpu.memory_space<vmem>>
      %dma_start3A_382 = tpu.memref_squeeze %dma_start3A_381 : memref<1x128xi32, #tpu.memory_space<vmem>> -> memref<128xi32, #tpu.memory_space<vmem>>
      %dma_start3A_383 = arith.constant 0 : i32
      %dma_start3A_384 = arith.constant 0 : i32
      %dma_start3A_385 = tpu.memref_slice %arg10[%dma_start3A_383, %dma_start3A_384] : memref<10112x128xf32, #tpu.memory_space<vmem_shared>> -> memref<10112x128xf32, #tpu.memory_space<vmem_shared>>
      tpu.enqueue_indirect_dma source(%arg8 : memref<128x128xf32, #tpu.memory_space<vmem>>) target(%dma_start3A_385 : memref<10112x128xf32, #tpu.memory_space<vmem_shared>>) offsets(%dma_start3A_382 : memref<128xi32, #tpu.memory_space<vmem>>) semaphore(%arg13 : memref<!tpu.dma_semaphore, #tpu.memory_space<semaphore_mem>>) {add = true}
    }
    %scan3A_221 = arith.constant 19 : i32
    %dma_wait3A_222 = arith.constant 0 : i32
    %dma_wait3A_223 = arith.constant 0 : i32
    %dma_wait3A_224 = tpu.memref_slice %arg7[%dma_wait3A_222, %dma_wait3A_223] : memref<40x128xi32, #tpu.memory_space<vmem>> -> memref<1x128xi32, #tpu.memory_space<vmem>>
    %dma_wait3A_225 = tpu.memref_squeeze %dma_wait3A_224 : memref<1x128xi32, #tpu.memory_space<vmem>> -> memref<128xi32, #tpu.memory_space<vmem>>
    %dma_wait3A_226 = arith.constant 0 : i32
    %dma_wait3A_227 = arith.constant 0 : i32
    %dma_wait3A_228 = tpu.memref_slice %arg10[%dma_wait3A_226, %dma_wait3A_227] : memref<10112x128xf32, #tpu.memory_space<vmem_shared>> -> memref<10112x128xf32, #tpu.memory_space<vmem_shared>>
    tpu.wait_indirect_dma semaphore(%arg13 : memref<!tpu.dma_semaphore, #tpu.memory_space<semaphore_mem>>) src(%arg8 : memref<128x128xf32, #tpu.memory_space<vmem>>) dst(%dma_wait3A_228 : memref<10112x128xf32, #tpu.memory_space<vmem_shared>>)
    %dma_wait3A_229 = arith.constant 0 : i32
    %dma_wait3A_230 = arith.constant 0 : i32
    %dma_wait3A_231 = tpu.memref_slice %arg6[%dma_wait3A_229, %dma_wait3A_230] : memref<40x128xi32, #tpu.memory_space<vmem>> -> memref<1x128xi32, #tpu.memory_space<vmem>>
    %dma_wait3A_232 = tpu.memref_squeeze %dma_wait3A_231 : memref<1x128xi32, #tpu.memory_space<vmem>> -> memref<128xi32, #tpu.memory_space<vmem>>
    %dma_wait3A_233 = arith.constant 0 : i32
    %dma_wait3A_234 = arith.constant 0 : i32
    %dma_wait3A_235 = tpu.memref_slice %arg2[%dma_wait3A_233, %dma_wait3A_234] : memref<40000x128xf32, #tpu.memory_space<hbm>> -> memref<40000x128xf32, #tpu.memory_space<hbm>>
    tpu.wait_indirect_dma semaphore(%arg12 : memref<!tpu.dma_semaphore, #tpu.memory_space<semaphore_mem>>) src(%dma_wait3A_235 : memref<40000x128xf32, #tpu.memory_space<hbm>>) dst(%arg9 : memref<128x128xf32, #tpu.memory_space<vmem>>)
    %dma_start3A_236 = arith.constant 39 : i32
    %dma_start3A_237 = arith.constant 0 : i32
    %dma_start3A_238 = tpu.memref_slice %arg7[%dma_start3A_236, %dma_start3A_237] : memref<40x128xi32, #tpu.memory_space<vmem>> -> memref<1x128xi32, #tpu.memory_space<vmem>>
    %dma_start3A_239 = tpu.memref_squeeze %dma_start3A_238 : memref<1x128xi32, #tpu.memory_space<vmem>> -> memref<128xi32, #tpu.memory_space<vmem>>
    %dma_start3A_240 = arith.constant 0 : i32
    %dma_start3A_241 = arith.constant 0 : i32
    %dma_start3A_242 = tpu.memref_slice %arg10[%dma_start3A_240, %dma_start3A_241] : memref<10112x128xf32, #tpu.memory_space<vmem_shared>> -> memref<10112x128xf32, #tpu.memory_space<vmem_shared>>
    tpu.enqueue_indirect_dma source(%arg9 : memref<128x128xf32, #tpu.memory_space<vmem>>) target(%dma_start3A_242 : memref<10112x128xf32, #tpu.memory_space<vmem_shared>>) offsets(%dma_start3A_239 : memref<128xi32, #tpu.memory_space<vmem>>) semaphore(%arg14 : memref<!tpu.dma_semaphore, #tpu.memory_space<semaphore_mem>>) {add = true}
    %dma_wait3A_243 = arith.constant 0 : i32
    %dma_wait3A_244 = arith.constant 0 : i32
    %dma_wait3A_245 = tpu.memref_slice %arg7[%dma_wait3A_243, %dma_wait3A_244] : memref<40x128xi32, #tpu.memory_space<vmem>> -> memref<1x128xi32, #tpu.memory_space<vmem>>
    %dma_wait3A_246 = tpu.memref_squeeze %dma_wait3A_245 : memref<1x128xi32, #tpu.memory_space<vmem>> -> memref<128xi32, #tpu.memory_space<vmem>>
    %dma_wait3A_247 = arith.constant 0 : i32
    %dma_wait3A_248 = arith.constant 0 : i32
    %dma_wait3A_249 = tpu.memref_slice %arg10[%dma_wait3A_247, %dma_wait3A_248] : memref<10112x128xf32, #tpu.memory_space<vmem_shared>> -> memref<10112x128xf32, #tpu.memory_space<vmem_shared>>
    tpu.wait_indirect_dma semaphore(%arg14 : memref<!tpu.dma_semaphore, #tpu.memory_space<semaphore_mem>>) src(%arg9 : memref<128x128xf32, #tpu.memory_space<vmem>>) dst(%dma_wait3A_249 : memref<10112x128xf32, #tpu.memory_space<vmem_shared>>)
    "tpu.region"() ({
      %run_scoped3A = tpu.sem_alloc : memref<!tpu.dma_semaphore, #tpu.memory_space<semaphore_mem>>
      %dma_start3A_323 = arith.constant 40 : i32
      %dma_start3A_324 = arith.constant 0 : i32
      %dma_start3A_325 = tpu.memref_slice %arg3[%add3A_160, %arg1, %dma_start3A_323, %dma_start3A_324] : memref<4x16x80x128xi32, #tpu.memory_space<hbm>> -> memref<1x1x40x128xi32, #tpu.memory_space<hbm>>
      %dma_start3A_326 = tpu.memref_squeeze %dma_start3A_325 : memref<1x1x40x128xi32, #tpu.memory_space<hbm>> -> memref<40x128xi32, #tpu.memory_space<hbm>>
      %dma_start3A_327 = arith.constant 40 : i32
      %dma_start3A_328 = arith.constant 0 : i32
      %dma_start3A_329 = tpu.memref_slice %arg3[%add3A_160, %arg1, %dma_start3A_327, %dma_start3A_328] : memref<4x16x80x128xi32, #tpu.memory_space<hbm>> -> memref<1x1x40x128xi32, #tpu.memory_space<hbm>>
      %dma_start3A_330 = tpu.memref_squeeze %dma_start3A_329 : memref<1x1x40x128xi32, #tpu.memory_space<hbm>> -> memref<40x128xi32, #tpu.memory_space<hbm>>
      tpu.enqueue_dma source(%dma_start3A_330 : memref<40x128xi32, #tpu.memory_space<hbm>>) target(%arg6 : memref<40x128xi32, #tpu.memory_space<vmem>>) target_semaphore(%run_scoped3A : memref<!tpu.dma_semaphore, #tpu.memory_space<semaphore_mem>>)
      %dma_wait3A_331 = arith.constant 40 : i32
      %dma_wait3A_332 = arith.constant 0 : i32
      %dma_wait3A_333 = tpu.memref_slice %arg3[%add3A_160, %arg1, %dma_wait3A_331, %dma_wait3A_332] : memref<4x16x80x128xi32, #tpu.memory_space<hbm>> -> memref<1x1x40x128xi32, #tpu.memory_space<hbm>>
      %dma_wait3A_334 = tpu.memref_squeeze %dma_wait3A_333 : memref<1x1x40x128xi32, #tpu.memory_space<hbm>> -> memref<40x128xi32, #tpu.memory_space<hbm>>
      %dma_wait3A_335 = arith.constant 40 : i32
      %dma_wait3A_336 = arith.constant 0 : i32
      %dma_wait3A_337 = tpu.memref_slice %arg3[%add3A_160, %arg1, %dma_wait3A_335, %dma_wait3A_336] : memref<4x16x80x128xi32, #tpu.memory_space<hbm>> -> memref<1x1x40x128xi32, #tpu.memory_space<hbm>>
      %dma_wait3A_338 = tpu.memref_squeeze %dma_wait3A_337 : memref<1x1x40x128xi32, #tpu.memory_space<hbm>> -> memref<40x128xi32, #tpu.memory_space<hbm>>
      tpu.wait_dma2 semaphore(%run_scoped3A : memref<!tpu.dma_semaphore, #tpu.memory_space<semaphore_mem>>) src(%dma_wait3A_338 : memref<40x128xi32, #tpu.memory_space<hbm>>) dst(%arg6 : memref<40x128xi32, #tpu.memory_space<vmem>>)
      tpu.yield
    }) : () -> ()
    "tpu.region"() ({
      %run_scoped3A = tpu.sem_alloc : memref<!tpu.dma_semaphore, #tpu.memory_space<semaphore_mem>>
      %dma_start3A_323 = arith.constant 40 : i32
      %dma_start3A_324 = arith.constant 0 : i32
      %dma_start3A_325 = tpu.memref_slice %arg4[%arg1, %dma_start3A_323, %dma_start3A_324] : memref<16x80x128xi32, #tpu.memory_space<hbm>> -> memref<1x40x128xi32, #tpu.memory_space<hbm>>
      %dma_start3A_326 = tpu.memref_squeeze %dma_start3A_325 : memref<1x40x128xi32, #tpu.memory_space<hbm>> -> memref<40x128xi32, #tpu.memory_space<hbm>>
      %dma_start3A_327 = arith.constant 40 : i32
      %dma_start3A_328 = arith.constant 0 : i32
      %dma_start3A_329 = tpu.memref_slice %arg4[%arg1, %dma_start3A_327, %dma_start3A_328] : memref<16x80x128xi32, #tpu.memory_space<hbm>> -> memref<1x40x128xi32, #tpu.memory_space<hbm>>
      %dma_start3A_330 = tpu.memref_squeeze %dma_start3A_329 : memref<1x40x128xi32, #tpu.memory_space<hbm>> -> memref<40x128xi32, #tpu.memory_space<hbm>>
      tpu.enqueue_dma source(%dma_start3A_330 : memref<40x128xi32, #tpu.memory_space<hbm>>) target(%arg7 : memref<40x128xi32, #tpu.memory_space<vmem>>) target_semaphore(%run_scoped3A : memref<!tpu.dma_semaphore, #tpu.memory_space<semaphore_mem>>)
      %dma_wait3A_331 = arith.constant 40 : i32
      %dma_wait3A_332 = arith.constant 0 : i32
      %dma_wait3A_333 = tpu.memref_slice %arg4[%arg1, %dma_wait3A_331, %dma_wait3A_332] : memref<16x80x128xi32, #tpu.memory_space<hbm>> -> memref<1x40x128xi32, #tpu.memory_space<hbm>>
      %dma_wait3A_334 = tpu.memref_squeeze %dma_wait3A_333 : memref<1x40x128xi32, #tpu.memory_space<hbm>> -> memref<40x128xi32, #tpu.memory_space<hbm>>
      %dma_wait3A_335 = arith.constant 40 : i32
      %dma_wait3A_336 = arith.constant 0 : i32
      %dma_wait3A_337 = tpu.memref_slice %arg4[%arg1, %dma_wait3A_335, %dma_wait3A_336] : memref<16x80x128xi32, #tpu.memory_space<hbm>> -> memref<1x40x128xi32, #tpu.memory_space<hbm>>
      %dma_wait3A_338 = tpu.memref_squeeze %dma_wait3A_337 : memref<1x40x128xi32, #tpu.memory_space<hbm>> -> memref<40x128xi32, #tpu.memory_space<hbm>>
      tpu.wait_dma2 semaphore(%run_scoped3A : memref<!tpu.dma_semaphore, #tpu.memory_space<semaphore_mem>>) src(%dma_wait3A_338 : memref<40x128xi32, #tpu.memory_space<hbm>>) dst(%arg7 : memref<40x128xi32, #tpu.memory_space<vmem>>)
      tpu.yield
    }) : () -> ()
    %dma_start3A_250 = arith.constant 0 : i32
    %dma_start3A_251 = arith.constant 0 : i32
    %dma_start3A_252 = tpu.memref_slice %arg6[%dma_start3A_250, %dma_start3A_251] : memref<40x128xi32, #tpu.memory_space<vmem>> -> memref<1x128xi32, #tpu.memory_space<vmem>>
    %dma_start3A_253 = tpu.memref_squeeze %dma_start3A_252 : memref<1x128xi32, #tpu.memory_space<vmem>> -> memref<128xi32, #tpu.memory_space<vmem>>
    %dma_start3A_254 = arith.constant 0 : i32
    %dma_start3A_255 = arith.constant 0 : i32
    %dma_start3A_256 = tpu.memref_slice %arg2[%dma_start3A_254, %dma_start3A_255] : memref<40000x128xf32, #tpu.memory_space<hbm>> -> memref<40000x128xf32, #tpu.memory_space<hbm>>
    tpu.enqueue_indirect_dma source(%dma_start3A_256 : memref<40000x128xf32, #tpu.memory_space<hbm>>) target(%arg8 : memref<128x128xf32, #tpu.memory_space<vmem>>) offsets(%dma_start3A_253 : memref<128xi32, #tpu.memory_space<vmem>>) semaphore(%arg11 : memref<!tpu.dma_semaphore, #tpu.memory_space<semaphore_mem>>)
    %dma_start3A_257 = arith.constant 1 : i32
    %dma_start3A_258 = arith.constant 0 : i32
    %dma_start3A_259 = tpu.memref_slice %arg6[%dma_start3A_257, %dma_start3A_258] : memref<40x128xi32, #tpu.memory_space<vmem>> -> memref<1x128xi32, #tpu.memory_space<vmem>>
    %dma_start3A_260 = tpu.memref_squeeze %dma_start3A_259 : memref<1x128xi32, #tpu.memory_space<vmem>> -> memref<128xi32, #tpu.memory_space<vmem>>
    %dma_start3A_261 = arith.constant 0 : i32
    %dma_start3A_262 = arith.constant 0 : i32
    %dma_start3A_263 = tpu.memref_slice %arg2[%dma_start3A_261, %dma_start3A_262] : memref<40000x128xf32, #tpu.memory_space<hbm>> -> memref<40000x128xf32, #tpu.memory_space<hbm>>
    tpu.enqueue_indirect_dma source(%dma_start3A_263 : memref<40000x128xf32, #tpu.memory_space<hbm>>) target(%arg9 : memref<128x128xf32, #tpu.memory_space<vmem>>) offsets(%dma_start3A_260 : memref<128xi32, #tpu.memory_space<vmem>>) semaphore(%arg12 : memref<!tpu.dma_semaphore, #tpu.memory_space<semaphore_mem>>)
    %dma_wait3A_264 = arith.constant 0 : i32
    %dma_wait3A_265 = arith.constant 0 : i32
    %dma_wait3A_266 = tpu.memref_slice %arg6[%dma_wait3A_264, %dma_wait3A_265] : memref<40x128xi32, #tpu.memory_space<vmem>> -> memref<1x128xi32, #tpu.memory_space<vmem>>
    %dma_wait3A_267 = tpu.memref_squeeze %dma_wait3A_266 : memref<1x128xi32, #tpu.memory_space<vmem>> -> memref<128xi32, #tpu.memory_space<vmem>>
    %dma_wait3A_268 = arith.constant 0 : i32
    %dma_wait3A_269 = arith.constant 0 : i32
    %dma_wait3A_270 = tpu.memref_slice %arg2[%dma_wait3A_268, %dma_wait3A_269] : memref<40000x128xf32, #tpu.memory_space<hbm>> -> memref<40000x128xf32, #tpu.memory_space<hbm>>
    tpu.wait_indirect_dma semaphore(%arg11 : memref<!tpu.dma_semaphore, #tpu.memory_space<semaphore_mem>>) src(%dma_wait3A_270 : memref<40000x128xf32, #tpu.memory_space<hbm>>) dst(%arg8 : memref<128x128xf32, #tpu.memory_space<vmem>>)
    %dma_start3A_271 = arith.constant 0 : i32
    %dma_start3A_272 = arith.constant 0 : i32
    %dma_start3A_273 = tpu.memref_slice %arg7[%dma_start3A_271, %dma_start3A_272] : memref<40x128xi32, #tpu.memory_space<vmem>> -> memref<1x128xi32, #tpu.memory_space<vmem>>
    %dma_start3A_274 = tpu.memref_squeeze %dma_start3A_273 : memref<1x128xi32, #tpu.memory_space<vmem>> -> memref<128xi32, #tpu.memory_space<vmem>>
    %dma_start3A_275 = arith.constant 0 : i32
    %dma_start3A_276 = arith.constant 0 : i32
    %dma_start3A_277 = tpu.memref_slice %arg10[%dma_start3A_275, %dma_start3A_276] : memref<10112x128xf32, #tpu.memory_space<vmem_shared>> -> memref<10112x128xf32, #tpu.memory_space<vmem_shared>>
    tpu.enqueue_indirect_dma source(%arg8 : memref<128x128xf32, #tpu.memory_space<vmem>>) target(%dma_start3A_277 : memref<10112x128xf32, #tpu.memory_space<vmem_shared>>) offsets(%dma_start3A_274 : memref<128xi32, #tpu.memory_space<vmem>>) semaphore(%arg13 : memref<!tpu.dma_semaphore, #tpu.memory_space<semaphore_mem>>) {add = true}
    %scan3A_278 = arith.constant 0 : i32
    %scan3A_279 = arith.constant 0 : i32
    %scan3A_280 = arith.constant 19 : i32
    %scan3A_281 = arith.addi %scan3A_279, %scan3A_280 : i32
    %scan3A_282 = arith.constant 1 : i32
    scf.for %scan3A_323 = %scan3A_279 to %scan3A_281 step %scan3A_282  : i32 {
      %mul3A_324 = arith.constant 2 : i32
      %mul3A_325 = arith.muli %scan3A_323, %mul3A_324 : i32
      %dma_wait3A_326 = arith.constant 0 : i32
      %dma_wait3A_327 = arith.constant 0 : i32
      %dma_wait3A_328 = tpu.memref_slice %arg7[%dma_wait3A_326, %dma_wait3A_327] : memref<40x128xi32, #tpu.memory_space<vmem>> -> memref<1x128xi32, #tpu.memory_space<vmem>>
      %dma_wait3A_329 = tpu.memref_squeeze %dma_wait3A_328 : memref<1x128xi32, #tpu.memory_space<vmem>> -> memref<128xi32, #tpu.memory_space<vmem>>
      %dma_wait3A_330 = arith.constant 0 : i32
      %dma_wait3A_331 = arith.constant 0 : i32
      %dma_wait3A_332 = tpu.memref_slice %arg10[%dma_wait3A_330, %dma_wait3A_331] : memref<10112x128xf32, #tpu.memory_space<vmem_shared>> -> memref<10112x128xf32, #tpu.memory_space<vmem_shared>>
      tpu.wait_indirect_dma semaphore(%arg13 : memref<!tpu.dma_semaphore, #tpu.memory_space<semaphore_mem>>) src(%arg8 : memref<128x128xf32, #tpu.memory_space<vmem>>) dst(%dma_wait3A_332 : memref<10112x128xf32, #tpu.memory_space<vmem_shared>>)
      %add3A_333 = arith.constant 2 : i32
      %add3A_334 = arith.addi %mul3A_325, %add3A_333 : i32
      %dma_start3A_335 = arith.constant 0 : i32
      %dma_start3A_336 = tpu.memref_slice %arg6[%add3A_334, %dma_start3A_335] : memref<40x128xi32, #tpu.memory_space<vmem>> -> memref<1x128xi32, #tpu.memory_space<vmem>>
      %dma_start3A_337 = tpu.memref_squeeze %dma_start3A_336 : memref<1x128xi32, #tpu.memory_space<vmem>> -> memref<128xi32, #tpu.memory_space<vmem>>
      %dma_start3A_338 = arith.constant 0 : i32
      %dma_start3A_339 = arith.constant 0 : i32
      %dma_start3A_340 = tpu.memref_slice %arg2[%dma_start3A_338, %dma_start3A_339] : memref<40000x128xf32, #tpu.memory_space<hbm>> -> memref<40000x128xf32, #tpu.memory_space<hbm>>
      tpu.enqueue_indirect_dma source(%dma_start3A_340 : memref<40000x128xf32, #tpu.memory_space<hbm>>) target(%arg8 : memref<128x128xf32, #tpu.memory_space<vmem>>) offsets(%dma_start3A_337 : memref<128xi32, #tpu.memory_space<vmem>>) semaphore(%arg11 : memref<!tpu.dma_semaphore, #tpu.memory_space<semaphore_mem>>)
      %dma_wait3A_341 = arith.constant 0 : i32
      %dma_wait3A_342 = arith.constant 0 : i32
      %dma_wait3A_343 = tpu.memref_slice %arg6[%dma_wait3A_341, %dma_wait3A_342] : memref<40x128xi32, #tpu.memory_space<vmem>> -> memref<1x128xi32, #tpu.memory_space<vmem>>
      %dma_wait3A_344 = tpu.memref_squeeze %dma_wait3A_343 : memref<1x128xi32, #tpu.memory_space<vmem>> -> memref<128xi32, #tpu.memory_space<vmem>>
      %dma_wait3A_345 = arith.constant 0 : i32
      %dma_wait3A_346 = arith.constant 0 : i32
      %dma_wait3A_347 = tpu.memref_slice %arg2[%dma_wait3A_345, %dma_wait3A_346] : memref<40000x128xf32, #tpu.memory_space<hbm>> -> memref<40000x128xf32, #tpu.memory_space<hbm>>
      tpu.wait_indirect_dma semaphore(%arg12 : memref<!tpu.dma_semaphore, #tpu.memory_space<semaphore_mem>>) src(%dma_wait3A_347 : memref<40000x128xf32, #tpu.memory_space<hbm>>) dst(%arg9 : memref<128x128xf32, #tpu.memory_space<vmem>>)
      %add3A_348 = arith.constant 1 : i32
      %add3A_349 = arith.addi %mul3A_325, %add3A_348 : i32
      %dma_start3A_350 = arith.constant 0 : i32
      %dma_start3A_351 = tpu.memref_slice %arg7[%add3A_349, %dma_start3A_350] : memref<40x128xi32, #tpu.memory_space<vmem>> -> memref<1x128xi32, #tpu.memory_space<vmem>>
      %dma_start3A_352 = tpu.memref_squeeze %dma_start3A_351 : memref<1x128xi32, #tpu.memory_space<vmem>> -> memref<128xi32, #tpu.memory_space<vmem>>
      %dma_start3A_353 = arith.constant 0 : i32
      %dma_start3A_354 = arith.constant 0 : i32
      %dma_start3A_355 = tpu.memref_slice %arg10[%dma_start3A_353, %dma_start3A_354] : memref<10112x128xf32, #tpu.memory_space<vmem_shared>> -> memref<10112x128xf32, #tpu.memory_space<vmem_shared>>
      tpu.enqueue_indirect_dma source(%arg9 : memref<128x128xf32, #tpu.memory_space<vmem>>) target(%dma_start3A_355 : memref<10112x128xf32, #tpu.memory_space<vmem_shared>>) offsets(%dma_start3A_352 : memref<128xi32, #tpu.memory_space<vmem>>) semaphore(%arg14 : memref<!tpu.dma_semaphore, #tpu.memory_space<semaphore_mem>>) {add = true}
      %dma_wait3A_356 = arith.constant 0 : i32
      %dma_wait3A_357 = arith.constant 0 : i32
      %dma_wait3A_358 = tpu.memref_slice %arg7[%dma_wait3A_356, %dma_wait3A_357] : memref<40x128xi32, #tpu.memory_space<vmem>> -> memref<1x128xi32, #tpu.memory_space<vmem>>
      %dma_wait3A_359 = tpu.memref_squeeze %dma_wait3A_358 : memref<1x128xi32, #tpu.memory_space<vmem>> -> memref<128xi32, #tpu.memory_space<vmem>>
      %dma_wait3A_360 = arith.constant 0 : i32
      %dma_wait3A_361 = arith.constant 0 : i32
      %dma_wait3A_362 = tpu.memref_slice %arg10[%dma_wait3A_360, %dma_wait3A_361] : memref<10112x128xf32, #tpu.memory_space<vmem_shared>> -> memref<10112x128xf32, #tpu.memory_space<vmem_shared>>
      tpu.wait_indirect_dma semaphore(%arg14 : memref<!tpu.dma_semaphore, #tpu.memory_space<semaphore_mem>>) src(%arg9 : memref<128x128xf32, #tpu.memory_space<vmem>>) dst(%dma_wait3A_362 : memref<10112x128xf32, #tpu.memory_space<vmem_shared>>)
      %add3A_363 = arith.constant 3 : i32
      %add3A_364 = arith.addi %mul3A_325, %add3A_363 : i32
      %dma_start3A_365 = arith.constant 0 : i32
      %dma_start3A_366 = tpu.memref_slice %arg6[%add3A_364, %dma_start3A_365] : memref<40x128xi32, #tpu.memory_space<vmem>> -> memref<1x128xi32, #tpu.memory_space<vmem>>
      %dma_start3A_367 = tpu.memref_squeeze %dma_start3A_366 : memref<1x128xi32, #tpu.memory_space<vmem>> -> memref<128xi32, #tpu.memory_space<vmem>>
      %dma_start3A_368 = arith.constant 0 : i32
      %dma_start3A_369 = arith.constant 0 : i32
      %dma_start3A_370 = tpu.memref_slice %arg2[%dma_start3A_368, %dma_start3A_369] : memref<40000x128xf32, #tpu.memory_space<hbm>> -> memref<40000x128xf32, #tpu.memory_space<hbm>>
      tpu.enqueue_indirect_dma source(%dma_start3A_370 : memref<40000x128xf32, #tpu.memory_space<hbm>>) target(%arg9 : memref<128x128xf32, #tpu.memory_space<vmem>>) offsets(%dma_start3A_367 : memref<128xi32, #tpu.memory_space<vmem>>) semaphore(%arg12 : memref<!tpu.dma_semaphore, #tpu.memory_space<semaphore_mem>>)
      %dma_wait3A_371 = arith.constant 0 : i32
      %dma_wait3A_372 = arith.constant 0 : i32
      %dma_wait3A_373 = tpu.memref_slice %arg6[%dma_wait3A_371, %dma_wait3A_372] : memref<40x128xi32, #tpu.memory_space<vmem>> -> memref<1x128xi32, #tpu.memory_space<vmem>>
      %dma_wait3A_374 = tpu.memref_squeeze %dma_wait3A_373 : memref<1x128xi32, #tpu.memory_space<vmem>> -> memref<128xi32, #tpu.memory_space<vmem>>
      %dma_wait3A_375 = arith.constant 0 : i32
      %dma_wait3A_376 = arith.constant 0 : i32
      %dma_wait3A_377 = tpu.memref_slice %arg2[%dma_wait3A_375, %dma_wait3A_376] : memref<40000x128xf32, #tpu.memory_space<hbm>> -> memref<40000x128xf32, #tpu.memory_space<hbm>>
      tpu.wait_indirect_dma semaphore(%arg11 : memref<!tpu.dma_semaphore, #tpu.memory_space<semaphore_mem>>) src(%dma_wait3A_377 : memref<40000x128xf32, #tpu.memory_space<hbm>>) dst(%arg8 : memref<128x128xf32, #tpu.memory_space<vmem>>)
      %add3A_378 = arith.constant 2 : i32
      %add3A_379 = arith.addi %mul3A_325, %add3A_378 : i32
      %dma_start3A_380 = arith.constant 0 : i32
      %dma_start3A_381 = tpu.memref_slice %arg7[%add3A_379, %dma_start3A_380] : memref<40x128xi32, #tpu.memory_space<vmem>> -> memref<1x128xi32, #tpu.memory_space<vmem>>
      %dma_start3A_382 = tpu.memref_squeeze %dma_start3A_381 : memref<1x128xi32, #tpu.memory_space<vmem>> -> memref<128xi32, #tpu.memory_space<vmem>>
      %dma_start3A_383 = arith.constant 0 : i32
      %dma_start3A_384 = arith.constant 0 : i32
      %dma_start3A_385 = tpu.memref_slice %arg10[%dma_start3A_383, %dma_start3A_384] : memref<10112x128xf32, #tpu.memory_space<vmem_shared>> -> memref<10112x128xf32, #tpu.memory_space<vmem_shared>>
      tpu.enqueue_indirect_dma source(%arg8 : memref<128x128xf32, #tpu.memory_space<vmem>>) target(%dma_start3A_385 : memref<10112x128xf32, #tpu.memory_space<vmem_shared>>) offsets(%dma_start3A_382 : memref<128xi32, #tpu.memory_space<vmem>>) semaphore(%arg13 : memref<!tpu.dma_semaphore, #tpu.memory_space<semaphore_mem>>) {add = true}
    }
    %scan3A_283 = arith.constant 19 : i32
    %dma_wait3A_284 = arith.constant 0 : i32
    %dma_wait3A_285 = arith.constant 0 : i32
    %dma_wait3A_286 = tpu.memref_slice %arg7[%dma_wait3A_284, %dma_wait3A_285] : memref<40x128xi32, #tpu.memory_space<vmem>> -> memref<1x128xi32, #tpu.memory_space<vmem>>
    %dma_wait3A_287 = tpu.memref_squeeze %dma_wait3A_286 : memref<1x128xi32, #tpu.memory_space<vmem>> -> memref<128xi32, #tpu.memory_space<vmem>>
    %dma_wait3A_288 = arith.constant 0 : i32
    %dma_wait3A_289 = arith.constant 0 : i32
    %dma_wait3A_290 = tpu.memref_slice %arg10[%dma_wait3A_288, %dma_wait3A_289] : memref<10112x128xf32, #tpu.memory_space<vmem_shared>> -> memref<10112x128xf32, #tpu.memory_space<vmem_shared>>
    tpu.wait_indirect_dma semaphore(%arg13 : memref<!tpu.dma_semaphore, #tpu.memory_space<semaphore_mem>>) src(%arg8 : memref<128x128xf32, #tpu.memory_space<vmem>>) dst(%dma_wait3A_290 : memref<10112x128xf32, #tpu.memory_space<vmem_shared>>)
    %dma_wait3A_291 = arith.constant 0 : i32
    %dma_wait3A_292 = arith.constant 0 : i32
    %dma_wait3A_293 = tpu.memref_slice %arg6[%dma_wait3A_291, %dma_wait3A_292] : memref<40x128xi32, #tpu.memory_space<vmem>> -> memref<1x128xi32, #tpu.memory_space<vmem>>
    %dma_wait3A_294 = tpu.memref_squeeze %dma_wait3A_293 : memref<1x128xi32, #tpu.memory_space<vmem>> -> memref<128xi32, #tpu.memory_space<vmem>>
    %dma_wait3A_295 = arith.constant 0 : i32
    %dma_wait3A_296 = arith.constant 0 : i32
    %dma_wait3A_297 = tpu.memref_slice %arg2[%dma_wait3A_295, %dma_wait3A_296] : memref<40000x128xf32, #tpu.memory_space<hbm>> -> memref<40000x128xf32, #tpu.memory_space<hbm>>
    tpu.wait_indirect_dma semaphore(%arg12 : memref<!tpu.dma_semaphore, #tpu.memory_space<semaphore_mem>>) src(%dma_wait3A_297 : memref<40000x128xf32, #tpu.memory_space<hbm>>) dst(%arg9 : memref<128x128xf32, #tpu.memory_space<vmem>>)
    %dma_start3A_298 = arith.constant 39 : i32
    %dma_start3A_299 = arith.constant 0 : i32
    %dma_start3A_300 = tpu.memref_slice %arg7[%dma_start3A_298, %dma_start3A_299] : memref<40x128xi32, #tpu.memory_space<vmem>> -> memref<1x128xi32, #tpu.memory_space<vmem>>
    %dma_start3A_301 = tpu.memref_squeeze %dma_start3A_300 : memref<1x128xi32, #tpu.memory_space<vmem>> -> memref<128xi32, #tpu.memory_space<vmem>>
    %dma_start3A_302 = arith.constant 0 : i32
    %dma_start3A_303 = arith.constant 0 : i32
    %dma_start3A_304 = tpu.memref_slice %arg10[%dma_start3A_302, %dma_start3A_303] : memref<10112x128xf32, #tpu.memory_space<vmem_shared>> -> memref<10112x128xf32, #tpu.memory_space<vmem_shared>>
    tpu.enqueue_indirect_dma source(%arg9 : memref<128x128xf32, #tpu.memory_space<vmem>>) target(%dma_start3A_304 : memref<10112x128xf32, #tpu.memory_space<vmem_shared>>) offsets(%dma_start3A_301 : memref<128xi32, #tpu.memory_space<vmem>>) semaphore(%arg14 : memref<!tpu.dma_semaphore, #tpu.memory_space<semaphore_mem>>) {add = true}
    %dma_wait3A_305 = arith.constant 0 : i32
    %dma_wait3A_306 = arith.constant 0 : i32
    %dma_wait3A_307 = tpu.memref_slice %arg7[%dma_wait3A_305, %dma_wait3A_306] : memref<40x128xi32, #tpu.memory_space<vmem>> -> memref<1x128xi32, #tpu.memory_space<vmem>>
    %dma_wait3A_308 = tpu.memref_squeeze %dma_wait3A_307 : memref<1x128xi32, #tpu.memory_space<vmem>> -> memref<128xi32, #tpu.memory_space<vmem>>
    %dma_wait3A_309 = arith.constant 0 : i32
    %dma_wait3A_310 = arith.constant 0 : i32
    %dma_wait3A_311 = tpu.memref_slice %arg10[%dma_wait3A_309, %dma_wait3A_310] : memref<10112x128xf32, #tpu.memory_space<vmem_shared>> -> memref<10112x128xf32, #tpu.memory_space<vmem_shared>>
    tpu.wait_indirect_dma semaphore(%arg14 : memref<!tpu.dma_semaphore, #tpu.memory_space<semaphore_mem>>) src(%arg9 : memref<128x128xf32, #tpu.memory_space<vmem>>) dst(%dma_wait3A_311 : memref<10112x128xf32, #tpu.memory_space<vmem_shared>>)
    %barrier3A_312 = arith.constant 0 : index
    tpu.barrier barrier_id(%barrier3A_312)
    %mul3A_313 = arith.constant 624 : i32
    %mul3A_314 = arith.muli %arg1, %mul3A_313 : i32
    %mul3A_315 = arith.constant 624 : i32
    %mul3A_316 = arith.muli %arg1, %mul3A_315 : i32
    "tpu.region"() ({
      %run_scoped3A = tpu.sem_alloc : memref<!tpu.dma_semaphore, #tpu.memory_space<semaphore_mem>>
      %dma_start3A_323 = arith.constant 0 : i32
      %dma_start3A_324 = arith.constant 0 : i32
      %dma_start3A_325 = tpu.memref_slice %arg5[%add3A_160, %dma_start3A_323, %dma_start3A_324] : memref<4x10000x128xf32, #tpu.memory_space<hbm>> -> memref<1x10000x128xf32, #tpu.memory_space<hbm>>
      %dma_start3A_326 = tpu.memref_squeeze %dma_start3A_325 : memref<1x10000x128xf32, #tpu.memory_space<hbm>> -> memref<10000x128xf32, #tpu.memory_space<hbm>>
      %dma_start3A_327 = arith.constant 0 : i32
      %dma_start3A_328 = tpu.memref_slice %dma_start3A_326[%mul3A_316, %dma_start3A_327] : memref<10000x128xf32, #tpu.memory_space<hbm>> -> memref<624x128xf32, #tpu.memory_space<hbm>>
      %dma_start3A_329 = arith.constant 0 : i32
      %dma_start3A_330 = tpu.memref_slice %arg10[%mul3A_314, %dma_start3A_329] : memref<10112x128xf32, #tpu.memory_space<vmem_shared>> -> memref<624x128xf32, #tpu.memory_space<vmem_shared>>
      tpu.enqueue_dma source(%dma_start3A_330 : memref<624x128xf32, #tpu.memory_space<vmem_shared>>) target(%dma_start3A_328 : memref<624x128xf32, #tpu.memory_space<hbm>>) target_semaphore(%run_scoped3A : memref<!tpu.dma_semaphore, #tpu.memory_space<semaphore_mem>>)
      %dma_wait3A_331 = arith.constant 0 : i32
      %dma_wait3A_332 = arith.constant 0 : i32
      %dma_wait3A_333 = tpu.memref_slice %arg5[%add3A_160, %dma_wait3A_331, %dma_wait3A_332] : memref<4x10000x128xf32, #tpu.memory_space<hbm>> -> memref<1x10000x128xf32, #tpu.memory_space<hbm>>
      %dma_wait3A_334 = tpu.memref_squeeze %dma_wait3A_333 : memref<1x10000x128xf32, #tpu.memory_space<hbm>> -> memref<10000x128xf32, #tpu.memory_space<hbm>>
      %dma_wait3A_335 = arith.constant 0 : i32
      %dma_wait3A_336 = tpu.memref_slice %dma_wait3A_334[%mul3A_316, %dma_wait3A_335] : memref<10000x128xf32, #tpu.memory_space<hbm>> -> memref<624x128xf32, #tpu.memory_space<hbm>>
      %dma_wait3A_337 = arith.constant 0 : i32
      %dma_wait3A_338 = tpu.memref_slice %arg10[%mul3A_314, %dma_wait3A_337] : memref<10112x128xf32, #tpu.memory_space<vmem_shared>> -> memref<624x128xf32, #tpu.memory_space<vmem_shared>>
      tpu.wait_dma2 semaphore(%run_scoped3A : memref<!tpu.dma_semaphore, #tpu.memory_space<semaphore_mem>>) src(%dma_wait3A_338 : memref<624x128xf32, #tpu.memory_space<vmem_shared>>) dst(%dma_wait3A_336 : memref<624x128xf32, #tpu.memory_space<hbm>>)
      tpu.yield
    }) : () -> ()
    %eq3A_317 = arith.constant 0 : i32
    %eq3A_318 = arith.cmpi eq, %arg1, %eq3A_317 : i32
    %convert_element_type3A_319 = arith.extui %eq3A_318 : i1 to i32
    %cond3A_320 = arith.constant 0 : i32
    %cond3A_321 = arith.cmpi ne, %convert_element_type3A_319, %cond3A_320 : i32
    scf.if %cond3A_321 {
      "tpu.region"() ({
        %run_scoped3A = tpu.sem_alloc : memref<!tpu.dma_semaphore, #tpu.memory_space<semaphore_mem>>
        %dma_start3A_323 = arith.constant 0 : i32
        %dma_start3A_324 = arith.constant 0 : i32
        %dma_start3A_325 = tpu.memref_slice %arg5[%add3A_160, %dma_start3A_323, %dma_start3A_324] : memref<4x10000x128xf32, #tpu.memory_space<hbm>> -> memref<1x10000x128xf32, #tpu.memory_space<hbm>>
        %dma_start3A_326 = tpu.memref_squeeze %dma_start3A_325 : memref<1x10000x128xf32, #tpu.memory_space<hbm>> -> memref<10000x128xf32, #tpu.memory_space<hbm>>
        %dma_start3A_327 = arith.constant 9984 : i32
        %dma_start3A_328 = arith.constant 0 : i32
        %dma_start3A_329 = tpu.memref_slice %dma_start3A_326[%dma_start3A_327, %dma_start3A_328] : memref<10000x128xf32, #tpu.memory_space<hbm>> -> memref<16x128xf32, #tpu.memory_space<hbm>>
        %dma_start3A_330 = arith.constant 9984 : i32
        %dma_start3A_331 = arith.constant 0 : i32
        %dma_start3A_332 = tpu.memref_slice %arg10[%dma_start3A_330, %dma_start3A_331] : memref<10112x128xf32, #tpu.memory_space<vmem_shared>> -> memref<16x128xf32, #tpu.memory_space<vmem_shared>>
        tpu.enqueue_dma source(%dma_start3A_332 : memref<16x128xf32, #tpu.memory_space<vmem_shared>>) target(%dma_start3A_329 : memref<16x128xf32, #tpu.memory_space<hbm>>) target_semaphore(%run_scoped3A : memref<!tpu.dma_semaphore, #tpu.memory_space<semaphore_mem>>)
        %dma_wait3A_333 = arith.constant 0 : i32
        %dma_wait3A_334 = arith.constant 0 : i32
        %dma_wait3A_335 = tpu.memref_slice %arg5[%add3A_160, %dma_wait3A_333, %dma_wait3A_334] : memref<4x10000x128xf32, #tpu.memory_space<hbm>> -> memref<1x10000x128xf32, #tpu.memory_space<hbm>>
        %dma_wait3A_336 = tpu.memref_squeeze %dma_wait3A_335 : memref<1x10000x128xf32, #tpu.memory_space<hbm>> -> memref<10000x128xf32, #tpu.memory_space<hbm>>
        %dma_wait3A_337 = arith.constant 9984 : i32
        %dma_wait3A_338 = arith.constant 0 : i32
        %dma_wait3A_339 = tpu.memref_slice %dma_wait3A_336[%dma_wait3A_337, %dma_wait3A_338] : memref<10000x128xf32, #tpu.memory_space<hbm>> -> memref<16x128xf32, #tpu.memory_space<hbm>>
        %dma_wait3A_340 = arith.constant 9984 : i32
        %dma_wait3A_341 = arith.constant 0 : i32
        %dma_wait3A_342 = tpu.memref_slice %arg10[%dma_wait3A_340, %dma_wait3A_341] : memref<10112x128xf32, #tpu.memory_space<vmem_shared>> -> memref<16x128xf32, #tpu.memory_space<vmem_shared>>
        tpu.wait_dma2 semaphore(%run_scoped3A : memref<!tpu.dma_semaphore, #tpu.memory_space<semaphore_mem>>) src(%dma_wait3A_342 : memref<16x128xf32, #tpu.memory_space<vmem_shared>>) dst(%dma_wait3A_339 : memref<16x128xf32, #tpu.memory_space<hbm>>)
        tpu.yield
      }) : () -> ()
    } else {
    }
    %barrier3A_322 = arith.constant 0 : index
    tpu.barrier barrier_id(%barrier3A_322)
    return
  }
}

module attributes {stable_mosaic.version = 14 : i64} {
  func.func @_proj_in_body(%arg0: i32, %arg1: i32, %arg2: memref<2000x256xf32, #tpu.memory_space<vmem>>, %arg3: memref<1x256x128xf32, #tpu.memory_space<vmem>>, %arg4: memref<1x1x128xf32, #tpu.memory_space<vmem>>, %arg5: memref<1x2000x128xf32, #tpu.memory_space<vmem>>) attributes {dimension_semantics = [#tpu.dimension_semantics<parallel>, #tpu.dimension_semantics<parallel>], iteration_bounds = array<i64: 4, 5>, scalar_prefetch = 0 : i64, scratch_operands = 0 : i64, tpu.core_type = #tpu.core_type<tc>, window_params = [{transform_indices = @transform_0, window_bounds = array<i64: 2000, 256>}, {transform_indices = @transform_1, window_bounds = array<i64: 1, 256, 128>}, {transform_indices = @transform_2, window_bounds = array<i64: 1, 1, 128>}, {transform_indices = @transform_3, window_bounds = array<i64: 1, 2000, 128>}]} {
    %get3A = arith.constant 0 : index
    %get3A_0 = arith.constant 0 : index
    %get3A_1 = vector.load %arg2[%get3A, %get3A_0] : memref<2000x256xf32, #tpu.memory_space<vmem>>, vector<2000x256xf32>
    %get3A_2 = arith.constant 0 : index
    %get3A_3 = arith.constant 0 : index
    %get3A_4 = arith.constant 0 : index
    %get3A_5 = vector.load %arg3[%get3A_2, %get3A_3, %get3A_4] : memref<1x256x128xf32, #tpu.memory_space<vmem>>, vector<1x256x128xf32>
    %get3A_6 = vector.shape_cast %get3A_5 : vector<1x256x128xf32> to vector<256x128xf32>
    %dot_general3A = arith.constant dense<0.000000e+00> : vector<2000x128xf32>
    %dot_general3A_7 = tpu.matmul %get3A_1, %get3A_6, %dot_general3A {dimension_numbers = #tpu.dot_dimension_numbers<[1], [0], [0], [1], [0, 0, 1, 1], [], []>, transpose_lhs_hint = false} : vector<2000x256xf32>, vector<256x128xf32>, vector<2000x128xf32> -> vector<2000x128xf32>
    %get3A_8 = arith.constant 0 : index
    %get3A_9 = arith.constant 0 : index
    %get3A_10 = arith.constant 0 : index
    %get3A_11 = vector.load %arg4[%get3A_8, %get3A_9, %get3A_10] : memref<1x1x128xf32, #tpu.memory_space<vmem>>, vector<1x1x128xf32>
    %get3A_12 = vector.shape_cast %get3A_11 : vector<1x1x128xf32> to vector<1x128xf32>
    %add3A = vector.broadcast %get3A_12 : vector<1x128xf32> to vector<2000x128xf32>
    %add3A_13 = arith.addf %dot_general3A_7, %add3A : vector<2000x128xf32>
    %max3A = arith.constant 0.000000e+00 : f32
    %max3A_14 = vector.broadcast %max3A : f32 to vector<2000x128xf32>
    %max3A_15 = arith.maximumf %add3A_13, %max3A_14 : vector<2000x128xf32>
    %swap3A = arith.constant 0 : index
    %swap3A_16 = arith.constant 0 : index
    %swap3A_17 = arith.constant 0 : index
    %swap3A_18 = vector.load %arg5[%swap3A, %swap3A_16, %swap3A_17] : memref<1x2000x128xf32, #tpu.memory_space<vmem>>, vector<1x2000x128xf32>
    %swap3A_19 = vector.shape_cast %swap3A_18 : vector<1x2000x128xf32> to vector<2000x128xf32>
    %swap3A_20 = vector.shape_cast %max3A_15 : vector<2000x128xf32> to vector<1x2000x128xf32>
    tpu.vector_store %arg5[%swap3A, %swap3A_16, %swap3A_17], %swap3A_20 {strides = array<i32>} : memref<1x2000x128xf32, #tpu.memory_space<vmem>>, vector<1x2000x128xf32>,
    return
  }
  func.func @transform_0(%arg0: i32, %arg1: i32) -> (i32, i32) {
    %c0_i32 = arith.constant 0 : i32
    %c0_i32_0 = arith.constant 0 : i32
    return %arg1, %c0_i32 : i32, i32
  }
  func.func @transform_1(%arg0: i32, %arg1: i32) -> (i32, i32, i32) {
    %c0_i32 = arith.constant 0 : i32
    %c0_i32_0 = arith.constant 0 : i32
    %c0_i32_1 = arith.constant 0 : i32
    return %arg0, %c0_i32, %c0_i32_0 : i32, i32, i32
  }
  func.func @transform_2(%arg0: i32, %arg1: i32) -> (i32, i32, i32) {
    %c0_i32 = arith.constant 0 : i32
    %c0_i32_0 = arith.constant 0 : i32
    %c0_i32_1 = arith.constant 0 : i32
    return %arg0, %c0_i32, %c0_i32_0 : i32, i32, i32
  }
  func.func @transform_3(%arg0: i32, %arg1: i32) -> (i32, i32, i32) {
    %c0_i32 = arith.constant 0 : i32
    %c0_i32_0 = arith.constant 0 : i32
    return %arg0, %arg1, %c0_i32 : i32, i32, i32
  }
}

module attributes {stable_mosaic.version = 14 : i64} {
  func.func @_layer_body(%arg0: i32, %arg1: i32, %arg2: i32, %arg3: memref<1x2000x128xf32, #tpu.memory_space<vmem>>, %arg4: memref<1x1x128x128xf32, #tpu.memory_space<vmem>>, %arg5: memref<1x1x128xf32, #tpu.memory_space<vmem>>, %arg6: memref<1x2000x128xf32, #tpu.memory_space<vmem>>, %arg7: memref<1x2000x128xf32, #tpu.memory_space<vmem>>, %arg8: memref<2000x128xf32, #tpu.memory_space<vmem>>) attributes {dimension_semantics = [#tpu.dimension_semantics<parallel>, #tpu.dimension_semantics<parallel>, #tpu.dimension_semantics<arbitrary>], iteration_bounds = array<i64: 4, 5, 4>, scalar_prefetch = 0 : i64, scratch_operands = 1 : i64, tpu.core_type = #tpu.core_type<tc>, window_params = [{transform_indices = @transform_0, window_bounds = array<i64: 1, 2000, 128>}, {transform_indices = @transform_1, window_bounds = array<i64: 1, 1, 128, 128>}, {transform_indices = @transform_2, window_bounds = array<i64: 1, 1, 128>}, {transform_indices = @transform_3, window_bounds = array<i64: 1, 2000, 128>}, {transform_indices = @transform_4, window_bounds = array<i64: 1, 2000, 128>}]} {
    %eq3A = arith.constant 0 : i32
    %eq3A_0 = arith.cmpi eq, %arg2, %eq3A : i32
    %convert_element_type3A = arith.extui %eq3A_0 : i1 to i32
    %cond3A = arith.constant 0 : i32
    %cond3A_1 = arith.cmpi ne, %convert_element_type3A, %cond3A : i32
    scf.if %cond3A_1 {
      %get3A = arith.constant 0 : index
      %get3A_11 = arith.constant 0 : index
      %get3A_12 = arith.constant 0 : index
      %get3A_13 = vector.load %arg3[%get3A, %get3A_11, %get3A_12] : memref<1x2000x128xf32, #tpu.memory_space<vmem>>, vector<1x2000x128xf32>
      %get3A_14 = vector.shape_cast %get3A_13 : vector<1x2000x128xf32> to vector<2000x128xf32>
      %get3A_15 = arith.constant 0 : index
      %get3A_16 = arith.constant 0 : index
      %get3A_17 = arith.constant 0 : index
      %get3A_18 = arith.constant 0 : index
      %get3A_19 = vector.load %arg4[%get3A_15, %get3A_16, %get3A_17, %get3A_18] : memref<1x1x128x128xf32, #tpu.memory_space<vmem>>, vector<1x1x128x128xf32>
      %get3A_20 = vector.shape_cast %get3A_19 : vector<1x1x128x128xf32> to vector<128x128xf32>
      %dot_general3A = arith.constant dense<0.000000e+00> : vector<2000x128xf32>
      %dot_general3A_21 = tpu.matmul %get3A_14, %get3A_20, %dot_general3A {dimension_numbers = #tpu.dot_dimension_numbers<[1], [0], [0], [1], [0, 0, 1, 1], [], []>, transpose_lhs_hint = false} : vector<2000x128xf32>, vector<128x128xf32>, vector<2000x128xf32> -> vector<2000x128xf32>
      %swap3A = arith.constant 0 : index
      %swap3A_22 = arith.constant 0 : index
      %swap3A_23 = vector.load %arg8[%swap3A, %swap3A_22] : memref<2000x128xf32, #tpu.memory_space<vmem>>, vector<2000x128xf32>
      tpu.vector_store %arg8[%swap3A, %swap3A_22], %dot_general3A_21 {strides = array<i32>} : memref<2000x128xf32, #tpu.memory_space<vmem>>, vector<2000x128xf32>,
    } else {
    }
    %gt3A = arith.constant 0 : i32
    %gt3A_2 = arith.cmpi sgt, %arg2, %gt3A : i32
    %convert_element_type3A_3 = arith.extui %gt3A_2 : i1 to i32
    %cond3A_4 = arith.constant 0 : i32
    %cond3A_5 = arith.cmpi ne, %convert_element_type3A_3, %cond3A_4 : i32
    scf.if %cond3A_5 {
      %get3A = arith.constant 0 : index
      %get3A_11 = arith.constant 0 : index
      %get3A_12 = vector.load %arg8[%get3A, %get3A_11] : memref<2000x128xf32, #tpu.memory_space<vmem>>, vector<2000x128xf32>
      %get3A_13 = arith.constant 0 : index
      %get3A_14 = arith.constant 0 : index
      %get3A_15 = arith.constant 0 : index
      %get3A_16 = vector.load %arg3[%get3A_13, %get3A_14, %get3A_15] : memref<1x2000x128xf32, #tpu.memory_space<vmem>>, vector<1x2000x128xf32>
      %get3A_17 = vector.shape_cast %get3A_16 : vector<1x2000x128xf32> to vector<2000x128xf32>
      %get3A_18 = arith.constant 0 : index
      %get3A_19 = arith.constant 0 : index
      %get3A_20 = arith.constant 0 : index
      %get3A_21 = arith.constant 0 : index
      %get3A_22 = vector.load %arg4[%get3A_18, %get3A_19, %get3A_20, %get3A_21] : memref<1x1x128x128xf32, #tpu.memory_space<vmem>>, vector<1x1x128x128xf32>
      %get3A_23 = vector.shape_cast %get3A_22 : vector<1x1x128x128xf32> to vector<128x128xf32>
      %dot_general3A = arith.constant dense<0.000000e+00> : vector<2000x128xf32>
      %dot_general3A_24 = tpu.matmul %get3A_17, %get3A_23, %dot_general3A {dimension_numbers = #tpu.dot_dimension_numbers<[1], [0], [0], [1], [0, 0, 1, 1], [], []>, transpose_lhs_hint = false} : vector<2000x128xf32>, vector<128x128xf32>, vector<2000x128xf32> -> vector<2000x128xf32>
      %add3A = arith.addf %get3A_12, %dot_general3A_24 : vector<2000x128xf32>
      %swap3A = arith.constant 0 : index
      %swap3A_25 = arith.constant 0 : index
      %swap3A_26 = vector.load %arg8[%swap3A, %swap3A_25] : memref<2000x128xf32, #tpu.memory_space<vmem>>, vector<2000x128xf32>
      tpu.vector_store %arg8[%swap3A, %swap3A_25], %add3A {strides = array<i32>} : memref<2000x128xf32, #tpu.memory_space<vmem>>, vector<2000x128xf32>,
    } else {
    }
    %eq3A_6 = arith.constant 3 : i32
    %eq3A_7 = arith.cmpi eq, %arg2, %eq3A_6 : i32
    %convert_element_type3A_8 = arith.extui %eq3A_7 : i1 to i32
    %cond3A_9 = arith.constant 0 : i32
    %cond3A_10 = arith.cmpi ne, %convert_element_type3A_8, %cond3A_9 : i32
    scf.if %cond3A_10 {
      %get3A = arith.constant 0 : index
      %get3A_11 = arith.constant 0 : index
      %get3A_12 = arith.constant 0 : index
      %get3A_13 = vector.load %arg6[%get3A, %get3A_11, %get3A_12] : memref<1x2000x128xf32, #tpu.memory_space<vmem>>, vector<1x2000x128xf32>
      %get3A_14 = vector.shape_cast %get3A_13 : vector<1x2000x128xf32> to vector<2000x128xf32>
      %get3A_15 = arith.constant 0 : index
      %get3A_16 = arith.constant 0 : index
      %get3A_17 = vector.load %arg8[%get3A_15, %get3A_16] : memref<2000x128xf32, #tpu.memory_space<vmem>>, vector<2000x128xf32>
      %get3A_18 = arith.constant 0 : index
      %get3A_19 = arith.constant 0 : index
      %get3A_20 = arith.constant 0 : index
      %get3A_21 = vector.load %arg5[%get3A_18, %get3A_19, %get3A_20] : memref<1x1x128xf32, #tpu.memory_space<vmem>>, vector<1x1x128xf32>
      %get3A_22 = vector.shape_cast %get3A_21 : vector<1x1x128xf32> to vector<1x128xf32>
      %add3A = vector.broadcast %get3A_22 : vector<1x128xf32> to vector<2000x128xf32>
      %add3A_23 = arith.addf %get3A_17, %add3A : vector<2000x128xf32>
      %max3A = arith.constant 0.000000e+00 : f32
      %max3A_24 = vector.broadcast %max3A : f32 to vector<2000x128xf32>
      %max3A_25 = arith.maximumf %add3A_23, %max3A_24 : vector<2000x128xf32>
      %add3A_26 = arith.addf %get3A_14, %max3A_25 : vector<2000x128xf32>
      %swap3A = arith.constant 0 : index
      %swap3A_27 = arith.constant 0 : index
      %swap3A_28 = arith.constant 0 : index
      %swap3A_29 = vector.load %arg7[%swap3A, %swap3A_27, %swap3A_28] : memref<1x2000x128xf32, #tpu.memory_space<vmem>>, vector<1x2000x128xf32>
      %swap3A_30 = vector.shape_cast %swap3A_29 : vector<1x2000x128xf32> to vector<2000x128xf32>
      %swap3A_31 = vector.shape_cast %add3A_26 : vector<2000x128xf32> to vector<1x2000x128xf32>
      tpu.vector_store %arg7[%swap3A, %swap3A_27, %swap3A_28], %swap3A_31 {strides = array<i32>} : memref<1x2000x128xf32, #tpu.memory_space<vmem>>, vector<1x2000x128xf32>,
    } else {
    }
    return
  }
  func.func @transform_0(%arg0: i32, %arg1: i32, %arg2: i32) -> (i32, i32, i32) {
    %c0_i32 = arith.constant 0 : i32
    %c0_i32_0 = arith.constant 0 : i32
    return %arg2, %arg1, %c0_i32 : i32, i32, i32
  }
  func.func @transform_1(%arg0: i32, %arg1: i32, %arg2: i32) -> (i32, i32, i32, i32) {
    %c0_i32 = arith.constant 0 : i32
    %c0_i32_0 = arith.constant 0 : i32
    %c0_i32_1 = arith.constant 0 : i32
    return %arg2, %arg0, %c0_i32, %c0_i32_0 : i32, i32, i32, i32
  }
  func.func @transform_2(%arg0: i32, %arg1: i32, %arg2: i32) -> (i32, i32, i32) {
    %c0_i32 = arith.constant 0 : i32
    %c0_i32_0 = arith.constant 0 : i32
    %c0_i32_1 = arith.constant 0 : i32
    return %arg0, %c0_i32, %c0_i32_0 : i32, i32, i32
  }
  func.func @transform_3(%arg0: i32, %arg1: i32, %arg2: i32) -> (i32, i32, i32) {
    %c0_i32 = arith.constant 0 : i32
    %c0_i32_0 = arith.constant 0 : i32
    return %arg0, %arg1, %c0_i32 : i32, i32, i32
  }
  func.func @transform_4(%arg0: i32, %arg1: i32, %arg2: i32) -> (i32, i32, i32) {
    %c0_i32 = arith.constant 0 : i32
    %c0_i32_0 = arith.constant 0 : i32
    return %arg0, %arg1, %c0_i32 : i32, i32, i32
  }
}

module attributes {stable_mosaic.version = 14 : i64} {
  func.func @_final_body(%arg0: i32, %arg1: i32, %arg2: i32, %arg3: memref<1x2000x128xf32, #tpu.memory_space<vmem>>, %arg4: memref<1x1x128x128xf32, #tpu.memory_space<vmem>>, %arg5: memref<1x1x128xf32, #tpu.memory_space<vmem>>, %arg6: memref<1x2000x128xf32, #tpu.memory_space<vmem>>, %arg7: memref<1x8x128xf32, #tpu.memory_space<vmem>>, %arg8: memref<2000x128xf32, #tpu.memory_space<vmem>>) attributes {dimension_semantics = [#tpu.dimension_semantics<parallel>, #tpu.dimension_semantics<arbitrary>, #tpu.dimension_semantics<arbitrary>], iteration_bounds = array<i64: 4, 5, 4>, scalar_prefetch = 0 : i64, scratch_operands = 1 : i64, tpu.core_type = #tpu.core_type<tc>, window_params = [{transform_indices = @transform_0, window_bounds = array<i64: 1, 2000, 128>}, {transform_indices = @transform_1, window_bounds = array<i64: 1, 1, 128, 128>}, {transform_indices = @transform_2, window_bounds = array<i64: 1, 1, 128>}, {transform_indices = @transform_3, window_bounds = array<i64: 1, 2000, 128>}, {transform_indices = @transform_4, window_bounds = array<i64: 1, 8, 128>}]} {
    %eq3A = arith.constant 0 : i32
    %eq3A_0 = arith.cmpi eq, %arg2, %eq3A : i32
    %convert_element_type3A = arith.extui %eq3A_0 : i1 to i32
    %cond3A = arith.constant 0 : i32
    %cond3A_1 = arith.cmpi ne, %convert_element_type3A, %cond3A : i32
    scf.if %cond3A_1 {
      %get3A = arith.constant 0 : index
      %get3A_11 = arith.constant 0 : index
      %get3A_12 = arith.constant 0 : index
      %get3A_13 = vector.load %arg3[%get3A, %get3A_11, %get3A_12] : memref<1x2000x128xf32, #tpu.memory_space<vmem>>, vector<1x2000x128xf32>
      %get3A_14 = vector.shape_cast %get3A_13 : vector<1x2000x128xf32> to vector<2000x128xf32>
      %get3A_15 = arith.constant 0 : index
      %get3A_16 = arith.constant 0 : index
      %get3A_17 = arith.constant 0 : index
      %get3A_18 = arith.constant 0 : index
      %get3A_19 = vector.load %arg4[%get3A_15, %get3A_16, %get3A_17, %get3A_18] : memref<1x1x128x128xf32, #tpu.memory_space<vmem>>, vector<1x1x128x128xf32>
      %get3A_20 = vector.shape_cast %get3A_19 : vector<1x1x128x128xf32> to vector<128x128xf32>
      %dot_general3A = arith.constant dense<0.000000e+00> : vector<2000x128xf32>
      %dot_general3A_21 = tpu.matmul %get3A_14, %get3A_20, %dot_general3A {dimension_numbers = #tpu.dot_dimension_numbers<[1], [0], [0], [1], [0, 0, 1, 1], [], []>, transpose_lhs_hint = false} : vector<2000x128xf32>, vector<128x128xf32>, vector<2000x128xf32> -> vector<2000x128xf32>
      %swap3A = arith.constant 0 : index
      %swap3A_22 = arith.constant 0 : index
      %swap3A_23 = vector.load %arg8[%swap3A, %swap3A_22] : memref<2000x128xf32, #tpu.memory_space<vmem>>, vector<2000x128xf32>
      tpu.vector_store %arg8[%swap3A, %swap3A_22], %dot_general3A_21 {strides = array<i32>} : memref<2000x128xf32, #tpu.memory_space<vmem>>, vector<2000x128xf32>,
    } else {
    }
    %gt3A = arith.constant 0 : i32
    %gt3A_2 = arith.cmpi sgt, %arg2, %gt3A : i32
    %convert_element_type3A_3 = arith.extui %gt3A_2 : i1 to i32
    %cond3A_4 = arith.constant 0 : i32
    %cond3A_5 = arith.cmpi ne, %convert_element_type3A_3, %cond3A_4 : i32
    scf.if %cond3A_5 {
      %get3A = arith.constant 0 : index
      %get3A_11 = arith.constant 0 : index
      %get3A_12 = vector.load %arg8[%get3A, %get3A_11] : memref<2000x128xf32, #tpu.memory_space<vmem>>, vector<2000x128xf32>
      %get3A_13 = arith.constant 0 : index
      %get3A_14 = arith.constant 0 : index
      %get3A_15 = arith.constant 0 : index
      %get3A_16 = vector.load %arg3[%get3A_13, %get3A_14, %get3A_15] : memref<1x2000x128xf32, #tpu.memory_space<vmem>>, vector<1x2000x128xf32>
      %get3A_17 = vector.shape_cast %get3A_16 : vector<1x2000x128xf32> to vector<2000x128xf32>
      %get3A_18 = arith.constant 0 : index
      %get3A_19 = arith.constant 0 : index
      %get3A_20 = arith.constant 0 : index
      %get3A_21 = arith.constant 0 : index
      %get3A_22 = vector.load %arg4[%get3A_18, %get3A_19, %get3A_20, %get3A_21] : memref<1x1x128x128xf32, #tpu.memory_space<vmem>>, vector<1x1x128x128xf32>
      %get3A_23 = vector.shape_cast %get3A_22 : vector<1x1x128x128xf32> to vector<128x128xf32>
      %dot_general3A = arith.constant dense<0.000000e+00> : vector<2000x128xf32>
      %dot_general3A_24 = tpu.matmul %get3A_17, %get3A_23, %dot_general3A {dimension_numbers = #tpu.dot_dimension_numbers<[1], [0], [0], [1], [0, 0, 1, 1], [], []>, transpose_lhs_hint = false} : vector<2000x128xf32>, vector<128x128xf32>, vector<2000x128xf32> -> vector<2000x128xf32>
      %add3A = arith.addf %get3A_12, %dot_general3A_24 : vector<2000x128xf32>
      %swap3A = arith.constant 0 : index
      %swap3A_25 = arith.constant 0 : index
      %swap3A_26 = vector.load %arg8[%swap3A, %swap3A_25] : memref<2000x128xf32, #tpu.memory_space<vmem>>, vector<2000x128xf32>
      tpu.vector_store %arg8[%swap3A, %swap3A_25], %add3A {strides = array<i32>} : memref<2000x128xf32, #tpu.memory_space<vmem>>, vector<2000x128xf32>,
    } else {
    }
    %eq3A_6 = arith.constant 3 : i32
    %eq3A_7 = arith.cmpi eq, %arg2, %eq3A_6 : i32
    %convert_element_type3A_8 = arith.extui %eq3A_7 : i1 to i32
    %cond3A_9 = arith.constant 0 : i32
    %cond3A_10 = arith.cmpi ne, %convert_element_type3A_8, %cond3A_9 : i32
    scf.if %cond3A_10 {
      %get3A = arith.constant 0 : index
      %get3A_11 = arith.constant 0 : index
      %get3A_12 = arith.constant 0 : index
      %get3A_13 = vector.load %arg6[%get3A, %get3A_11, %get3A_12] : memref<1x2000x128xf32, #tpu.memory_space<vmem>>, vector<1x2000x128xf32>
      %get3A_14 = vector.shape_cast %get3A_13 : vector<1x2000x128xf32> to vector<2000x128xf32>
      %get3A_15 = arith.constant 0 : index
      %get3A_16 = arith.constant 0 : index
      %get3A_17 = vector.load %arg8[%get3A_15, %get3A_16] : memref<2000x128xf32, #tpu.memory_space<vmem>>, vector<2000x128xf32>
      %get3A_18 = arith.constant 0 : index
      %get3A_19 = arith.constant 0 : index
      %get3A_20 = arith.constant 0 : index
      %get3A_21 = vector.load %arg5[%get3A_18, %get3A_19, %get3A_20] : memref<1x1x128xf32, #tpu.memory_space<vmem>>, vector<1x1x128xf32>
      %get3A_22 = vector.shape_cast %get3A_21 : vector<1x1x128xf32> to vector<1x128xf32>
      %add3A = vector.broadcast %get3A_22 : vector<1x128xf32> to vector<2000x128xf32>
      %add3A_23 = arith.addf %get3A_17, %add3A : vector<2000x128xf32>
      %max3A = arith.constant 0.000000e+00 : f32
      %max3A_24 = vector.broadcast %max3A : f32 to vector<2000x128xf32>
      %max3A_25 = arith.maximumf %add3A_23, %max3A_24 : vector<2000x128xf32>
      %add3A_26 = arith.addf %get3A_14, %max3A_25 : vector<2000x128xf32>
      %reduce_sum3A = arith.constant dense<0.000000e+00> : vector<128xf32>
      %reduce_sum3A_27 = vector.multi_reduction <add>, %add3A_26, %reduce_sum3A [0] : vector<2000x128xf32> to vector<128xf32>
      %broadcast_in_dim3A = vector.shape_cast %reduce_sum3A_27 : vector<128xf32> to vector<1x128xf32>
      %mul3A = arith.constant 9.99999974E-5 : f32
      %mul3A_28 = vector.broadcast %mul3A : f32 to vector<1x128xf32>
      %mul3A_29 = arith.mulf %broadcast_in_dim3A, %mul3A_28 : vector<1x128xf32>
      %broadcast_in_dim3A_30 = vector.shape_cast %mul3A_29 : vector<1x128xf32> to vector<1x128xf32>
      %broadcast_in_dim3A_31 = vector.broadcast %broadcast_in_dim3A_30 : vector<1x128xf32> to vector<8x128xf32>
      %eq3A_32 = arith.constant 0 : i32
      %eq3A_33 = arith.cmpi eq, %arg1, %eq3A_32 : i32
      %convert_element_type3A_34 = arith.extui %eq3A_33 : i1 to i32
      %cond3A_35 = arith.constant 0 : i32
      %cond3A_36 = arith.cmpi ne, %convert_element_type3A_34, %cond3A_35 : i32
      scf.if %cond3A_36 {
        %swap3A = arith.constant 0 : index
        %swap3A_42 = arith.constant 0 : index
        %swap3A_43 = arith.constant 0 : index
        %swap3A_44 = vector.load %arg7[%swap3A, %swap3A_42, %swap3A_43] : memref<1x8x128xf32, #tpu.memory_space<vmem>>, vector<1x8x128xf32>
        %swap3A_45 = vector.shape_cast %swap3A_44 : vector<1x8x128xf32> to vector<8x128xf32>
        %swap3A_46 = vector.shape_cast %broadcast_in_dim3A_31 : vector<8x128xf32> to vector<1x8x128xf32>
        tpu.vector_store %arg7[%swap3A, %swap3A_42, %swap3A_43], %swap3A_46 {strides = array<i32>} : memref<1x8x128xf32, #tpu.memory_space<vmem>>, vector<1x8x128xf32>,
      } else {
      }
      %gt3A_37 = arith.constant 0 : i32
      %gt3A_38 = arith.cmpi sgt, %arg1, %gt3A_37 : i32
      %convert_element_type3A_39 = arith.extui %gt3A_38 : i1 to i32
      %cond3A_40 = arith.constant 0 : i32
      %cond3A_41 = arith.cmpi ne, %convert_element_type3A_39, %cond3A_40 : i32
      scf.if %cond3A_41 {
        %get3A_42 = arith.constant 0 : index
        %get3A_43 = arith.constant 0 : index
        %get3A_44 = arith.constant 0 : index
        %get3A_45 = vector.load %arg7[%get3A_42, %get3A_43, %get3A_44] : memref<1x8x128xf32, #tpu.memory_space<vmem>>, vector<1x8x128xf32>
        %get3A_46 = vector.shape_cast %get3A_45 : vector<1x8x128xf32> to vector<8x128xf32>
        %add3A_47 = arith.addf %get3A_46, %broadcast_in_dim3A_31 : vector<8x128xf32>
        %swap3A = arith.constant 0 : index
        %swap3A_48 = arith.constant 0 : index
        %swap3A_49 = arith.constant 0 : index
        %swap3A_50 = vector.load %arg7[%swap3A, %swap3A_48, %swap3A_49] : memref<1x8x128xf32, #tpu.memory_space<vmem>>, vector<1x8x128xf32>
        %swap3A_51 = vector.shape_cast %swap3A_50 : vector<1x8x128xf32> to vector<8x128xf32>
        %swap3A_52 = vector.shape_cast %add3A_47 : vector<8x128xf32> to vector<1x8x128xf32>
        tpu.vector_store %arg7[%swap3A, %swap3A_48, %swap3A_49], %swap3A_52 {strides = array<i32>} : memref<1x8x128xf32, #tpu.memory_space<vmem>>, vector<1x8x128xf32>,
      } else {
      }
    } else {
    }
    return
  }
  func.func @transform_0(%arg0: i32, %arg1: i32, %arg2: i32) -> (i32, i32, i32) {
    %c0_i32 = arith.constant 0 : i32
    %c0_i32_0 = arith.constant 0 : i32
    return %arg2, %arg1, %c0_i32 : i32, i32, i32
  }
  func.func @transform_1(%arg0: i32, %arg1: i32, %arg2: i32) -> (i32, i32, i32, i32) {
    %c0_i32 = arith.constant 0 : i32
    %c0_i32_0 = arith.constant 0 : i32
    %c0_i32_1 = arith.constant 0 : i32
    return %arg2, %arg0, %c0_i32, %c0_i32_0 : i32, i32, i32, i32
  }
  func.func @transform_2(%arg0: i32, %arg1: i32, %arg2: i32) -> (i32, i32, i32) {
    %c0_i32 = arith.constant 0 : i32
    %c0_i32_0 = arith.constant 0 : i32
    %c0_i32_1 = arith.constant 0 : i32
    return %arg0, %c0_i32, %c0_i32_0 : i32, i32, i32
  }
  func.func @transform_3(%arg0: i32, %arg1: i32, %arg2: i32) -> (i32, i32, i32) {
    %c0_i32 = arith.constant 0 : i32
    %c0_i32_0 = arith.constant 0 : i32
    return %arg0, %arg1, %c0_i32 : i32, i32, i32
  }
  func.func @transform_4(%arg0: i32, %arg1: i32, %arg2: i32) -> (i32, i32, i32) {
    %c0_i32 = arith.constant 0 : i32
    %c0_i32_0 = arith.constant 0 : i32
    %c0_i32_1 = arith.constant 0 : i32
    return %arg0, %c0_i32, %c0_i32_0 : i32, i32, i32
  }
}

</mosaic_0001>

<sc_bundles>
// kernel: kernel.10.cloned.1.call-start
scs
__scs_entry_jumppad:
0x0: {  	(pc) =	sbr.rel $0x88, $3  }
0x1: {  	(tag) =	ssettag $0x0;
	lr =	simm.s32 $0x1  }
0x2: {  	[smem:$0x3F98] =	sst lr;
	_ =	strace $0xD0000000  }
0x3: {  	_ = 	snop  }
0x4: {  	_ = 	snop  }
0x5: {  	_ = 	snop  }
0x6: {  	_ = 	snop  }
0x7: {  	_ = 	snop  }
__scs_overlays_trampoline_lowered:
0x8: {  	[smem:$0x3FA7] =	sst s0  }
0x9: {  	[smem:$0x3FA8] =	sst s1  }
0xa: {  	[smem:$0x3FA9] =	sst s2  }
0xb: {  	[smem:$0x3FAA] =	sst s3  }
0xc: {  	[smem:$0x3FAB] =	sst s4  }
0xd: {  	[smem:$0x3FAC] =	sst s5  }
0xe: {  	[smem:$0x3FAD] =	sst s6  }
0xf: {  	[smem:$0x3FAE] =	sst s7  }
0x10: {  	[smem:$0x3FAF] =	sst s8  }
0x11: {  	[smem:$0x3FB0] =	sst s9;
	s0 =	simm.s32 @!p0 $0x0  }
0x12: {  	s1 =	sld [smem:$0x3F96];
	s0 =	simm.s32 @p0 $0x1  }
0x13: {  	[smem:$0x3FB1] =	sst s0;
	s0 =	simm.s32 @!p1 $0x0  }
0x14: {  	s2 =	sld [smem:$0x3F95];
	s0 =	simm.s32 @p1 $0x1  }
0x15: {  	[smem:$0x3FB2] =	sst s0;
	s0 =	simm.s32 @!p2 $0x0  }
0x16: {  	s3 =	sld [smem:$0x3FDB];
	s0 =	simm.s32 @p2 $0x1  }
0x17: {  	s4 =	simm.s32 $0x1BF5;
	[smem:$0x3FB4] =	sst s0  }
0x18: {  	s0 =	sld [smem:$0x3F97];
	_ =	swait.ge [sflag:s4], $0x0  }
0x19: {  	s7 =	sld [smem:$0x3F98]  }
0x1a: {  	s8 =	sadd.s32 $0xFFFFE003, lr  }
0x1b: {  	s9 =	sadd.s32 $0xFFFFFEF7, lr;
	s5 =	simm.s32 $0xFFFFFFFF;
	p2 =	slt.u32 s8, $0xFFFFF086  }
0x1c: {  	p1 =	slt.u32 s9, $0xF7A;
	s5 =	simm.s32 @!p2 $0x0  }
0x1d: {  	s5 =	simm.s32 @p1 $0x1;
	p0 =	seq.s32 s7, s2  }
0x1e: {  	s7 =	smul.u32 @!p0 $0xF7A, s2;
	p2 =	seq.s32 @!p0 s5, $0x0  }
0x1f: {  	s9 =	smul.u32 $0xF7A, s1;
	s8 =	simm.s32 @!p0 $0x1BF5;
	p2 =	por !p2, p0  }
0x20: {  	[sflag:s8] =	ssyncset.s32 @!p0 $0xFFFFF086;
	s6 =	sadd.s32 @!p0 s3, s7;
	s7 =	simm.s32 @!p0 $0x108  }
0x21: {  	s3 =	sadd.s32 s3, s9;
	s6 =	sadd.s32 @!p0 $0x88, s6;
	s7 =	simm.s32 @p2 $0x1082  }
0x22: {  	[simem:s7], [sflag:s8] =	dma.local @!p0 [hbm:s6], $0xF7A  }
0x23: {  	s9 =	sor.u32 $0xD0000000, s2;
	s6 =	simm.s32 $0x108;
	_ =	swait.ge @!p0 [sflag:s8], $0x0  }
0x24: {  	s3 =	sadd.s32 $0x88, s3;
	s6 =	simm.s32 @!p1 $0x1082;
	[sflag:s4] =	ssyncset.s32 $0xFFFFF086  }
0x25: {  	[simem:s6], [sflag:s4] =	dma.local [hbm:s3], $0xF7A  }
0x26: {  	[smem:$0x3F98] =	sst s1;
	(tag) =	ssettag s2;
	_ =	strace s9  }
0x27: {  	s1 =	sld [smem:$0x3FA8]  }
0x28: {  	s2 =	sld [smem:$0x3FA9]  }
0x29: {  	s4 =	sld [smem:$0x3FAB]  }
0x2a: {  	p0 =	seq.s32 s5, $0x0;
	s5 =	sld [smem:$0x3FAC]  }
0x2b: {  	s6 =	sld [smem:$0x3FAD]  }
0x2c: {  	s7 =	sld [smem:$0x3FAE]  }
0x2d: {  	s3 =	simm.s32 $0x108;
	s8 =	sld [smem:$0x3FAF]  }
0x2e: {  	s3 =	simm.s32 @!p0 $0x1082;
	s9 =	sld [smem:$0x3FB0]  }
0x2f: {  	lr =	sadd.s32 s0, s3;
	s0 =	sld [smem:$0x3FA7]  }
0x30: {  	s3 =	sld [smem:$0x3FAA]  }
0x31: {  	[smem:$0x3FB3] =	sst s10  }
0x32: {  	s10 =	sld [smem:$0x3FB1];
	_ =	sdelay $0x3  }
0x33: {  	p0 =	seq.s32 s10, $0x1;
	s10 =	sld [smem:$0x3FB3];
	_ =	sdelay $0x3  }
0x34: {  	[smem:$0x3FB3] =	sst s10  }
0x35: {  	s10 =	sld [smem:$0x3FB2];
	_ =	sdelay $0x3  }
0x36: {  	p1 =	seq.s32 s10, $0x1;
	s10 =	sld [smem:$0x3FB3];
	_ =	sdelay $0x3  }
0x37: {  	[smem:$0x3FB3] =	sst s10  }
0x38: {  	s10 =	sld [smem:$0x3FB4]  }
0x39: {  	_ = 	snop;
	(pc) =	sbr.ind lr, $3  }
0x3a: {  	_ = 	snop  }
0x3b: {  	_ = 	snop  }
0x3c: {  	p2 =	seq.s32 s10, $0x1;
	s10 =	sld [smem:$0x3FB3]  }
0x3d: {  	_ =	shalt  }
0x3e: {  	_ =	shalt  }
0x3f: {  	_ =	shalt  }
0x40: {  	_ =	shalt  }
0x41: {  	_ =	shalt  }
0x42: {  	_ =	shalt  }
0x43: {  	_ =	shalt  }
0x44: {  	_ =	shalt  }
0x45: {  	_ =	shalt  }
0x46: {  	_ =	shalt  }
0x47: {  	_ =	shalt  }
0x48: {  	_ =	shalt  }
0x49: {  	_ =	shalt  }
0x4a: {  	_ =	shalt  }
0x4b: {  	_ =	shalt  }
0x4c: {  	_ =	shalt  }
0x4d: {  	_ =	shalt  }
0x4e: {  	_ =	shalt  }
0x4f: {  	_ =	shalt  }
0x50: {  	_ =	shalt  }
0x51: {  	_ =	shalt  }
0x52: {  	_ =	shalt  }
0x53: {  	_ =	shalt  }
0x54: {  	_ =	shalt  }
0x55: {  	_ =	shalt  }
0x56: {  	_ =	shalt  }
0x57: {  	_ =	shalt  }
0x58: {  	_ =	shalt  }
0x59: {  	_ =	shalt  }
0x5a: {  	_ =	shalt  }
0x5b: {  	_ =	shalt  }
0x5c: {  	_ =	shalt  }
0x5d: {  	_ =	shalt  }
0x5e: {  	_ =	shalt  }
0x5f: {  	_ =	shalt  }
0x60: {  	_ =	shalt  }
0x61: {  	_ =	shalt  }
0x62: {  	_ =	shalt  }
0x63: {  	_ =	shalt  }
0x64: {  	_ =	shalt  }
0x65: {  	_ =	shalt  }
0x66: {  	_ =	shalt  }
0x67: {  	_ =	shalt  }
0x68: {  	_ =	shalt  }
0x69: {  	_ =	shalt  }
0x6a: {  	_ =	shalt  }
0x6b: {  	_ =	shalt  }
0x6c: {  	_ =	shalt  }
0x6d: {  	_ =	shalt  }
0x6e: {  	_ =	shalt  }
0x6f: {  	_ =	shalt  }
0x70: {  	_ =	shalt  }
0x71: {  	_ =	shalt  }
0x72: {  	_ =	shalt  }
0x73: {  	_ =	shalt  }
0x74: {  	_ =	shalt  }
0x75: {  	_ =	shalt  }
0x76: {  	_ =	shalt  }
0x77: {  	_ =	shalt  }
0x78: {  	_ =	shalt  }
0x79: {  	_ =	shalt  }
0x7a: {  	_ =	shalt  }
0x7b: {  	_ =	shalt  }
0x7c: {  	_ =	shalt  }
0x7d: {  	_ =	shalt  }
0x7e: {  	_ =	shalt  }
0x7f: {  	_ =	shalt  }
0x80: {  	_ =	shalt  }
0x81: {  	_ =	shalt  }
0x82: {  	_ =	shalt  }
0x83: {  	_ =	shalt  }
0x84: {  	_ =	shalt  }
0x85: {  	_ =	shalt  }
0x86: {  	_ =	shalt  }
0x87: {  	_ =	shalt  }
.Lfunc_end0:
.L_simem_size_0:
called_computation.1_lowered:
.L_overlay_start_0:
0x88: {  	s2 =	sld [smem:$0x3FD9]  }
0x89: {  	s3 =	sld [smem:$0x3FFE];
	_ =	sdelay $0x1  }
0x8a: {  	s1 =	srdreg.scid  }
0x8b: {  	s0 =	sand.u32 $0x1, s1  }
0x8c: {  	s16 =	sshll.u32 s0, $0xA;
	s2 =	sadd.s32 s3, s2  }
0x8d: {  	s2 =	sadd.s32 s2, s16  }
0x8e: {  	[smem:$0x3FBF] =	sst s2  }
0x8f: {  	_ = 	snop  }
0x90: {  	(tm) =	ssettm $0x1  }
0x91: {  	s17 =	sld [smem:$0x3FFB];
	_ =	sdelay $0x3  }
0x92: {  	_ =	strace s17  }
0x93: {  	s2 =	sld [smem:$0x3FFC];
	_ =	sdelay $0x3  }
0x94: {  	_ =	strace s2  }
0x95: {  	s2 =	sld [smem:$0x3FFD];
	_ =	sdelay $0x3  }
0x96: {  	_ =	strace s2  }
0x97: {  	_ =	strace $0x8FFFFFFF  }
0x98: {  	s18 =	sld [smem:$0x3FDB];
	_ =	sdelay $0x1  }
0x99: {  	s19 =	simm.s32 $_scs_section_size  }
0x9a: {  	s4 =	simm.s32 $_size__tile_overlayer_lowered;
	s5 =	simm.s32 $_tile_overlayer_lowered  }
0x9b: {  	s22 =	simm.s32 $0x1BFF;
	s21 =	sshll.u32 s5, $0x1;
	s2 =	sadd.s32 s19, s18  }
0x9c: {  	s6 =	simm.s32 $0x0;
	s20 =	sshll.u32 s4, $0x1;
	s4 =	sadd.s32 s21, s2  }
0x9d: {  	[timem:s6], [sflag:s22] =	dma.local [hbm:s4], s20  }
0x9e: {  	_ =	swait.ge [sflag:s22], s20  }
0x9f: {  	s3 =	ssub.s32 $0x0, s20;
	[sflag:s22] =	ssyncset.done $0x0  }
0xa0: {  	[sflag:s22] =	ssyncadd.s32 s3;
	_ =	sdelay $0x1  }
0xa1: {  	s23 =	simm.s32 $0x1B8B  }
0xa2: {  	_ =	swait.ge [sflag:s23], $0x1  }
0xa3: {  	[sflag:s23] =	ssyncset.done $0x0  }
0xa4: {  	s25 =	simm.s32 $0x1B8E;
	s24 =	sld [smem:$0x3FFE];
	[sflag:s23] =	ssyncadd.s32 $0xFFFFFFFF  }
0xa5: {  	s26 =	simm.s32 $execute0_lowered;
	[smem:$0x3FD2] =	sst s25  }
0xa6: {  	s4 =	sshll.u32 s26, $0x1;
	_ =	strace $0x80000049;
	[dreg:$0x1] =	wrdreg $0xFFFFFFFF  }
0xa7: {  	s28 =	simm.s32 $_size_execute0_lowered;
	s2 =	sadd.s32 s2, s4;
	[dreg:$0x0] =	wrdreg $0x0  }
0xa8: {  	s4 =	sshll.u32 s28, $0x1;
	[dreg:$0x2] =	wrdreg s2  }
0xa9: {  	[dreg:$0x3] =	wrdreg s4  }
0xaa: {  	[dreg:$0x4] =	wrdreg $0xC0  }
0xab: {  	_ =	task [dreg:s6], $0x5FFFF  }
0xac: {  	[dreg:$0x1] =	wrdreg $0xFFFFFFFF  }
0xad: {  	[dreg:$0x0] =	wrdreg $0x60  }
0xae: {  	[dreg:$0x2] =	wrdreg s24  }
0xaf: {  	[dreg:$0x3] =	wrdreg $0xA8000  }
0xb0: {  	[dreg:$0x4] =	wrdreg $0x9  }
0xb1: {  	_ =	task.clear_ibuf [dreg:s6], $0x5FFFF;
	_ =	strace $0x90000049  }
0xb2: {  	s29 =	simm.s32 $0x9;
	_ =	strace $0x8000004B  }
0xb3: {  	_ =	swait.ge [sflag:s29], $0x1  }
0xb4: {  	[sflag:s29] =	ssyncadd.s32 $0xFFFFFFFF  }
0xb5: {  	_ =	strace $0x9000004B  }
0xb6: {  	_ =	sfence  }
0xb7: {  	s30 =	sld [smem:$0x0];
	_ =	sdelay $0x2  }
0xb8: {  	s31 =	sshll.u32 s1, $0xD;
	s1 =	sshrl.u32 s1, $0x2  }
0xb9: {  	s3 =	sand.u32 $0x4000, s31;
	s1 =	sadd.s32 s1, s30  }
0xba: {  	s0 =	sor.u32 s3, s0;
	s1 =	sshll.u32 s1, $0x11  }
0xbb: {  	s0 =	sor.u32 s1, s0  }
0xbc: {  	s0 =	sadd.s32 $0x8F2B, s0  }
0xbd: {  	[sflag:s0] =	ssyncadd.remote.s32 $0x1  }
0xbe: {  	_ =	sfence.sel $0xFFFF  }
0xbf: {  	[dreg:$0x0] =	wrdreg $0xFFFFFFFF;
	(pc) =	sbr.abs _section_cstart, $3  }
0xc0: {  	[dreg:$0x1] =	wrdreg $0xFFFFFFFF  }
0xc1: {  	_ =	task.clear_ibuf [dreg:s6], $0x2FFFF;
	_ =	strace $0x9FFFFFFF  }
0xc2: {  	(tm) =	ssettm $0x7FFFFFFF  }
0xc3: {  	_ =	shalt  }
tec
execute0_lowered:
.L_overlay_start_1:
0x0: {  	(tag) =	ssettag $0x1  }
0x1: {  	s0 =	rddreg [dreg:$0x0]  }
0x2: {  	s1 =	rddreg [dreg:$0x1];
	s2 =	simm.s32 $0x0  }
0x3: {  	s19 =	stileid.u32;
	s6 =	srdreg.scid;
	s28 =	simm.s32 $0x1  }
0x4: {  	s29 =	simm.s32 $0x3;
	s30 =	simm.s32 $0x2;
	s3 =	smul.u32 $0x2800, s19  }
0x5: {  	s31 =	simm.s32 $0x4;
	[smem:$0x7FF] =	sst s2;
	s7 =	smul.u32 $0x4F000, s19  }
0x6: {  	s4 =	sadd.s32 $0x1A000, s0;
	s9 =	sand.u32 $0x1, s6;
	s16 =	smul.u32 $0x4E000, s19  }
0x7: {  	s10 =	sadd.s32 $0x1000, s0;
	s25 =	sadd.s32 $0x138000, s1;
	s11 =	smul.u32 $0x50000, s9  }
0x8: {  	p0 =	sne.s32 s19, $0x0;
	_ =	strace $0x8000004A;
	s14 =	smul.u32 $0x4E200, s9  }
0x9: {  	s6 =	ssub.s32 $0x2, s9;
	s17 =	sshllo.u32 s9, $0x1;
	[dreg:$0x6] =	wrdreg s25  }
0xa: {  	s25 =	simm.s32 $0x80;
	s5 =	sshrl.u32 s3, $0x3;
	s18 =	smul.u32 $0x28000, s17  }
0xb: {  	s21 =	sshrl.u32 s7, $0x2;
	s22 =	sshrl.u32 s6, $0x1;
	s24 =	smul.u32 $0x27100, s17  }
0xc: {  	s23 =	sshrl.u32 s16, $0x2;
	s16 =	smul.u32 $0x2700, s19;
	s12 =	sadd.s32 s5, s0  }
0xd: {  	s0 =	sadd.s32 $0xB6400, s0;
	s5 =	sadd.s32 s21, s1;
	s15 =	ssub.s32 s6, s22  }
0xe: {  	s11 =	sadd.s32 s3, s11;
	s22 =	simm.s32 $0x2800;
	s6 =	sadd.s32 $0x4000, s5  }
0xf: {  	s7 =	sadd.s32 $0x8000, s5;
	s8 =	sadd.s32 $0xC000, s5;
	s11 =	sshrl.u32 s11, $0x3  }
0x10: {  	s9 =	sadd.s32 $0xFC00, s5;
	s14 =	sadd.s32 s0, s14;
	s3 =	sadd.s32 s3, s18  }
0x11: {  	s20 =	sadd.s32 s0, s24;
	s26 =	smax.u32 s15, $0x1;
	s24 =	simm.s32 $0x1400  }
0x12: {  	s0 =	simm.s32 $0x2780;
	s13 =	sadd.s32 s10, s11;
	[dreg:$0x9] =	wrdreg s26  }
0x13: {  	s3 =	sshrl.u32 s3, $0x3;
	[dreg:$0x3] =	wrdreg s13;
	s13 =	sadd.s32 $0x280, s13  }
0x14: {  	s11 =	sadd.s32 $0x15000, s12;
	s3 =	sadd.s32 s10, s3;
	[dreg:$0x4] =	wrdreg s13  }
0x15: {  	s13 =	sadd.s32 $0x15280, s12;
	s12 =	sadd.s32 s23, s1;
	[dreg:$0x7] =	wrdreg s3  }
0x16: {  	s26 =	simm.s32 $0x6800;
	s3 =	sadd.s32 $0x280, s3;
	[dreg:$0x5] =	wrdreg s12  }
0x17: {  	v0 =	vimm.f32 $0.0e+00;
	s23 =	simm.s32 $0x5;
	[dreg:$0x8] =	wrdreg s3;
	s3 =	simm.s32 $0x0  }
.LBB2_1:
0x18: {  	s10 =	sand.u32 $0xFE00, s2  }
0x19: {  	s15 =	sand.u32 $0x70, s2;
	s10 =	sshrl.u32 s10, $0x2  }
0x1a: {  	s12 =	simm.s32 $0x40;
	s15 =	sor.u32 s15, s10;
	s10 =	simm.s32 $0x0  }
.LBB2_2:
0x1b: {  	p1 =	sne.s32 s12, $0xFFC0  }
0x1c: {  	[tilespmem:s15+$0x2800] =	vst v0;
	s10 =	sadd.s32 $0x10, s10;
	s15 =	smov.u32 s12;
	s12 =	sadd.s32 $0x40, s12  }
.Ltmp0:
0x1d: {  	(pc) =	sbr.rel @p1 .LBB2_2-.Ltmp0, $4  }
0x1e: {  	_ = 	snop  }
0x1f: {  	s15 =	sand.u32 $0xFE00, s15  }
0x20: {  	s17 =	sand.u32 $0x70, s10;
	s15 =	sshrl.u32 s15, $0x2  }
0x21: {  	s15 =	sor.u32 s17, s15  }
0x22: {  	[tilespmem:s15+$0x2800] =	vst v0  }
0x23: {  	[spmem:s5] =	stream.linear.scatter [tilespmem:s22], [sflag:$0x5], $0x4000, $0x38;
	[tilespmem:$0x1E400] =	vst v63  }
0x24: {  	_ =	swait.ge [sflag:s23], $0x4000  }
0x25: {  	[sflag:s23] =	ssyncset.done $0x0  }
0x26: {  	[sflag:s23] =	ssyncadd.s32 $0xFFFFC000  }
0x27: {  	[spmem:s6] =	stream.linear.scatter [tilespmem:s22], [sflag:$0x5], $0x4000, $0x38;
	[tilespmem:$0x1E400] =	vst v63  }
0x28: {  	_ =	swait.ge [sflag:s23], $0x4000  }
0x29: {  	[sflag:s23] =	ssyncset.done $0x0  }
0x2a: {  	[sflag:s23] =	ssyncadd.s32 $0xFFFFC000  }
0x2b: {  	[spmem:s7] =	stream.linear.scatter [tilespmem:s22], [sflag:$0x5], $0x4000, $0x38;
	[tilespmem:$0x1E400] =	vst v63  }
0x2c: {  	_ =	swait.ge [sflag:s23], $0x4000  }
0x2d: {  	[sflag:s23] =	ssyncset.done $0x0  }
0x2e: {  	[sflag:s23] =	ssyncadd.s32 $0xFFFFC000  }
0x2f: {  	[spmem:s8] =	stream.linear.scatter [tilespmem:s22], [sflag:$0x5], $0x4000, $0x38;
	[tilespmem:$0x1E400] =	vst v63  }
0x30: {  	_ =	swait.ge [sflag:s23], $0x4000  }
0x31: {  	[sflag:s23] =	ssyncset.done $0x0  }
0x32: {  	[sflag:s23] =	ssyncadd.s32 $0xFFFFC000  }
0x33: {  	[spmem:s9] =	stream.linear.scatter [tilespmem:s22], [sflag:$0x5], $0x4000, $0x38;
	[tilespmem:$0x1E400] =	vst v63  }
0x34: {  	_ =	swait.ge [sflag:s23], $0x4000  }
0x35: {  	[sflag:s23] =	ssyncset.done $0x0  }
0x36: {  	[sflag:s23] =	ssyncadd.s32 $0xFFFFC000  }
0x37: {  	[bflag:$0x0] =	sbarrier.arrive $0xFFFF  }
0x38: {  	s10 =	rddreg [dreg:$0x3]  }
0x39: {  	[tilespmem:s2], [sflag:$0x5] =	stream.linear.gather [hbm4b:s10+s2], $0x1400, $0x38;
	[tilespmem:$0x1E400] =	vst v63  }
0x3a: {  	_ =	swait.ge [sflag:s23], $0x1400  }
0x3b: {  	[sflag:s23] =	ssyncset.done $0x0  }
0x3c: {  	[sflag:s23] =	ssyncadd.s32 $0xFFFFEC00  }
0x3d: {  	[tilespmem:s24], [sflag:$0x5] =	stream.linear.gather [hbm4b:s11+s2], $0x1400, $0x38;
	[tilespmem:$0x1E400] =	vst v63  }
0x3e: {  	_ =	swait.ge [sflag:s23], $0x1400  }
0x3f: {  	[sflag:s23] =	ssyncset.done $0x0  }
0x40: {  	[sflag:s23] =	ssyncadd.s32 $0xFFFFEC00  }
0x41: {  	[tilespmem:s22], [sflag:$0x1] =	stream.indirect.gather [hbm4b:s4+s25], $0x80, s2, s25, $0xb8;
	[tilespmem:$0x1E400] =	vst v63  }
0x42: {  	_ = 	snop  }
0x43: {  	[tilespmem:s26], [sflag:$0x2] =	stream.indirect.gather [hbm4b:s4+s25], $0x80, s25, s25, $0xb8;
	[tilespmem:$0x1E400] =	vst v63  }
0x44: {  	_ =	swait.ge [sflag:s28], $0x4000  }
0x45: {  	[sflag:s28] =	ssyncset.done $0x0  }
0x46: {  	[sflag:s28] =	ssyncadd.s32 $0xFFFFC000  }
0x47: {  	[spmem:s1] =	stream.indirect.scatter.add.f32 [tilespmem:s22], [sflag:$0x3], $0x80, s24, s25, $0xb8;
	[tilespmem:$0x1E400] =	vst v63  }
0x48: {  	_ =	swait.ge [sflag:s29], $0x4000  }
0x49: {  	[sflag:s29] =	ssyncset.done $0x0  }
0x4a: {  	s18 =	simm.s32 $0x100;
	[sflag:s29] =	ssyncadd.s32 $0xFFFFC000  }
0x4b: {  	[tilespmem:s22], [sflag:$0x1] =	stream.indirect.gather [hbm4b:s4+s25], $0x80, s18, s25, $0xb8;
	[tilespmem:$0x1E400] =	vst v63  }
0x4c: {  	_ =	swait.ge [sflag:s30], $0x4000  }
0x4d: {  	[sflag:s30] =	ssyncset.done $0x0  }
0x4e: {  	s19 =	simm.s32 $0x1480;
	[sflag:s30] =	ssyncadd.s32 $0xFFFFC000  }
0x4f: {  	[spmem:s1] =	stream.indirect.scatter.add.f32 [tilespmem:s26], [sflag:$0x4], $0x80, s19, s25, $0xb8;
	[tilespmem:$0x1E400] =	vst v63  }
0x50: {  	_ =	swait.ge [sflag:s31], $0x4000  }
0x51: {  	[sflag:s31] =	ssyncset.done $0x0  }
0x52: {  	s21 =	simm.s32 $0x180;
	[sflag:s31] =	ssyncadd.s32 $0xFFFFC000  }
0x53: {  	[tilespmem:s26], [sflag:$0x2] =	stream.indirect.gather [hbm4b:s4+s25], $0x80, s21, s25, $0xb8;
	[tilespmem:$0x1E400] =	vst v63  }
0x54: {  	_ =	swait.ge [sflag:s28], $0x4000  }
0x55: {  	[sflag:s28] =	ssyncset.done $0x0  }
0x56: {  	s12 =	simm.s32 $0xFFFFB800;
	s10 =	simm.s32 $0x1500;
	[sflag:s28] =	ssyncadd.s32 $0xFFFFC000  }
.LBB2_4:
0x57: {  	[spmem:s1] =	stream.indirect.scatter.add.f32 [tilespmem:s22], [sflag:$0x3], $0x80, s10, s25, $0xb8;
	[tilespmem:$0x1E400] =	vst v63  }
0x58: {  	s10 =	smov.u32 s12  }
0x59: {  	p1 =	sne.s32 s12, $0xFFFFFC00;
	s12 =	sadd.s32 $0x400, s12;
	_ =	swait.ge [sflag:s29], $0x4000  }
0x5a: {  	s10 =	sshra.s32 s10, $0x2;
	[sflag:s29] =	ssyncset.done $0x0  }
0x5b: {  	s15 =	sadd.s32 $0x1400, s10;
	[sflag:s29] =	ssyncadd.s32 $0xFFFFC000  }
0x5c: {  	[tilespmem:s22], [sflag:$0x1] =	stream.indirect.gather [hbm4b:s4+s25], $0x80, s15, s25, $0xb8;
	[tilespmem:$0x1E400] =	vst v63  }
0x5d: {  	_ =	swait.ge [sflag:s30], $0x4000  }
0x5e: {  	[sflag:s30] =	ssyncset.done $0x0  }
0x5f: {  	s15 =	sadd.s32 $0x2780, s10;
	[sflag:s30] =	ssyncadd.s32 $0xFFFFC000  }
0x60: {  	[spmem:s1] =	stream.indirect.scatter.add.f32 [tilespmem:s26], [sflag:$0x4], $0x80, s15, s25, $0xb8;
	[tilespmem:$0x1E400] =	vst v63  }
0x61: {  	_ =	swait.ge [sflag:s31], $0x4000  }
0x62: {  	[sflag:s31] =	ssyncset.done $0x0  }
.Ltmp1:
0x63: {  	s15 =	sadd.s32 $0x1480, s10;
	[sflag:s31] =	ssyncadd.s32 $0xFFFFC000;
	(pc) =	sbr.rel @p1 .LBB2_4-.Ltmp1, $4  }
0x64: {  	[tilespmem:s26], [sflag:$0x2] =	stream.indirect.gather [hbm4b:s4+s25], $0x80, s15, s25, $0xb8;
	[tilespmem:$0x1E400] =	vst v63  }
0x65: {  	_ =	swait.ge [sflag:s28], $0x4000  }
0x66: {  	[sflag:s28] =	ssyncset.done $0x0  }
0x67: {  	s10 =	sadd.s32 $0x2800, s10;
	[sflag:s28] =	ssyncadd.s32 $0xFFFFC000  }
0x68: {  	[spmem:s1] =	stream.indirect.scatter.add.f32 [tilespmem:s22], [sflag:$0x3], $0x80, s10, s25, $0xb8;
	[tilespmem:$0x1E400] =	vst v63  }
0x69: {  	_ =	swait.ge [sflag:s29], $0x4000  }
0x6a: {  	[sflag:s29] =	ssyncset.done $0x0  }
0x6b: {  	[sflag:s29] =	ssyncadd.s32 $0xFFFFC000  }
0x6c: {  	_ =	swait.ge [sflag:s30], $0x4000  }
0x6d: {  	[sflag:s30] =	ssyncset.done $0x0  }
0x6e: {  	[sflag:s30] =	ssyncadd.s32 $0xFFFFC000  }
0x6f: {  	[spmem:s1] =	stream.indirect.scatter.add.f32 [tilespmem:s26], [sflag:$0x4], $0x80, s0, s25, $0xb8;
	[tilespmem:$0x1E400] =	vst v63  }
0x70: {  	_ =	swait.ge [sflag:s31], $0x4000  }
0x71: {  	[sflag:s31] =	ssyncset.done $0x0  }
0x72: {  	s17 =	rddreg [dreg:$0x4];
	[sflag:s31] =	ssyncadd.s32 $0xFFFFC000  }
0x73: {  	[tilespmem:s2], [sflag:$0x5] =	stream.linear.gather [hbm4b:s17+s2], $0x1400, $0x38;
	[tilespmem:$0x1E400] =	vst v63  }
0x74: {  	_ =	swait.ge [sflag:s23], $0x1400  }
0x75: {  	[sflag:s23] =	ssyncset.done $0x0  }
0x76: {  	[sflag:s23] =	ssyncadd.s32 $0xFFFFEC00  }
0x77: {  	[tilespmem:s24], [sflag:$0x5] =	stream.linear.gather [hbm4b:s13+s2], $0x1400, $0x38;
	[tilespmem:$0x1E400] =	vst v63  }
0x78: {  	_ =	swait.ge [sflag:s23], $0x1400  }
0x79: {  	[sflag:s23] =	ssyncset.done $0x0  }
0x7a: {  	[sflag:s23] =	ssyncadd.s32 $0xFFFFEC00  }
0x7b: {  	[tilespmem:s22], [sflag:$0x1] =	stream.indirect.gather [hbm4b:s4+s25], $0x80, s2, s25, $0xb8;
	[tilespmem:$0x1E400] =	vst v63  }
0x7c: {  	_ = 	snop  }
0x7d: {  	[tilespmem:s26], [sflag:$0x2] =	stream.indirect.gather [hbm4b:s4+s25], $0x80, s25, s25, $0xb8;
	[tilespmem:$0x1E400] =	vst v63  }
0x7e: {  	_ =	swait.ge [sflag:s28], $0x4000  }
0x7f: {  	[sflag:s28] =	ssyncset.done $0x0  }
0x80: {  	[sflag:s28] =	ssyncadd.s32 $0xFFFFC000  }
0x81: {  	[spmem:s1] =	stream.indirect.scatter.add.f32 [tilespmem:s22], [sflag:$0x3], $0x80, s24, s25, $0xb8;
	[tilespmem:$0x1E400] =	vst v63  }
0x82: {  	_ =	swait.ge [sflag:s29], $0x4000  }
0x83: {  	[sflag:s29] =	ssyncset.done $0x0  }
0x84: {  	s18 =	simm.s32 $0x100;
	[sflag:s29] =	ssyncadd.s32 $0xFFFFC000  }
0x85: {  	[tilespmem:s22], [sflag:$0x1] =	stream.indirect.gather [hbm4b:s4+s25], $0x80, s18, s25, $0xb8;
	[tilespmem:$0x1E400] =	vst v63  }
0x86: {  	_ =	swait.ge [sflag:s30], $0x4000  }
0x87: {  	[sflag:s30] =	ssyncset.done $0x0  }
0x88: {  	s19 =	simm.s32 $0x1480;
	[sflag:s30] =	ssyncadd.s32 $0xFFFFC000  }
0x89: {  	[spmem:s1] =	stream.indirect.scatter.add.f32 [tilespmem:s26], [sflag:$0x4], $0x80, s19, s25, $0xb8;
	[tilespmem:$0x1E400] =	vst v63  }
0x8a: {  	_ =	swait.ge [sflag:s31], $0x4000  }
0x8b: {  	[sflag:s31] =	ssyncset.done $0x0  }
0x8c: {  	s21 =	simm.s32 $0x180;
	[sflag:s31] =	ssyncadd.s32 $0xFFFFC000  }
0x8d: {  	[tilespmem:s26], [sflag:$0x2] =	stream.indirect.gather [hbm4b:s4+s25], $0x80, s21, s25, $0xb8;
	[tilespmem:$0x1E400] =	vst v63  }
0x8e: {  	_ =	swait.ge [sflag:s28], $0x4000  }
0x8f: {  	[sflag:s28] =	ssyncset.done $0x0  }
0x90: {  	s12 =	simm.s32 $0xFFFFB800;
	s10 =	simm.s32 $0x1500;
	[sflag:s28] =	ssyncadd.s32 $0xFFFFC000  }
.LBB2_6:
0x91: {  	[spmem:s1] =	stream.indirect.scatter.add.f32 [tilespmem:s22], [sflag:$0x3], $0x80, s10, s25, $0xb8;
	[tilespmem:$0x1E400] =	vst v63  }
0x92: {  	s10 =	smov.u32 s12  }
0x93: {  	p1 =	sne.s32 s12, $0xFFFFFC00;
	s12 =	sadd.s32 $0x400, s12;
	_ =	swait.ge [sflag:s29], $0x4000  }
0x94: {  	s10 =	sshra.s32 s10, $0x2;
	[sflag:s29] =	ssyncset.done $0x0  }
0x95: {  	s15 =	sadd.s32 $0x1400, s10;
	[sflag:s29] =	ssyncadd.s32 $0xFFFFC000  }
0x96: {  	[tilespmem:s22], [sflag:$0x1] =	stream.indirect.gather [hbm4b:s4+s25], $0x80, s15, s25, $0xb8;
	[tilespmem:$0x1E400] =	vst v63  }
0x97: {  	_ =	swait.ge [sflag:s30], $0x4000  }
0x98: {  	[sflag:s30] =	ssyncset.done $0x0  }
0x99: {  	s15 =	sadd.s32 $0x2780, s10;
	[sflag:s30] =	ssyncadd.s32 $0xFFFFC000  }
0x9a: {  	[spmem:s1] =	stream.indirect.scatter.add.f32 [tilespmem:s26], [sflag:$0x4], $0x80, s15, s25, $0xb8;
	[tilespmem:$0x1E400] =	vst v63  }
0x9b: {  	_ =	swait.ge [sflag:s31], $0x4000  }
0x9c: {  	[sflag:s31] =	ssyncset.done $0x0  }
.Ltmp2:
0x9d: {  	s15 =	sadd.s32 $0x1480, s10;
	[sflag:s31] =	ssyncadd.s32 $0xFFFFC000;
	(pc) =	sbr.rel @p1 .LBB2_6-.Ltmp2, $4  }
0x9e: {  	[tilespmem:s26], [sflag:$0x2] =	stream.indirect.gather [hbm4b:s4+s25], $0x80, s15, s25, $0xb8;
	[tilespmem:$0x1E400] =	vst v63  }
0x9f: {  	_ =	swait.ge [sflag:s28], $0x4000  }
0xa0: {  	[sflag:s28] =	ssyncset.done $0x0  }
0xa1: {  	s10 =	sadd.s32 $0x2800, s10;
	[sflag:s28] =	ssyncadd.s32 $0xFFFFC000  }
0xa2: {  	[spmem:s1] =	stream.indirect.scatter.add.f32 [tilespmem:s22], [sflag:$0x3], $0x80, s10, s25, $0xb8;
	[tilespmem:$0x1E400] =	vst v63  }
0xa3: {  	_ =	swait.ge [sflag:s29], $0x4000  }
0xa4: {  	[sflag:s29] =	ssyncset.done $0x0  }
0xa5: {  	[sflag:s29] =	ssyncadd.s32 $0xFFFFC000  }
0xa6: {  	_ =	swait.ge [sflag:s30], $0x4000  }
0xa7: {  	[sflag:s30] =	ssyncset.done $0x0  }
0xa8: {  	[sflag:s30] =	ssyncadd.s32 $0xFFFFC000  }
0xa9: {  	[spmem:s1] =	stream.indirect.scatter.add.f32 [tilespmem:s26], [sflag:$0x4], $0x80, s0, s25, $0xb8;
	[tilespmem:$0x1E400] =	vst v63  }
0xaa: {  	_ =	swait.ge [sflag:s31], $0x4000  }
0xab: {  	[sflag:s31] =	ssyncset.done $0x0  }
0xac: {  	[sflag:s31] =	ssyncadd.s32 $0xFFFFC000  }
0xad: {  	s19 =	stileid.u32;
	[bflag:$0x0] =	sbarrier.arrive $0xFFFF  }
0xae: {  	s10 =	sshll.u32 s19, $0x6;
	s21 =	rddreg [dreg:$0x5]  }
0xaf: {  	s17 =	sadd.s32 s16, s14;
	s12 =	sor.u32 $0x1C05, s10;
	s15 =	sshrl.u32 s21, $0x3  }
0xb0: {  	[hbm:s17], [sflag:s12] =	dma.local [spmem:s15], $0x2700  }
0xb1: {  	_ =	swait.ge [sflag:s23], $0x2700  }
0xb2: {  	[sflag:s23] =	ssyncset.done $0x0;
	s17 =	rddreg [dreg:$0x6]  }
0xb3: {  	s10 =	sadd.s32 @!p0 $0x27000, s14;
	[sflag:s23] =	ssyncadd.s32 $0xFFFFD900;
	s17 =	sshrl.u32 @!p0 s17, $0x3  }
0xb4: {  	[hbm:s10], [sflag:s12] =	dma.local @!p0 [spmem:s17], $0x100  }
0xb5: {  	s10 =	simm.s32 @!p0 $0x5  }
0xb6: {  	s19 =	simm.s32 $0x0;
	_ =	swait.ge @!p0 [sflag:s10], $0x100  }
0xb7: {  	s21 =	sand.u32 $0xFE00, s19;
	[sflag:s10] =	ssyncset.done @!p0 $0x0  }
0xb8: {  	s18 =	sand.u32 $0x70, s19;
	s21 =	sshrl.u32 s21, $0x2;
	[sflag:s10] =	ssyncadd.s32 @!p0 $0xFFFFFF00  }
0xb9: {  	s21 =	sor.u32 s18, s21;
	s10 =	simm.s32 $0x40;
	[bflag:$0x0] =	sbarrier.arrive $0xFFFF  }
.LBB2_8:
0xba: {  	p1 =	sne.s32 s10, $0xFFC0  }
0xbb: {  	[tilespmem:s21+$0x2800] =	vst v0;
	s19 =	sadd.s32 $0x10, s19;
	s18 =	smov.u32 s10;
	s10 =	sadd.s32 $0x40, s10  }
.Ltmp3:
0xbc: {  	(pc) =	sbr.rel @p1 .LBB2_8-.Ltmp3, $4  }
0xbd: {  	_ = 	snop  }
0xbe: {  	s18 =	sand.u32 $0xFE00, s18  }
0xbf: {  	s21 =	sand.u32 $0x70, s19;
	s18 =	sshrl.u32 s18, $0x2  }
0xc0: {  	s21 =	sor.u32 s21, s18  }
0xc1: {  	[tilespmem:s21+$0x2800] =	vst v0  }
0xc2: {  	[spmem:s5] =	stream.linear.scatter [tilespmem:s22], [sflag:$0x5], $0x4000, $0x38;
	[tilespmem:$0x1E400] =	vst v63  }
0xc3: {  	_ =	swait.ge [sflag:s23], $0x4000  }
0xc4: {  	[sflag:s23] =	ssyncset.done $0x0  }
0xc5: {  	[sflag:s23] =	ssyncadd.s32 $0xFFFFC000  }
0xc6: {  	[spmem:s6] =	stream.linear.scatter [tilespmem:s22], [sflag:$0x5], $0x4000, $0x38;
	[tilespmem:$0x1E400] =	vst v63  }
0xc7: {  	_ =	swait.ge [sflag:s23], $0x4000  }
0xc8: {  	[sflag:s23] =	ssyncset.done $0x0  }
0xc9: {  	[sflag:s23] =	ssyncadd.s32 $0xFFFFC000  }
0xca: {  	[spmem:s7] =	stream.linear.scatter [tilespmem:s22], [sflag:$0x5], $0x4000, $0x38;
	[tilespmem:$0x1E400] =	vst v63  }
0xcb: {  	_ =	swait.ge [sflag:s23], $0x4000  }
0xcc: {  	[sflag:s23] =	ssyncset.done $0x0  }
0xcd: {  	[sflag:s23] =	ssyncadd.s32 $0xFFFFC000  }
0xce: {  	[spmem:s8] =	stream.linear.scatter [tilespmem:s22], [sflag:$0x5], $0x4000, $0x38;
	[tilespmem:$0x1E400] =	vst v63  }
0xcf: {  	_ =	swait.ge [sflag:s23], $0x4000  }
0xd0: {  	[sflag:s23] =	ssyncset.done $0x0  }
0xd1: {  	[sflag:s23] =	ssyncadd.s32 $0xFFFFC000  }
0xd2: {  	[spmem:s9] =	stream.linear.scatter [tilespmem:s22], [sflag:$0x5], $0x4000, $0x38;
	[tilespmem:$0x1E400] =	vst v63  }
0xd3: {  	_ =	swait.ge [sflag:s23], $0x4000  }
0xd4: {  	[sflag:s23] =	ssyncset.done $0x0  }
0xd5: {  	[sflag:s23] =	ssyncadd.s32 $0xFFFFC000  }
0xd6: {  	[bflag:$0x0] =	sbarrier.arrive $0xFFFF  }
0xd7: {  	s10 =	rddreg [dreg:$0x7]  }
0xd8: {  	[tilespmem:s2], [sflag:$0x5] =	stream.linear.gather [hbm4b:s10+s2], $0x1400, $0x38;
	[tilespmem:$0x1E400] =	vst v63  }
0xd9: {  	_ =	swait.ge [sflag:s23], $0x1400  }
0xda: {  	[sflag:s23] =	ssyncset.done $0x0  }
0xdb: {  	[sflag:s23] =	ssyncadd.s32 $0xFFFFEC00  }
0xdc: {  	[tilespmem:s24], [sflag:$0x5] =	stream.linear.gather [hbm4b:s11+s2], $0x1400, $0x38;
	[tilespmem:$0x1E400] =	vst v63  }
0xdd: {  	_ =	swait.ge [sflag:s23], $0x1400  }
0xde: {  	[sflag:s23] =	ssyncset.done $0x0  }
0xdf: {  	[sflag:s23] =	ssyncadd.s32 $0xFFFFEC00  }
0xe0: {  	[tilespmem:s22], [sflag:$0x1] =	stream.indirect.gather [hbm4b:s4+s25], $0x80, s2, s25, $0xb8;
	[tilespmem:$0x1E400] =	vst v63  }
0xe1: {  	_ = 	snop  }
0xe2: {  	[tilespmem:s26], [sflag:$0x2] =	stream.indirect.gather [hbm4b:s4+s25], $0x80, s25, s25, $0xb8;
	[tilespmem:$0x1E400] =	vst v63  }
0xe3: {  	_ =	swait.ge [sflag:s28], $0x4000  }
0xe4: {  	[sflag:s28] =	ssyncset.done $0x0  }
0xe5: {  	[sflag:s28] =	ssyncadd.s32 $0xFFFFC000  }
0xe6: {  	[spmem:s1] =	stream.indirect.scatter.add.f32 [tilespmem:s22], [sflag:$0x3], $0x80, s24, s25, $0xb8;
	[tilespmem:$0x1E400] =	vst v63  }
0xe7: {  	_ =	swait.ge [sflag:s29], $0x4000  }
0xe8: {  	[sflag:s29] =	ssyncset.done $0x0  }
0xe9: {  	s18 =	simm.s32 $0x100;
	[sflag:s29] =	ssyncadd.s32 $0xFFFFC000  }
0xea: {  	[tilespmem:s22], [sflag:$0x1] =	stream.indirect.gather [hbm4b:s4+s25], $0x80, s18, s25, $0xb8;
	[tilespmem:$0x1E400] =	vst v63  }
0xeb: {  	_ =	swait.ge [sflag:s30], $0x4000  }
0xec: {  	[sflag:s30] =	ssyncset.done $0x0  }
0xed: {  	s19 =	simm.s32 $0x1480;
	[sflag:s30] =	ssyncadd.s32 $0xFFFFC000  }
0xee: {  	[spmem:s1] =	stream.indirect.scatter.add.f32 [tilespmem:s26], [sflag:$0x4], $0x80, s19, s25, $0xb8;
	[tilespmem:$0x1E400] =	vst v63  }
0xef: {  	_ =	swait.ge [sflag:s31], $0x4000  }
0xf0: {  	[sflag:s31] =	ssyncset.done $0x0  }
0xf1: {  	s21 =	simm.s32 $0x180;
	[sflag:s31] =	ssyncadd.s32 $0xFFFFC000  }
0xf2: {  	[tilespmem:s26], [sflag:$0x2] =	stream.indirect.gather [hbm4b:s4+s25], $0x80, s21, s25, $0xb8;
	[tilespmem:$0x1E400] =	vst v63  }
0xf3: {  	_ =	swait.ge [sflag:s28], $0x4000  }
0xf4: {  	[sflag:s28] =	ssyncset.done $0x0  }
0xf5: {  	s10 =	simm.s32 $0x1500;
	s19 =	simm.s32 $0xFFFFB800;
	[sflag:s28] =	ssyncadd.s32 $0xFFFFC000  }
.LBB2_10:
0xf6: {  	[spmem:s1] =	stream.indirect.scatter.add.f32 [tilespmem:s22], [sflag:$0x3], $0x80, s10, s25, $0xb8;
	[tilespmem:$0x1E400] =	vst v63  }
0xf7: {  	s10 =	smov.u32 s19  }
0xf8: {  	p1 =	sne.s32 s19, $0xFFFFFC00;
	s19 =	sadd.s32 $0x400, s19;
	_ =	swait.ge [sflag:s29], $0x4000  }
0xf9: {  	s10 =	sshra.s32 s10, $0x2;
	[sflag:s29] =	ssyncset.done $0x0  }
0xfa: {  	s18 =	sadd.s32 $0x1400, s10;
	[sflag:s29] =	ssyncadd.s32 $0xFFFFC000  }
0xfb: {  	[tilespmem:s22], [sflag:$0x1] =	stream.indirect.gather [hbm4b:s4+s25], $0x80, s18, s25, $0xb8;
	[tilespmem:$0x1E400] =	vst v63  }
0xfc: {  	_ =	swait.ge [sflag:s30], $0x4000  }
0xfd: {  	[sflag:s30] =	ssyncset.done $0x0  }
0xfe: {  	s18 =	sadd.s32 $0x2780, s10;
	[sflag:s30] =	ssyncadd.s32 $0xFFFFC000  }
0xff: {  	[spmem:s1] =	stream.indirect.scatter.add.f32 [tilespmem:s26], [sflag:$0x4], $0x80, s18, s25, $0xb8;
	[tilespmem:$0x1E400] =	vst v63  }
0x100: {  	_ =	swait.ge [sflag:s31], $0x4000  }
0x101: {  	[sflag:s31] =	ssyncset.done $0x0  }
.Ltmp4:
0x102: {  	s18 =	sadd.s32 $0x1480, s10;
	[sflag:s31] =	ssyncadd.s32 $0xFFFFC000;
	(pc) =	sbr.rel @p1 .LBB2_10-.Ltmp4, $4  }
0x103: {  	[tilespmem:s26], [sflag:$0x2] =	stream.indirect.gather [hbm4b:s4+s25], $0x80, s18, s25, $0xb8;
	[tilespmem:$0x1E400] =	vst v63  }
0x104: {  	_ =	swait.ge [sflag:s28], $0x4000  }
0x105: {  	[sflag:s28] =	ssyncset.done $0x0  }
0x106: {  	s10 =	sadd.s32 $0x2800, s10;
	[sflag:s28] =	ssyncadd.s32 $0xFFFFC000  }
0x107: {  	[spmem:s1] =	stream.indirect.scatter.add.f32 [tilespmem:s22], [sflag:$0x3], $0x80, s10, s25, $0xb8;
	[tilespmem:$0x1E400] =	vst v63  }
0x108: {  	_ =	swait.ge [sflag:s29], $0x4000  }
0x109: {  	[sflag:s29] =	ssyncset.done $0x0  }
0x10a: {  	[sflag:s29] =	ssyncadd.s32 $0xFFFFC000  }
0x10b: {  	_ =	swait.ge [sflag:s30], $0x4000  }
0x10c: {  	[sflag:s30] =	ssyncset.done $0x0  }
0x10d: {  	[sflag:s30] =	ssyncadd.s32 $0xFFFFC000  }
0x10e: {  	[spmem:s1] =	stream.indirect.scatter.add.f32 [tilespmem:s26], [sflag:$0x4], $0x80, s0, s25, $0xb8;
	[tilespmem:$0x1E400] =	vst v63  }
0x10f: {  	_ =	swait.ge [sflag:s31], $0x4000  }
0x110: {  	[sflag:s31] =	ssyncset.done $0x0  }
0x111: {  	s21 =	rddreg [dreg:$0x8];
	[sflag:s31] =	ssyncadd.s32 $0xFFFFC000  }
0x112: {  	[tilespmem:s2], [sflag:$0x5] =	stream.linear.gather [hbm4b:s21+s2], $0x1400, $0x38;
	[tilespmem:$0x1E400] =	vst v63  }
0x113: {  	_ =	swait.ge [sflag:s23], $0x1400  }
0x114: {  	[sflag:s23] =	ssyncset.done $0x0  }
0x115: {  	[sflag:s23] =	ssyncadd.s32 $0xFFFFEC00  }
0x116: {  	[tilespmem:s24], [sflag:$0x5] =	stream.linear.gather [hbm4b:s13+s2], $0x1400, $0x38;
	[tilespmem:$0x1E400] =	vst v63  }
0x117: {  	_ =	swait.ge [sflag:s23], $0x1400  }
0x118: {  	[sflag:s23] =	ssyncset.done $0x0  }
0x119: {  	[sflag:s23] =	ssyncadd.s32 $0xFFFFEC00  }
0x11a: {  	[tilespmem:s22], [sflag:$0x1] =	stream.indirect.gather [hbm4b:s4+s25], $0x80, s2, s25, $0xb8;
	[tilespmem:$0x1E400] =	vst v63  }
0x11b: {  	_ = 	snop  }
0x11c: {  	[tilespmem:s26], [sflag:$0x2] =	stream.indirect.gather [hbm4b:s4+s25], $0x80, s25, s25, $0xb8;
	[tilespmem:$0x1E400] =	vst v63  }
0x11d: {  	_ =	swait.ge [sflag:s28], $0x4000  }
0x11e: {  	[sflag:s28] =	ssyncset.done $0x0  }
0x11f: {  	[sflag:s28] =	ssyncadd.s32 $0xFFFFC000  }
0x120: {  	[spmem:s1] =	stream.indirect.scatter.add.f32 [tilespmem:s22], [sflag:$0x3], $0x80, s24, s25, $0xb8;
	[tilespmem:$0x1E400] =	vst v63  }
0x121: {  	_ =	swait.ge [sflag:s29], $0x4000  }
0x122: {  	[sflag:s29] =	ssyncset.done $0x0  }
0x123: {  	s18 =	simm.s32 $0x100;
	[sflag:s29] =	ssyncadd.s32 $0xFFFFC000  }
0x124: {  	[tilespmem:s22], [sflag:$0x1] =	stream.indirect.gather [hbm4b:s4+s25], $0x80, s18, s25, $0xb8;
	[tilespmem:$0x1E400] =	vst v63  }
0x125: {  	_ =	swait.ge [sflag:s30], $0x4000  }
0x126: {  	[sflag:s30] =	ssyncset.done $0x0  }
0x127: {  	s19 =	simm.s32 $0x1480;
	[sflag:s30] =	ssyncadd.s32 $0xFFFFC000  }
0x128: {  	[spmem:s1] =	stream.indirect.scatter.add.f32 [tilespmem:s26], [sflag:$0x4], $0x80, s19, s25, $0xb8;
	[tilespmem:$0x1E400] =	vst v63  }
0x129: {  	_ =	swait.ge [sflag:s31], $0x4000  }
0x12a: {  	[sflag:s31] =	ssyncset.done $0x0  }
0x12b: {  	s21 =	simm.s32 $0x180;
	[sflag:s31] =	ssyncadd.s32 $0xFFFFC000  }
0x12c: {  	[tilespmem:s26], [sflag:$0x2] =	stream.indirect.gather [hbm4b:s4+s25], $0x80, s21, s25, $0xb8;
	[tilespmem:$0x1E400] =	vst v63  }
0x12d: {  	_ =	swait.ge [sflag:s28], $0x4000  }
0x12e: {  	[sflag:s28] =	ssyncset.done $0x0  }
0x12f: {  	s10 =	simm.s32 $0x1500;
	s19 =	simm.s32 $0xFFFFB800;
	[sflag:s28] =	ssyncadd.s32 $0xFFFFC000  }
.LBB2_12:
0x130: {  	[spmem:s1] =	stream.indirect.scatter.add.f32 [tilespmem:s22], [sflag:$0x3], $0x80, s10, s25, $0xb8;
	[tilespmem:$0x1E400] =	vst v63  }
0x131: {  	s10 =	smov.u32 s19  }
0x132: {  	p1 =	sne.s32 s19, $0xFFFFFC00;
	s19 =	sadd.s32 $0x400, s19;
	_ =	swait.ge [sflag:s29], $0x4000  }
0x133: {  	s10 =	sshra.s32 s10, $0x2;
	[sflag:s29] =	ssyncset.done $0x0  }
0x134: {  	s18 =	sadd.s32 $0x1400, s10;
	[sflag:s29] =	ssyncadd.s32 $0xFFFFC000  }
0x135: {  	[tilespmem:s22], [sflag:$0x1] =	stream.indirect.gather [hbm4b:s4+s25], $0x80, s18, s25, $0xb8;
	[tilespmem:$0x1E400] =	vst v63  }
0x136: {  	_ =	swait.ge [sflag:s30], $0x4000  }
0x137: {  	[sflag:s30] =	ssyncset.done $0x0  }
0x138: {  	s18 =	sadd.s32 $0x2780, s10;
	[sflag:s30] =	ssyncadd.s32 $0xFFFFC000  }
0x139: {  	[spmem:s1] =	stream.indirect.scatter.add.f32 [tilespmem:s26], [sflag:$0x4], $0x80, s18, s25, $0xb8;
	[tilespmem:$0x1E400] =	vst v63  }
0x13a: {  	_ =	swait.ge [sflag:s31], $0x4000  }
0x13b: {  	[sflag:s31] =	ssyncset.done $0x0  }
.Ltmp5:
0x13c: {  	s18 =	sadd.s32 $0x1480, s10;
	[sflag:s31] =	ssyncadd.s32 $0xFFFFC000;
	(pc) =	sbr.rel @p1 .LBB2_12-.Ltmp5, $4  }
0x13d: {  	[tilespmem:s26], [sflag:$0x2] =	stream.indirect.gather [hbm4b:s4+s25], $0x80, s18, s25, $0xb8;
	[tilespmem:$0x1E400] =	vst v63  }
0x13e: {  	_ =	swait.ge [sflag:s28], $0x4000  }
0x13f: {  	[sflag:s28] =	ssyncset.done $0x0  }
0x140: {  	s10 =	sadd.s32 $0x2800, s10;
	[sflag:s28] =	ssyncadd.s32 $0xFFFFC000  }
0x141: {  	[spmem:s1] =	stream.indirect.scatter.add.f32 [tilespmem:s22], [sflag:$0x3], $0x80, s10, s25, $0xb8;
	[tilespmem:$0x1E400] =	vst v63  }
0x142: {  	_ =	swait.ge [sflag:s29], $0x4000  }
0x143: {  	[sflag:s29] =	ssyncset.done $0x0  }
0x144: {  	[sflag:s29] =	ssyncadd.s32 $0xFFFFC000  }
0x145: {  	_ =	swait.ge [sflag:s30], $0x4000  }
0x146: {  	[sflag:s30] =	ssyncset.done $0x0  }
0x147: {  	[sflag:s30] =	ssyncadd.s32 $0xFFFFC000  }
0x148: {  	[spmem:s1] =	stream.indirect.scatter.add.f32 [tilespmem:s26], [sflag:$0x4], $0x80, s0, s25, $0xb8;
	[tilespmem:$0x1E400] =	vst v63  }
0x149: {  	_ =	swait.ge [sflag:s31], $0x4000  }
0x14a: {  	[sflag:s31] =	ssyncset.done $0x0  }
0x14b: {  	[sflag:s31] =	ssyncadd.s32 $0xFFFFC000  }
0x14c: {  	s19 =	sadd.s32 s16, s20;
	[bflag:$0x0] =	sbarrier.arrive $0xFFFF  }
0x14d: {  	[hbm:s19], [sflag:s12] =	dma.local [spmem:s15], $0x2700  }
0x14e: {  	_ =	swait.ge [sflag:s23], $0x2700  }
0x14f: {  	[sflag:s23] =	ssyncset.done $0x0  }
0x150: {  	s10 =	sadd.s32 @!p0 $0x27000, s20;
	[sflag:s23] =	ssyncadd.s32 $0xFFFFD900  }
0x151: {  	[hbm:s10], [sflag:s12] =	dma.local @!p0 [spmem:s17], $0x100  }
0x152: {  	s10 =	simm.s32 @!p0 $0x5  }
0x153: {  	_ =	swait.ge @!p0 [sflag:s10], $0x100  }
0x154: {  	s3 =	sadd.s32 $0x1, s3;
	s21 =	rddreg [dreg:$0x9]  }
0x155: {  	p1 =	sne.s32 s3, s21  }
.Ltmp6:
0x156: {  	_ = 	snop;
	(pc) =	sbr.rel @p1 .LBB2_1-.Ltmp6, $3  }
0x157: {  	[sflag:s10] =	ssyncset.done @!p0 $0x0  }
0x158: {  	[sflag:s10] =	ssyncadd.s32 @!p0 $0xFFFFFF00  }
0x159: {  	[bflag:$0x0] =	sbarrier.arrive $0xFFFF;
	_ =	sdelay $0x1  }
0x15a: {  	_ =	sfence.sel $0x180000  }
0x15b: {  	[bflag:$0x0] =	sbarrier.arrive $0xFFFF  }
0x15c: {  	_ =	strace $0x9000004A  }
0x15d: {  	[bflag:$0x2] =	sbarrier.arrive $0xFFFF  }
0x15e: {  	s0 =	rddreg [dreg:$0x2]  }
0x15f: {  	s0 =	sadd.s32 @!p0 $0x100000, s0  }
0x160: {  	[sflag:s0] =	ssyncadd.tile.s32 @!p0 $0x1;
	_ =	shalt  }
.Lfunc_end2:
_tile_overlayer_lowered:
.L_overlay_start_2:
0x161: {  	(tag) =	ssettag $0x2  }
0x162: {  	s0 =	rddreg [dreg:$0x0];
	s2 =	stileid.u32  }
0x163: {  	s1 =	rddreg [dreg:$0x1];
	p0 =	sne.s32 s2, $0x0  }
0x164: {  	s3 =	rddreg [dreg:$0x2];
	[bflag:$0x3] =	sbarrier.arrive $0xFFFF;
	s2 =	simm.s32 @!p0 $0x1C05  }
0x165: {  	[timem:s3], [sflag:s2] =	dma.local @!p0 [hbm:s0], s1  }
0x166: {  	s0 =	simm.s32 @!p0 $0x5  }
0x167: {  	_ =	swait.ge @!p0 [sflag:s0], s1  }
0x168: {  	s1 =	ssub.s32 @!p0 $0x0, s1;
	[sflag:s0] =	ssyncset.done @!p0 $0x0  }
0x169: {  	[sflag:s0] =	ssyncadd.s32 @!p0 s1  }
0x16a: {  	[bflag:$0x3] =	sbarrier.arrive $0xFFFF  }
0x16b: {  	_ =	shalt  }

// kernel: kernel.7.cloned.1.call-start
scs
__scs_entry_jumppad:
0x0: {  	(pc) =	sbr.rel $0x88, $3  }
0x1: {  	(tag) =	ssettag $0x0;
	lr =	simm.s32 $0x1  }
0x2: {  	[smem:$0x3F98] =	sst lr;
	_ =	strace $0xD0000000  }
0x3: {  	_ = 	snop  }
0x4: {  	_ = 	snop  }
0x5: {  	_ = 	snop  }
0x6: {  	_ = 	snop  }
0x7: {  	_ = 	snop  }
__scs_overlays_trampoline_lowered:
0x8: {  	[smem:$0x3FA7] =	sst s0  }
0x9: {  	[smem:$0x3FA8] =	sst s1  }
0xa: {  	[smem:$0x3FA9] =	sst s2  }
0xb: {  	[smem:$0x3FAA] =	sst s3  }
0xc: {  	[smem:$0x3FAB] =	sst s4  }
0xd: {  	[smem:$0x3FAC] =	sst s5  }
0xe: {  	[smem:$0x3FAD] =	sst s6  }
0xf: {  	[smem:$0x3FAE] =	sst s7  }
0x10: {  	[smem:$0x3FAF] =	sst s8  }
0x11: {  	[smem:$0x3FB0] =	sst s9;
	s0 =	simm.s32 @!p0 $0x0  }
0x12: {  	s1 =	sld [smem:$0x3F96];
	s0 =	simm.s32 @p0 $0x1  }
0x13: {  	[smem:$0x3FB1] =	sst s0;
	s0 =	simm.s32 @!p1 $0x0  }
0x14: {  	s2 =	sld [smem:$0x3F95];
	s0 =	simm.s32 @p1 $0x1  }
0x15: {  	[smem:$0x3FB2] =	sst s0;
	s0 =	simm.s32 @!p2 $0x0  }
0x16: {  	s3 =	sld [smem:$0x3FDB];
	s0 =	simm.s32 @p2 $0x1  }
0x17: {  	s4 =	simm.s32 $0x1BF5;
	[smem:$0x3FB4] =	sst s0  }
0x18: {  	s0 =	sld [smem:$0x3F97];
	_ =	swait.ge [sflag:s4], $0x0  }
0x19: {  	s7 =	sld [smem:$0x3F98]  }
0x1a: {  	s8 =	sadd.s32 $0xFFFFE003, lr  }
0x1b: {  	s9 =	sadd.s32 $0xFFFFFEF7, lr;
	s5 =	simm.s32 $0xFFFFFFFF;
	p2 =	slt.u32 s8, $0xFFFFF086  }
0x1c: {  	p1 =	slt.u32 s9, $0xF7A;
	s5 =	simm.s32 @!p2 $0x0  }
0x1d: {  	s5 =	simm.s32 @p1 $0x1;
	p0 =	seq.s32 s7, s2  }
0x1e: {  	s7 =	smul.u32 @!p0 $0xF7A, s2;
	p2 =	seq.s32 @!p0 s5, $0x0  }
0x1f: {  	s9 =	smul.u32 $0xF7A, s1;
	s8 =	simm.s32 @!p0 $0x1BF5;
	p2 =	por !p2, p0  }
0x20: {  	[sflag:s8] =	ssyncset.s32 @!p0 $0xFFFFF086;
	s6 =	sadd.s32 @!p0 s3, s7;
	s7 =	simm.s32 @!p0 $0x108  }
0x21: {  	s3 =	sadd.s32 s3, s9;
	s6 =	sadd.s32 @!p0 $0x88, s6;
	s7 =	simm.s32 @p2 $0x1082  }
0x22: {  	[simem:s7], [sflag:s8] =	dma.local @!p0 [hbm:s6], $0xF7A  }
0x23: {  	s9 =	sor.u32 $0xD0000000, s2;
	s6 =	simm.s32 $0x108;
	_ =	swait.ge @!p0 [sflag:s8], $0x0  }
0x24: {  	s3 =	sadd.s32 $0x88, s3;
	s6 =	simm.s32 @!p1 $0x1082;
	[sflag:s4] =	ssyncset.s32 $0xFFFFF086  }
0x25: {  	[simem:s6], [sflag:s4] =	dma.local [hbm:s3], $0xF7A  }
0x26: {  	[smem:$0x3F98] =	sst s1;
	(tag) =	ssettag s2;
	_ =	strace s9  }
0x27: {  	s1 =	sld [smem:$0x3FA8]  }
0x28: {  	s2 =	sld [smem:$0x3FA9]  }
0x29: {  	s4 =	sld [smem:$0x3FAB]  }
0x2a: {  	p0 =	seq.s32 s5, $0x0;
	s5 =	sld [smem:$0x3FAC]  }
0x2b: {  	s6 =	sld [smem:$0x3FAD]  }
0x2c: {  	s7 =	sld [smem:$0x3FAE]  }
0x2d: {  	s3 =	simm.s32 $0x108;
	s8 =	sld [smem:$0x3FAF]  }
0x2e: {  	s3 =	simm.s32 @!p0 $0x1082;
	s9 =	sld [smem:$0x3FB0]  }
0x2f: {  	lr =	sadd.s32 s0, s3;
	s0 =	sld [smem:$0x3FA7]  }
0x30: {  	s3 =	sld [smem:$0x3FAA]  }
0x31: {  	[smem:$0x3FB3] =	sst s10  }
0x32: {  	s10 =	sld [smem:$0x3FB1];
	_ =	sdelay $0x3  }
0x33: {  	p0 =	seq.s32 s10, $0x1;
	s10 =	sld [smem:$0x3FB3];
	_ =	sdelay $0x3  }
0x34: {  	[smem:$0x3FB3] =	sst s10  }
0x35: {  	s10 =	sld [smem:$0x3FB2];
	_ =	sdelay $0x3  }
0x36: {  	p1 =	seq.s32 s10, $0x1;
	s10 =	sld [smem:$0x3FB3];
	_ =	sdelay $0x3  }
0x37: {  	[smem:$0x3FB3] =	sst s10  }
0x38: {  	s10 =	sld [smem:$0x3FB4]  }
0x39: {  	_ = 	snop;
	(pc) =	sbr.ind lr, $3  }
0x3a: {  	_ = 	snop  }
0x3b: {  	_ = 	snop  }
0x3c: {  	p2 =	seq.s32 s10, $0x1;
	s10 =	sld [smem:$0x3FB3]  }
0x3d: {  	_ =	shalt  }
0x3e: {  	_ =	shalt  }
0x3f: {  	_ =	shalt  }
0x40: {  	_ =	shalt  }
0x41: {  	_ =	shalt  }
0x42: {  	_ =	shalt  }
0x43: {  	_ =	shalt  }
0x44: {  	_ =	shalt  }
0x45: {  	_ =	shalt  }
0x46: {  	_ =	shalt  }
0x47: {  	_ =	shalt  }
0x48: {  	_ =	shalt  }
0x49: {  	_ =	shalt  }
0x4a: {  	_ =	shalt  }
0x4b: {  	_ =	shalt  }
0x4c: {  	_ =	shalt  }
0x4d: {  	_ =	shalt  }
0x4e: {  	_ =	shalt  }
0x4f: {  	_ =	shalt  }
0x50: {  	_ =	shalt  }
0x51: {  	_ =	shalt  }
0x52: {  	_ =	shalt  }
0x53: {  	_ =	shalt  }
0x54: {  	_ =	shalt  }
0x55: {  	_ =	shalt  }
0x56: {  	_ =	shalt  }
0x57: {  	_ =	shalt  }
0x58: {  	_ =	shalt  }
0x59: {  	_ =	shalt  }
0x5a: {  	_ =	shalt  }
0x5b: {  	_ =	shalt  }
0x5c: {  	_ =	shalt  }
0x5d: {  	_ =	shalt  }
0x5e: {  	_ =	shalt  }
0x5f: {  	_ =	shalt  }
0x60: {  	_ =	shalt  }
0x61: {  	_ =	shalt  }
0x62: {  	_ =	shalt  }
0x63: {  	_ =	shalt  }
0x64: {  	_ =	shalt  }
0x65: {  	_ =	shalt  }
0x66: {  	_ =	shalt  }
0x67: {  	_ =	shalt  }
0x68: {  	_ =	shalt  }
0x69: {  	_ =	shalt  }
0x6a: {  	_ =	shalt  }
0x6b: {  	_ =	shalt  }
0x6c: {  	_ =	shalt  }
0x6d: {  	_ =	shalt  }
0x6e: {  	_ =	shalt  }
0x6f: {  	_ =	shalt  }
0x70: {  	_ =	shalt  }
0x71: {  	_ =	shalt  }
0x72: {  	_ =	shalt  }
0x73: {  	_ =	shalt  }
0x74: {  	_ =	shalt  }
0x75: {  	_ =	shalt  }
0x76: {  	_ =	shalt  }
0x77: {  	_ =	shalt  }
0x78: {  	_ =	shalt  }
0x79: {  	_ =	shalt  }
0x7a: {  	_ =	shalt  }
0x7b: {  	_ =	shalt  }
0x7c: {  	_ =	shalt  }
0x7d: {  	_ =	shalt  }
0x7e: {  	_ =	shalt  }
0x7f: {  	_ =	shalt  }
0x80: {  	_ =	shalt  }
0x81: {  	_ =	shalt  }
0x82: {  	_ =	shalt  }
0x83: {  	_ =	shalt  }
0x84: {  	_ =	shalt  }
0x85: {  	_ =	shalt  }
0x86: {  	_ =	shalt  }
0x87: {  	_ =	shalt  }
.Lfunc_end0:
.L_simem_size_0:
called_computation_lowered:
.L_overlay_start_0:
0x88: {  	s2 =	sld [smem:$0x3FD9]  }
0x89: {  	s3 =	sld [smem:$0x3FFE];
	_ =	sdelay $0x1  }
0x8a: {  	s1 =	srdreg.scid  }
0x8b: {  	s0 =	sand.u32 $0x1, s1  }
0x8c: {  	s16 =	sshll.u32 s0, $0xA;
	s2 =	sadd.s32 s3, s2  }
0x8d: {  	s2 =	sadd.s32 s2, s16  }
0x8e: {  	[smem:$0x3FBF] =	sst s2  }
0x8f: {  	_ = 	snop  }
0x90: {  	(tm) =	ssettm $0x1  }
0x91: {  	s17 =	sld [smem:$0x3FFB];
	_ =	sdelay $0x3  }
0x92: {  	_ =	strace s17  }
0x93: {  	s2 =	sld [smem:$0x3FFC];
	_ =	sdelay $0x3  }
0x94: {  	_ =	strace s2  }
0x95: {  	s2 =	sld [smem:$0x3FFD];
	_ =	sdelay $0x3  }
0x96: {  	_ =	strace s2  }
0x97: {  	_ =	strace $0x8FFFFFFF  }
0x98: {  	s18 =	sld [smem:$0x3FDB];
	_ =	sdelay $0x1  }
0x99: {  	s19 =	simm.s32 $_scs_section_size  }
0x9a: {  	s4 =	simm.s32 $_size__tile_overlayer_lowered;
	s5 =	simm.s32 $_tile_overlayer_lowered  }
0x9b: {  	s22 =	simm.s32 $0x1BFF;
	s21 =	sshll.u32 s5, $0x1;
	s2 =	sadd.s32 s19, s18  }
0x9c: {  	s6 =	simm.s32 $0x0;
	s20 =	sshll.u32 s4, $0x1;
	s4 =	sadd.s32 s21, s2  }
0x9d: {  	[timem:s6], [sflag:s22] =	dma.local [hbm:s4], s20  }
0x9e: {  	_ =	swait.ge [sflag:s22], s20  }
0x9f: {  	s3 =	ssub.s32 $0x0, s20;
	[sflag:s22] =	ssyncset.done $0x0  }
0xa0: {  	[sflag:s22] =	ssyncadd.s32 s3;
	_ =	sdelay $0x1  }
0xa1: {  	s23 =	simm.s32 $0x1B8B  }
0xa2: {  	_ =	swait.ge [sflag:s23], $0x1  }
0xa3: {  	[sflag:s23] =	ssyncset.done $0x0  }
0xa4: {  	s25 =	simm.s32 $0x1B8E;
	s24 =	sld [smem:$0x3FFE];
	[sflag:s23] =	ssyncadd.s32 $0xFFFFFFFF  }
0xa5: {  	s26 =	simm.s32 $execute0_lowered;
	[smem:$0x3FD2] =	sst s25  }
0xa6: {  	s4 =	sshll.u32 s26, $0x1;
	_ =	strace $0x80000046;
	[dreg:$0x1] =	wrdreg $0xFFFFFFFF  }
0xa7: {  	s28 =	simm.s32 $_size_execute0_lowered;
	s2 =	sadd.s32 s2, s4;
	[dreg:$0x0] =	wrdreg $0x0  }
0xa8: {  	s4 =	sshll.u32 s28, $0x1;
	[dreg:$0x2] =	wrdreg s2  }
0xa9: {  	[dreg:$0x3] =	wrdreg s4  }
0xaa: {  	[dreg:$0x4] =	wrdreg $0xC0  }
0xab: {  	_ =	task [dreg:s6], $0x5FFFF  }
0xac: {  	[dreg:$0x1] =	wrdreg $0xFFFFFFFF  }
0xad: {  	[dreg:$0x0] =	wrdreg $0x60  }
0xae: {  	[dreg:$0x2] =	wrdreg s24  }
0xaf: {  	[dreg:$0x3] =	wrdreg $0xA8000  }
0xb0: {  	[dreg:$0x4] =	wrdreg $0x9  }
0xb1: {  	_ =	task.clear_ibuf [dreg:s6], $0x5FFFF;
	_ =	strace $0x90000046  }
0xb2: {  	s29 =	simm.s32 $0x9;
	_ =	strace $0x80000048  }
0xb3: {  	_ =	swait.ge [sflag:s29], $0x1  }
0xb4: {  	[sflag:s29] =	ssyncadd.s32 $0xFFFFFFFF  }
0xb5: {  	_ =	strace $0x90000048  }
0xb6: {  	_ =	sfence  }
0xb7: {  	s30 =	sld [smem:$0x0];
	_ =	sdelay $0x2  }
0xb8: {  	s31 =	sshll.u32 s1, $0xD;
	s1 =	sshrl.u32 s1, $0x2  }
0xb9: {  	s3 =	sand.u32 $0x4000, s31;
	s1 =	sadd.s32 s1, s30  }
0xba: {  	s0 =	sor.u32 s3, s0;
	s1 =	sshll.u32 s1, $0x11  }
0xbb: {  	s0 =	sor.u32 s1, s0  }
0xbc: {  	s0 =	sadd.s32 $0x8F2B, s0  }
0xbd: {  	[sflag:s0] =	ssyncadd.remote.s32 $0x1  }
0xbe: {  	_ =	sfence.sel $0xFFFF  }
0xbf: {  	[dreg:$0x0] =	wrdreg $0xFFFFFFFF;
	(pc) =	sbr.abs _section_cstart, $3  }
0xc0: {  	[dreg:$0x1] =	wrdreg $0xFFFFFFFF  }
0xc1: {  	_ =	task.clear_ibuf [dreg:s6], $0x2FFFF;
	_ =	strace $0x9FFFFFFF  }
0xc2: {  	(tm) =	ssettm $0x7FFFFFFF  }
0xc3: {  	_ =	shalt  }
tec
execute0_lowered:
.L_overlay_start_1:
0x0: {  	(tag) =	ssettag $0x1  }
0x1: {  	s0 =	rddreg [dreg:$0x0]  }
0x2: {  	s1 =	rddreg [dreg:$0x1];
	s2 =	simm.s32 $0x0  }
0x3: {  	s19 =	stileid.u32;
	s6 =	srdreg.scid;
	s28 =	simm.s32 $0x1  }
0x4: {  	s29 =	simm.s32 $0x3;
	s30 =	simm.s32 $0x2;
	s3 =	smul.u32 $0x2800, s19  }
0x5: {  	s31 =	simm.s32 $0x4;
	[smem:$0x7FF] =	sst s2;
	s7 =	smul.u32 $0x4F000, s19  }
0x6: {  	s4 =	sadd.s32 $0x1A000, s0;
	s9 =	sand.u32 $0x1, s6;
	s16 =	smul.u32 $0x4E000, s19  }
0x7: {  	s10 =	sadd.s32 $0x1000, s0;
	s25 =	sadd.s32 $0x138000, s1;
	s11 =	smul.u32 $0x50000, s9  }
0x8: {  	p0 =	sne.s32 s19, $0x0;
	_ =	strace $0x80000047;
	s14 =	smul.u32 $0x4E200, s9  }
0x9: {  	s6 =	ssub.s32 $0x2, s9;
	s17 =	sshllo.u32 s9, $0x1;
	[dreg:$0x6] =	wrdreg s25  }
0xa: {  	s25 =	simm.s32 $0x80;
	s5 =	sshrl.u32 s3, $0x3;
	s18 =	smul.u32 $0x28000, s17  }
0xb: {  	s21 =	sshrl.u32 s7, $0x2;
	s22 =	sshrl.u32 s6, $0x1;
	s24 =	smul.u32 $0x27100, s17  }
0xc: {  	s23 =	sshrl.u32 s16, $0x2;
	s16 =	smul.u32 $0x2700, s19;
	s12 =	sadd.s32 s5, s0  }
0xd: {  	s0 =	sadd.s32 $0xB6400, s0;
	s5 =	sadd.s32 s21, s1;
	s15 =	ssub.s32 s6, s22  }
0xe: {  	s11 =	sadd.s32 s3, s11;
	s22 =	simm.s32 $0x2800;
	s6 =	sadd.s32 $0x4000, s5  }
0xf: {  	s7 =	sadd.s32 $0x8000, s5;
	s8 =	sadd.s32 $0xC000, s5;
	s11 =	sshrl.u32 s11, $0x3  }
0x10: {  	s9 =	sadd.s32 $0xFC00, s5;
	s14 =	sadd.s32 s0, s14;
	s3 =	sadd.s32 s3, s18  }
0x11: {  	s20 =	sadd.s32 s0, s24;
	s26 =	smax.u32 s15, $0x1;
	s24 =	simm.s32 $0x1400  }
0x12: {  	s0 =	simm.s32 $0x2780;
	s13 =	sadd.s32 s10, s11;
	[dreg:$0x9] =	wrdreg s26  }
0x13: {  	s3 =	sshrl.u32 s3, $0x3;
	[dreg:$0x3] =	wrdreg s13;
	s13 =	sadd.s32 $0x280, s13  }
0x14: {  	s11 =	sadd.s32 $0x15000, s12;
	s3 =	sadd.s32 s10, s3;
	[dreg:$0x4] =	wrdreg s13  }
0x15: {  	s13 =	sadd.s32 $0x15280, s12;
	s12 =	sadd.s32 s23, s1;
	[dreg:$0x7] =	wrdreg s3  }
0x16: {  	s26 =	simm.s32 $0x6800;
	s3 =	sadd.s32 $0x280, s3;
	[dreg:$0x5] =	wrdreg s12  }
0x17: {  	v0 =	vimm.f32 $0.0e+00;
	s23 =	simm.s32 $0x5;
	[dreg:$0x8] =	wrdreg s3;
	s3 =	simm.s32 $0x0  }
.LBB2_1:
0x18: {  	s10 =	sand.u32 $0xFE00, s2  }
0x19: {  	s15 =	sand.u32 $0x70, s2;
	s10 =	sshrl.u32 s10, $0x2  }
0x1a: {  	s12 =	simm.s32 $0x40;
	s15 =	sor.u32 s15, s10;
	s10 =	simm.s32 $0x0  }
.LBB2_2:
0x1b: {  	p1 =	sne.s32 s12, $0xFFC0  }
0x1c: {  	[tilespmem:s15+$0x2800] =	vst v0;
	s10 =	sadd.s32 $0x10, s10;
	s15 =	smov.u32 s12;
	s12 =	sadd.s32 $0x40, s12  }
.Ltmp0:
0x1d: {  	(pc) =	sbr.rel @p1 .LBB2_2-.Ltmp0, $4  }
0x1e: {  	_ = 	snop  }
0x1f: {  	s15 =	sand.u32 $0xFE00, s15  }
0x20: {  	s17 =	sand.u32 $0x70, s10;
	s15 =	sshrl.u32 s15, $0x2  }
0x21: {  	s15 =	sor.u32 s17, s15  }
0x22: {  	[tilespmem:s15+$0x2800] =	vst v0  }
0x23: {  	[spmem:s5] =	stream.linear.scatter [tilespmem:s22], [sflag:$0x5], $0x4000, $0x38;
	[tilespmem:$0x1E400] =	vst v63  }
0x24: {  	_ =	swait.ge [sflag:s23], $0x4000  }
0x25: {  	[sflag:s23] =	ssyncset.done $0x0  }
0x26: {  	[sflag:s23] =	ssyncadd.s32 $0xFFFFC000  }
0x27: {  	[spmem:s6] =	stream.linear.scatter [tilespmem:s22], [sflag:$0x5], $0x4000, $0x38;
	[tilespmem:$0x1E400] =	vst v63  }
0x28: {  	_ =	swait.ge [sflag:s23], $0x4000  }
0x29: {  	[sflag:s23] =	ssyncset.done $0x0  }
0x2a: {  	[sflag:s23] =	ssyncadd.s32 $0xFFFFC000  }
0x2b: {  	[spmem:s7] =	stream.linear.scatter [tilespmem:s22], [sflag:$0x5], $0x4000, $0x38;
	[tilespmem:$0x1E400] =	vst v63  }
0x2c: {  	_ =	swait.ge [sflag:s23], $0x4000  }
0x2d: {  	[sflag:s23] =	ssyncset.done $0x0  }
0x2e: {  	[sflag:s23] =	ssyncadd.s32 $0xFFFFC000  }
0x2f: {  	[spmem:s8] =	stream.linear.scatter [tilespmem:s22], [sflag:$0x5], $0x4000, $0x38;
	[tilespmem:$0x1E400] =	vst v63  }
0x30: {  	_ =	swait.ge [sflag:s23], $0x4000  }
0x31: {  	[sflag:s23] =	ssyncset.done $0x0  }
0x32: {  	[sflag:s23] =	ssyncadd.s32 $0xFFFFC000  }
0x33: {  	[spmem:s9] =	stream.linear.scatter [tilespmem:s22], [sflag:$0x5], $0x4000, $0x38;
	[tilespmem:$0x1E400] =	vst v63  }
0x34: {  	_ =	swait.ge [sflag:s23], $0x4000  }
0x35: {  	[sflag:s23] =	ssyncset.done $0x0  }
0x36: {  	[sflag:s23] =	ssyncadd.s32 $0xFFFFC000  }
0x37: {  	[bflag:$0x0] =	sbarrier.arrive $0xFFFF  }
0x38: {  	s10 =	rddreg [dreg:$0x3]  }
0x39: {  	[tilespmem:s2], [sflag:$0x5] =	stream.linear.gather [hbm4b:s10+s2], $0x1400, $0x38;
	[tilespmem:$0x1E400] =	vst v63  }
0x3a: {  	_ =	swait.ge [sflag:s23], $0x1400  }
0x3b: {  	[sflag:s23] =	ssyncset.done $0x0  }
0x3c: {  	[sflag:s23] =	ssyncadd.s32 $0xFFFFEC00  }
0x3d: {  	[tilespmem:s24], [sflag:$0x5] =	stream.linear.gather [hbm4b:s11+s2], $0x1400, $0x38;
	[tilespmem:$0x1E400] =	vst v63  }
0x3e: {  	_ =	swait.ge [sflag:s23], $0x1400  }
0x3f: {  	[sflag:s23] =	ssyncset.done $0x0  }
0x40: {  	[sflag:s23] =	ssyncadd.s32 $0xFFFFEC00  }
0x41: {  	[tilespmem:s22], [sflag:$0x1] =	stream.indirect.gather [hbm4b:s4+s25], $0x80, s2, s25, $0xb8;
	[tilespmem:$0x1E400] =	vst v63  }
0x42: {  	_ = 	snop  }
0x43: {  	[tilespmem:s26], [sflag:$0x2] =	stream.indirect.gather [hbm4b:s4+s25], $0x80, s25, s25, $0xb8;
	[tilespmem:$0x1E400] =	vst v63  }
0x44: {  	_ =	swait.ge [sflag:s28], $0x4000  }
0x45: {  	[sflag:s28] =	ssyncset.done $0x0  }
0x46: {  	[sflag:s28] =	ssyncadd.s32 $0xFFFFC000  }
0x47: {  	[spmem:s1] =	stream.indirect.scatter.add.f32 [tilespmem:s22], [sflag:$0x3], $0x80, s24, s25, $0xb8;
	[tilespmem:$0x1E400] =	vst v63  }
0x48: {  	_ =	swait.ge [sflag:s29], $0x4000  }
0x49: {  	[sflag:s29] =	ssyncset.done $0x0  }
0x4a: {  	s18 =	simm.s32 $0x100;
	[sflag:s29] =	ssyncadd.s32 $0xFFFFC000  }
0x4b: {  	[tilespmem:s22], [sflag:$0x1] =	stream.indirect.gather [hbm4b:s4+s25], $0x80, s18, s25, $0xb8;
	[tilespmem:$0x1E400] =	vst v63  }
0x4c: {  	_ =	swait.ge [sflag:s30], $0x4000  }
0x4d: {  	[sflag:s30] =	ssyncset.done $0x0  }
0x4e: {  	s19 =	simm.s32 $0x1480;
	[sflag:s30] =	ssyncadd.s32 $0xFFFFC000  }
0x4f: {  	[spmem:s1] =	stream.indirect.scatter.add.f32 [tilespmem:s26], [sflag:$0x4], $0x80, s19, s25, $0xb8;
	[tilespmem:$0x1E400] =	vst v63  }
0x50: {  	_ =	swait.ge [sflag:s31], $0x4000  }
0x51: {  	[sflag:s31] =	ssyncset.done $0x0  }
0x52: {  	s21 =	simm.s32 $0x180;
	[sflag:s31] =	ssyncadd.s32 $0xFFFFC000  }
0x53: {  	[tilespmem:s26], [sflag:$0x2] =	stream.indirect.gather [hbm4b:s4+s25], $0x80, s21, s25, $0xb8;
	[tilespmem:$0x1E400] =	vst v63  }
0x54: {  	_ =	swait.ge [sflag:s28], $0x4000  }
0x55: {  	[sflag:s28] =	ssyncset.done $0x0  }
0x56: {  	s12 =	simm.s32 $0xFFFFB800;
	s10 =	simm.s32 $0x1500;
	[sflag:s28] =	ssyncadd.s32 $0xFFFFC000  }
.LBB2_4:
0x57: {  	[spmem:s1] =	stream.indirect.scatter.add.f32 [tilespmem:s22], [sflag:$0x3], $0x80, s10, s25, $0xb8;
	[tilespmem:$0x1E400] =	vst v63  }
0x58: {  	s10 =	smov.u32 s12  }
0x59: {  	p1 =	sne.s32 s12, $0xFFFFFC00;
	s12 =	sadd.s32 $0x400, s12;
	_ =	swait.ge [sflag:s29], $0x4000  }
0x5a: {  	s10 =	sshra.s32 s10, $0x2;
	[sflag:s29] =	ssyncset.done $0x0  }
0x5b: {  	s15 =	sadd.s32 $0x1400, s10;
	[sflag:s29] =	ssyncadd.s32 $0xFFFFC000  }
0x5c: {  	[tilespmem:s22], [sflag:$0x1] =	stream.indirect.gather [hbm4b:s4+s25], $0x80, s15, s25, $0xb8;
	[tilespmem:$0x1E400] =	vst v63  }
0x5d: {  	_ =	swait.ge [sflag:s30], $0x4000  }
0x5e: {  	[sflag:s30] =	ssyncset.done $0x0  }
0x5f: {  	s15 =	sadd.s32 $0x2780, s10;
	[sflag:s30] =	ssyncadd.s32 $0xFFFFC000  }
0x60: {  	[spmem:s1] =	stream.indirect.scatter.add.f32 [tilespmem:s26], [sflag:$0x4], $0x80, s15, s25, $0xb8;
	[tilespmem:$0x1E400] =	vst v63  }
0x61: {  	_ =	swait.ge [sflag:s31], $0x4000  }
0x62: {  	[sflag:s31] =	ssyncset.done $0x0  }
.Ltmp1:
0x63: {  	s15 =	sadd.s32 $0x1480, s10;
	[sflag:s31] =	ssyncadd.s32 $0xFFFFC000;
	(pc) =	sbr.rel @p1 .LBB2_4-.Ltmp1, $4  }
0x64: {  	[tilespmem:s26], [sflag:$0x2] =	stream.indirect.gather [hbm4b:s4+s25], $0x80, s15, s25, $0xb8;
	[tilespmem:$0x1E400] =	vst v63  }
0x65: {  	_ =	swait.ge [sflag:s28], $0x4000  }
0x66: {  	[sflag:s28] =	ssyncset.done $0x0  }
0x67: {  	s10 =	sadd.s32 $0x2800, s10;
	[sflag:s28] =	ssyncadd.s32 $0xFFFFC000  }
0x68: {  	[spmem:s1] =	stream.indirect.scatter.add.f32 [tilespmem:s22], [sflag:$0x3], $0x80, s10, s25, $0xb8;
	[tilespmem:$0x1E400] =	vst v63  }
0x69: {  	_ =	swait.ge [sflag:s29], $0x4000  }
0x6a: {  	[sflag:s29] =	ssyncset.done $0x0  }
0x6b: {  	[sflag:s29] =	ssyncadd.s32 $0xFFFFC000  }
0x6c: {  	_ =	swait.ge [sflag:s30], $0x4000  }
0x6d: {  	[sflag:s30] =	ssyncset.done $0x0  }
0x6e: {  	[sflag:s30] =	ssyncadd.s32 $0xFFFFC000  }
0x6f: {  	[spmem:s1] =	stream.indirect.scatter.add.f32 [tilespmem:s26], [sflag:$0x4], $0x80, s0, s25, $0xb8;
	[tilespmem:$0x1E400] =	vst v63  }
0x70: {  	_ =	swait.ge [sflag:s31], $0x4000  }
0x71: {  	[sflag:s31] =	ssyncset.done $0x0  }
0x72: {  	s17 =	rddreg [dreg:$0x4];
	[sflag:s31] =	ssyncadd.s32 $0xFFFFC000  }
0x73: {  	[tilespmem:s2], [sflag:$0x5] =	stream.linear.gather [hbm4b:s17+s2], $0x1400, $0x38;
	[tilespmem:$0x1E400] =	vst v63  }
0x74: {  	_ =	swait.ge [sflag:s23], $0x1400  }
0x75: {  	[sflag:s23] =	ssyncset.done $0x0  }
0x76: {  	[sflag:s23] =	ssyncadd.s32 $0xFFFFEC00  }
0x77: {  	[tilespmem:s24], [sflag:$0x5] =	stream.linear.gather [hbm4b:s13+s2], $0x1400, $0x38;
	[tilespmem:$0x1E400] =	vst v63  }
0x78: {  	_ =	swait.ge [sflag:s23], $0x1400  }
0x79: {  	[sflag:s23] =	ssyncset.done $0x0  }
0x7a: {  	[sflag:s23] =	ssyncadd.s32 $0xFFFFEC00  }
0x7b: {  	[tilespmem:s22], [sflag:$0x1] =	stream.indirect.gather [hbm4b:s4+s25], $0x80, s2, s25, $0xb8;
	[tilespmem:$0x1E400] =	vst v63  }
0x7c: {  	_ = 	snop  }
0x7d: {  	[tilespmem:s26], [sflag:$0x2] =	stream.indirect.gather [hbm4b:s4+s25], $0x80, s25, s25, $0xb8;
	[tilespmem:$0x1E400] =	vst v63  }
0x7e: {  	_ =	swait.ge [sflag:s28], $0x4000  }
0x7f: {  	[sflag:s28] =	ssyncset.done $0x0  }
0x80: {  	[sflag:s28] =	ssyncadd.s32 $0xFFFFC000  }
0x81: {  	[spmem:s1] =	stream.indirect.scatter.add.f32 [tilespmem:s22], [sflag:$0x3], $0x80, s24, s25, $0xb8;
	[tilespmem:$0x1E400] =	vst v63  }
0x82: {  	_ =	swait.ge [sflag:s29], $0x4000  }
0x83: {  	[sflag:s29] =	ssyncset.done $0x0  }
0x84: {  	s18 =	simm.s32 $0x100;
	[sflag:s29] =	ssyncadd.s32 $0xFFFFC000  }
0x85: {  	[tilespmem:s22], [sflag:$0x1] =	stream.indirect.gather [hbm4b:s4+s25], $0x80, s18, s25, $0xb8;
	[tilespmem:$0x1E400] =	vst v63  }
0x86: {  	_ =	swait.ge [sflag:s30], $0x4000  }
0x87: {  	[sflag:s30] =	ssyncset.done $0x0  }
0x88: {  	s19 =	simm.s32 $0x1480;
	[sflag:s30] =	ssyncadd.s32 $0xFFFFC000  }
0x89: {  	[spmem:s1] =	stream.indirect.scatter.add.f32 [tilespmem:s26], [sflag:$0x4], $0x80, s19, s25, $0xb8;
	[tilespmem:$0x1E400] =	vst v63  }
0x8a: {  	_ =	swait.ge [sflag:s31], $0x4000  }
0x8b: {  	[sflag:s31] =	ssyncset.done $0x0  }
0x8c: {  	s21 =	simm.s32 $0x180;
	[sflag:s31] =	ssyncadd.s32 $0xFFFFC000  }
0x8d: {  	[tilespmem:s26], [sflag:$0x2] =	stream.indirect.gather [hbm4b:s4+s25], $0x80, s21, s25, $0xb8;
	[tilespmem:$0x1E400] =	vst v63  }
0x8e: {  	_ =	swait.ge [sflag:s28], $0x4000  }
0x8f: {  	[sflag:s28] =	ssyncset.done $0x0  }
0x90: {  	s12 =	simm.s32 $0xFFFFB800;
	s10 =	simm.s32 $0x1500;
	[sflag:s28] =	ssyncadd.s32 $0xFFFFC000  }
.LBB2_6:
0x91: {  	[spmem:s1] =	stream.indirect.scatter.add.f32 [tilespmem:s22], [sflag:$0x3], $0x80, s10, s25, $0xb8;
	[tilespmem:$0x1E400] =	vst v63  }
0x92: {  	s10 =	smov.u32 s12  }
0x93: {  	p1 =	sne.s32 s12, $0xFFFFFC00;
	s12 =	sadd.s32 $0x400, s12;
	_ =	swait.ge [sflag:s29], $0x4000  }
0x94: {  	s10 =	sshra.s32 s10, $0x2;
	[sflag:s29] =	ssyncset.done $0x0  }
0x95: {  	s15 =	sadd.s32 $0x1400, s10;
	[sflag:s29] =	ssyncadd.s32 $0xFFFFC000  }
0x96: {  	[tilespmem:s22], [sflag:$0x1] =	stream.indirect.gather [hbm4b:s4+s25], $0x80, s15, s25, $0xb8;
	[tilespmem:$0x1E400] =	vst v63  }
0x97: {  	_ =	swait.ge [sflag:s30], $0x4000  }
0x98: {  	[sflag:s30] =	ssyncset.done $0x0  }
0x99: {  	s15 =	sadd.s32 $0x2780, s10;
	[sflag:s30] =	ssyncadd.s32 $0xFFFFC000  }
0x9a: {  	[spmem:s1] =	stream.indirect.scatter.add.f32 [tilespmem:s26], [sflag:$0x4], $0x80, s15, s25, $0xb8;
	[tilespmem:$0x1E400] =	vst v63  }
0x9b: {  	_ =	swait.ge [sflag:s31], $0x4000  }
0x9c: {  	[sflag:s31] =	ssyncset.done $0x0  }
.Ltmp2:
0x9d: {  	s15 =	sadd.s32 $0x1480, s10;
	[sflag:s31] =	ssyncadd.s32 $0xFFFFC000;
	(pc) =	sbr.rel @p1 .LBB2_6-.Ltmp2, $4  }
0x9e: {  	[tilespmem:s26], [sflag:$0x2] =	stream.indirect.gather [hbm4b:s4+s25], $0x80, s15, s25, $0xb8;
	[tilespmem:$0x1E400] =	vst v63  }
0x9f: {  	_ =	swait.ge [sflag:s28], $0x4000  }
0xa0: {  	[sflag:s28] =	ssyncset.done $0x0  }
0xa1: {  	s10 =	sadd.s32 $0x2800, s10;
	[sflag:s28] =	ssyncadd.s32 $0xFFFFC000  }
0xa2: {  	[spmem:s1] =	stream.indirect.scatter.add.f32 [tilespmem:s22], [sflag:$0x3], $0x80, s10, s25, $0xb8;
	[tilespmem:$0x1E400] =	vst v63  }
0xa3: {  	_ =	swait.ge [sflag:s29], $0x4000  }
0xa4: {  	[sflag:s29] =	ssyncset.done $0x0  }
0xa5: {  	[sflag:s29] =	ssyncadd.s32 $0xFFFFC000  }
0xa6: {  	_ =	swait.ge [sflag:s30], $0x4000  }
0xa7: {  	[sflag:s30] =	ssyncset.done $0x0  }
0xa8: {  	[sflag:s30] =	ssyncadd.s32 $0xFFFFC000  }
0xa9: {  	[spmem:s1] =	stream.indirect.scatter.add.f32 [tilespmem:s26], [sflag:$0x4], $0x80, s0, s25, $0xb8;
	[tilespmem:$0x1E400] =	vst v63  }
0xaa: {  	_ =	swait.ge [sflag:s31], $0x4000  }
0xab: {  	[sflag:s31] =	ssyncset.done $0x0  }
0xac: {  	[sflag:s31] =	ssyncadd.s32 $0xFFFFC000  }
0xad: {  	s19 =	stileid.u32;
	[bflag:$0x0] =	sbarrier.arrive $0xFFFF  }
0xae: {  	s10 =	sshll.u32 s19, $0x6;
	s21 =	rddreg [dreg:$0x5]  }
0xaf: {  	s17 =	sadd.s32 s16, s14;
	s12 =	sor.u32 $0x1C05, s10;
	s15 =	sshrl.u32 s21, $0x3  }
0xb0: {  	[hbm:s17], [sflag:s12] =	dma.local [spmem:s15], $0x2700  }
0xb1: {  	_ =	swait.ge [sflag:s23], $0x2700  }
0xb2: {  	[sflag:s23] =	ssyncset.done $0x0;
	s17 =	rddreg [dreg:$0x6]  }
0xb3: {  	s10 =	sadd.s32 @!p0 $0x27000, s14;
	[sflag:s23] =	ssyncadd.s32 $0xFFFFD900;
	s17 =	sshrl.u32 @!p0 s17, $0x3  }
0xb4: {  	[hbm:s10], [sflag:s12] =	dma.local @!p0 [spmem:s17], $0x100  }
0xb5: {  	s10 =	simm.s32 @!p0 $0x5  }
0xb6: {  	s19 =	simm.s32 $0x0;
	_ =	swait.ge @!p0 [sflag:s10], $0x100  }
0xb7: {  	s21 =	sand.u32 $0xFE00, s19;
	[sflag:s10] =	ssyncset.done @!p0 $0x0  }
0xb8: {  	s18 =	sand.u32 $0x70, s19;
	s21 =	sshrl.u32 s21, $0x2;
	[sflag:s10] =	ssyncadd.s32 @!p0 $0xFFFFFF00  }
0xb9: {  	s21 =	sor.u32 s18, s21;
	s10 =	simm.s32 $0x40;
	[bflag:$0x0] =	sbarrier.arrive $0xFFFF  }
.LBB2_8:
0xba: {  	p1 =	sne.s32 s10, $0xFFC0  }
0xbb: {  	[tilespmem:s21+$0x2800] =	vst v0;
	s19 =	sadd.s32 $0x10, s19;
	s18 =	smov.u32 s10;
	s10 =	sadd.s32 $0x40, s10  }
.Ltmp3:
0xbc: {  	(pc) =	sbr.rel @p1 .LBB2_8-.Ltmp3, $4  }
0xbd: {  	_ = 	snop  }
0xbe: {  	s18 =	sand.u32 $0xFE00, s18  }
0xbf: {  	s21 =	sand.u32 $0x70, s19;
	s18 =	sshrl.u32 s18, $0x2  }
0xc0: {  	s21 =	sor.u32 s21, s18  }
0xc1: {  	[tilespmem:s21+$0x2800] =	vst v0  }
0xc2: {  	[spmem:s5] =	stream.linear.scatter [tilespmem:s22], [sflag:$0x5], $0x4000, $0x38;
	[tilespmem:$0x1E400] =	vst v63  }
0xc3: {  	_ =	swait.ge [sflag:s23], $0x4000  }
0xc4: {  	[sflag:s23] =	ssyncset.done $0x0  }
0xc5: {  	[sflag:s23] =	ssyncadd.s32 $0xFFFFC000  }
0xc6: {  	[spmem:s6] =	stream.linear.scatter [tilespmem:s22], [sflag:$0x5], $0x4000, $0x38;
	[tilespmem:$0x1E400] =	vst v63  }
0xc7: {  	_ =	swait.ge [sflag:s23], $0x4000  }
0xc8: {  	[sflag:s23] =	ssyncset.done $0x0  }
0xc9: {  	[sflag:s23] =	ssyncadd.s32 $0xFFFFC000  }
0xca: {  	[spmem:s7] =	stream.linear.scatter [tilespmem:s22], [sflag:$0x5], $0x4000, $0x38;
	[tilespmem:$0x1E400] =	vst v63  }
0xcb: {  	_ =	swait.ge [sflag:s23], $0x4000  }
0xcc: {  	[sflag:s23] =	ssyncset.done $0x0  }
0xcd: {  	[sflag:s23] =	ssyncadd.s32 $0xFFFFC000  }
0xce: {  	[spmem:s8] =	stream.linear.scatter [tilespmem:s22], [sflag:$0x5], $0x4000, $0x38;
	[tilespmem:$0x1E400] =	vst v63  }
0xcf: {  	_ =	swait.ge [sflag:s23], $0x4000  }
0xd0: {  	[sflag:s23] =	ssyncset.done $0x0  }
0xd1: {  	[sflag:s23] =	ssyncadd.s32 $0xFFFFC000  }
0xd2: {  	[spmem:s9] =	stream.linear.scatter [tilespmem:s22], [sflag:$0x5], $0x4000, $0x38;
	[tilespmem:$0x1E400] =	vst v63  }
0xd3: {  	_ =	swait.ge [sflag:s23], $0x4000  }
0xd4: {  	[sflag:s23] =	ssyncset.done $0x0  }
0xd5: {  	[sflag:s23] =	ssyncadd.s32 $0xFFFFC000  }
0xd6: {  	[bflag:$0x0] =	sbarrier.arrive $0xFFFF  }
0xd7: {  	s10 =	rddreg [dreg:$0x7]  }
0xd8: {  	[tilespmem:s2], [sflag:$0x5] =	stream.linear.gather [hbm4b:s10+s2], $0x1400, $0x38;
	[tilespmem:$0x1E400] =	vst v63  }
0xd9: {  	_ =	swait.ge [sflag:s23], $0x1400  }
0xda: {  	[sflag:s23] =	ssyncset.done $0x0  }
0xdb: {  	[sflag:s23] =	ssyncadd.s32 $0xFFFFEC00  }
0xdc: {  	[tilespmem:s24], [sflag:$0x5] =	stream.linear.gather [hbm4b:s11+s2], $0x1400, $0x38;
	[tilespmem:$0x1E400] =	vst v63  }
0xdd: {  	_ =	swait.ge [sflag:s23], $0x1400  }
0xde: {  	[sflag:s23] =	ssyncset.done $0x0  }
0xdf: {  	[sflag:s23] =	ssyncadd.s32 $0xFFFFEC00  }
0xe0: {  	[tilespmem:s22], [sflag:$0x1] =	stream.indirect.gather [hbm4b:s4+s25], $0x80, s2, s25, $0xb8;
	[tilespmem:$0x1E400] =	vst v63  }
0xe1: {  	_ = 	snop  }
0xe2: {  	[tilespmem:s26], [sflag:$0x2] =	stream.indirect.gather [hbm4b:s4+s25], $0x80, s25, s25, $0xb8;
	[tilespmem:$0x1E400] =	vst v63  }
0xe3: {  	_ =	swait.ge [sflag:s28], $0x4000  }
0xe4: {  	[sflag:s28] =	ssyncset.done $0x0  }
0xe5: {  	[sflag:s28] =	ssyncadd.s32 $0xFFFFC000  }
0xe6: {  	[spmem:s1] =	stream.indirect.scatter.add.f32 [tilespmem:s22], [sflag:$0x3], $0x80, s24, s25, $0xb8;
	[tilespmem:$0x1E400] =	vst v63  }
0xe7: {  	_ =	swait.ge [sflag:s29], $0x4000  }
0xe8: {  	[sflag:s29] =	ssyncset.done $0x0  }
0xe9: {  	s18 =	simm.s32 $0x100;
	[sflag:s29] =	ssyncadd.s32 $0xFFFFC000  }
0xea: {  	[tilespmem:s22], [sflag:$0x1] =	stream.indirect.gather [hbm4b:s4+s25], $0x80, s18, s25, $0xb8;
	[tilespmem:$0x1E400] =	vst v63  }
0xeb: {  	_ =	swait.ge [sflag:s30], $0x4000  }
0xec: {  	[sflag:s30] =	ssyncset.done $0x0  }
0xed: {  	s19 =	simm.s32 $0x1480;
	[sflag:s30] =	ssyncadd.s32 $0xFFFFC000  }
0xee: {  	[spmem:s1] =	stream.indirect.scatter.add.f32 [tilespmem:s26], [sflag:$0x4], $0x80, s19, s25, $0xb8;
	[tilespmem:$0x1E400] =	vst v63  }
0xef: {  	_ =	swait.ge [sflag:s31], $0x4000  }
0xf0: {  	[sflag:s31] =	ssyncset.done $0x0  }
0xf1: {  	s21 =	simm.s32 $0x180;
	[sflag:s31] =	ssyncadd.s32 $0xFFFFC000  }
0xf2: {  	[tilespmem:s26], [sflag:$0x2] =	stream.indirect.gather [hbm4b:s4+s25], $0x80, s21, s25, $0xb8;
	[tilespmem:$0x1E400] =	vst v63  }
0xf3: {  	_ =	swait.ge [sflag:s28], $0x4000  }
0xf4: {  	[sflag:s28] =	ssyncset.done $0x0  }
0xf5: {  	s10 =	simm.s32 $0x1500;
	s19 =	simm.s32 $0xFFFFB800;
	[sflag:s28] =	ssyncadd.s32 $0xFFFFC000  }
.LBB2_10:
0xf6: {  	[spmem:s1] =	stream.indirect.scatter.add.f32 [tilespmem:s22], [sflag:$0x3], $0x80, s10, s25, $0xb8;
	[tilespmem:$0x1E400] =	vst v63  }
0xf7: {  	s10 =	smov.u32 s19  }
0xf8: {  	p1 =	sne.s32 s19, $0xFFFFFC00;
	s19 =	sadd.s32 $0x400, s19;
	_ =	swait.ge [sflag:s29], $0x4000  }
0xf9: {  	s10 =	sshra.s32 s10, $0x2;
	[sflag:s29] =	ssyncset.done $0x0  }
0xfa: {  	s18 =	sadd.s32 $0x1400, s10;
	[sflag:s29] =	ssyncadd.s32 $0xFFFFC000  }
0xfb: {  	[tilespmem:s22], [sflag:$0x1] =	stream.indirect.gather [hbm4b:s4+s25], $0x80, s18, s25, $0xb8;
	[tilespmem:$0x1E400] =	vst v63  }
0xfc: {  	_ =	swait.ge [sflag:s30], $0x4000  }
0xfd: {  	[sflag:s30] =	ssyncset.done $0x0  }
0xfe: {  	s18 =	sadd.s32 $0x2780, s10;
	[sflag:s30] =	ssyncadd.s32 $0xFFFFC000  }
0xff: {  	[spmem:s1] =	stream.indirect.scatter.add.f32 [tilespmem:s26], [sflag:$0x4], $0x80, s18, s25, $0xb8;
	[tilespmem:$0x1E400] =	vst v63  }
0x100: {  	_ =	swait.ge [sflag:s31], $0x4000  }
0x101: {  	[sflag:s31] =	ssyncset.done $0x0  }
.Ltmp4:
0x102: {  	s18 =	sadd.s32 $0x1480, s10;
	[sflag:s31] =	ssyncadd.s32 $0xFFFFC000;
	(pc) =	sbr.rel @p1 .LBB2_10-.Ltmp4, $4  }
0x103: {  	[tilespmem:s26], [sflag:$0x2] =	stream.indirect.gather [hbm4b:s4+s25], $0x80, s18, s25, $0xb8;
	[tilespmem:$0x1E400] =	vst v63  }
0x104: {  	_ =	swait.ge [sflag:s28], $0x4000  }
0x105: {  	[sflag:s28] =	ssyncset.done $0x0  }
0x106: {  	s10 =	sadd.s32 $0x2800, s10;
	[sflag:s28] =	ssyncadd.s32 $0xFFFFC000  }
0x107: {  	[spmem:s1] =	stream.indirect.scatter.add.f32 [tilespmem:s22], [sflag:$0x3], $0x80, s10, s25, $0xb8;
	[tilespmem:$0x1E400] =	vst v63  }
0x108: {  	_ =	swait.ge [sflag:s29], $0x4000  }
0x109: {  	[sflag:s29] =	ssyncset.done $0x0  }
0x10a: {  	[sflag:s29] =	ssyncadd.s32 $0xFFFFC000  }
0x10b: {  	_ =	swait.ge [sflag:s30], $0x4000  }
0x10c: {  	[sflag:s30] =	ssyncset.done $0x0  }
0x10d: {  	[sflag:s30] =	ssyncadd.s32 $0xFFFFC000  }
0x10e: {  	[spmem:s1] =	stream.indirect.scatter.add.f32 [tilespmem:s26], [sflag:$0x4], $0x80, s0, s25, $0xb8;
	[tilespmem:$0x1E400] =	vst v63  }
0x10f: {  	_ =	swait.ge [sflag:s31], $0x4000  }
0x110: {  	[sflag:s31] =	ssyncset.done $0x0  }
0x111: {  	s21 =	rddreg [dreg:$0x8];
	[sflag:s31] =	ssyncadd.s32 $0xFFFFC000  }
0x112: {  	[tilespmem:s2], [sflag:$0x5] =	stream.linear.gather [hbm4b:s21+s2], $0x1400, $0x38;
	[tilespmem:$0x1E400] =	vst v63  }
0x113: {  	_ =	swait.ge [sflag:s23], $0x1400  }
0x114: {  	[sflag:s23] =	ssyncset.done $0x0  }
0x115: {  	[sflag:s23] =	ssyncadd.s32 $0xFFFFEC00  }
0x116: {  	[tilespmem:s24], [sflag:$0x5] =	stream.linear.gather [hbm4b:s13+s2], $0x1400, $0x38;
	[tilespmem:$0x1E400] =	vst v63  }
0x117: {  	_ =	swait.ge [sflag:s23], $0x1400  }
0x118: {  	[sflag:s23] =	ssyncset.done $0x0  }
0x119: {  	[sflag:s23] =	ssyncadd.s32 $0xFFFFEC00  }
0x11a: {  	[tilespmem:s22], [sflag:$0x1] =	stream.indirect.gather [hbm4b:s4+s25], $0x80, s2, s25, $0xb8;
	[tilespmem:$0x1E400] =	vst v63  }
0x11b: {  	_ = 	snop  }
0x11c: {  	[tilespmem:s26], [sflag:$0x2] =	stream.indirect.gather [hbm4b:s4+s25], $0x80, s25, s25, $0xb8;
	[tilespmem:$0x1E400] =	vst v63  }
0x11d: {  	_ =	swait.ge [sflag:s28], $0x4000  }
0x11e: {  	[sflag:s28] =	ssyncset.done $0x0  }
0x11f: {  	[sflag:s28] =	ssyncadd.s32 $0xFFFFC000  }
0x120: {  	[spmem:s1] =	stream.indirect.scatter.add.f32 [tilespmem:s22], [sflag:$0x3], $0x80, s24, s25, $0xb8;
	[tilespmem:$0x1E400] =	vst v63  }
0x121: {  	_ =	swait.ge [sflag:s29], $0x4000  }
0x122: {  	[sflag:s29] =	ssyncset.done $0x0  }
0x123: {  	s18 =	simm.s32 $0x100;
	[sflag:s29] =	ssyncadd.s32 $0xFFFFC000  }
0x124: {  	[tilespmem:s22], [sflag:$0x1] =	stream.indirect.gather [hbm4b:s4+s25], $0x80, s18, s25, $0xb8;
	[tilespmem:$0x1E400] =	vst v63  }
0x125: {  	_ =	swait.ge [sflag:s30], $0x4000  }
0x126: {  	[sflag:s30] =	ssyncset.done $0x0  }
0x127: {  	s19 =	simm.s32 $0x1480;
	[sflag:s30] =	ssyncadd.s32 $0xFFFFC000  }
0x128: {  	[spmem:s1] =	stream.indirect.scatter.add.f32 [tilespmem:s26], [sflag:$0x4], $0x80, s19, s25, $0xb8;
	[tilespmem:$0x1E400] =	vst v63  }
0x129: {  	_ =	swait.ge [sflag:s31], $0x4000  }
0x12a: {  	[sflag:s31] =	ssyncset.done $0x0  }
0x12b: {  	s21 =	simm.s32 $0x180;
	[sflag:s31] =	ssyncadd.s32 $0xFFFFC000  }
0x12c: {  	[tilespmem:s26], [sflag:$0x2] =	stream.indirect.gather [hbm4b:s4+s25], $0x80, s21, s25, $0xb8;
	[tilespmem:$0x1E400] =	vst v63  }
0x12d: {  	_ =	swait.ge [sflag:s28], $0x4000  }
0x12e: {  	[sflag:s28] =	ssyncset.done $0x0  }
0x12f: {  	s10 =	simm.s32 $0x1500;
	s19 =	simm.s32 $0xFFFFB800;
	[sflag:s28] =	ssyncadd.s32 $0xFFFFC000  }
.LBB2_12:
0x130: {  	[spmem:s1] =	stream.indirect.scatter.add.f32 [tilespmem:s22], [sflag:$0x3], $0x80, s10, s25, $0xb8;
	[tilespmem:$0x1E400] =	vst v63  }
0x131: {  	s10 =	smov.u32 s19  }
0x132: {  	p1 =	sne.s32 s19, $0xFFFFFC00;
	s19 =	sadd.s32 $0x400, s19;
	_ =	swait.ge [sflag:s29], $0x4000  }
0x133: {  	s10 =	sshra.s32 s10, $0x2;
	[sflag:s29] =	ssyncset.done $0x0  }
0x134: {  	s18 =	sadd.s32 $0x1400, s10;
	[sflag:s29] =	ssyncadd.s32 $0xFFFFC000  }
0x135: {  	[tilespmem:s22], [sflag:$0x1] =	stream.indirect.gather [hbm4b:s4+s25], $0x80, s18, s25, $0xb8;
	[tilespmem:$0x1E400] =	vst v63  }
0x136: {  	_ =	swait.ge [sflag:s30], $0x4000  }
0x137: {  	[sflag:s30] =	ssyncset.done $0x0  }
0x138: {  	s18 =	sadd.s32 $0x2780, s10;
	[sflag:s30] =	ssyncadd.s32 $0xFFFFC000  }
0x139: {  	[spmem:s1] =	stream.indirect.scatter.add.f32 [tilespmem:s26], [sflag:$0x4], $0x80, s18, s25, $0xb8;
	[tilespmem:$0x1E400] =	vst v63  }
0x13a: {  	_ =	swait.ge [sflag:s31], $0x4000  }
0x13b: {  	[sflag:s31] =	ssyncset.done $0x0  }
.Ltmp5:
0x13c: {  	s18 =	sadd.s32 $0x1480, s10;
	[sflag:s31] =	ssyncadd.s32 $0xFFFFC000;
	(pc) =	sbr.rel @p1 .LBB2_12-.Ltmp5, $4  }
0x13d: {  	[tilespmem:s26], [sflag:$0x2] =	stream.indirect.gather [hbm4b:s4+s25], $0x80, s18, s25, $0xb8;
	[tilespmem:$0x1E400] =	vst v63  }
0x13e: {  	_ =	swait.ge [sflag:s28], $0x4000  }
0x13f: {  	[sflag:s28] =	ssyncset.done $0x0  }
0x140: {  	s10 =	sadd.s32 $0x2800, s10;
	[sflag:s28] =	ssyncadd.s32 $0xFFFFC000  }
0x141: {  	[spmem:s1] =	stream.indirect.scatter.add.f32 [tilespmem:s22], [sflag:$0x3], $0x80, s10, s25, $0xb8;
	[tilespmem:$0x1E400] =	vst v63  }
0x142: {  	_ =	swait.ge [sflag:s29], $0x4000  }
0x143: {  	[sflag:s29] =	ssyncset.done $0x0  }
0x144: {  	[sflag:s29] =	ssyncadd.s32 $0xFFFFC000  }
0x145: {  	_ =	swait.ge [sflag:s30], $0x4000  }
0x146: {  	[sflag:s30] =	ssyncset.done $0x0  }
0x147: {  	[sflag:s30] =	ssyncadd.s32 $0xFFFFC000  }
0x148: {  	[spmem:s1] =	stream.indirect.scatter.add.f32 [tilespmem:s26], [sflag:$0x4], $0x80, s0, s25, $0xb8;
	[tilespmem:$0x1E400] =	vst v63  }
0x149: {  	_ =	swait.ge [sflag:s31], $0x4000  }
0x14a: {  	[sflag:s31] =	ssyncset.done $0x0  }
0x14b: {  	[sflag:s31] =	ssyncadd.s32 $0xFFFFC000  }
0x14c: {  	s19 =	sadd.s32 s16, s20;
	[bflag:$0x0] =	sbarrier.arrive $0xFFFF  }
0x14d: {  	[hbm:s19], [sflag:s12] =	dma.local [spmem:s15], $0x2700  }
0x14e: {  	_ =	swait.ge [sflag:s23], $0x2700  }
0x14f: {  	[sflag:s23] =	ssyncset.done $0x0  }
0x150: {  	s10 =	sadd.s32 @!p0 $0x27000, s20;
	[sflag:s23] =	ssyncadd.s32 $0xFFFFD900  }
0x151: {  	[hbm:s10], [sflag:s12] =	dma.local @!p0 [spmem:s17], $0x100  }
0x152: {  	s10 =	simm.s32 @!p0 $0x5  }
0x153: {  	_ =	swait.ge @!p0 [sflag:s10], $0x100  }
0x154: {  	s3 =	sadd.s32 $0x1, s3;
	s21 =	rddreg [dreg:$0x9]  }
0x155: {  	p1 =	sne.s32 s3, s21  }
.Ltmp6:
0x156: {  	_ = 	snop;
	(pc) =	sbr.rel @p1 .LBB2_1-.Ltmp6, $3  }
0x157: {  	[sflag:s10] =	ssyncset.done @!p0 $0x0  }
0x158: {  	[sflag:s10] =	ssyncadd.s32 @!p0 $0xFFFFFF00  }
0x159: {  	[bflag:$0x0] =	sbarrier.arrive $0xFFFF;
	_ =	sdelay $0x1  }
0x15a: {  	_ =	sfence.sel $0x180000  }
0x15b: {  	[bflag:$0x0] =	sbarrier.arrive $0xFFFF  }
0x15c: {  	_ =	strace $0x90000047  }
0x15d: {  	[bflag:$0x2] =	sbarrier.arrive $0xFFFF  }
0x15e: {  	s0 =	rddreg [dreg:$0x2]  }
0x15f: {  	s0 =	sadd.s32 @!p0 $0x100000, s0  }
0x160: {  	[sflag:s0] =	ssyncadd.tile.s32 @!p0 $0x1;
	_ =	shalt  }
.Lfunc_end2:
_tile_overlayer_lowered:
.L_overlay_start_2:
0x161: {  	(tag) =	ssettag $0x2  }
0x162: {  	s0 =	rddreg [dreg:$0x0];
	s2 =	stileid.u32  }
0x163: {  	s1 =	rddreg [dreg:$0x1];
	p0 =	sne.s32 s2, $0x0  }
0x164: {  	s3 =	rddreg [dreg:$0x2];
	[bflag:$0x3] =	sbarrier.arrive $0xFFFF;
	s2 =	simm.s32 @!p0 $0x1C05  }
0x165: {  	[timem:s3], [sflag:s2] =	dma.local @!p0 [hbm:s0], s1  }
0x166: {  	s0 =	simm.s32 @!p0 $0x5  }
0x167: {  	_ =	swait.ge @!p0 [sflag:s0], s1  }
0x168: {  	s1 =	ssub.s32 @!p0 $0x0, s1;
	[sflag:s0] =	ssyncset.done @!p0 $0x0  }
0x169: {  	[sflag:s0] =	ssyncadd.s32 @!p0 s1  }
0x16a: {  	[bflag:$0x3] =	sbarrier.arrive $0xFFFF  }
0x16b: {  	_ =	shalt  }

</sc_bundles>
